<compile_context>
chip_gen: v7x
topology: tpu7x:2x2x1
jax: 0.10.2.dev20260603
libtpu: 0.0.44.dev20260713+nightly
codegen_flags: <defaults>
</compile_context>

<pallas_src>
import functools

import jax
import jax.numpy as jnp
from jax import lax
from jax.experimental import pallas as pl
from jax.experimental.pallas import tpu as pltpu
from jax.experimental.pallas import tpu_sc as plsc

_NC = 2
_NS = 16
_NW = _NC * _NS
_CS = 8
_RING = 3
_LANES = 16
_VGROUP = 8


def _make_sc_kernel(S, B, D):
    s_per_w = S // _NW
    n_chunks = s_per_w // _CS
    n_vec = D // _LANES
    mesh = plsc.VectorSubcoreMesh(
        core_axis_name="c", subcore_axis_name="s",
        num_cores=_NC, num_subcores=_NS)

    @functools.partial(
        pl.kernel,
        mesh=mesh,
        out_type=jax.ShapeDtypeStruct((S, B, D), jnp.float32),
        scratch_types=(
            [pltpu.VMEM((_CS, B, D), jnp.float32) for _ in range(_RING)]
            + [pltpu.VMEM((_CS, D), jnp.float32) for _ in range(_RING)]
            + [pltpu.SemaphoreType.DMA for _ in range(3 * _RING)]
        ),
    )
    def k(x_hbm, table_hbm, out_hbm, *scratch):
        xbufs = scratch[:_RING]
        ebufs = scratch[_RING:2 * _RING]
        sems = scratch[2 * _RING:]
        inx_sems = sems[:_RING]
        ine_sems = sems[_RING:2 * _RING]
        out_sems = sems[2 * _RING:]

        wid = lax.axis_index("s") * _NC + lax.axis_index("c")
        s_base = wid * s_per_w

        def start_in(c):
            s0 = s_base + c * _CS
            r = c % _RING
            dx = pltpu.async_copy(
                x_hbm.at[pl.ds(s0, _CS)], xbufs[r], inx_sems[r])
            de = pltpu.async_copy(
                table_hbm.at[pl.ds(s0, _CS)], ebufs[r], ine_sems[r])
            return dx, de

        def start_out(c):
            s0 = s_base + c * _CS
            r = c % _RING
            return pltpu.async_copy(
                xbufs[r], out_hbm.at[pl.ds(s0, _CS)], out_sems[r])

        in_d = {c: start_in(c) for c in range(2)}
        out_d = {}
        for c in range(n_chunks):
            r = c % _RING
            dx, de = in_d.pop(c)
            dx.wait()
            de.wait()
            xbuf, ebuf = xbufs[r], ebufs[r]

            @pl.loop(0, _CS)
            def _row(i):
                @pl.loop(0, n_vec // _VGROUP)
                def _vec(g):
                    evs = [ebuf[i, pl.ds((g * _VGROUP + j) * _LANES, _LANES)]
                           for j in range(_VGROUP)]
                    for j in range(_VGROUP):
                        for b in range(B):
                            plsc.addupdate(
                                xbuf.at[i, b,
                                        pl.ds((g * _VGROUP + j) * _LANES,
                                              _LANES)],
                                evs[j])

            out_d[c] = start_out(c)
            nxt = c + 2
            if nxt < n_chunks:
                prev = nxt - _RING
                if prev >= 0:
                    out_d.pop(prev).wait()
                in_d[nxt] = start_in(nxt)
        for c in sorted(out_d):
            out_d[c].wait()

    return k


def kernel(x, pos_emb_table):
    S, B, D = x.shape
    return _make_sc_kernel(S, B, D)(x, pos_emb_table[:S])

# --- scband reference (transcript-rebuilt; emitter-appended) ---
"""Pipeline reference for scband-positional-embedding-19576460935740 (READ-ONLY COPY).

The authoritative reference and input builder live on the scoring server;
editing this copy changes nothing except your own understanding.
"""

import jax, jax.numpy as jnp
import numpy as np

D_MODEL = 1024
MAX_LEN = 2048
SEQ_LEN = 2048
BATCH = 4

def setup_inputs(seed: int = 0) -> dict:
    key = jax.random.key(seed)
    k1, k2 = jax.random.split(key)
    x = jax.random.normal(k1, (SEQ_LEN, BATCH, D_MODEL), dtype=jnp.float32)
    # learned positional embedding table, sized per init_kwargs (max_len, d_model)
    pos_emb_table = jax.random.normal(k2, (MAX_LEN, D_MODEL), dtype=jnp.float32) * 0.02
    return {"x": x, "pos_emb_table": pos_emb_table}

def reference(x, pos_emb_table):
    # pos_vector[:S].unsqueeze(1).repeat(1, B) -> int indices [S, B]
    S, B = x.shape[0], x.shape[1]
    pos = jnp.arange(S, dtype=jnp.int64 if jax.config.jax_enable_x64 else jnp.int32)
    idx = jnp.broadcast_to(pos[:, None], (S, B))
    # embedding lookup: table[idx] -> [S, B, d_model]
    pos_emb = jnp.take(pos_emb_table, idx, axis=0)
    out = x + pos_emb
    # dropout p=0.0 -> identity
    return out

if __name__ == "__main__":
    import jax
    _d = setup_inputs()
    print(jax.jit(kernel)(*tuple(_d.values())))

</pallas_src>

<mosaic_0001>
#map = affine_map<(d0, d1) -> (0, 0, 0)>
#map1 = affine_map<(d0, d1) -> (0, 0)>
module attributes {stable_mosaic.version = 14 : i64} {
  func.func @k(%arg0: i32, %arg1: i32, %arg2: memref<2048x4x1024xf32, #tpu.memory_space<hbm>>, %arg3: memref<2048x1024xf32, #tpu.memory_space<hbm>>, %arg4: memref<2048x4x1024xf32, #tpu.memory_space<hbm>>, %arg5: memref<8x4x1024xf32, #tpu.memory_space<vmem>>, %arg6: memref<8x4x1024xf32, #tpu.memory_space<vmem>>, %arg7: memref<8x4x1024xf32, #tpu.memory_space<vmem>>, %arg8: memref<8x1024xf32, #tpu.memory_space<vmem>>, %arg9: memref<8x1024xf32, #tpu.memory_space<vmem>>, %arg10: memref<8x1024xf32, #tpu.memory_space<vmem>>, %arg11: memref<!tpu.dma_semaphore, #tpu.memory_space<semaphore_mem>>, %arg12: memref<!tpu.dma_semaphore, #tpu.memory_space<semaphore_mem>>, %arg13: memref<!tpu.dma_semaphore, #tpu.memory_space<semaphore_mem>>, %arg14: memref<!tpu.dma_semaphore, #tpu.memory_space<semaphore_mem>>, %arg15: memref<!tpu.dma_semaphore, #tpu.memory_space<semaphore_mem>>, %arg16: memref<!tpu.dma_semaphore, #tpu.memory_space<semaphore_mem>>, %arg17: memref<!tpu.dma_semaphore, #tpu.memory_space<semaphore_mem>>, %arg18: memref<!tpu.dma_semaphore, #tpu.memory_space<semaphore_mem>>, %arg19: memref<!tpu.dma_semaphore, #tpu.memory_space<semaphore_mem>>) attributes {dimension_semantics = [#tpu.dimension_semantics<core_parallel>, #tpu.dimension_semantics<subcore_parallel>], iteration_bounds = array<i64: 2, 16>, scalar_prefetch = 0 : i64, scratch_operands = 15 : i64, tpu.core_type = #tpu.core_type<sc_vector_subcore>, window_params = [{transform_indices = #map}, {transform_indices = #map1}, {transform_indices = #map}]} {
    %mul3A = arith.constant 2 : i32
    %mul3A_0 = arith.muli %arg1, %mul3A : i32
    %add3A = arith.addi %mul3A_0, %arg0 : i32
    %mul3A_1 = arith.constant 64 : i32
    %mul3A_2 = arith.muli %add3A, %mul3A_1 : i32
    %add3A_3 = arith.constant 0 : i32
    %add3A_4 = arith.addi %mul3A_2, %add3A_3 : i32
    %dma_start3A = arith.constant 0 : i32
    %dma_start3A_5 = arith.constant 0 : i32
    %dma_start3A_6 = tpu.memref_slice %arg2[%add3A_4, %dma_start3A, %dma_start3A_5] : memref<2048x4x1024xf32, #tpu.memory_space<hbm>> -> memref<8x4x1024xf32, #tpu.memory_space<hbm>>
    %dma_start3A_7 = arith.constant 0 : i32
    %dma_start3A_8 = arith.constant 0 : i32
    %dma_start3A_9 = tpu.memref_slice %arg2[%add3A_4, %dma_start3A_7, %dma_start3A_8] : memref<2048x4x1024xf32, #tpu.memory_space<hbm>> -> memref<8x4x1024xf32, #tpu.memory_space<hbm>>
    tpu.enqueue_dma source(%dma_start3A_9 : memref<8x4x1024xf32, #tpu.memory_space<hbm>>) target(%arg5 : memref<8x4x1024xf32, #tpu.memory_space<vmem>>) target_semaphore(%arg11 : memref<!tpu.dma_semaphore, #tpu.memory_space<semaphore_mem>>)
    %dma_start3A_10 = arith.constant 0 : i32
    %dma_start3A_11 = tpu.memref_slice %arg3[%add3A_4, %dma_start3A_10] : memref<2048x1024xf32, #tpu.memory_space<hbm>> -> memref<8x1024xf32, #tpu.memory_space<hbm>>
    %dma_start3A_12 = arith.constant 0 : i32
    %dma_start3A_13 = tpu.memref_slice %arg3[%add3A_4, %dma_start3A_12] : memref<2048x1024xf32, #tpu.memory_space<hbm>> -> memref<8x1024xf32, #tpu.memory_space<hbm>>
    tpu.enqueue_dma source(%dma_start3A_13 : memref<8x1024xf32, #tpu.memory_space<hbm>>) target(%arg8 : memref<8x1024xf32, #tpu.memory_space<vmem>>) target_semaphore(%arg14 : memref<!tpu.dma_semaphore, #tpu.memory_space<semaphore_mem>>)
    %add3A_14 = arith.constant 8 : i32
    %add3A_15 = arith.addi %mul3A_2, %add3A_14 : i32
    %dma_start3A_16 = arith.constant 0 : i32
    %dma_start3A_17 = arith.constant 0 : i32
    %dma_start3A_18 = tpu.memref_slice %arg2[%add3A_15, %dma_start3A_16, %dma_start3A_17] : memref<2048x4x1024xf32, #tpu.memory_space<hbm>> -> memref<8x4x1024xf32, #tpu.memory_space<hbm>>
    %dma_start3A_19 = arith.constant 0 : i32
    %dma_start3A_20 = arith.constant 0 : i32
    %dma_start3A_21 = tpu.memref_slice %arg2[%add3A_15, %dma_start3A_19, %dma_start3A_20] : memref<2048x4x1024xf32, #tpu.memory_space<hbm>> -> memref<8x4x1024xf32, #tpu.memory_space<hbm>>
    tpu.enqueue_dma source(%dma_start3A_21 : memref<8x4x1024xf32, #tpu.memory_space<hbm>>) target(%arg6 : memref<8x4x1024xf32, #tpu.memory_space<vmem>>) target_semaphore(%arg12 : memref<!tpu.dma_semaphore, #tpu.memory_space<semaphore_mem>>)
    %dma_start3A_22 = arith.constant 0 : i32
    %dma_start3A_23 = tpu.memref_slice %arg3[%add3A_15, %dma_start3A_22] : memref<2048x1024xf32, #tpu.memory_space<hbm>> -> memref<8x1024xf32, #tpu.memory_space<hbm>>
    %dma_start3A_24 = arith.constant 0 : i32
    %dma_start3A_25 = tpu.memref_slice %arg3[%add3A_15, %dma_start3A_24] : memref<2048x1024xf32, #tpu.memory_space<hbm>> -> memref<8x1024xf32, #tpu.memory_space<hbm>>
    tpu.enqueue_dma source(%dma_start3A_25 : memref<8x1024xf32, #tpu.memory_space<hbm>>) target(%arg9 : memref<8x1024xf32, #tpu.memory_space<vmem>>) target_semaphore(%arg15 : memref<!tpu.dma_semaphore, #tpu.memory_space<semaphore_mem>>)
    %dma_wait3A = arith.constant 0 : i32
    %dma_wait3A_26 = arith.constant 0 : i32
    %dma_wait3A_27 = tpu.memref_slice %arg2[%add3A_4, %dma_wait3A, %dma_wait3A_26] : memref<2048x4x1024xf32, #tpu.memory_space<hbm>> -> memref<8x4x1024xf32, #tpu.memory_space<hbm>>
    %dma_wait3A_28 = arith.constant 0 : i32
    %dma_wait3A_29 = arith.constant 0 : i32
    %dma_wait3A_30 = tpu.memref_slice %arg2[%add3A_4, %dma_wait3A_28, %dma_wait3A_29] : memref<2048x4x1024xf32, #tpu.memory_space<hbm>> -> memref<8x4x1024xf32, #tpu.memory_space<hbm>>
    tpu.wait_dma2 semaphore(%arg11 : memref<!tpu.dma_semaphore, #tpu.memory_space<semaphore_mem>>) src(%dma_wait3A_30 : memref<8x4x1024xf32, #tpu.memory_space<hbm>>) dst(%arg5 : memref<8x4x1024xf32, #tpu.memory_space<vmem>>)
    %dma_wait3A_31 = arith.constant 0 : i32
    %dma_wait3A_32 = tpu.memref_slice %arg3[%add3A_4, %dma_wait3A_31] : memref<2048x1024xf32, #tpu.memory_space<hbm>> -> memref<8x1024xf32, #tpu.memory_space<hbm>>
    %dma_wait3A_33 = arith.constant 0 : i32
    %dma_wait3A_34 = tpu.memref_slice %arg3[%add3A_4, %dma_wait3A_33] : memref<2048x1024xf32, #tpu.memory_space<hbm>> -> memref<8x1024xf32, #tpu.memory_space<hbm>>
    tpu.wait_dma2 semaphore(%arg14 : memref<!tpu.dma_semaphore, #tpu.memory_space<semaphore_mem>>) src(%dma_wait3A_34 : memref<8x1024xf32, #tpu.memory_space<hbm>>) dst(%arg8 : memref<8x1024xf32, #tpu.memory_space<vmem>>)
    %scan3A = arith.constant 0 : i32
    %scan3A_35 = arith.constant 8 : i32
    %scan3A_36 = arith.addi %scan3A, %scan3A_35 : i32
    %scan3A_37 = arith.constant 1 : i32
    scf.for %scan3A_328 = %scan3A to %scan3A_36 step %scan3A_37  : i32 {
      %mul3A_329 = arith.constant 1 : i32
      %mul3A_330 = arith.muli %scan3A_328, %mul3A_329 : i32
      %add3A_331 = arith.constant 0 : i32
      %add3A_332 = arith.addi %add3A_331, %mul3A_330 : i32
      %scan3A_333 = arith.constant 0 : i32
      %scan3A_334 = arith.constant 8 : i32
      %scan3A_335 = arith.addi %scan3A_333, %scan3A_334 : i32
      %scan3A_336 = arith.constant 1 : i32
      scf.for %scan3A_338 = %scan3A_333 to %scan3A_335 step %scan3A_336  : i32 {
        %mul3A_339 = arith.constant 1 : i32
        %mul3A_340 = arith.muli %scan3A_338, %mul3A_339 : i32
        %add3A_341 = arith.constant 0 : i32
        %add3A_342 = arith.addi %add3A_341, %mul3A_340 : i32
        %mul3A_343 = arith.constant 8 : i32
        %mul3A_344 = arith.muli %add3A_342, %mul3A_343 : i32
        %add3A_345 = arith.constant 0 : i32
        %add3A_346 = arith.addi %mul3A_344, %add3A_345 : i32
        %mul3A_347 = arith.constant 16 : i32
        %mul3A_348 = arith.muli %add3A_346, %mul3A_347 : i32
        %get3A = arith.index_cast %add3A_332 : i32 to index
        %get3A_349 = arith.index_cast %mul3A_348 : i32 to index
        %get3A_350 = tpu.vector_load %arg8[%get3A, %get3A_349] {strides = array<i32>} : memref<8x1024xf32, #tpu.memory_space<vmem>>, vector<1x16xf32>,
        %get3A_351 = vector.shape_cast %get3A_350 : vector<1x16xf32> to vector<16xf32>
        %mul3A_352 = arith.constant 8 : i32
        %mul3A_353 = arith.muli %add3A_342, %mul3A_352 : i32
        %add3A_354 = arith.constant 1 : i32
        %add3A_355 = arith.addi %mul3A_353, %add3A_354 : i32
        %mul3A_356 = arith.constant 16 : i32
        %mul3A_357 = arith.muli %add3A_355, %mul3A_356 : i32
        %get3A_358 = arith.index_cast %add3A_332 : i32 to index
        %get3A_359 = arith.index_cast %mul3A_357 : i32 to index
        %get3A_360 = tpu.vector_load %arg8[%get3A_358, %get3A_359] {strides = array<i32>} : memref<8x1024xf32, #tpu.memory_space<vmem>>, vector<1x16xf32>,
        %get3A_361 = vector.shape_cast %get3A_360 : vector<1x16xf32> to vector<16xf32>
        %mul3A_362 = arith.constant 8 : i32
        %mul3A_363 = arith.muli %add3A_342, %mul3A_362 : i32
        %add3A_364 = arith.constant 2 : i32
        %add3A_365 = arith.addi %mul3A_363, %add3A_364 : i32
        %mul3A_366 = arith.constant 16 : i32
        %mul3A_367 = arith.muli %add3A_365, %mul3A_366 : i32
        %get3A_368 = arith.index_cast %add3A_332 : i32 to index
        %get3A_369 = arith.index_cast %mul3A_367 : i32 to index
        %get3A_370 = tpu.vector_load %arg8[%get3A_368, %get3A_369] {strides = array<i32>} : memref<8x1024xf32, #tpu.memory_space<vmem>>, vector<1x16xf32>,
        %get3A_371 = vector.shape_cast %get3A_370 : vector<1x16xf32> to vector<16xf32>
        %mul3A_372 = arith.constant 8 : i32
        %mul3A_373 = arith.muli %add3A_342, %mul3A_372 : i32
        %add3A_374 = arith.constant 3 : i32
        %add3A_375 = arith.addi %mul3A_373, %add3A_374 : i32
        %mul3A_376 = arith.constant 16 : i32
        %mul3A_377 = arith.muli %add3A_375, %mul3A_376 : i32
        %get3A_378 = arith.index_cast %add3A_332 : i32 to index
        %get3A_379 = arith.index_cast %mul3A_377 : i32 to index
        %get3A_380 = tpu.vector_load %arg8[%get3A_378, %get3A_379] {strides = array<i32>} : memref<8x1024xf32, #tpu.memory_space<vmem>>, vector<1x16xf32>,
        %get3A_381 = vector.shape_cast %get3A_380 : vector<1x16xf32> to vector<16xf32>
        %mul3A_382 = arith.constant 8 : i32
        %mul3A_383 = arith.muli %add3A_342, %mul3A_382 : i32
        %add3A_384 = arith.constant 4 : i32
        %add3A_385 = arith.addi %mul3A_383, %add3A_384 : i32
        %mul3A_386 = arith.constant 16 : i32
        %mul3A_387 = arith.muli %add3A_385, %mul3A_386 : i32
        %get3A_388 = arith.index_cast %add3A_332 : i32 to index
        %get3A_389 = arith.index_cast %mul3A_387 : i32 to index
        %get3A_390 = tpu.vector_load %arg8[%get3A_388, %get3A_389] {strides = array<i32>} : memref<8x1024xf32, #tpu.memory_space<vmem>>, vector<1x16xf32>,
        %get3A_391 = vector.shape_cast %get3A_390 : vector<1x16xf32> to vector<16xf32>
        %mul3A_392 = arith.constant 8 : i32
        %mul3A_393 = arith.muli %add3A_342, %mul3A_392 : i32
        %add3A_394 = arith.constant 5 : i32
        %add3A_395 = arith.addi %mul3A_393, %add3A_394 : i32
        %mul3A_396 = arith.constant 16 : i32
        %mul3A_397 = arith.muli %add3A_395, %mul3A_396 : i32
        %get3A_398 = arith.index_cast %add3A_332 : i32 to index
        %get3A_399 = arith.index_cast %mul3A_397 : i32 to index
        %get3A_400 = tpu.vector_load %arg8[%get3A_398, %get3A_399] {strides = array<i32>} : memref<8x1024xf32, #tpu.memory_space<vmem>>, vector<1x16xf32>,
        %get3A_401 = vector.shape_cast %get3A_400 : vector<1x16xf32> to vector<16xf32>
        %mul3A_402 = arith.constant 8 : i32
        %mul3A_403 = arith.muli %add3A_342, %mul3A_402 : i32
        %add3A_404 = arith.constant 6 : i32
        %add3A_405 = arith.addi %mul3A_403, %add3A_404 : i32
        %mul3A_406 = arith.constant 16 : i32
        %mul3A_407 = arith.muli %add3A_405, %mul3A_406 : i32
        %get3A_408 = arith.index_cast %add3A_332 : i32 to index
        %get3A_409 = arith.index_cast %mul3A_407 : i32 to index
        %get3A_410 = tpu.vector_load %arg8[%get3A_408, %get3A_409] {strides = array<i32>} : memref<8x1024xf32, #tpu.memory_space<vmem>>, vector<1x16xf32>,
        %get3A_411 = vector.shape_cast %get3A_410 : vector<1x16xf32> to vector<16xf32>
        %mul3A_412 = arith.constant 8 : i32
        %mul3A_413 = arith.muli %add3A_342, %mul3A_412 : i32
        %add3A_414 = arith.constant 7 : i32
        %add3A_415 = arith.addi %mul3A_413, %add3A_414 : i32
        %mul3A_416 = arith.constant 16 : i32
        %mul3A_417 = arith.muli %add3A_415, %mul3A_416 : i32
        %get3A_418 = arith.index_cast %add3A_332 : i32 to index
        %get3A_419 = arith.index_cast %mul3A_417 : i32 to index
        %get3A_420 = tpu.vector_load %arg8[%get3A_418, %get3A_419] {strides = array<i32>} : memref<8x1024xf32, #tpu.memory_space<vmem>>, vector<1x16xf32>,
        %get3A_421 = vector.shape_cast %get3A_420 : vector<1x16xf32> to vector<16xf32>
        %mul3A_422 = arith.constant 8 : i32
        %mul3A_423 = arith.muli %add3A_342, %mul3A_422 : i32
        %add3A_424 = arith.constant 0 : i32
        %add3A_425 = arith.addi %mul3A_423, %add3A_424 : i32
        %mul3A_426 = arith.constant 16 : i32
        %mul3A_427 = arith.muli %add3A_425, %mul3A_426 : i32
        %swap3A = arith.constant 0 : i32
        %swap3A_428 = arith.index_cast %add3A_332 : i32 to index
        %swap3A_429 = arith.index_cast %swap3A : i32 to index
        %swap3A_430 = arith.index_cast %mul3A_427 : i32 to index
        %swap3A_431 = tpu.vector_load %arg5[%swap3A_428, %swap3A_429, %swap3A_430] {strides = array<i32>} : memref<8x4x1024xf32, #tpu.memory_space<vmem>>, vector<1x1x16xf32>,
        %swap3A_432 = vector.shape_cast %swap3A_431 : vector<1x1x16xf32> to vector<16xf32>
        %swap3A_433 = vector.shape_cast %get3A_351 : vector<16xf32> to vector<1x1x16xf32>
        tpu.vector_store %arg5[%swap3A_428, %swap3A_429, %swap3A_430], %swap3A_433 {add = true, strides = array<i32>} : memref<8x4x1024xf32, #tpu.memory_space<vmem>>, vector<1x1x16xf32>,
        %mul3A_434 = arith.constant 8 : i32
        %mul3A_435 = arith.muli %add3A_342, %mul3A_434 : i32
        %add3A_436 = arith.constant 0 : i32
        %add3A_437 = arith.addi %mul3A_435, %add3A_436 : i32
        %mul3A_438 = arith.constant 16 : i32
        %mul3A_439 = arith.muli %add3A_437, %mul3A_438 : i32
        %swap3A_440 = arith.constant 1 : i32
        %swap3A_441 = arith.index_cast %add3A_332 : i32 to index
        %swap3A_442 = arith.index_cast %swap3A_440 : i32 to index
        %swap3A_443 = arith.index_cast %mul3A_439 : i32 to index
        %swap3A_444 = tpu.vector_load %arg5[%swap3A_441, %swap3A_442, %swap3A_443] {strides = array<i32>} : memref<8x4x1024xf32, #tpu.memory_space<vmem>>, vector<1x1x16xf32>,
        %swap3A_445 = vector.shape_cast %swap3A_444 : vector<1x1x16xf32> to vector<16xf32>
        %swap3A_446 = vector.shape_cast %get3A_351 : vector<16xf32> to vector<1x1x16xf32>
        tpu.vector_store %arg5[%swap3A_441, %swap3A_442, %swap3A_443], %swap3A_446 {add = true, strides = array<i32>} : memref<8x4x1024xf32, #tpu.memory_space<vmem>>, vector<1x1x16xf32>,
        %mul3A_447 = arith.constant 8 : i32
        %mul3A_448 = arith.muli %add3A_342, %mul3A_447 : i32
        %add3A_449 = arith.constant 0 : i32
        %add3A_450 = arith.addi %mul3A_448, %add3A_449 : i32
        %mul3A_451 = arith.constant 16 : i32
        %mul3A_452 = arith.muli %add3A_450, %mul3A_451 : i32
        %swap3A_453 = arith.constant 2 : i32
        %swap3A_454 = arith.index_cast %add3A_332 : i32 to index
        %swap3A_455 = arith.index_cast %swap3A_453 : i32 to index
        %swap3A_456 = arith.index_cast %mul3A_452 : i32 to index
        %swap3A_457 = tpu.vector_load %arg5[%swap3A_454, %swap3A_455, %swap3A_456] {strides = array<i32>} : memref<8x4x1024xf32, #tpu.memory_space<vmem>>, vector<1x1x16xf32>,
        %swap3A_458 = vector.shape_cast %swap3A_457 : vector<1x1x16xf32> to vector<16xf32>
        %swap3A_459 = vector.shape_cast %get3A_351 : vector<16xf32> to vector<1x1x16xf32>
        tpu.vector_store %arg5[%swap3A_454, %swap3A_455, %swap3A_456], %swap3A_459 {add = true, strides = array<i32>} : memref<8x4x1024xf32, #tpu.memory_space<vmem>>, vector<1x1x16xf32>,
        %mul3A_460 = arith.constant 8 : i32
        %mul3A_461 = arith.muli %add3A_342, %mul3A_460 : i32
        %add3A_462 = arith.constant 0 : i32
        %add3A_463 = arith.addi %mul3A_461, %add3A_462 : i32
        %mul3A_464 = arith.constant 16 : i32
        %mul3A_465 = arith.muli %add3A_463, %mul3A_464 : i32
        %swap3A_466 = arith.constant 3 : i32
        %swap3A_467 = arith.index_cast %add3A_332 : i32 to index
        %swap3A_468 = arith.index_cast %swap3A_466 : i32 to index
        %swap3A_469 = arith.index_cast %mul3A_465 : i32 to index
        %swap3A_470 = tpu.vector_load %arg5[%swap3A_467, %swap3A_468, %swap3A_469] {strides = array<i32>} : memref<8x4x1024xf32, #tpu.memory_space<vmem>>, vector<1x1x16xf32>,
        %swap3A_471 = vector.shape_cast %swap3A_470 : vector<1x1x16xf32> to vector<16xf32>
        %swap3A_472 = vector.shape_cast %get3A_351 : vector<16xf32> to vector<1x1x16xf32>
        tpu.vector_store %arg5[%swap3A_467, %swap3A_468, %swap3A_469], %swap3A_472 {add = true, strides = array<i32>} : memref<8x4x1024xf32, #tpu.memory_space<vmem>>, vector<1x1x16xf32>,
        %mul3A_473 = arith.constant 8 : i32
        %mul3A_474 = arith.muli %add3A_342, %mul3A_473 : i32
        %add3A_475 = arith.constant 1 : i32
        %add3A_476 = arith.addi %mul3A_474, %add3A_475 : i32
        %mul3A_477 = arith.constant 16 : i32
        %mul3A_478 = arith.muli %add3A_476, %mul3A_477 : i32
        %swap3A_479 = arith.constant 0 : i32
        %swap3A_480 = arith.index_cast %add3A_332 : i32 to index
        %swap3A_481 = arith.index_cast %swap3A_479 : i32 to index
        %swap3A_482 = arith.index_cast %mul3A_478 : i32 to index
        %swap3A_483 = tpu.vector_load %arg5[%swap3A_480, %swap3A_481, %swap3A_482] {strides = array<i32>} : memref<8x4x1024xf32, #tpu.memory_space<vmem>>, vector<1x1x16xf32>,
        %swap3A_484 = vector.shape_cast %swap3A_483 : vector<1x1x16xf32> to vector<16xf32>
        %swap3A_485 = vector.shape_cast %get3A_361 : vector<16xf32> to vector<1x1x16xf32>
        tpu.vector_store %arg5[%swap3A_480, %swap3A_481, %swap3A_482], %swap3A_485 {add = true, strides = array<i32>} : memref<8x4x1024xf32, #tpu.memory_space<vmem>>, vector<1x1x16xf32>,
        %mul3A_486 = arith.constant 8 : i32
        %mul3A_487 = arith.muli %add3A_342, %mul3A_486 : i32
        %add3A_488 = arith.constant 1 : i32
        %add3A_489 = arith.addi %mul3A_487, %add3A_488 : i32
        %mul3A_490 = arith.constant 16 : i32
        %mul3A_491 = arith.muli %add3A_489, %mul3A_490 : i32
        %swap3A_492 = arith.constant 1 : i32
        %swap3A_493 = arith.index_cast %add3A_332 : i32 to index
        %swap3A_494 = arith.index_cast %swap3A_492 : i32 to index
        %swap3A_495 = arith.index_cast %mul3A_491 : i32 to index
        %swap3A_496 = tpu.vector_load %arg5[%swap3A_493, %swap3A_494, %swap3A_495] {strides = array<i32>} : memref<8x4x1024xf32, #tpu.memory_space<vmem>>, vector<1x1x16xf32>,
        %swap3A_497 = vector.shape_cast %swap3A_496 : vector<1x1x16xf32> to vector<16xf32>
        %swap3A_498 = vector.shape_cast %get3A_361 : vector<16xf32> to vector<1x1x16xf32>
        tpu.vector_store %arg5[%swap3A_493, %swap3A_494, %swap3A_495], %swap3A_498 {add = true, strides = array<i32>} : memref<8x4x1024xf32, #tpu.memory_space<vmem>>, vector<1x1x16xf32>,
        %mul3A_499 = arith.constant 8 : i32
        %mul3A_500 = arith.muli %add3A_342, %mul3A_499 : i32
        %add3A_501 = arith.constant 1 : i32
        %add3A_502 = arith.addi %mul3A_500, %add3A_501 : i32
        %mul3A_503 = arith.constant 16 : i32
        %mul3A_504 = arith.muli %add3A_502, %mul3A_503 : i32
        %swap3A_505 = arith.constant 2 : i32
        %swap3A_506 = arith.index_cast %add3A_332 : i32 to index
        %swap3A_507 = arith.index_cast %swap3A_505 : i32 to index
        %swap3A_508 = arith.index_cast %mul3A_504 : i32 to index
        %swap3A_509 = tpu.vector_load %arg5[%swap3A_506, %swap3A_507, %swap3A_508] {strides = array<i32>} : memref<8x4x1024xf32, #tpu.memory_space<vmem>>, vector<1x1x16xf32>,
        %swap3A_510 = vector.shape_cast %swap3A_509 : vector<1x1x16xf32> to vector<16xf32>
        %swap3A_511 = vector.shape_cast %get3A_361 : vector<16xf32> to vector<1x1x16xf32>
        tpu.vector_store %arg5[%swap3A_506, %swap3A_507, %swap3A_508], %swap3A_511 {add = true, strides = array<i32>} : memref<8x4x1024xf32, #tpu.memory_space<vmem>>, vector<1x1x16xf32>,
        %mul3A_512 = arith.constant 8 : i32
        %mul3A_513 = arith.muli %add3A_342, %mul3A_512 : i32
        %add3A_514 = arith.constant 1 : i32
        %add3A_515 = arith.addi %mul3A_513, %add3A_514 : i32
        %mul3A_516 = arith.constant 16 : i32
        %mul3A_517 = arith.muli %add3A_515, %mul3A_516 : i32
        %swap3A_518 = arith.constant 3 : i32
        %swap3A_519 = arith.index_cast %add3A_332 : i32 to index
        %swap3A_520 = arith.index_cast %swap3A_518 : i32 to index
        %swap3A_521 = arith.index_cast %mul3A_517 : i32 to index
        %swap3A_522 = tpu.vector_load %arg5[%swap3A_519, %swap3A_520, %swap3A_521] {strides = array<i32>} : memref<8x4x1024xf32, #tpu.memory_space<vmem>>, vector<1x1x16xf32>,
        %swap3A_523 = vector.shape_cast %swap3A_522 : vector<1x1x16xf32> to vector<16xf32>
        %swap3A_524 = vector.shape_cast %get3A_361 : vector<16xf32> to vector<1x1x16xf32>
        tpu.vector_store %arg5[%swap3A_519, %swap3A_520, %swap3A_521], %swap3A_524 {add = true, strides = array<i32>} : memref<8x4x1024xf32, #tpu.memory_space<vmem>>, vector<1x1x16xf32>,
        %mul3A_525 = arith.constant 8 : i32
        %mul3A_526 = arith.muli %add3A_342, %mul3A_525 : i32
        %add3A_527 = arith.constant 2 : i32
        %add3A_528 = arith.addi %mul3A_526, %add3A_527 : i32
        %mul3A_529 = arith.constant 16 : i32
        %mul3A_530 = arith.muli %add3A_528, %mul3A_529 : i32
        %swap3A_531 = arith.constant 0 : i32
        %swap3A_532 = arith.index_cast %add3A_332 : i32 to index
        %swap3A_533 = arith.index_cast %swap3A_531 : i32 to index
        %swap3A_534 = arith.index_cast %mul3A_530 : i32 to index
        %swap3A_535 = tpu.vector_load %arg5[%swap3A_532, %swap3A_533, %swap3A_534] {strides = array<i32>} : memref<8x4x1024xf32, #tpu.memory_space<vmem>>, vector<1x1x16xf32>,
        %swap3A_536 = vector.shape_cast %swap3A_535 : vector<1x1x16xf32> to vector<16xf32>
        %swap3A_537 = vector.shape_cast %get3A_371 : vector<16xf32> to vector<1x1x16xf32>
        tpu.vector_store %arg5[%swap3A_532, %swap3A_533, %swap3A_534], %swap3A_537 {add = true, strides = array<i32>} : memref<8x4x1024xf32, #tpu.memory_space<vmem>>, vector<1x1x16xf32>,
        %mul3A_538 = arith.constant 8 : i32
        %mul3A_539 = arith.muli %add3A_342, %mul3A_538 : i32
        %add3A_540 = arith.constant 2 : i32
        %add3A_541 = arith.addi %mul3A_539, %add3A_540 : i32
        %mul3A_542 = arith.constant 16 : i32
        %mul3A_543 = arith.muli %add3A_541, %mul3A_542 : i32
        %swap3A_544 = arith.constant 1 : i32
        %swap3A_545 = arith.index_cast %add3A_332 : i32 to index
        %swap3A_546 = arith.index_cast %swap3A_544 : i32 to index
        %swap3A_547 = arith.index_cast %mul3A_543 : i32 to index
        %swap3A_548 = tpu.vector_load %arg5[%swap3A_545, %swap3A_546, %swap3A_547] {strides = array<i32>} : memref<8x4x1024xf32, #tpu.memory_space<vmem>>, vector<1x1x16xf32>,
        %swap3A_549 = vector.shape_cast %swap3A_548 : vector<1x1x16xf32> to vector<16xf32>
        %swap3A_550 = vector.shape_cast %get3A_371 : vector<16xf32> to vector<1x1x16xf32>
        tpu.vector_store %arg5[%swap3A_545, %swap3A_546, %swap3A_547], %swap3A_550 {add = true, strides = array<i32>} : memref<8x4x1024xf32, #tpu.memory_space<vmem>>, vector<1x1x16xf32>,
        %mul3A_551 = arith.constant 8 : i32
        %mul3A_552 = arith.muli %add3A_342, %mul3A_551 : i32
        %add3A_553 = arith.constant 2 : i32
        %add3A_554 = arith.addi %mul3A_552, %add3A_553 : i32
        %mul3A_555 = arith.constant 16 : i32
        %mul3A_556 = arith.muli %add3A_554, %mul3A_555 : i32
        %swap3A_557 = arith.constant 2 : i32
        %swap3A_558 = arith.index_cast %add3A_332 : i32 to index
        %swap3A_559 = arith.index_cast %swap3A_557 : i32 to index
        %swap3A_560 = arith.index_cast %mul3A_556 : i32 to index
        %swap3A_561 = tpu.vector_load %arg5[%swap3A_558, %swap3A_559, %swap3A_560] {strides = array<i32>} : memref<8x4x1024xf32, #tpu.memory_space<vmem>>, vector<1x1x16xf32>,
        %swap3A_562 = vector.shape_cast %swap3A_561 : vector<1x1x16xf32> to vector<16xf32>
        %swap3A_563 = vector.shape_cast %get3A_371 : vector<16xf32> to vector<1x1x16xf32>
        tpu.vector_store %arg5[%swap3A_558, %swap3A_559, %swap3A_560], %swap3A_563 {add = true, strides = array<i32>} : memref<8x4x1024xf32, #tpu.memory_space<vmem>>, vector<1x1x16xf32>,
        %mul3A_564 = arith.constant 8 : i32
        %mul3A_565 = arith.muli %add3A_342, %mul3A_564 : i32
        %add3A_566 = arith.constant 2 : i32
        %add3A_567 = arith.addi %mul3A_565, %add3A_566 : i32
        %mul3A_568 = arith.constant 16 : i32
        %mul3A_569 = arith.muli %add3A_567, %mul3A_568 : i32
        %swap3A_570 = arith.constant 3 : i32
        %swap3A_571 = arith.index_cast %add3A_332 : i32 to index
        %swap3A_572 = arith.index_cast %swap3A_570 : i32 to index
        %swap3A_573 = arith.index_cast %mul3A_569 : i32 to index
        %swap3A_574 = tpu.vector_load %arg5[%swap3A_571, %swap3A_572, %swap3A_573] {strides = array<i32>} : memref<8x4x1024xf32, #tpu.memory_space<vmem>>, vector<1x1x16xf32>,
        %swap3A_575 = vector.shape_cast %swap3A_574 : vector<1x1x16xf32> to vector<16xf32>
        %swap3A_576 = vector.shape_cast %get3A_371 : vector<16xf32> to vector<1x1x16xf32>
        tpu.vector_store %arg5[%swap3A_571, %swap3A_572, %swap3A_573], %swap3A_576 {add = true, strides = array<i32>} : memref<8x4x1024xf32, #tpu.memory_space<vmem>>, vector<1x1x16xf32>,
        %mul3A_577 = arith.constant 8 : i32
        %mul3A_578 = arith.muli %add3A_342, %mul3A_577 : i32
        %add3A_579 = arith.constant 3 : i32
        %add3A_580 = arith.addi %mul3A_578, %add3A_579 : i32
        %mul3A_581 = arith.constant 16 : i32
        %mul3A_582 = arith.muli %add3A_580, %mul3A_581 : i32
        %swap3A_583 = arith.constant 0 : i32
        %swap3A_584 = arith.index_cast %add3A_332 : i32 to index
        %swap3A_585 = arith.index_cast %swap3A_583 : i32 to index
        %swap3A_586 = arith.index_cast %mul3A_582 : i32 to index
        %swap3A_587 = tpu.vector_load %arg5[%swap3A_584, %swap3A_585, %swap3A_586] {strides = array<i32>} : memref<8x4x1024xf32, #tpu.memory_space<vmem>>, vector<1x1x16xf32>,
        %swap3A_588 = vector.shape_cast %swap3A_587 : vector<1x1x16xf32> to vector<16xf32>
        %swap3A_589 = vector.shape_cast %get3A_381 : vector<16xf32> to vector<1x1x16xf32>
        tpu.vector_store %arg5[%swap3A_584, %swap3A_585, %swap3A_586], %swap3A_589 {add = true, strides = array<i32>} : memref<8x4x1024xf32, #tpu.memory_space<vmem>>, vector<1x1x16xf32>,
        %mul3A_590 = arith.constant 8 : i32
        %mul3A_591 = arith.muli %add3A_342, %mul3A_590 : i32
        %add3A_592 = arith.constant 3 : i32
        %add3A_593 = arith.addi %mul3A_591, %add3A_592 : i32
        %mul3A_594 = arith.constant 16 : i32
        %mul3A_595 = arith.muli %add3A_593, %mul3A_594 : i32
        %swap3A_596 = arith.constant 1 : i32
        %swap3A_597 = arith.index_cast %add3A_332 : i32 to index
        %swap3A_598 = arith.index_cast %swap3A_596 : i32 to index
        %swap3A_599 = arith.index_cast %mul3A_595 : i32 to index
        %swap3A_600 = tpu.vector_load %arg5[%swap3A_597, %swap3A_598, %swap3A_599] {strides = array<i32>} : memref<8x4x1024xf32, #tpu.memory_space<vmem>>, vector<1x1x16xf32>,
        %swap3A_601 = vector.shape_cast %swap3A_600 : vector<1x1x16xf32> to vector<16xf32>
        %swap3A_602 = vector.shape_cast %get3A_381 : vector<16xf32> to vector<1x1x16xf32>
        tpu.vector_store %arg5[%swap3A_597, %swap3A_598, %swap3A_599], %swap3A_602 {add = true, strides = array<i32>} : memref<8x4x1024xf32, #tpu.memory_space<vmem>>, vector<1x1x16xf32>,
        %mul3A_603 = arith.constant 8 : i32
        %mul3A_604 = arith.muli %add3A_342, %mul3A_603 : i32
        %add3A_605 = arith.constant 3 : i32
        %add3A_606 = arith.addi %mul3A_604, %add3A_605 : i32
        %mul3A_607 = arith.constant 16 : i32
        %mul3A_608 = arith.muli %add3A_606, %mul3A_607 : i32
        %swap3A_609 = arith.constant 2 : i32
        %swap3A_610 = arith.index_cast %add3A_332 : i32 to index
        %swap3A_611 = arith.index_cast %swap3A_609 : i32 to index
        %swap3A_612 = arith.index_cast %mul3A_608 : i32 to index
        %swap3A_613 = tpu.vector_load %arg5[%swap3A_610, %swap3A_611, %swap3A_612] {strides = array<i32>} : memref<8x4x1024xf32, #tpu.memory_space<vmem>>, vector<1x1x16xf32>,
        %swap3A_614 = vector.shape_cast %swap3A_613 : vector<1x1x16xf32> to vector<16xf32>
        %swap3A_615 = vector.shape_cast %get3A_381 : vector<16xf32> to vector<1x1x16xf32>
        tpu.vector_store %arg5[%swap3A_610, %swap3A_611, %swap3A_612], %swap3A_615 {add = true, strides = array<i32>} : memref<8x4x1024xf32, #tpu.memory_space<vmem>>, vector<1x1x16xf32>,
        %mul3A_616 = arith.constant 8 : i32
        %mul3A_617 = arith.muli %add3A_342, %mul3A_616 : i32
        %add3A_618 = arith.constant 3 : i32
        %add3A_619 = arith.addi %mul3A_617, %add3A_618 : i32
        %mul3A_620 = arith.constant 16 : i32
        %mul3A_621 = arith.muli %add3A_619, %mul3A_620 : i32
        %swap3A_622 = arith.constant 3 : i32
        %swap3A_623 = arith.index_cast %add3A_332 : i32 to index
        %swap3A_624 = arith.index_cast %swap3A_622 : i32 to index
        %swap3A_625 = arith.index_cast %mul3A_621 : i32 to index
        %swap3A_626 = tpu.vector_load %arg5[%swap3A_623, %swap3A_624, %swap3A_625] {strides = array<i32>} : memref<8x4x1024xf32, #tpu.memory_space<vmem>>, vector<1x1x16xf32>,
        %swap3A_627 = vector.shape_cast %swap3A_626 : vector<1x1x16xf32> to vector<16xf32>
        %swap3A_628 = vector.shape_cast %get3A_381 : vector<16xf32> to vector<1x1x16xf32>
        tpu.vector_store %arg5[%swap3A_623, %swap3A_624, %swap3A_625], %swap3A_628 {add = true, strides = array<i32>} : memref<8x4x1024xf32, #tpu.memory_space<vmem>>, vector<1x1x16xf32>,
        %mul3A_629 = arith.constant 8 : i32
        %mul3A_630 = arith.muli %add3A_342, %mul3A_629 : i32
        %add3A_631 = arith.constant 4 : i32
        %add3A_632 = arith.addi %mul3A_630, %add3A_631 : i32
        %mul3A_633 = arith.constant 16 : i32
        %mul3A_634 = arith.muli %add3A_632, %mul3A_633 : i32
        %swap3A_635 = arith.constant 0 : i32
        %swap3A_636 = arith.index_cast %add3A_332 : i32 to index
        %swap3A_637 = arith.index_cast %swap3A_635 : i32 to index
        %swap3A_638 = arith.index_cast %mul3A_634 : i32 to index
        %swap3A_639 = tpu.vector_load %arg5[%swap3A_636, %swap3A_637, %swap3A_638] {strides = array<i32>} : memref<8x4x1024xf32, #tpu.memory_space<vmem>>, vector<1x1x16xf32>,
        %swap3A_640 = vector.shape_cast %swap3A_639 : vector<1x1x16xf32> to vector<16xf32>
        %swap3A_641 = vector.shape_cast %get3A_391 : vector<16xf32> to vector<1x1x16xf32>
        tpu.vector_store %arg5[%swap3A_636, %swap3A_637, %swap3A_638], %swap3A_641 {add = true, strides = array<i32>} : memref<8x4x1024xf32, #tpu.memory_space<vmem>>, vector<1x1x16xf32>,
        %mul3A_642 = arith.constant 8 : i32
        %mul3A_643 = arith.muli %add3A_342, %mul3A_642 : i32
        %add3A_644 = arith.constant 4 : i32
        %add3A_645 = arith.addi %mul3A_643, %add3A_644 : i32
        %mul3A_646 = arith.constant 16 : i32
        %mul3A_647 = arith.muli %add3A_645, %mul3A_646 : i32
        %swap3A_648 = arith.constant 1 : i32
        %swap3A_649 = arith.index_cast %add3A_332 : i32 to index
        %swap3A_650 = arith.index_cast %swap3A_648 : i32 to index
        %swap3A_651 = arith.index_cast %mul3A_647 : i32 to index
        %swap3A_652 = tpu.vector_load %arg5[%swap3A_649, %swap3A_650, %swap3A_651] {strides = array<i32>} : memref<8x4x1024xf32, #tpu.memory_space<vmem>>, vector<1x1x16xf32>,
        %swap3A_653 = vector.shape_cast %swap3A_652 : vector<1x1x16xf32> to vector<16xf32>
        %swap3A_654 = vector.shape_cast %get3A_391 : vector<16xf32> to vector<1x1x16xf32>
        tpu.vector_store %arg5[%swap3A_649, %swap3A_650, %swap3A_651], %swap3A_654 {add = true, strides = array<i32>} : memref<8x4x1024xf32, #tpu.memory_space<vmem>>, vector<1x1x16xf32>,
        %mul3A_655 = arith.constant 8 : i32
        %mul3A_656 = arith.muli %add3A_342, %mul3A_655 : i32
        %add3A_657 = arith.constant 4 : i32
        %add3A_658 = arith.addi %mul3A_656, %add3A_657 : i32
        %mul3A_659 = arith.constant 16 : i32
        %mul3A_660 = arith.muli %add3A_658, %mul3A_659 : i32
        %swap3A_661 = arith.constant 2 : i32
        %swap3A_662 = arith.index_cast %add3A_332 : i32 to index
        %swap3A_663 = arith.index_cast %swap3A_661 : i32 to index
        %swap3A_664 = arith.index_cast %mul3A_660 : i32 to index
        %swap3A_665 = tpu.vector_load %arg5[%swap3A_662, %swap3A_663, %swap3A_664] {strides = array<i32>} : memref<8x4x1024xf32, #tpu.memory_space<vmem>>, vector<1x1x16xf32>,
        %swap3A_666 = vector.shape_cast %swap3A_665 : vector<1x1x16xf32> to vector<16xf32>
        %swap3A_667 = vector.shape_cast %get3A_391 : vector<16xf32> to vector<1x1x16xf32>
        tpu.vector_store %arg5[%swap3A_662, %swap3A_663, %swap3A_664], %swap3A_667 {add = true, strides = array<i32>} : memref<8x4x1024xf32, #tpu.memory_space<vmem>>, vector<1x1x16xf32>,
        %mul3A_668 = arith.constant 8 : i32
        %mul3A_669 = arith.muli %add3A_342, %mul3A_668 : i32
        %add3A_670 = arith.constant 4 : i32
        %add3A_671 = arith.addi %mul3A_669, %add3A_670 : i32
        %mul3A_672 = arith.constant 16 : i32
        %mul3A_673 = arith.muli %add3A_671, %mul3A_672 : i32
        %swap3A_674 = arith.constant 3 : i32
        %swap3A_675 = arith.index_cast %add3A_332 : i32 to index
        %swap3A_676 = arith.index_cast %swap3A_674 : i32 to index
        %swap3A_677 = arith.index_cast %mul3A_673 : i32 to index
        %swap3A_678 = tpu.vector_load %arg5[%swap3A_675, %swap3A_676, %swap3A_677] {strides = array<i32>} : memref<8x4x1024xf32, #tpu.memory_space<vmem>>, vector<1x1x16xf32>,
        %swap3A_679 = vector.shape_cast %swap3A_678 : vector<1x1x16xf32> to vector<16xf32>
        %swap3A_680 = vector.shape_cast %get3A_391 : vector<16xf32> to vector<1x1x16xf32>
        tpu.vector_store %arg5[%swap3A_675, %swap3A_676, %swap3A_677], %swap3A_680 {add = true, strides = array<i32>} : memref<8x4x1024xf32, #tpu.memory_space<vmem>>, vector<1x1x16xf32>,
        %mul3A_681 = arith.constant 8 : i32
        %mul3A_682 = arith.muli %add3A_342, %mul3A_681 : i32
        %add3A_683 = arith.constant 5 : i32
        %add3A_684 = arith.addi %mul3A_682, %add3A_683 : i32
        %mul3A_685 = arith.constant 16 : i32
        %mul3A_686 = arith.muli %add3A_684, %mul3A_685 : i32
        %swap3A_687 = arith.constant 0 : i32
        %swap3A_688 = arith.index_cast %add3A_332 : i32 to index
        %swap3A_689 = arith.index_cast %swap3A_687 : i32 to index
        %swap3A_690 = arith.index_cast %mul3A_686 : i32 to index
        %swap3A_691 = tpu.vector_load %arg5[%swap3A_688, %swap3A_689, %swap3A_690] {strides = array<i32>} : memref<8x4x1024xf32, #tpu.memory_space<vmem>>, vector<1x1x16xf32>,
        %swap3A_692 = vector.shape_cast %swap3A_691 : vector<1x1x16xf32> to vector<16xf32>
        %swap3A_693 = vector.shape_cast %get3A_401 : vector<16xf32> to vector<1x1x16xf32>
        tpu.vector_store %arg5[%swap3A_688, %swap3A_689, %swap3A_690], %swap3A_693 {add = true, strides = array<i32>} : memref<8x4x1024xf32, #tpu.memory_space<vmem>>, vector<1x1x16xf32>,
        %mul3A_694 = arith.constant 8 : i32
        %mul3A_695 = arith.muli %add3A_342, %mul3A_694 : i32
        %add3A_696 = arith.constant 5 : i32
        %add3A_697 = arith.addi %mul3A_695, %add3A_696 : i32
        %mul3A_698 = arith.constant 16 : i32
        %mul3A_699 = arith.muli %add3A_697, %mul3A_698 : i32
        %swap3A_700 = arith.constant 1 : i32
        %swap3A_701 = arith.index_cast %add3A_332 : i32 to index
        %swap3A_702 = arith.index_cast %swap3A_700 : i32 to index
        %swap3A_703 = arith.index_cast %mul3A_699 : i32 to index
        %swap3A_704 = tpu.vector_load %arg5[%swap3A_701, %swap3A_702, %swap3A_703] {strides = array<i32>} : memref<8x4x1024xf32, #tpu.memory_space<vmem>>, vector<1x1x16xf32>,
        %swap3A_705 = vector.shape_cast %swap3A_704 : vector<1x1x16xf32> to vector<16xf32>
        %swap3A_706 = vector.shape_cast %get3A_401 : vector<16xf32> to vector<1x1x16xf32>
        tpu.vector_store %arg5[%swap3A_701, %swap3A_702, %swap3A_703], %swap3A_706 {add = true, strides = array<i32>} : memref<8x4x1024xf32, #tpu.memory_space<vmem>>, vector<1x1x16xf32>,
        %mul3A_707 = arith.constant 8 : i32
        %mul3A_708 = arith.muli %add3A_342, %mul3A_707 : i32
        %add3A_709 = arith.constant 5 : i32
        %add3A_710 = arith.addi %mul3A_708, %add3A_709 : i32
        %mul3A_711 = arith.constant 16 : i32
        %mul3A_712 = arith.muli %add3A_710, %mul3A_711 : i32
        %swap3A_713 = arith.constant 2 : i32
        %swap3A_714 = arith.index_cast %add3A_332 : i32 to index
        %swap3A_715 = arith.index_cast %swap3A_713 : i32 to index
        %swap3A_716 = arith.index_cast %mul3A_712 : i32 to index
        %swap3A_717 = tpu.vector_load %arg5[%swap3A_714, %swap3A_715, %swap3A_716] {strides = array<i32>} : memref<8x4x1024xf32, #tpu.memory_space<vmem>>, vector<1x1x16xf32>,
        %swap3A_718 = vector.shape_cast %swap3A_717 : vector<1x1x16xf32> to vector<16xf32>
        %swap3A_719 = vector.shape_cast %get3A_401 : vector<16xf32> to vector<1x1x16xf32>
        tpu.vector_store %arg5[%swap3A_714, %swap3A_715, %swap3A_716], %swap3A_719 {add = true, strides = array<i32>} : memref<8x4x1024xf32, #tpu.memory_space<vmem>>, vector<1x1x16xf32>,
        %mul3A_720 = arith.constant 8 : i32
        %mul3A_721 = arith.muli %add3A_342, %mul3A_720 : i32
        %add3A_722 = arith.constant 5 : i32
        %add3A_723 = arith.addi %mul3A_721, %add3A_722 : i32
        %mul3A_724 = arith.constant 16 : i32
        %mul3A_725 = arith.muli %add3A_723, %mul3A_724 : i32
        %swap3A_726 = arith.constant 3 : i32
        %swap3A_727 = arith.index_cast %add3A_332 : i32 to index
        %swap3A_728 = arith.index_cast %swap3A_726 : i32 to index
        %swap3A_729 = arith.index_cast %mul3A_725 : i32 to index
        %swap3A_730 = tpu.vector_load %arg5[%swap3A_727, %swap3A_728, %swap3A_729] {strides = array<i32>} : memref<8x4x1024xf32, #tpu.memory_space<vmem>>, vector<1x1x16xf32>,
        %swap3A_731 = vector.shape_cast %swap3A_730 : vector<1x1x16xf32> to vector<16xf32>
        %swap3A_732 = vector.shape_cast %get3A_401 : vector<16xf32> to vector<1x1x16xf32>
        tpu.vector_store %arg5[%swap3A_727, %swap3A_728, %swap3A_729], %swap3A_732 {add = true, strides = array<i32>} : memref<8x4x1024xf32, #tpu.memory_space<vmem>>, vector<1x1x16xf32>,
        %mul3A_733 = arith.constant 8 : i32
        %mul3A_734 = arith.muli %add3A_342, %mul3A_733 : i32
        %add3A_735 = arith.constant 6 : i32
        %add3A_736 = arith.addi %mul3A_734, %add3A_735 : i32
        %mul3A_737 = arith.constant 16 : i32
        %mul3A_738 = arith.muli %add3A_736, %mul3A_737 : i32
        %swap3A_739 = arith.constant 0 : i32
        %swap3A_740 = arith.index_cast %add3A_332 : i32 to index
        %swap3A_741 = arith.index_cast %swap3A_739 : i32 to index
        %swap3A_742 = arith.index_cast %mul3A_738 : i32 to index
        %swap3A_743 = tpu.vector_load %arg5[%swap3A_740, %swap3A_741, %swap3A_742] {strides = array<i32>} : memref<8x4x1024xf32, #tpu.memory_space<vmem>>, vector<1x1x16xf32>,
        %swap3A_744 = vector.shape_cast %swap3A_743 : vector<1x1x16xf32> to vector<16xf32>
        %swap3A_745 = vector.shape_cast %get3A_411 : vector<16xf32> to vector<1x1x16xf32>
        tpu.vector_store %arg5[%swap3A_740, %swap3A_741, %swap3A_742], %swap3A_745 {add = true, strides = array<i32>} : memref<8x4x1024xf32, #tpu.memory_space<vmem>>, vector<1x1x16xf32>,
        %mul3A_746 = arith.constant 8 : i32
        %mul3A_747 = arith.muli %add3A_342, %mul3A_746 : i32
        %add3A_748 = arith.constant 6 : i32
        %add3A_749 = arith.addi %mul3A_747, %add3A_748 : i32
        %mul3A_750 = arith.constant 16 : i32
        %mul3A_751 = arith.muli %add3A_749, %mul3A_750 : i32
        %swap3A_752 = arith.constant 1 : i32
        %swap3A_753 = arith.index_cast %add3A_332 : i32 to index
        %swap3A_754 = arith.index_cast %swap3A_752 : i32 to index
        %swap3A_755 = arith.index_cast %mul3A_751 : i32 to index
        %swap3A_756 = tpu.vector_load %arg5[%swap3A_753, %swap3A_754, %swap3A_755] {strides = array<i32>} : memref<8x4x1024xf32, #tpu.memory_space<vmem>>, vector<1x1x16xf32>,
        %swap3A_757 = vector.shape_cast %swap3A_756 : vector<1x1x16xf32> to vector<16xf32>
        %swap3A_758 = vector.shape_cast %get3A_411 : vector<16xf32> to vector<1x1x16xf32>
        tpu.vector_store %arg5[%swap3A_753, %swap3A_754, %swap3A_755], %swap3A_758 {add = true, strides = array<i32>} : memref<8x4x1024xf32, #tpu.memory_space<vmem>>, vector<1x1x16xf32>,
        %mul3A_759 = arith.constant 8 : i32
        %mul3A_760 = arith.muli %add3A_342, %mul3A_759 : i32
        %add3A_761 = arith.constant 6 : i32
        %add3A_762 = arith.addi %mul3A_760, %add3A_761 : i32
        %mul3A_763 = arith.constant 16 : i32
        %mul3A_764 = arith.muli %add3A_762, %mul3A_763 : i32
        %swap3A_765 = arith.constant 2 : i32
        %swap3A_766 = arith.index_cast %add3A_332 : i32 to index
        %swap3A_767 = arith.index_cast %swap3A_765 : i32 to index
        %swap3A_768 = arith.index_cast %mul3A_764 : i32 to index
        %swap3A_769 = tpu.vector_load %arg5[%swap3A_766, %swap3A_767, %swap3A_768] {strides = array<i32>} : memref<8x4x1024xf32, #tpu.memory_space<vmem>>, vector<1x1x16xf32>,
        %swap3A_770 = vector.shape_cast %swap3A_769 : vector<1x1x16xf32> to vector<16xf32>
        %swap3A_771 = vector.shape_cast %get3A_411 : vector<16xf32> to vector<1x1x16xf32>
        tpu.vector_store %arg5[%swap3A_766, %swap3A_767, %swap3A_768], %swap3A_771 {add = true, strides = array<i32>} : memref<8x4x1024xf32, #tpu.memory_space<vmem>>, vector<1x1x16xf32>,
        %mul3A_772 = arith.constant 8 : i32
        %mul3A_773 = arith.muli %add3A_342, %mul3A_772 : i32
        %add3A_774 = arith.constant 6 : i32
        %add3A_775 = arith.addi %mul3A_773, %add3A_774 : i32
        %mul3A_776 = arith.constant 16 : i32
        %mul3A_777 = arith.muli %add3A_775, %mul3A_776 : i32
        %swap3A_778 = arith.constant 3 : i32
        %swap3A_779 = arith.index_cast %add3A_332 : i32 to index
        %swap3A_780 = arith.index_cast %swap3A_778 : i32 to index
        %swap3A_781 = arith.index_cast %mul3A_777 : i32 to index
        %swap3A_782 = tpu.vector_load %arg5[%swap3A_779, %swap3A_780, %swap3A_781] {strides = array<i32>} : memref<8x4x1024xf32, #tpu.memory_space<vmem>>, vector<1x1x16xf32>,
        %swap3A_783 = vector.shape_cast %swap3A_782 : vector<1x1x16xf32> to vector<16xf32>
        %swap3A_784 = vector.shape_cast %get3A_411 : vector<16xf32> to vector<1x1x16xf32>
        tpu.vector_store %arg5[%swap3A_779, %swap3A_780, %swap3A_781], %swap3A_784 {add = true, strides = array<i32>} : memref<8x4x1024xf32, #tpu.memory_space<vmem>>, vector<1x1x16xf32>,
        %mul3A_785 = arith.constant 8 : i32
        %mul3A_786 = arith.muli %add3A_342, %mul3A_785 : i32
        %add3A_787 = arith.constant 7 : i32
        %add3A_788 = arith.addi %mul3A_786, %add3A_787 : i32
        %mul3A_789 = arith.constant 16 : i32
        %mul3A_790 = arith.muli %add3A_788, %mul3A_789 : i32
        %swap3A_791 = arith.constant 0 : i32
        %swap3A_792 = arith.index_cast %add3A_332 : i32 to index
        %swap3A_793 = arith.index_cast %swap3A_791 : i32 to index
        %swap3A_794 = arith.index_cast %mul3A_790 : i32 to index
        %swap3A_795 = tpu.vector_load %arg5[%swap3A_792, %swap3A_793, %swap3A_794] {strides = array<i32>} : memref<8x4x1024xf32, #tpu.memory_space<vmem>>, vector<1x1x16xf32>,
        %swap3A_796 = vector.shape_cast %swap3A_795 : vector<1x1x16xf32> to vector<16xf32>
        %swap3A_797 = vector.shape_cast %get3A_421 : vector<16xf32> to vector<1x1x16xf32>
        tpu.vector_store %arg5[%swap3A_792, %swap3A_793, %swap3A_794], %swap3A_797 {add = true, strides = array<i32>} : memref<8x4x1024xf32, #tpu.memory_space<vmem>>, vector<1x1x16xf32>,
        %mul3A_798 = arith.constant 8 : i32
        %mul3A_799 = arith.muli %add3A_342, %mul3A_798 : i32
        %add3A_800 = arith.constant 7 : i32
        %add3A_801 = arith.addi %mul3A_799, %add3A_800 : i32
        %mul3A_802 = arith.constant 16 : i32
        %mul3A_803 = arith.muli %add3A_801, %mul3A_802 : i32
        %swap3A_804 = arith.constant 1 : i32
        %swap3A_805 = arith.index_cast %add3A_332 : i32 to index
        %swap3A_806 = arith.index_cast %swap3A_804 : i32 to index
        %swap3A_807 = arith.index_cast %mul3A_803 : i32 to index
        %swap3A_808 = tpu.vector_load %arg5[%swap3A_805, %swap3A_806, %swap3A_807] {strides = array<i32>} : memref<8x4x1024xf32, #tpu.memory_space<vmem>>, vector<1x1x16xf32>,
        %swap3A_809 = vector.shape_cast %swap3A_808 : vector<1x1x16xf32> to vector<16xf32>
        %swap3A_810 = vector.shape_cast %get3A_421 : vector<16xf32> to vector<1x1x16xf32>
        tpu.vector_store %arg5[%swap3A_805, %swap3A_806, %swap3A_807], %swap3A_810 {add = true, strides = array<i32>} : memref<8x4x1024xf32, #tpu.memory_space<vmem>>, vector<1x1x16xf32>,
        %mul3A_811 = arith.constant 8 : i32
        %mul3A_812 = arith.muli %add3A_342, %mul3A_811 : i32
        %add3A_813 = arith.constant 7 : i32
        %add3A_814 = arith.addi %mul3A_812, %add3A_813 : i32
        %mul3A_815 = arith.constant 16 : i32
        %mul3A_816 = arith.muli %add3A_814, %mul3A_815 : i32
        %swap3A_817 = arith.constant 2 : i32
        %swap3A_818 = arith.index_cast %add3A_332 : i32 to index
        %swap3A_819 = arith.index_cast %swap3A_817 : i32 to index
        %swap3A_820 = arith.index_cast %mul3A_816 : i32 to index
        %swap3A_821 = tpu.vector_load %arg5[%swap3A_818, %swap3A_819, %swap3A_820] {strides = array<i32>} : memref<8x4x1024xf32, #tpu.memory_space<vmem>>, vector<1x1x16xf32>,
        %swap3A_822 = vector.shape_cast %swap3A_821 : vector<1x1x16xf32> to vector<16xf32>
        %swap3A_823 = vector.shape_cast %get3A_421 : vector<16xf32> to vector<1x1x16xf32>
        tpu.vector_store %arg5[%swap3A_818, %swap3A_819, %swap3A_820], %swap3A_823 {add = true, strides = array<i32>} : memref<8x4x1024xf32, #tpu.memory_space<vmem>>, vector<1x1x16xf32>,
        %mul3A_824 = arith.constant 8 : i32
        %mul3A_825 = arith.muli %add3A_342, %mul3A_824 : i32
        %add3A_826 = arith.constant 7 : i32
        %add3A_827 = arith.addi %mul3A_825, %add3A_826 : i32
        %mul3A_828 = arith.constant 16 : i32
        %mul3A_829 = arith.muli %add3A_827, %mul3A_828 : i32
        %swap3A_830 = arith.constant 3 : i32
        %swap3A_831 = arith.index_cast %add3A_332 : i32 to index
        %swap3A_832 = arith.index_cast %swap3A_830 : i32 to index
        %swap3A_833 = arith.index_cast %mul3A_829 : i32 to index
        %swap3A_834 = tpu.vector_load %arg5[%swap3A_831, %swap3A_832, %swap3A_833] {strides = array<i32>} : memref<8x4x1024xf32, #tpu.memory_space<vmem>>, vector<1x1x16xf32>,
        %swap3A_835 = vector.shape_cast %swap3A_834 : vector<1x1x16xf32> to vector<16xf32>
        %swap3A_836 = vector.shape_cast %get3A_421 : vector<16xf32> to vector<1x1x16xf32>
        tpu.vector_store %arg5[%swap3A_831, %swap3A_832, %swap3A_833], %swap3A_836 {add = true, strides = array<i32>} : memref<8x4x1024xf32, #tpu.memory_space<vmem>>, vector<1x1x16xf32>,
      }
      %scan3A_337 = arith.constant 8 : i32
    }
    %scan3A_38 = arith.constant 8 : i32
    %add3A_39 = arith.constant 0 : i32
    %add3A_40 = arith.addi %mul3A_2, %add3A_39 : i32
    %dma_start3A_41 = arith.constant 0 : i32
    %dma_start3A_42 = arith.constant 0 : i32
    %dma_start3A_43 = tpu.memref_slice %arg4[%add3A_40, %dma_start3A_41, %dma_start3A_42] : memref<2048x4x1024xf32, #tpu.memory_space<hbm>> -> memref<8x4x1024xf32, #tpu.memory_space<hbm>>
    %dma_start3A_44 = arith.constant 0 : i32
    %dma_start3A_45 = arith.constant 0 : i32
    %dma_start3A_46 = tpu.memref_slice %arg4[%add3A_40, %dma_start3A_44, %dma_start3A_45] : memref<2048x4x1024xf32, #tpu.memory_space<hbm>> -> memref<8x4x1024xf32, #tpu.memory_space<hbm>>
    tpu.enqueue_dma source(%arg5 : memref<8x4x1024xf32, #tpu.memory_space<vmem>>) target(%dma_start3A_46 : memref<8x4x1024xf32, #tpu.memory_space<hbm>>) target_semaphore(%arg17 : memref<!tpu.dma_semaphore, #tpu.memory_space<semaphore_mem>>)
    %add3A_47 = arith.constant 16 : i32
    %add3A_48 = arith.addi %mul3A_2, %add3A_47 : i32
    %dma_start3A_49 = arith.constant 0 : i32
    %dma_start3A_50 = arith.constant 0 : i32
    %dma_start3A_51 = tpu.memref_slice %arg2[%add3A_48, %dma_start3A_49, %dma_start3A_50] : memref<2048x4x1024xf32, #tpu.memory_space<hbm>> -> memref<8x4x1024xf32, #tpu.memory_space<hbm>>
    %dma_start3A_52 = arith.constant 0 : i32
    %dma_start3A_53 = arith.constant 0 : i32
    %dma_start3A_54 = tpu.memref_slice %arg2[%add3A_48, %dma_start3A_52, %dma_start3A_53] : memref<2048x4x1024xf32, #tpu.memory_space<hbm>> -> memref<8x4x1024xf32, #tpu.memory_space<hbm>>
    tpu.enqueue_dma source(%dma_start3A_54 : memref<8x4x1024xf32, #tpu.memory_space<hbm>>) target(%arg7 : memref<8x4x1024xf32, #tpu.memory_space<vmem>>) target_semaphore(%arg13 : memref<!tpu.dma_semaphore, #tpu.memory_space<semaphore_mem>>)
    %dma_start3A_55 = arith.constant 0 : i32
    %dma_start3A_56 = tpu.memref_slice %arg3[%add3A_48, %dma_start3A_55] : memref<2048x1024xf32, #tpu.memory_space<hbm>> -> memref<8x1024xf32, #tpu.memory_space<hbm>>
    %dma_start3A_57 = arith.constant 0 : i32
    %dma_start3A_58 = tpu.memref_slice %arg3[%add3A_48, %dma_start3A_57] : memref<2048x1024xf32, #tpu.memory_space<hbm>> -> memref<8x1024xf32, #tpu.memory_space<hbm>>
    tpu.enqueue_dma source(%dma_start3A_58 : memref<8x1024xf32, #tpu.memory_space<hbm>>) target(%arg10 : memref<8x1024xf32, #tpu.memory_space<vmem>>) target_semaphore(%arg16 : memref<!tpu.dma_semaphore, #tpu.memory_space<semaphore_mem>>)
    %dma_wait3A_59 = arith.constant 0 : i32
    %dma_wait3A_60 = arith.constant 0 : i32
    %dma_wait3A_61 = tpu.memref_slice %arg2[%add3A_15, %dma_wait3A_59, %dma_wait3A_60] : memref<2048x4x1024xf32, #tpu.memory_space<hbm>> -> memref<8x4x1024xf32, #tpu.memory_space<hbm>>
    %dma_wait3A_62 = arith.constant 0 : i32
    %dma_wait3A_63 = arith.constant 0 : i32
    %dma_wait3A_64 = tpu.memref_slice %arg2[%add3A_15, %dma_wait3A_62, %dma_wait3A_63] : memref<2048x4x1024xf32, #tpu.memory_space<hbm>> -> memref<8x4x1024xf32, #tpu.memory_space<hbm>>
    tpu.wait_dma2 semaphore(%arg12 : memref<!tpu.dma_semaphore, #tpu.memory_space<semaphore_mem>>) src(%dma_wait3A_64 : memref<8x4x1024xf32, #tpu.memory_space<hbm>>) dst(%arg6 : memref<8x4x1024xf32, #tpu.memory_space<vmem>>)
    %dma_wait3A_65 = arith.constant 0 : i32
    %dma_wait3A_66 = tpu.memref_slice %arg3[%add3A_15, %dma_wait3A_65] : memref<2048x1024xf32, #tpu.memory_space<hbm>> -> memref<8x1024xf32, #tpu.memory_space<hbm>>
    %dma_wait3A_67 = arith.constant 0 : i32
    %dma_wait3A_68 = tpu.memref_slice %arg3[%add3A_15, %dma_wait3A_67] : memref<2048x1024xf32, #tpu.memory_space<hbm>> -> memref<8x1024xf32, #tpu.memory_space<hbm>>
    tpu.wait_dma2 semaphore(%arg15 : memref<!tpu.dma_semaphore, #tpu.memory_space<semaphore_mem>>) src(%dma_wait3A_68 : memref<8x1024xf32, #tpu.memory_space<hbm>>) dst(%arg9 : memref<8x1024xf32, #tpu.memory_space<vmem>>)
    %scan3A_69 = arith.constant 0 : i32
    %scan3A_70 = arith.constant 8 : i32
    %scan3A_71 = arith.addi %scan3A_69, %scan3A_70 : i32
    %scan3A_72 = arith.constant 1 : i32
    scf.for %scan3A_328 = %scan3A_69 to %scan3A_71 step %scan3A_72  : i32 {
      %mul3A_329 = arith.constant 1 : i32
      %mul3A_330 = arith.muli %scan3A_328, %mul3A_329 : i32
      %add3A_331 = arith.constant 0 : i32
      %add3A_332 = arith.addi %add3A_331, %mul3A_330 : i32
      %scan3A_333 = arith.constant 0 : i32
      %scan3A_334 = arith.constant 8 : i32
      %scan3A_335 = arith.addi %scan3A_333, %scan3A_334 : i32
      %scan3A_336 = arith.constant 1 : i32
      scf.for %scan3A_338 = %scan3A_333 to %scan3A_335 step %scan3A_336  : i32 {
        %mul3A_339 = arith.constant 1 : i32
        %mul3A_340 = arith.muli %scan3A_338, %mul3A_339 : i32
        %add3A_341 = arith.constant 0 : i32
        %add3A_342 = arith.addi %add3A_341, %mul3A_340 : i32
        %mul3A_343 = arith.constant 8 : i32
        %mul3A_344 = arith.muli %add3A_342, %mul3A_343 : i32
        %add3A_345 = arith.constant 0 : i32
        %add3A_346 = arith.addi %mul3A_344, %add3A_345 : i32
        %mul3A_347 = arith.constant 16 : i32
        %mul3A_348 = arith.muli %add3A_346, %mul3A_347 : i32
        %get3A = arith.index_cast %add3A_332 : i32 to index
        %get3A_349 = arith.index_cast %mul3A_348 : i32 to index
        %get3A_350 = tpu.vector_load %arg9[%get3A, %get3A_349] {strides = array<i32>} : memref<8x1024xf32, #tpu.memory_space<vmem>>, vector<1x16xf32>,
        %get3A_351 = vector.shape_cast %get3A_350 : vector<1x16xf32> to vector<16xf32>
        %mul3A_352 = arith.constant 8 : i32
        %mul3A_353 = arith.muli %add3A_342, %mul3A_352 : i32
        %add3A_354 = arith.constant 1 : i32
        %add3A_355 = arith.addi %mul3A_353, %add3A_354 : i32
        %mul3A_356 = arith.constant 16 : i32
        %mul3A_357 = arith.muli %add3A_355, %mul3A_356 : i32
        %get3A_358 = arith.index_cast %add3A_332 : i32 to index
        %get3A_359 = arith.index_cast %mul3A_357 : i32 to index
        %get3A_360 = tpu.vector_load %arg9[%get3A_358, %get3A_359] {strides = array<i32>} : memref<8x1024xf32, #tpu.memory_space<vmem>>, vector<1x16xf32>,
        %get3A_361 = vector.shape_cast %get3A_360 : vector<1x16xf32> to vector<16xf32>
        %mul3A_362 = arith.constant 8 : i32
        %mul3A_363 = arith.muli %add3A_342, %mul3A_362 : i32
        %add3A_364 = arith.constant 2 : i32
        %add3A_365 = arith.addi %mul3A_363, %add3A_364 : i32
        %mul3A_366 = arith.constant 16 : i32
        %mul3A_367 = arith.muli %add3A_365, %mul3A_366 : i32
        %get3A_368 = arith.index_cast %add3A_332 : i32 to index
        %get3A_369 = arith.index_cast %mul3A_367 : i32 to index
        %get3A_370 = tpu.vector_load %arg9[%get3A_368, %get3A_369] {strides = array<i32>} : memref<8x1024xf32, #tpu.memory_space<vmem>>, vector<1x16xf32>,
        %get3A_371 = vector.shape_cast %get3A_370 : vector<1x16xf32> to vector<16xf32>
        %mul3A_372 = arith.constant 8 : i32
        %mul3A_373 = arith.muli %add3A_342, %mul3A_372 : i32
        %add3A_374 = arith.constant 3 : i32
        %add3A_375 = arith.addi %mul3A_373, %add3A_374 : i32
        %mul3A_376 = arith.constant 16 : i32
        %mul3A_377 = arith.muli %add3A_375, %mul3A_376 : i32
        %get3A_378 = arith.index_cast %add3A_332 : i32 to index
        %get3A_379 = arith.index_cast %mul3A_377 : i32 to index
        %get3A_380 = tpu.vector_load %arg9[%get3A_378, %get3A_379] {strides = array<i32>} : memref<8x1024xf32, #tpu.memory_space<vmem>>, vector<1x16xf32>,
        %get3A_381 = vector.shape_cast %get3A_380 : vector<1x16xf32> to vector<16xf32>
        %mul3A_382 = arith.constant 8 : i32
        %mul3A_383 = arith.muli %add3A_342, %mul3A_382 : i32
        %add3A_384 = arith.constant 4 : i32
        %add3A_385 = arith.addi %mul3A_383, %add3A_384 : i32
        %mul3A_386 = arith.constant 16 : i32
        %mul3A_387 = arith.muli %add3A_385, %mul3A_386 : i32
        %get3A_388 = arith.index_cast %add3A_332 : i32 to index
        %get3A_389 = arith.index_cast %mul3A_387 : i32 to index
        %get3A_390 = tpu.vector_load %arg9[%get3A_388, %get3A_389] {strides = array<i32>} : memref<8x1024xf32, #tpu.memory_space<vmem>>, vector<1x16xf32>,
        %get3A_391 = vector.shape_cast %get3A_390 : vector<1x16xf32> to vector<16xf32>
        %mul3A_392 = arith.constant 8 : i32
        %mul3A_393 = arith.muli %add3A_342, %mul3A_392 : i32
        %add3A_394 = arith.constant 5 : i32
        %add3A_395 = arith.addi %mul3A_393, %add3A_394 : i32
        %mul3A_396 = arith.constant 16 : i32
        %mul3A_397 = arith.muli %add3A_395, %mul3A_396 : i32
        %get3A_398 = arith.index_cast %add3A_332 : i32 to index
        %get3A_399 = arith.index_cast %mul3A_397 : i32 to index
        %get3A_400 = tpu.vector_load %arg9[%get3A_398, %get3A_399] {strides = array<i32>} : memref<8x1024xf32, #tpu.memory_space<vmem>>, vector<1x16xf32>,
        %get3A_401 = vector.shape_cast %get3A_400 : vector<1x16xf32> to vector<16xf32>
        %mul3A_402 = arith.constant 8 : i32
        %mul3A_403 = arith.muli %add3A_342, %mul3A_402 : i32
        %add3A_404 = arith.constant 6 : i32
        %add3A_405 = arith.addi %mul3A_403, %add3A_404 : i32
        %mul3A_406 = arith.constant 16 : i32
        %mul3A_407 = arith.muli %add3A_405, %mul3A_406 : i32
        %get3A_408 = arith.index_cast %add3A_332 : i32 to index
        %get3A_409 = arith.index_cast %mul3A_407 : i32 to index
        %get3A_410 = tpu.vector_load %arg9[%get3A_408, %get3A_409] {strides = array<i32>} : memref<8x1024xf32, #tpu.memory_space<vmem>>, vector<1x16xf32>,
        %get3A_411 = vector.shape_cast %get3A_410 : vector<1x16xf32> to vector<16xf32>
        %mul3A_412 = arith.constant 8 : i32
        %mul3A_413 = arith.muli %add3A_342, %mul3A_412 : i32
        %add3A_414 = arith.constant 7 : i32
        %add3A_415 = arith.addi %mul3A_413, %add3A_414 : i32
        %mul3A_416 = arith.constant 16 : i32
        %mul3A_417 = arith.muli %add3A_415, %mul3A_416 : i32
        %get3A_418 = arith.index_cast %add3A_332 : i32 to index
        %get3A_419 = arith.index_cast %mul3A_417 : i32 to index
        %get3A_420 = tpu.vector_load %arg9[%get3A_418, %get3A_419] {strides = array<i32>} : memref<8x1024xf32, #tpu.memory_space<vmem>>, vector<1x16xf32>,
        %get3A_421 = vector.shape_cast %get3A_420 : vector<1x16xf32> to vector<16xf32>
        %mul3A_422 = arith.constant 8 : i32
        %mul3A_423 = arith.muli %add3A_342, %mul3A_422 : i32
        %add3A_424 = arith.constant 0 : i32
        %add3A_425 = arith.addi %mul3A_423, %add3A_424 : i32
        %mul3A_426 = arith.constant 16 : i32
        %mul3A_427 = arith.muli %add3A_425, %mul3A_426 : i32
        %swap3A = arith.constant 0 : i32
        %swap3A_428 = arith.index_cast %add3A_332 : i32 to index
        %swap3A_429 = arith.index_cast %swap3A : i32 to index
        %swap3A_430 = arith.index_cast %mul3A_427 : i32 to index
        %swap3A_431 = tpu.vector_load %arg6[%swap3A_428, %swap3A_429, %swap3A_430] {strides = array<i32>} : memref<8x4x1024xf32, #tpu.memory_space<vmem>>, vector<1x1x16xf32>,
        %swap3A_432 = vector.shape_cast %swap3A_431 : vector<1x1x16xf32> to vector<16xf32>
        %swap3A_433 = vector.shape_cast %get3A_351 : vector<16xf32> to vector<1x1x16xf32>
        tpu.vector_store %arg6[%swap3A_428, %swap3A_429, %swap3A_430], %swap3A_433 {add = true, strides = array<i32>} : memref<8x4x1024xf32, #tpu.memory_space<vmem>>, vector<1x1x16xf32>,
        %mul3A_434 = arith.constant 8 : i32
        %mul3A_435 = arith.muli %add3A_342, %mul3A_434 : i32
        %add3A_436 = arith.constant 0 : i32
        %add3A_437 = arith.addi %mul3A_435, %add3A_436 : i32
        %mul3A_438 = arith.constant 16 : i32
        %mul3A_439 = arith.muli %add3A_437, %mul3A_438 : i32
        %swap3A_440 = arith.constant 1 : i32
        %swap3A_441 = arith.index_cast %add3A_332 : i32 to index
        %swap3A_442 = arith.index_cast %swap3A_440 : i32 to index
        %swap3A_443 = arith.index_cast %mul3A_439 : i32 to index
        %swap3A_444 = tpu.vector_load %arg6[%swap3A_441, %swap3A_442, %swap3A_443] {strides = array<i32>} : memref<8x4x1024xf32, #tpu.memory_space<vmem>>, vector<1x1x16xf32>,
        %swap3A_445 = vector.shape_cast %swap3A_444 : vector<1x1x16xf32> to vector<16xf32>
        %swap3A_446 = vector.shape_cast %get3A_351 : vector<16xf32> to vector<1x1x16xf32>
        tpu.vector_store %arg6[%swap3A_441, %swap3A_442, %swap3A_443], %swap3A_446 {add = true, strides = array<i32>} : memref<8x4x1024xf32, #tpu.memory_space<vmem>>, vector<1x1x16xf32>,
        %mul3A_447 = arith.constant 8 : i32
        %mul3A_448 = arith.muli %add3A_342, %mul3A_447 : i32
        %add3A_449 = arith.constant 0 : i32
        %add3A_450 = arith.addi %mul3A_448, %add3A_449 : i32
        %mul3A_451 = arith.constant 16 : i32
        %mul3A_452 = arith.muli %add3A_450, %mul3A_451 : i32
        %swap3A_453 = arith.constant 2 : i32
        %swap3A_454 = arith.index_cast %add3A_332 : i32 to index
        %swap3A_455 = arith.index_cast %swap3A_453 : i32 to index
        %swap3A_456 = arith.index_cast %mul3A_452 : i32 to index
        %swap3A_457 = tpu.vector_load %arg6[%swap3A_454, %swap3A_455, %swap3A_456] {strides = array<i32>} : memref<8x4x1024xf32, #tpu.memory_space<vmem>>, vector<1x1x16xf32>,
        %swap3A_458 = vector.shape_cast %swap3A_457 : vector<1x1x16xf32> to vector<16xf32>
        %swap3A_459 = vector.shape_cast %get3A_351 : vector<16xf32> to vector<1x1x16xf32>
        tpu.vector_store %arg6[%swap3A_454, %swap3A_455, %swap3A_456], %swap3A_459 {add = true, strides = array<i32>} : memref<8x4x1024xf32, #tpu.memory_space<vmem>>, vector<1x1x16xf32>,
        %mul3A_460 = arith.constant 8 : i32
        %mul3A_461 = arith.muli %add3A_342, %mul3A_460 : i32
        %add3A_462 = arith.constant 0 : i32
        %add3A_463 = arith.addi %mul3A_461, %add3A_462 : i32
        %mul3A_464 = arith.constant 16 : i32
        %mul3A_465 = arith.muli %add3A_463, %mul3A_464 : i32
        %swap3A_466 = arith.constant 3 : i32
        %swap3A_467 = arith.index_cast %add3A_332 : i32 to index
        %swap3A_468 = arith.index_cast %swap3A_466 : i32 to index
        %swap3A_469 = arith.index_cast %mul3A_465 : i32 to index
        %swap3A_470 = tpu.vector_load %arg6[%swap3A_467, %swap3A_468, %swap3A_469] {strides = array<i32>} : memref<8x4x1024xf32, #tpu.memory_space<vmem>>, vector<1x1x16xf32>,
        %swap3A_471 = vector.shape_cast %swap3A_470 : vector<1x1x16xf32> to vector<16xf32>
        %swap3A_472 = vector.shape_cast %get3A_351 : vector<16xf32> to vector<1x1x16xf32>
        tpu.vector_store %arg6[%swap3A_467, %swap3A_468, %swap3A_469], %swap3A_472 {add = true, strides = array<i32>} : memref<8x4x1024xf32, #tpu.memory_space<vmem>>, vector<1x1x16xf32>,
        %mul3A_473 = arith.constant 8 : i32
        %mul3A_474 = arith.muli %add3A_342, %mul3A_473 : i32
        %add3A_475 = arith.constant 1 : i32
        %add3A_476 = arith.addi %mul3A_474, %add3A_475 : i32
        %mul3A_477 = arith.constant 16 : i32
        %mul3A_478 = arith.muli %add3A_476, %mul3A_477 : i32
        %swap3A_479 = arith.constant 0 : i32
        %swap3A_480 = arith.index_cast %add3A_332 : i32 to index
        %swap3A_481 = arith.index_cast %swap3A_479 : i32 to index
        %swap3A_482 = arith.index_cast %mul3A_478 : i32 to index
        %swap3A_483 = tpu.vector_load %arg6[%swap3A_480, %swap3A_481, %swap3A_482] {strides = array<i32>} : memref<8x4x1024xf32, #tpu.memory_space<vmem>>, vector<1x1x16xf32>,
        %swap3A_484 = vector.shape_cast %swap3A_483 : vector<1x1x16xf32> to vector<16xf32>
        %swap3A_485 = vector.shape_cast %get3A_361 : vector<16xf32> to vector<1x1x16xf32>
        tpu.vector_store %arg6[%swap3A_480, %swap3A_481, %swap3A_482], %swap3A_485 {add = true, strides = array<i32>} : memref<8x4x1024xf32, #tpu.memory_space<vmem>>, vector<1x1x16xf32>,
        %mul3A_486 = arith.constant 8 : i32
        %mul3A_487 = arith.muli %add3A_342, %mul3A_486 : i32
        %add3A_488 = arith.constant 1 : i32
        %add3A_489 = arith.addi %mul3A_487, %add3A_488 : i32
        %mul3A_490 = arith.constant 16 : i32
        %mul3A_491 = arith.muli %add3A_489, %mul3A_490 : i32
        %swap3A_492 = arith.constant 1 : i32
        %swap3A_493 = arith.index_cast %add3A_332 : i32 to index
        %swap3A_494 = arith.index_cast %swap3A_492 : i32 to index
        %swap3A_495 = arith.index_cast %mul3A_491 : i32 to index
        %swap3A_496 = tpu.vector_load %arg6[%swap3A_493, %swap3A_494, %swap3A_495] {strides = array<i32>} : memref<8x4x1024xf32, #tpu.memory_space<vmem>>, vector<1x1x16xf32>,
        %swap3A_497 = vector.shape_cast %swap3A_496 : vector<1x1x16xf32> to vector<16xf32>
        %swap3A_498 = vector.shape_cast %get3A_361 : vector<16xf32> to vector<1x1x16xf32>
        tpu.vector_store %arg6[%swap3A_493, %swap3A_494, %swap3A_495], %swap3A_498 {add = true, strides = array<i32>} : memref<8x4x1024xf32, #tpu.memory_space<vmem>>, vector<1x1x16xf32>,
        %mul3A_499 = arith.constant 8 : i32
        %mul3A_500 = arith.muli %add3A_342, %mul3A_499 : i32
        %add3A_501 = arith.constant 1 : i32
        %add3A_502 = arith.addi %mul3A_500, %add3A_501 : i32
        %mul3A_503 = arith.constant 16 : i32
        %mul3A_504 = arith.muli %add3A_502, %mul3A_503 : i32
        %swap3A_505 = arith.constant 2 : i32
        %swap3A_506 = arith.index_cast %add3A_332 : i32 to index
        %swap3A_507 = arith.index_cast %swap3A_505 : i32 to index
        %swap3A_508 = arith.index_cast %mul3A_504 : i32 to index
        %swap3A_509 = tpu.vector_load %arg6[%swap3A_506, %swap3A_507, %swap3A_508] {strides = array<i32>} : memref<8x4x1024xf32, #tpu.memory_space<vmem>>, vector<1x1x16xf32>,
        %swap3A_510 = vector.shape_cast %swap3A_509 : vector<1x1x16xf32> to vector<16xf32>
        %swap3A_511 = vector.shape_cast %get3A_361 : vector<16xf32> to vector<1x1x16xf32>
        tpu.vector_store %arg6[%swap3A_506, %swap3A_507, %swap3A_508], %swap3A_511 {add = true, strides = array<i32>} : memref<8x4x1024xf32, #tpu.memory_space<vmem>>, vector<1x1x16xf32>,
        %mul3A_512 = arith.constant 8 : i32
        %mul3A_513 = arith.muli %add3A_342, %mul3A_512 : i32
        %add3A_514 = arith.constant 1 : i32
        %add3A_515 = arith.addi %mul3A_513, %add3A_514 : i32
        %mul3A_516 = arith.constant 16 : i32
        %mul3A_517 = arith.muli %add3A_515, %mul3A_516 : i32
        %swap3A_518 = arith.constant 3 : i32
        %swap3A_519 = arith.index_cast %add3A_332 : i32 to index
        %swap3A_520 = arith.index_cast %swap3A_518 : i32 to index
        %swap3A_521 = arith.index_cast %mul3A_517 : i32 to index
        %swap3A_522 = tpu.vector_load %arg6[%swap3A_519, %swap3A_520, %swap3A_521] {strides = array<i32>} : memref<8x4x1024xf32, #tpu.memory_space<vmem>>, vector<1x1x16xf32>,
        %swap3A_523 = vector.shape_cast %swap3A_522 : vector<1x1x16xf32> to vector<16xf32>
        %swap3A_524 = vector.shape_cast %get3A_361 : vector<16xf32> to vector<1x1x16xf32>
        tpu.vector_store %arg6[%swap3A_519, %swap3A_520, %swap3A_521], %swap3A_524 {add = true, strides = array<i32>} : memref<8x4x1024xf32, #tpu.memory_space<vmem>>, vector<1x1x16xf32>,
        %mul3A_525 = arith.constant 8 : i32
        %mul3A_526 = arith.muli %add3A_342, %mul3A_525 : i32
        %add3A_527 = arith.constant 2 : i32
        %add3A_528 = arith.addi %mul3A_526, %add3A_527 : i32
        %mul3A_529 = arith.constant 16 : i32
        %mul3A_530 = arith.muli %add3A_528, %mul3A_529 : i32
        %swap3A_531 = arith.constant 0 : i32
        %swap3A_532 = arith.index_cast %add3A_332 : i32 to index
        %swap3A_533 = arith.index_cast %swap3A_531 : i32 to index
        %swap3A_534 = arith.index_cast %mul3A_530 : i32 to index
        %swap3A_535 = tpu.vector_load %arg6[%swap3A_532, %swap3A_533, %swap3A_534] {strides = array<i32>} : memref<8x4x1024xf32, #tpu.memory_space<vmem>>, vector<1x1x16xf32>,
        %swap3A_536 = vector.shape_cast %swap3A_535 : vector<1x1x16xf32> to vector<16xf32>
        %swap3A_537 = vector.shape_cast %get3A_371 : vector<16xf32> to vector<1x1x16xf32>
        tpu.vector_store %arg6[%swap3A_532, %swap3A_533, %swap3A_534], %swap3A_537 {add = true, strides = array<i32>} : memref<8x4x1024xf32, #tpu.memory_space<vmem>>, vector<1x1x16xf32>,
        %mul3A_538 = arith.constant 8 : i32
        %mul3A_539 = arith.muli %add3A_342, %mul3A_538 : i32
        %add3A_540 = arith.constant 2 : i32
        %add3A_541 = arith.addi %mul3A_539, %add3A_540 : i32
        %mul3A_542 = arith.constant 16 : i32
        %mul3A_543 = arith.muli %add3A_541, %mul3A_542 : i32
        %swap3A_544 = arith.constant 1 : i32
        %swap3A_545 = arith.index_cast %add3A_332 : i32 to index
        %swap3A_546 = arith.index_cast %swap3A_544 : i32 to index
        %swap3A_547 = arith.index_cast %mul3A_543 : i32 to index
        %swap3A_548 = tpu.vector_load %arg6[%swap3A_545, %swap3A_546, %swap3A_547] {strides = array<i32>} : memref<8x4x1024xf32, #tpu.memory_space<vmem>>, vector<1x1x16xf32>,
        %swap3A_549 = vector.shape_cast %swap3A_548 : vector<1x1x16xf32> to vector<16xf32>
        %swap3A_550 = vector.shape_cast %get3A_371 : vector<16xf32> to vector<1x1x16xf32>
        tpu.vector_store %arg6[%swap3A_545, %swap3A_546, %swap3A_547], %swap3A_550 {add = true, strides = array<i32>} : memref<8x4x1024xf32, #tpu.memory_space<vmem>>, vector<1x1x16xf32>,
        %mul3A_551 = arith.constant 8 : i32
        %mul3A_552 = arith.muli %add3A_342, %mul3A_551 : i32
        %add3A_553 = arith.constant 2 : i32
        %add3A_554 = arith.addi %mul3A_552, %add3A_553 : i32
        %mul3A_555 = arith.constant 16 : i32
        %mul3A_556 = arith.muli %add3A_554, %mul3A_555 : i32
        %swap3A_557 = arith.constant 2 : i32
        %swap3A_558 = arith.index_cast %add3A_332 : i32 to index
        %swap3A_559 = arith.index_cast %swap3A_557 : i32 to index
        %swap3A_560 = arith.index_cast %mul3A_556 : i32 to index
        %swap3A_561 = tpu.vector_load %arg6[%swap3A_558, %swap3A_559, %swap3A_560] {strides = array<i32>} : memref<8x4x1024xf32, #tpu.memory_space<vmem>>, vector<1x1x16xf32>,
        %swap3A_562 = vector.shape_cast %swap3A_561 : vector<1x1x16xf32> to vector<16xf32>
        %swap3A_563 = vector.shape_cast %get3A_371 : vector<16xf32> to vector<1x1x16xf32>
        tpu.vector_store %arg6[%swap3A_558, %swap3A_559, %swap3A_560], %swap3A_563 {add = true, strides = array<i32>} : memref<8x4x1024xf32, #tpu.memory_space<vmem>>, vector<1x1x16xf32>,
        %mul3A_564 = arith.constant 8 : i32
        %mul3A_565 = arith.muli %add3A_342, %mul3A_564 : i32
        %add3A_566 = arith.constant 2 : i32
        %add3A_567 = arith.addi %mul3A_565, %add3A_566 : i32
        %mul3A_568 = arith.constant 16 : i32
        %mul3A_569 = arith.muli %add3A_567, %mul3A_568 : i32
        %swap3A_570 = arith.constant 3 : i32
        %swap3A_571 = arith.index_cast %add3A_332 : i32 to index
        %swap3A_572 = arith.index_cast %swap3A_570 : i32 to index
        %swap3A_573 = arith.index_cast %mul3A_569 : i32 to index
        %swap3A_574 = tpu.vector_load %arg6[%swap3A_571, %swap3A_572, %swap3A_573] {strides = array<i32>} : memref<8x4x1024xf32, #tpu.memory_space<vmem>>, vector<1x1x16xf32>,
        %swap3A_575 = vector.shape_cast %swap3A_574 : vector<1x1x16xf32> to vector<16xf32>
        %swap3A_576 = vector.shape_cast %get3A_371 : vector<16xf32> to vector<1x1x16xf32>
        tpu.vector_store %arg6[%swap3A_571, %swap3A_572, %swap3A_573], %swap3A_576 {add = true, strides = array<i32>} : memref<8x4x1024xf32, #tpu.memory_space<vmem>>, vector<1x1x16xf32>,
        %mul3A_577 = arith.constant 8 : i32
        %mul3A_578 = arith.muli %add3A_342, %mul3A_577 : i32
        %add3A_579 = arith.constant 3 : i32
        %add3A_580 = arith.addi %mul3A_578, %add3A_579 : i32
        %mul3A_581 = arith.constant 16 : i32
        %mul3A_582 = arith.muli %add3A_580, %mul3A_581 : i32
        %swap3A_583 = arith.constant 0 : i32
        %swap3A_584 = arith.index_cast %add3A_332 : i32 to index
        %swap3A_585 = arith.index_cast %swap3A_583 : i32 to index
        %swap3A_586 = arith.index_cast %mul3A_582 : i32 to index
        %swap3A_587 = tpu.vector_load %arg6[%swap3A_584, %swap3A_585, %swap3A_586] {strides = array<i32>} : memref<8x4x1024xf32, #tpu.memory_space<vmem>>, vector<1x1x16xf32>,
        %swap3A_588 = vector.shape_cast %swap3A_587 : vector<1x1x16xf32> to vector<16xf32>
        %swap3A_589 = vector.shape_cast %get3A_381 : vector<16xf32> to vector<1x1x16xf32>
        tpu.vector_store %arg6[%swap3A_584, %swap3A_585, %swap3A_586], %swap3A_589 {add = true, strides = array<i32>} : memref<8x4x1024xf32, #tpu.memory_space<vmem>>, vector<1x1x16xf32>,
        %mul3A_590 = arith.constant 8 : i32
        %mul3A_591 = arith.muli %add3A_342, %mul3A_590 : i32
        %add3A_592 = arith.constant 3 : i32
        %add3A_593 = arith.addi %mul3A_591, %add3A_592 : i32
        %mul3A_594 = arith.constant 16 : i32
        %mul3A_595 = arith.muli %add3A_593, %mul3A_594 : i32
        %swap3A_596 = arith.constant 1 : i32
        %swap3A_597 = arith.index_cast %add3A_332 : i32 to index
        %swap3A_598 = arith.index_cast %swap3A_596 : i32 to index
        %swap3A_599 = arith.index_cast %mul3A_595 : i32 to index
        %swap3A_600 = tpu.vector_load %arg6[%swap3A_597, %swap3A_598, %swap3A_599] {strides = array<i32>} : memref<8x4x1024xf32, #tpu.memory_space<vmem>>, vector<1x1x16xf32>,
        %swap3A_601 = vector.shape_cast %swap3A_600 : vector<1x1x16xf32> to vector<16xf32>
        %swap3A_602 = vector.shape_cast %get3A_381 : vector<16xf32> to vector<1x1x16xf32>
        tpu.vector_store %arg6[%swap3A_597, %swap3A_598, %swap3A_599], %swap3A_602 {add = true, strides = array<i32>} : memref<8x4x1024xf32, #tpu.memory_space<vmem>>, vector<1x1x16xf32>,
        %mul3A_603 = arith.constant 8 : i32
        %mul3A_604 = arith.muli %add3A_342, %mul3A_603 : i32
        %add3A_605 = arith.constant 3 : i32
        %add3A_606 = arith.addi %mul3A_604, %add3A_605 : i32
        %mul3A_607 = arith.constant 16 : i32
        %mul3A_608 = arith.muli %add3A_606, %mul3A_607 : i32
        %swap3A_609 = arith.constant 2 : i32
        %swap3A_610 = arith.index_cast %add3A_332 : i32 to index
        %swap3A_611 = arith.index_cast %swap3A_609 : i32 to index
        %swap3A_612 = arith.index_cast %mul3A_608 : i32 to index
        %swap3A_613 = tpu.vector_load %arg6[%swap3A_610, %swap3A_611, %swap3A_612] {strides = array<i32>} : memref<8x4x1024xf32, #tpu.memory_space<vmem>>, vector<1x1x16xf32>,
        %swap3A_614 = vector.shape_cast %swap3A_613 : vector<1x1x16xf32> to vector<16xf32>
        %swap3A_615 = vector.shape_cast %get3A_381 : vector<16xf32> to vector<1x1x16xf32>
        tpu.vector_store %arg6[%swap3A_610, %swap3A_611, %swap3A_612], %swap3A_615 {add = true, strides = array<i32>} : memref<8x4x1024xf32, #tpu.memory_space<vmem>>, vector<1x1x16xf32>,
        %mul3A_616 = arith.constant 8 : i32
        %mul3A_617 = arith.muli %add3A_342, %mul3A_616 : i32
        %add3A_618 = arith.constant 3 : i32
        %add3A_619 = arith.addi %mul3A_617, %add3A_618 : i32
        %mul3A_620 = arith.constant 16 : i32
        %mul3A_621 = arith.muli %add3A_619, %mul3A_620 : i32
        %swap3A_622 = arith.constant 3 : i32
        %swap3A_623 = arith.index_cast %add3A_332 : i32 to index
        %swap3A_624 = arith.index_cast %swap3A_622 : i32 to index
        %swap3A_625 = arith.index_cast %mul3A_621 : i32 to index
        %swap3A_626 = tpu.vector_load %arg6[%swap3A_623, %swap3A_624, %swap3A_625] {strides = array<i32>} : memref<8x4x1024xf32, #tpu.memory_space<vmem>>, vector<1x1x16xf32>,
        %swap3A_627 = vector.shape_cast %swap3A_626 : vector<1x1x16xf32> to vector<16xf32>
        %swap3A_628 = vector.shape_cast %get3A_381 : vector<16xf32> to vector<1x1x16xf32>
        tpu.vector_store %arg6[%swap3A_623, %swap3A_624, %swap3A_625], %swap3A_628 {add = true, strides = array<i32>} : memref<8x4x1024xf32, #tpu.memory_space<vmem>>, vector<1x1x16xf32>,
        %mul3A_629 = arith.constant 8 : i32
        %mul3A_630 = arith.muli %add3A_342, %mul3A_629 : i32
        %add3A_631 = arith.constant 4 : i32
        %add3A_632 = arith.addi %mul3A_630, %add3A_631 : i32
        %mul3A_633 = arith.constant 16 : i32
        %mul3A_634 = arith.muli %add3A_632, %mul3A_633 : i32
        %swap3A_635 = arith.constant 0 : i32
        %swap3A_636 = arith.index_cast %add3A_332 : i32 to index
        %swap3A_637 = arith.index_cast %swap3A_635 : i32 to index
        %swap3A_638 = arith.index_cast %mul3A_634 : i32 to index
        %swap3A_639 = tpu.vector_load %arg6[%swap3A_636, %swap3A_637, %swap3A_638] {strides = array<i32>} : memref<8x4x1024xf32, #tpu.memory_space<vmem>>, vector<1x1x16xf32>,
        %swap3A_640 = vector.shape_cast %swap3A_639 : vector<1x1x16xf32> to vector<16xf32>
        %swap3A_641 = vector.shape_cast %get3A_391 : vector<16xf32> to vector<1x1x16xf32>
        tpu.vector_store %arg6[%swap3A_636, %swap3A_637, %swap3A_638], %swap3A_641 {add = true, strides = array<i32>} : memref<8x4x1024xf32, #tpu.memory_space<vmem>>, vector<1x1x16xf32>,
        %mul3A_642 = arith.constant 8 : i32
        %mul3A_643 = arith.muli %add3A_342, %mul3A_642 : i32
        %add3A_644 = arith.constant 4 : i32
        %add3A_645 = arith.addi %mul3A_643, %add3A_644 : i32
        %mul3A_646 = arith.constant 16 : i32
        %mul3A_647 = arith.muli %add3A_645, %mul3A_646 : i32
        %swap3A_648 = arith.constant 1 : i32
        %swap3A_649 = arith.index_cast %add3A_332 : i32 to index
        %swap3A_650 = arith.index_cast %swap3A_648 : i32 to index
        %swap3A_651 = arith.index_cast %mul3A_647 : i32 to index
        %swap3A_652 = tpu.vector_load %arg6[%swap3A_649, %swap3A_650, %swap3A_651] {strides = array<i32>} : memref<8x4x1024xf32, #tpu.memory_space<vmem>>, vector<1x1x16xf32>,
        %swap3A_653 = vector.shape_cast %swap3A_652 : vector<1x1x16xf32> to vector<16xf32>
        %swap3A_654 = vector.shape_cast %get3A_391 : vector<16xf32> to vector<1x1x16xf32>
        tpu.vector_store %arg6[%swap3A_649, %swap3A_650, %swap3A_651], %swap3A_654 {add = true, strides = array<i32>} : memref<8x4x1024xf32, #tpu.memory_space<vmem>>, vector<1x1x16xf32>,
        %mul3A_655 = arith.constant 8 : i32
        %mul3A_656 = arith.muli %add3A_342, %mul3A_655 : i32
        %add3A_657 = arith.constant 4 : i32
        %add3A_658 = arith.addi %mul3A_656, %add3A_657 : i32
        %mul3A_659 = arith.constant 16 : i32
        %mul3A_660 = arith.muli %add3A_658, %mul3A_659 : i32
        %swap3A_661 = arith.constant 2 : i32
        %swap3A_662 = arith.index_cast %add3A_332 : i32 to index
        %swap3A_663 = arith.index_cast %swap3A_661 : i32 to index
        %swap3A_664 = arith.index_cast %mul3A_660 : i32 to index
        %swap3A_665 = tpu.vector_load %arg6[%swap3A_662, %swap3A_663, %swap3A_664] {strides = array<i32>} : memref<8x4x1024xf32, #tpu.memory_space<vmem>>, vector<1x1x16xf32>,
        %swap3A_666 = vector.shape_cast %swap3A_665 : vector<1x1x16xf32> to vector<16xf32>
        %swap3A_667 = vector.shape_cast %get3A_391 : vector<16xf32> to vector<1x1x16xf32>
        tpu.vector_store %arg6[%swap3A_662, %swap3A_663, %swap3A_664], %swap3A_667 {add = true, strides = array<i32>} : memref<8x4x1024xf32, #tpu.memory_space<vmem>>, vector<1x1x16xf32>,
        %mul3A_668 = arith.constant 8 : i32
        %mul3A_669 = arith.muli %add3A_342, %mul3A_668 : i32
        %add3A_670 = arith.constant 4 : i32
        %add3A_671 = arith.addi %mul3A_669, %add3A_670 : i32
        %mul3A_672 = arith.constant 16 : i32
        %mul3A_673 = arith.muli %add3A_671, %mul3A_672 : i32
        %swap3A_674 = arith.constant 3 : i32
        %swap3A_675 = arith.index_cast %add3A_332 : i32 to index
        %swap3A_676 = arith.index_cast %swap3A_674 : i32 to index
        %swap3A_677 = arith.index_cast %mul3A_673 : i32 to index
        %swap3A_678 = tpu.vector_load %arg6[%swap3A_675, %swap3A_676, %swap3A_677] {strides = array<i32>} : memref<8x4x1024xf32, #tpu.memory_space<vmem>>, vector<1x1x16xf32>,
        %swap3A_679 = vector.shape_cast %swap3A_678 : vector<1x1x16xf32> to vector<16xf32>
        %swap3A_680 = vector.shape_cast %get3A_391 : vector<16xf32> to vector<1x1x16xf32>
        tpu.vector_store %arg6[%swap3A_675, %swap3A_676, %swap3A_677], %swap3A_680 {add = true, strides = array<i32>} : memref<8x4x1024xf32, #tpu.memory_space<vmem>>, vector<1x1x16xf32>,
        %mul3A_681 = arith.constant 8 : i32
        %mul3A_682 = arith.muli %add3A_342, %mul3A_681 : i32
        %add3A_683 = arith.constant 5 : i32
        %add3A_684 = arith.addi %mul3A_682, %add3A_683 : i32
        %mul3A_685 = arith.constant 16 : i32
        %mul3A_686 = arith.muli %add3A_684, %mul3A_685 : i32
        %swap3A_687 = arith.constant 0 : i32
        %swap3A_688 = arith.index_cast %add3A_332 : i32 to index
        %swap3A_689 = arith.index_cast %swap3A_687 : i32 to index
        %swap3A_690 = arith.index_cast %mul3A_686 : i32 to index
        %swap3A_691 = tpu.vector_load %arg6[%swap3A_688, %swap3A_689, %swap3A_690] {strides = array<i32>} : memref<8x4x1024xf32, #tpu.memory_space<vmem>>, vector<1x1x16xf32>,
        %swap3A_692 = vector.shape_cast %swap3A_691 : vector<1x1x16xf32> to vector<16xf32>
        %swap3A_693 = vector.shape_cast %get3A_401 : vector<16xf32> to vector<1x1x16xf32>
        tpu.vector_store %arg6[%swap3A_688, %swap3A_689, %swap3A_690], %swap3A_693 {add = true, strides = array<i32>} : memref<8x4x1024xf32, #tpu.memory_space<vmem>>, vector<1x1x16xf32>,
        %mul3A_694 = arith.constant 8 : i32
        %mul3A_695 = arith.muli %add3A_342, %mul3A_694 : i32
        %add3A_696 = arith.constant 5 : i32
        %add3A_697 = arith.addi %mul3A_695, %add3A_696 : i32
        %mul3A_698 = arith.constant 16 : i32
        %mul3A_699 = arith.muli %add3A_697, %mul3A_698 : i32
        %swap3A_700 = arith.constant 1 : i32
        %swap3A_701 = arith.index_cast %add3A_332 : i32 to index
        %swap3A_702 = arith.index_cast %swap3A_700 : i32 to index
        %swap3A_703 = arith.index_cast %mul3A_699 : i32 to index
        %swap3A_704 = tpu.vector_load %arg6[%swap3A_701, %swap3A_702, %swap3A_703] {strides = array<i32>} : memref<8x4x1024xf32, #tpu.memory_space<vmem>>, vector<1x1x16xf32>,
        %swap3A_705 = vector.shape_cast %swap3A_704 : vector<1x1x16xf32> to vector<16xf32>
        %swap3A_706 = vector.shape_cast %get3A_401 : vector<16xf32> to vector<1x1x16xf32>
        tpu.vector_store %arg6[%swap3A_701, %swap3A_702, %swap3A_703], %swap3A_706 {add = true, strides = array<i32>} : memref<8x4x1024xf32, #tpu.memory_space<vmem>>, vector<1x1x16xf32>,
        %mul3A_707 = arith.constant 8 : i32
        %mul3A_708 = arith.muli %add3A_342, %mul3A_707 : i32
        %add3A_709 = arith.constant 5 : i32
        %add3A_710 = arith.addi %mul3A_708, %add3A_709 : i32
        %mul3A_711 = arith.constant 16 : i32
        %mul3A_712 = arith.muli %add3A_710, %mul3A_711 : i32
        %swap3A_713 = arith.constant 2 : i32
        %swap3A_714 = arith.index_cast %add3A_332 : i32 to index
        %swap3A_715 = arith.index_cast %swap3A_713 : i32 to index
        %swap3A_716 = arith.index_cast %mul3A_712 : i32 to index
        %swap3A_717 = tpu.vector_load %arg6[%swap3A_714, %swap3A_715, %swap3A_716] {strides = array<i32>} : memref<8x4x1024xf32, #tpu.memory_space<vmem>>, vector<1x1x16xf32>,
        %swap3A_718 = vector.shape_cast %swap3A_717 : vector<1x1x16xf32> to vector<16xf32>
        %swap3A_719 = vector.shape_cast %get3A_401 : vector<16xf32> to vector<1x1x16xf32>
        tpu.vector_store %arg6[%swap3A_714, %swap3A_715, %swap3A_716], %swap3A_719 {add = true, strides = array<i32>} : memref<8x4x1024xf32, #tpu.memory_space<vmem>>, vector<1x1x16xf32>,
        %mul3A_720 = arith.constant 8 : i32
        %mul3A_721 = arith.muli %add3A_342, %mul3A_720 : i32
        %add3A_722 = arith.constant 5 : i32
        %add3A_723 = arith.addi %mul3A_721, %add3A_722 : i32
        %mul3A_724 = arith.constant 16 : i32
        %mul3A_725 = arith.muli %add3A_723, %mul3A_724 : i32
        %swap3A_726 = arith.constant 3 : i32
        %swap3A_727 = arith.index_cast %add3A_332 : i32 to index
        %swap3A_728 = arith.index_cast %swap3A_726 : i32 to index
        %swap3A_729 = arith.index_cast %mul3A_725 : i32 to index
        %swap3A_730 = tpu.vector_load %arg6[%swap3A_727, %swap3A_728, %swap3A_729] {strides = array<i32>} : memref<8x4x1024xf32, #tpu.memory_space<vmem>>, vector<1x1x16xf32>,
        %swap3A_731 = vector.shape_cast %swap3A_730 : vector<1x1x16xf32> to vector<16xf32>
        %swap3A_732 = vector.shape_cast %get3A_401 : vector<16xf32> to vector<1x1x16xf32>
        tpu.vector_store %arg6[%swap3A_727, %swap3A_728, %swap3A_729], %swap3A_732 {add = true, strides = array<i32>} : memref<8x4x1024xf32, #tpu.memory_space<vmem>>, vector<1x1x16xf32>,
        %mul3A_733 = arith.constant 8 : i32
        %mul3A_734 = arith.muli %add3A_342, %mul3A_733 : i32
        %add3A_735 = arith.constant 6 : i32
        %add3A_736 = arith.addi %mul3A_734, %add3A_735 : i32
        %mul3A_737 = arith.constant 16 : i32
        %mul3A_738 = arith.muli %add3A_736, %mul3A_737 : i32
        %swap3A_739 = arith.constant 0 : i32
        %swap3A_740 = arith.index_cast %add3A_332 : i32 to index
        %swap3A_741 = arith.index_cast %swap3A_739 : i32 to index
        %swap3A_742 = arith.index_cast %mul3A_738 : i32 to index
        %swap3A_743 = tpu.vector_load %arg6[%swap3A_740, %swap3A_741, %swap3A_742] {strides = array<i32>} : memref<8x4x1024xf32, #tpu.memory_space<vmem>>, vector<1x1x16xf32>,
        %swap3A_744 = vector.shape_cast %swap3A_743 : vector<1x1x16xf32> to vector<16xf32>
        %swap3A_745 = vector.shape_cast %get3A_411 : vector<16xf32> to vector<1x1x16xf32>
        tpu.vector_store %arg6[%swap3A_740, %swap3A_741, %swap3A_742], %swap3A_745 {add = true, strides = array<i32>} : memref<8x4x1024xf32, #tpu.memory_space<vmem>>, vector<1x1x16xf32>,
        %mul3A_746 = arith.constant 8 : i32
        %mul3A_747 = arith.muli %add3A_342, %mul3A_746 : i32
        %add3A_748 = arith.constant 6 : i32
        %add3A_749 = arith.addi %mul3A_747, %add3A_748 : i32
        %mul3A_750 = arith.constant 16 : i32
        %mul3A_751 = arith.muli %add3A_749, %mul3A_750 : i32
        %swap3A_752 = arith.constant 1 : i32
        %swap3A_753 = arith.index_cast %add3A_332 : i32 to index
        %swap3A_754 = arith.index_cast %swap3A_752 : i32 to index
        %swap3A_755 = arith.index_cast %mul3A_751 : i32 to index
        %swap3A_756 = tpu.vector_load %arg6[%swap3A_753, %swap3A_754, %swap3A_755] {strides = array<i32>} : memref<8x4x1024xf32, #tpu.memory_space<vmem>>, vector<1x1x16xf32>,
        %swap3A_757 = vector.shape_cast %swap3A_756 : vector<1x1x16xf32> to vector<16xf32>
        %swap3A_758 = vector.shape_cast %get3A_411 : vector<16xf32> to vector<1x1x16xf32>
        tpu.vector_store %arg6[%swap3A_753, %swap3A_754, %swap3A_755], %swap3A_758 {add = true, strides = array<i32>} : memref<8x4x1024xf32, #tpu.memory_space<vmem>>, vector<1x1x16xf32>,
        %mul3A_759 = arith.constant 8 : i32
        %mul3A_760 = arith.muli %add3A_342, %mul3A_759 : i32
        %add3A_761 = arith.constant 6 : i32
        %add3A_762 = arith.addi %mul3A_760, %add3A_761 : i32
        %mul3A_763 = arith.constant 16 : i32
        %mul3A_764 = arith.muli %add3A_762, %mul3A_763 : i32
        %swap3A_765 = arith.constant 2 : i32
        %swap3A_766 = arith.index_cast %add3A_332 : i32 to index
        %swap3A_767 = arith.index_cast %swap3A_765 : i32 to index
        %swap3A_768 = arith.index_cast %mul3A_764 : i32 to index
        %swap3A_769 = tpu.vector_load %arg6[%swap3A_766, %swap3A_767, %swap3A_768] {strides = array<i32>} : memref<8x4x1024xf32, #tpu.memory_space<vmem>>, vector<1x1x16xf32>,
        %swap3A_770 = vector.shape_cast %swap3A_769 : vector<1x1x16xf32> to vector<16xf32>
        %swap3A_771 = vector.shape_cast %get3A_411 : vector<16xf32> to vector<1x1x16xf32>
        tpu.vector_store %arg6[%swap3A_766, %swap3A_767, %swap3A_768], %swap3A_771 {add = true, strides = array<i32>} : memref<8x4x1024xf32, #tpu.memory_space<vmem>>, vector<1x1x16xf32>,
        %mul3A_772 = arith.constant 8 : i32
        %mul3A_773 = arith.muli %add3A_342, %mul3A_772 : i32
        %add3A_774 = arith.constant 6 : i32
        %add3A_775 = arith.addi %mul3A_773, %add3A_774 : i32
        %mul3A_776 = arith.constant 16 : i32
        %mul3A_777 = arith.muli %add3A_775, %mul3A_776 : i32
        %swap3A_778 = arith.constant 3 : i32
        %swap3A_779 = arith.index_cast %add3A_332 : i32 to index
        %swap3A_780 = arith.index_cast %swap3A_778 : i32 to index
        %swap3A_781 = arith.index_cast %mul3A_777 : i32 to index
        %swap3A_782 = tpu.vector_load %arg6[%swap3A_779, %swap3A_780, %swap3A_781] {strides = array<i32>} : memref<8x4x1024xf32, #tpu.memory_space<vmem>>, vector<1x1x16xf32>,
        %swap3A_783 = vector.shape_cast %swap3A_782 : vector<1x1x16xf32> to vector<16xf32>
        %swap3A_784 = vector.shape_cast %get3A_411 : vector<16xf32> to vector<1x1x16xf32>
        tpu.vector_store %arg6[%swap3A_779, %swap3A_780, %swap3A_781], %swap3A_784 {add = true, strides = array<i32>} : memref<8x4x1024xf32, #tpu.memory_space<vmem>>, vector<1x1x16xf32>,
        %mul3A_785 = arith.constant 8 : i32
        %mul3A_786 = arith.muli %add3A_342, %mul3A_785 : i32
        %add3A_787 = arith.constant 7 : i32
        %add3A_788 = arith.addi %mul3A_786, %add3A_787 : i32
        %mul3A_789 = arith.constant 16 : i32
        %mul3A_790 = arith.muli %add3A_788, %mul3A_789 : i32
        %swap3A_791 = arith.constant 0 : i32
        %swap3A_792 = arith.index_cast %add3A_332 : i32 to index
        %swap3A_793 = arith.index_cast %swap3A_791 : i32 to index
        %swap3A_794 = arith.index_cast %mul3A_790 : i32 to index
        %swap3A_795 = tpu.vector_load %arg6[%swap3A_792, %swap3A_793, %swap3A_794] {strides = array<i32>} : memref<8x4x1024xf32, #tpu.memory_space<vmem>>, vector<1x1x16xf32>,
        %swap3A_796 = vector.shape_cast %swap3A_795 : vector<1x1x16xf32> to vector<16xf32>
        %swap3A_797 = vector.shape_cast %get3A_421 : vector<16xf32> to vector<1x1x16xf32>
        tpu.vector_store %arg6[%swap3A_792, %swap3A_793, %swap3A_794], %swap3A_797 {add = true, strides = array<i32>} : memref<8x4x1024xf32, #tpu.memory_space<vmem>>, vector<1x1x16xf32>,
        %mul3A_798 = arith.constant 8 : i32
        %mul3A_799 = arith.muli %add3A_342, %mul3A_798 : i32
        %add3A_800 = arith.constant 7 : i32
        %add3A_801 = arith.addi %mul3A_799, %add3A_800 : i32
        %mul3A_802 = arith.constant 16 : i32
        %mul3A_803 = arith.muli %add3A_801, %mul3A_802 : i32
        %swap3A_804 = arith.constant 1 : i32
        %swap3A_805 = arith.index_cast %add3A_332 : i32 to index
        %swap3A_806 = arith.index_cast %swap3A_804 : i32 to index
        %swap3A_807 = arith.index_cast %mul3A_803 : i32 to index
        %swap3A_808 = tpu.vector_load %arg6[%swap3A_805, %swap3A_806, %swap3A_807] {strides = array<i32>} : memref<8x4x1024xf32, #tpu.memory_space<vmem>>, vector<1x1x16xf32>,
        %swap3A_809 = vector.shape_cast %swap3A_808 : vector<1x1x16xf32> to vector<16xf32>
        %swap3A_810 = vector.shape_cast %get3A_421 : vector<16xf32> to vector<1x1x16xf32>
        tpu.vector_store %arg6[%swap3A_805, %swap3A_806, %swap3A_807], %swap3A_810 {add = true, strides = array<i32>} : memref<8x4x1024xf32, #tpu.memory_space<vmem>>, vector<1x1x16xf32>,
        %mul3A_811 = arith.constant 8 : i32
        %mul3A_812 = arith.muli %add3A_342, %mul3A_811 : i32
        %add3A_813 = arith.constant 7 : i32
        %add3A_814 = arith.addi %mul3A_812, %add3A_813 : i32
        %mul3A_815 = arith.constant 16 : i32
        %mul3A_816 = arith.muli %add3A_814, %mul3A_815 : i32
        %swap3A_817 = arith.constant 2 : i32
        %swap3A_818 = arith.index_cast %add3A_332 : i32 to index
        %swap3A_819 = arith.index_cast %swap3A_817 : i32 to index
        %swap3A_820 = arith.index_cast %mul3A_816 : i32 to index
        %swap3A_821 = tpu.vector_load %arg6[%swap3A_818, %swap3A_819, %swap3A_820] {strides = array<i32>} : memref<8x4x1024xf32, #tpu.memory_space<vmem>>, vector<1x1x16xf32>,
        %swap3A_822 = vector.shape_cast %swap3A_821 : vector<1x1x16xf32> to vector<16xf32>
        %swap3A_823 = vector.shape_cast %get3A_421 : vector<16xf32> to vector<1x1x16xf32>
        tpu.vector_store %arg6[%swap3A_818, %swap3A_819, %swap3A_820], %swap3A_823 {add = true, strides = array<i32>} : memref<8x4x1024xf32, #tpu.memory_space<vmem>>, vector<1x1x16xf32>,
        %mul3A_824 = arith.constant 8 : i32
        %mul3A_825 = arith.muli %add3A_342, %mul3A_824 : i32
        %add3A_826 = arith.constant 7 : i32
        %add3A_827 = arith.addi %mul3A_825, %add3A_826 : i32
        %mul3A_828 = arith.constant 16 : i32
        %mul3A_829 = arith.muli %add3A_827, %mul3A_828 : i32
        %swap3A_830 = arith.constant 3 : i32
        %swap3A_831 = arith.index_cast %add3A_332 : i32 to index
        %swap3A_832 = arith.index_cast %swap3A_830 : i32 to index
        %swap3A_833 = arith.index_cast %mul3A_829 : i32 to index
        %swap3A_834 = tpu.vector_load %arg6[%swap3A_831, %swap3A_832, %swap3A_833] {strides = array<i32>} : memref<8x4x1024xf32, #tpu.memory_space<vmem>>, vector<1x1x16xf32>,
        %swap3A_835 = vector.shape_cast %swap3A_834 : vector<1x1x16xf32> to vector<16xf32>
        %swap3A_836 = vector.shape_cast %get3A_421 : vector<16xf32> to vector<1x1x16xf32>
        tpu.vector_store %arg6[%swap3A_831, %swap3A_832, %swap3A_833], %swap3A_836 {add = true, strides = array<i32>} : memref<8x4x1024xf32, #tpu.memory_space<vmem>>, vector<1x1x16xf32>,
      }
      %scan3A_337 = arith.constant 8 : i32
    }
    %scan3A_73 = arith.constant 8 : i32
    %add3A_74 = arith.constant 8 : i32
    %add3A_75 = arith.addi %mul3A_2, %add3A_74 : i32
    %dma_start3A_76 = arith.constant 0 : i32
    %dma_start3A_77 = arith.constant 0 : i32
    %dma_start3A_78 = tpu.memref_slice %arg4[%add3A_75, %dma_start3A_76, %dma_start3A_77] : memref<2048x4x1024xf32, #tpu.memory_space<hbm>> -> memref<8x4x1024xf32, #tpu.memory_space<hbm>>
    %dma_start3A_79 = arith.constant 0 : i32
    %dma_start3A_80 = arith.constant 0 : i32
    %dma_start3A_81 = tpu.memref_slice %arg4[%add3A_75, %dma_start3A_79, %dma_start3A_80] : memref<2048x4x1024xf32, #tpu.memory_space<hbm>> -> memref<8x4x1024xf32, #tpu.memory_space<hbm>>
    tpu.enqueue_dma source(%arg6 : memref<8x4x1024xf32, #tpu.memory_space<vmem>>) target(%dma_start3A_81 : memref<8x4x1024xf32, #tpu.memory_space<hbm>>) target_semaphore(%arg18 : memref<!tpu.dma_semaphore, #tpu.memory_space<semaphore_mem>>)
    %dma_wait3A_82 = arith.constant 0 : i32
    %dma_wait3A_83 = arith.constant 0 : i32
    %dma_wait3A_84 = tpu.memref_slice %arg4[%add3A_40, %dma_wait3A_82, %dma_wait3A_83] : memref<2048x4x1024xf32, #tpu.memory_space<hbm>> -> memref<8x4x1024xf32, #tpu.memory_space<hbm>>
    %dma_wait3A_85 = arith.constant 0 : i32
    %dma_wait3A_86 = arith.constant 0 : i32
    %dma_wait3A_87 = tpu.memref_slice %arg4[%add3A_40, %dma_wait3A_85, %dma_wait3A_86] : memref<2048x4x1024xf32, #tpu.memory_space<hbm>> -> memref<8x4x1024xf32, #tpu.memory_space<hbm>>
    tpu.wait_dma2 semaphore(%arg17 : memref<!tpu.dma_semaphore, #tpu.memory_space<semaphore_mem>>) src(%arg5 : memref<8x4x1024xf32, #tpu.memory_space<vmem>>) dst(%dma_wait3A_87 : memref<8x4x1024xf32, #tpu.memory_space<hbm>>)
    %add3A_88 = arith.constant 24 : i32
    %add3A_89 = arith.addi %mul3A_2, %add3A_88 : i32
    %dma_start3A_90 = arith.constant 0 : i32
    %dma_start3A_91 = arith.constant 0 : i32
    %dma_start3A_92 = tpu.memref_slice %arg2[%add3A_89, %dma_start3A_90, %dma_start3A_91] : memref<2048x4x1024xf32, #tpu.memory_space<hbm>> -> memref<8x4x1024xf32, #tpu.memory_space<hbm>>
    %dma_start3A_93 = arith.constant 0 : i32
    %dma_start3A_94 = arith.constant 0 : i32
    %dma_start3A_95 = tpu.memref_slice %arg2[%add3A_89, %dma_start3A_93, %dma_start3A_94] : memref<2048x4x1024xf32, #tpu.memory_space<hbm>> -> memref<8x4x1024xf32, #tpu.memory_space<hbm>>
    tpu.enqueue_dma source(%dma_start3A_95 : memref<8x4x1024xf32, #tpu.memory_space<hbm>>) target(%arg5 : memref<8x4x1024xf32, #tpu.memory_space<vmem>>) target_semaphore(%arg11 : memref<!tpu.dma_semaphore, #tpu.memory_space<semaphore_mem>>)
    %dma_start3A_96 = arith.constant 0 : i32
    %dma_start3A_97 = tpu.memref_slice %arg3[%add3A_89, %dma_start3A_96] : memref<2048x1024xf32, #tpu.memory_space<hbm>> -> memref<8x1024xf32, #tpu.memory_space<hbm>>
    %dma_start3A_98 = arith.constant 0 : i32
    %dma_start3A_99 = tpu.memref_slice %arg3[%add3A_89, %dma_start3A_98] : memref<2048x1024xf32, #tpu.memory_space<hbm>> -> memref<8x1024xf32, #tpu.memory_space<hbm>>
    tpu.enqueue_dma source(%dma_start3A_99 : memref<8x1024xf32, #tpu.memory_space<hbm>>) target(%arg8 : memref<8x1024xf32, #tpu.memory_space<vmem>>) target_semaphore(%arg14 : memref<!tpu.dma_semaphore, #tpu.memory_space<semaphore_mem>>)
    %dma_wait3A_100 = arith.constant 0 : i32
    %dma_wait3A_101 = arith.constant 0 : i32
    %dma_wait3A_102 = tpu.memref_slice %arg2[%add3A_48, %dma_wait3A_100, %dma_wait3A_101] : memref<2048x4x1024xf32, #tpu.memory_space<hbm>> -> memref<8x4x1024xf32, #tpu.memory_space<hbm>>
    %dma_wait3A_103 = arith.constant 0 : i32
    %dma_wait3A_104 = arith.constant 0 : i32
    %dma_wait3A_105 = tpu.memref_slice %arg2[%add3A_48, %dma_wait3A_103, %dma_wait3A_104] : memref<2048x4x1024xf32, #tpu.memory_space<hbm>> -> memref<8x4x1024xf32, #tpu.memory_space<hbm>>
    tpu.wait_dma2 semaphore(%arg13 : memref<!tpu.dma_semaphore, #tpu.memory_space<semaphore_mem>>) src(%dma_wait3A_105 : memref<8x4x1024xf32, #tpu.memory_space<hbm>>) dst(%arg7 : memref<8x4x1024xf32, #tpu.memory_space<vmem>>)
    %dma_wait3A_106 = arith.constant 0 : i32
    %dma_wait3A_107 = tpu.memref_slice %arg3[%add3A_48, %dma_wait3A_106] : memref<2048x1024xf32, #tpu.memory_space<hbm>> -> memref<8x1024xf32, #tpu.memory_space<hbm>>
    %dma_wait3A_108 = arith.constant 0 : i32
    %dma_wait3A_109 = tpu.memref_slice %arg3[%add3A_48, %dma_wait3A_108] : memref<2048x1024xf32, #tpu.memory_space<hbm>> -> memref<8x1024xf32, #tpu.memory_space<hbm>>
    tpu.wait_dma2 semaphore(%arg16 : memref<!tpu.dma_semaphore, #tpu.memory_space<semaphore_mem>>) src(%dma_wait3A_109 : memref<8x1024xf32, #tpu.memory_space<hbm>>) dst(%arg10 : memref<8x1024xf32, #tpu.memory_space<vmem>>)
    %scan3A_110 = arith.constant 0 : i32
    %scan3A_111 = arith.constant 8 : i32
    %scan3A_112 = arith.addi %scan3A_110, %scan3A_111 : i32
    %scan3A_113 = arith.constant 1 : i32
    scf.for %scan3A_328 = %scan3A_110 to %scan3A_112 step %scan3A_113  : i32 {
      %mul3A_329 = arith.constant 1 : i32
      %mul3A_330 = arith.muli %scan3A_328, %mul3A_329 : i32
      %add3A_331 = arith.constant 0 : i32
      %add3A_332 = arith.addi %add3A_331, %mul3A_330 : i32
      %scan3A_333 = arith.constant 0 : i32
      %scan3A_334 = arith.constant 8 : i32
      %scan3A_335 = arith.addi %scan3A_333, %scan3A_334 : i32
      %scan3A_336 = arith.constant 1 : i32
      scf.for %scan3A_338 = %scan3A_333 to %scan3A_335 step %scan3A_336  : i32 {
        %mul3A_339 = arith.constant 1 : i32
        %mul3A_340 = arith.muli %scan3A_338, %mul3A_339 : i32
        %add3A_341 = arith.constant 0 : i32
        %add3A_342 = arith.addi %add3A_341, %mul3A_340 : i32
        %mul3A_343 = arith.constant 8 : i32
        %mul3A_344 = arith.muli %add3A_342, %mul3A_343 : i32
        %add3A_345 = arith.constant 0 : i32
        %add3A_346 = arith.addi %mul3A_344, %add3A_345 : i32
        %mul3A_347 = arith.constant 16 : i32
        %mul3A_348 = arith.muli %add3A_346, %mul3A_347 : i32
        %get3A = arith.index_cast %add3A_332 : i32 to index
        %get3A_349 = arith.index_cast %mul3A_348 : i32 to index
        %get3A_350 = tpu.vector_load %arg10[%get3A, %get3A_349] {strides = array<i32>} : memref<8x1024xf32, #tpu.memory_space<vmem>>, vector<1x16xf32>,
        %get3A_351 = vector.shape_cast %get3A_350 : vector<1x16xf32> to vector<16xf32>
        %mul3A_352 = arith.constant 8 : i32
        %mul3A_353 = arith.muli %add3A_342, %mul3A_352 : i32
        %add3A_354 = arith.constant 1 : i32
        %add3A_355 = arith.addi %mul3A_353, %add3A_354 : i32
        %mul3A_356 = arith.constant 16 : i32
        %mul3A_357 = arith.muli %add3A_355, %mul3A_356 : i32
        %get3A_358 = arith.index_cast %add3A_332 : i32 to index
        %get3A_359 = arith.index_cast %mul3A_357 : i32 to index
        %get3A_360 = tpu.vector_load %arg10[%get3A_358, %get3A_359] {strides = array<i32>} : memref<8x1024xf32, #tpu.memory_space<vmem>>, vector<1x16xf32>,
        %get3A_361 = vector.shape_cast %get3A_360 : vector<1x16xf32> to vector<16xf32>
        %mul3A_362 = arith.constant 8 : i32
        %mul3A_363 = arith.muli %add3A_342, %mul3A_362 : i32
        %add3A_364 = arith.constant 2 : i32
        %add3A_365 = arith.addi %mul3A_363, %add3A_364 : i32
        %mul3A_366 = arith.constant 16 : i32
        %mul3A_367 = arith.muli %add3A_365, %mul3A_366 : i32
        %get3A_368 = arith.index_cast %add3A_332 : i32 to index
        %get3A_369 = arith.index_cast %mul3A_367 : i32 to index
        %get3A_370 = tpu.vector_load %arg10[%get3A_368, %get3A_369] {strides = array<i32>} : memref<8x1024xf32, #tpu.memory_space<vmem>>, vector<1x16xf32>,
        %get3A_371 = vector.shape_cast %get3A_370 : vector<1x16xf32> to vector<16xf32>
        %mul3A_372 = arith.constant 8 : i32
        %mul3A_373 = arith.muli %add3A_342, %mul3A_372 : i32
        %add3A_374 = arith.constant 3 : i32
        %add3A_375 = arith.addi %mul3A_373, %add3A_374 : i32
        %mul3A_376 = arith.constant 16 : i32
        %mul3A_377 = arith.muli %add3A_375, %mul3A_376 : i32
        %get3A_378 = arith.index_cast %add3A_332 : i32 to index
        %get3A_379 = arith.index_cast %mul3A_377 : i32 to index
        %get3A_380 = tpu.vector_load %arg10[%get3A_378, %get3A_379] {strides = array<i32>} : memref<8x1024xf32, #tpu.memory_space<vmem>>, vector<1x16xf32>,
        %get3A_381 = vector.shape_cast %get3A_380 : vector<1x16xf32> to vector<16xf32>
        %mul3A_382 = arith.constant 8 : i32
        %mul3A_383 = arith.muli %add3A_342, %mul3A_382 : i32
        %add3A_384 = arith.constant 4 : i32
        %add3A_385 = arith.addi %mul3A_383, %add3A_384 : i32
        %mul3A_386 = arith.constant 16 : i32
        %mul3A_387 = arith.muli %add3A_385, %mul3A_386 : i32
        %get3A_388 = arith.index_cast %add3A_332 : i32 to index
        %get3A_389 = arith.index_cast %mul3A_387 : i32 to index
        %get3A_390 = tpu.vector_load %arg10[%get3A_388, %get3A_389] {strides = array<i32>} : memref<8x1024xf32, #tpu.memory_space<vmem>>, vector<1x16xf32>,
        %get3A_391 = vector.shape_cast %get3A_390 : vector<1x16xf32> to vector<16xf32>
        %mul3A_392 = arith.constant 8 : i32
        %mul3A_393 = arith.muli %add3A_342, %mul3A_392 : i32
        %add3A_394 = arith.constant 5 : i32
        %add3A_395 = arith.addi %mul3A_393, %add3A_394 : i32
        %mul3A_396 = arith.constant 16 : i32
        %mul3A_397 = arith.muli %add3A_395, %mul3A_396 : i32
        %get3A_398 = arith.index_cast %add3A_332 : i32 to index
        %get3A_399 = arith.index_cast %mul3A_397 : i32 to index
        %get3A_400 = tpu.vector_load %arg10[%get3A_398, %get3A_399] {strides = array<i32>} : memref<8x1024xf32, #tpu.memory_space<vmem>>, vector<1x16xf32>,
        %get3A_401 = vector.shape_cast %get3A_400 : vector<1x16xf32> to vector<16xf32>
        %mul3A_402 = arith.constant 8 : i32
        %mul3A_403 = arith.muli %add3A_342, %mul3A_402 : i32
        %add3A_404 = arith.constant 6 : i32
        %add3A_405 = arith.addi %mul3A_403, %add3A_404 : i32
        %mul3A_406 = arith.constant 16 : i32
        %mul3A_407 = arith.muli %add3A_405, %mul3A_406 : i32
        %get3A_408 = arith.index_cast %add3A_332 : i32 to index
        %get3A_409 = arith.index_cast %mul3A_407 : i32 to index
        %get3A_410 = tpu.vector_load %arg10[%get3A_408, %get3A_409] {strides = array<i32>} : memref<8x1024xf32, #tpu.memory_space<vmem>>, vector<1x16xf32>,
        %get3A_411 = vector.shape_cast %get3A_410 : vector<1x16xf32> to vector<16xf32>
        %mul3A_412 = arith.constant 8 : i32
        %mul3A_413 = arith.muli %add3A_342, %mul3A_412 : i32
        %add3A_414 = arith.constant 7 : i32
        %add3A_415 = arith.addi %mul3A_413, %add3A_414 : i32
        %mul3A_416 = arith.constant 16 : i32
        %mul3A_417 = arith.muli %add3A_415, %mul3A_416 : i32
        %get3A_418 = arith.index_cast %add3A_332 : i32 to index
        %get3A_419 = arith.index_cast %mul3A_417 : i32 to index
        %get3A_420 = tpu.vector_load %arg10[%get3A_418, %get3A_419] {strides = array<i32>} : memref<8x1024xf32, #tpu.memory_space<vmem>>, vector<1x16xf32>,
        %get3A_421 = vector.shape_cast %get3A_420 : vector<1x16xf32> to vector<16xf32>
        %mul3A_422 = arith.constant 8 : i32
        %mul3A_423 = arith.muli %add3A_342, %mul3A_422 : i32
        %add3A_424 = arith.constant 0 : i32
        %add3A_425 = arith.addi %mul3A_423, %add3A_424 : i32
        %mul3A_426 = arith.constant 16 : i32
        %mul3A_427 = arith.muli %add3A_425, %mul3A_426 : i32
        %swap3A = arith.constant 0 : i32
        %swap3A_428 = arith.index_cast %add3A_332 : i32 to index
        %swap3A_429 = arith.index_cast %swap3A : i32 to index
        %swap3A_430 = arith.index_cast %mul3A_427 : i32 to index
        %swap3A_431 = tpu.vector_load %arg7[%swap3A_428, %swap3A_429, %swap3A_430] {strides = array<i32>} : memref<8x4x1024xf32, #tpu.memory_space<vmem>>, vector<1x1x16xf32>,
        %swap3A_432 = vector.shape_cast %swap3A_431 : vector<1x1x16xf32> to vector<16xf32>
        %swap3A_433 = vector.shape_cast %get3A_351 : vector<16xf32> to vector<1x1x16xf32>
        tpu.vector_store %arg7[%swap3A_428, %swap3A_429, %swap3A_430], %swap3A_433 {add = true, strides = array<i32>} : memref<8x4x1024xf32, #tpu.memory_space<vmem>>, vector<1x1x16xf32>,
        %mul3A_434 = arith.constant 8 : i32
        %mul3A_435 = arith.muli %add3A_342, %mul3A_434 : i32
        %add3A_436 = arith.constant 0 : i32
        %add3A_437 = arith.addi %mul3A_435, %add3A_436 : i32
        %mul3A_438 = arith.constant 16 : i32
        %mul3A_439 = arith.muli %add3A_437, %mul3A_438 : i32
        %swap3A_440 = arith.constant 1 : i32
        %swap3A_441 = arith.index_cast %add3A_332 : i32 to index
        %swap3A_442 = arith.index_cast %swap3A_440 : i32 to index
        %swap3A_443 = arith.index_cast %mul3A_439 : i32 to index
        %swap3A_444 = tpu.vector_load %arg7[%swap3A_441, %swap3A_442, %swap3A_443] {strides = array<i32>} : memref<8x4x1024xf32, #tpu.memory_space<vmem>>, vector<1x1x16xf32>,
        %swap3A_445 = vector.shape_cast %swap3A_444 : vector<1x1x16xf32> to vector<16xf32>
        %swap3A_446 = vector.shape_cast %get3A_351 : vector<16xf32> to vector<1x1x16xf32>
        tpu.vector_store %arg7[%swap3A_441, %swap3A_442, %swap3A_443], %swap3A_446 {add = true, strides = array<i32>} : memref<8x4x1024xf32, #tpu.memory_space<vmem>>, vector<1x1x16xf32>,
        %mul3A_447 = arith.constant 8 : i32
        %mul3A_448 = arith.muli %add3A_342, %mul3A_447 : i32
        %add3A_449 = arith.constant 0 : i32
        %add3A_450 = arith.addi %mul3A_448, %add3A_449 : i32
        %mul3A_451 = arith.constant 16 : i32
        %mul3A_452 = arith.muli %add3A_450, %mul3A_451 : i32
        %swap3A_453 = arith.constant 2 : i32
        %swap3A_454 = arith.index_cast %add3A_332 : i32 to index
        %swap3A_455 = arith.index_cast %swap3A_453 : i32 to index
        %swap3A_456 = arith.index_cast %mul3A_452 : i32 to index
        %swap3A_457 = tpu.vector_load %arg7[%swap3A_454, %swap3A_455, %swap3A_456] {strides = array<i32>} : memref<8x4x1024xf32, #tpu.memory_space<vmem>>, vector<1x1x16xf32>,
        %swap3A_458 = vector.shape_cast %swap3A_457 : vector<1x1x16xf32> to vector<16xf32>
        %swap3A_459 = vector.shape_cast %get3A_351 : vector<16xf32> to vector<1x1x16xf32>
        tpu.vector_store %arg7[%swap3A_454, %swap3A_455, %swap3A_456], %swap3A_459 {add = true, strides = array<i32>} : memref<8x4x1024xf32, #tpu.memory_space<vmem>>, vector<1x1x16xf32>,
        %mul3A_460 = arith.constant 8 : i32
        %mul3A_461 = arith.muli %add3A_342, %mul3A_460 : i32
        %add3A_462 = arith.constant 0 : i32
        %add3A_463 = arith.addi %mul3A_461, %add3A_462 : i32
        %mul3A_464 = arith.constant 16 : i32
        %mul3A_465 = arith.muli %add3A_463, %mul3A_464 : i32
        %swap3A_466 = arith.constant 3 : i32
        %swap3A_467 = arith.index_cast %add3A_332 : i32 to index
        %swap3A_468 = arith.index_cast %swap3A_466 : i32 to index
        %swap3A_469 = arith.index_cast %mul3A_465 : i32 to index
        %swap3A_470 = tpu.vector_load %arg7[%swap3A_467, %swap3A_468, %swap3A_469] {strides = array<i32>} : memref<8x4x1024xf32, #tpu.memory_space<vmem>>, vector<1x1x16xf32>,
        %swap3A_471 = vector.shape_cast %swap3A_470 : vector<1x1x16xf32> to vector<16xf32>
        %swap3A_472 = vector.shape_cast %get3A_351 : vector<16xf32> to vector<1x1x16xf32>
        tpu.vector_store %arg7[%swap3A_467, %swap3A_468, %swap3A_469], %swap3A_472 {add = true, strides = array<i32>} : memref<8x4x1024xf32, #tpu.memory_space<vmem>>, vector<1x1x16xf32>,
        %mul3A_473 = arith.constant 8 : i32
        %mul3A_474 = arith.muli %add3A_342, %mul3A_473 : i32
        %add3A_475 = arith.constant 1 : i32
        %add3A_476 = arith.addi %mul3A_474, %add3A_475 : i32
        %mul3A_477 = arith.constant 16 : i32
        %mul3A_478 = arith.muli %add3A_476, %mul3A_477 : i32
        %swap3A_479 = arith.constant 0 : i32
        %swap3A_480 = arith.index_cast %add3A_332 : i32 to index
        %swap3A_481 = arith.index_cast %swap3A_479 : i32 to index
        %swap3A_482 = arith.index_cast %mul3A_478 : i32 to index
        %swap3A_483 = tpu.vector_load %arg7[%swap3A_480, %swap3A_481, %swap3A_482] {strides = array<i32>} : memref<8x4x1024xf32, #tpu.memory_space<vmem>>, vector<1x1x16xf32>,
        %swap3A_484 = vector.shape_cast %swap3A_483 : vector<1x1x16xf32> to vector<16xf32>
        %swap3A_485 = vector.shape_cast %get3A_361 : vector<16xf32> to vector<1x1x16xf32>
        tpu.vector_store %arg7[%swap3A_480, %swap3A_481, %swap3A_482], %swap3A_485 {add = true, strides = array<i32>} : memref<8x4x1024xf32, #tpu.memory_space<vmem>>, vector<1x1x16xf32>,
        %mul3A_486 = arith.constant 8 : i32
        %mul3A_487 = arith.muli %add3A_342, %mul3A_486 : i32
        %add3A_488 = arith.constant 1 : i32
        %add3A_489 = arith.addi %mul3A_487, %add3A_488 : i32
        %mul3A_490 = arith.constant 16 : i32
        %mul3A_491 = arith.muli %add3A_489, %mul3A_490 : i32
        %swap3A_492 = arith.constant 1 : i32
        %swap3A_493 = arith.index_cast %add3A_332 : i32 to index
        %swap3A_494 = arith.index_cast %swap3A_492 : i32 to index
        %swap3A_495 = arith.index_cast %mul3A_491 : i32 to index
        %swap3A_496 = tpu.vector_load %arg7[%swap3A_493, %swap3A_494, %swap3A_495] {strides = array<i32>} : memref<8x4x1024xf32, #tpu.memory_space<vmem>>, vector<1x1x16xf32>,
        %swap3A_497 = vector.shape_cast %swap3A_496 : vector<1x1x16xf32> to vector<16xf32>
        %swap3A_498 = vector.shape_cast %get3A_361 : vector<16xf32> to vector<1x1x16xf32>
        tpu.vector_store %arg7[%swap3A_493, %swap3A_494, %swap3A_495], %swap3A_498 {add = true, strides = array<i32>} : memref<8x4x1024xf32, #tpu.memory_space<vmem>>, vector<1x1x16xf32>,
        %mul3A_499 = arith.constant 8 : i32
        %mul3A_500 = arith.muli %add3A_342, %mul3A_499 : i32
        %add3A_501 = arith.constant 1 : i32
        %add3A_502 = arith.addi %mul3A_500, %add3A_501 : i32
        %mul3A_503 = arith.constant 16 : i32
        %mul3A_504 = arith.muli %add3A_502, %mul3A_503 : i32
        %swap3A_505 = arith.constant 2 : i32
        %swap3A_506 = arith.index_cast %add3A_332 : i32 to index
        %swap3A_507 = arith.index_cast %swap3A_505 : i32 to index
        %swap3A_508 = arith.index_cast %mul3A_504 : i32 to index
        %swap3A_509 = tpu.vector_load %arg7[%swap3A_506, %swap3A_507, %swap3A_508] {strides = array<i32>} : memref<8x4x1024xf32, #tpu.memory_space<vmem>>, vector<1x1x16xf32>,
        %swap3A_510 = vector.shape_cast %swap3A_509 : vector<1x1x16xf32> to vector<16xf32>
        %swap3A_511 = vector.shape_cast %get3A_361 : vector<16xf32> to vector<1x1x16xf32>
        tpu.vector_store %arg7[%swap3A_506, %swap3A_507, %swap3A_508], %swap3A_511 {add = true, strides = array<i32>} : memref<8x4x1024xf32, #tpu.memory_space<vmem>>, vector<1x1x16xf32>,
        %mul3A_512 = arith.constant 8 : i32
        %mul3A_513 = arith.muli %add3A_342, %mul3A_512 : i32
        %add3A_514 = arith.constant 1 : i32
        %add3A_515 = arith.addi %mul3A_513, %add3A_514 : i32
        %mul3A_516 = arith.constant 16 : i32
        %mul3A_517 = arith.muli %add3A_515, %mul3A_516 : i32
        %swap3A_518 = arith.constant 3 : i32
        %swap3A_519 = arith.index_cast %add3A_332 : i32 to index
        %swap3A_520 = arith.index_cast %swap3A_518 : i32 to index
        %swap3A_521 = arith.index_cast %mul3A_517 : i32 to index
        %swap3A_522 = tpu.vector_load %arg7[%swap3A_519, %swap3A_520, %swap3A_521] {strides = array<i32>} : memref<8x4x1024xf32, #tpu.memory_space<vmem>>, vector<1x1x16xf32>,
        %swap3A_523 = vector.shape_cast %swap3A_522 : vector<1x1x16xf32> to vector<16xf32>
        %swap3A_524 = vector.shape_cast %get3A_361 : vector<16xf32> to vector<1x1x16xf32>
        tpu.vector_store %arg7[%swap3A_519, %swap3A_520, %swap3A_521], %swap3A_524 {add = true, strides = array<i32>} : memref<8x4x1024xf32, #tpu.memory_space<vmem>>, vector<1x1x16xf32>,
        %mul3A_525 = arith.constant 8 : i32
        %mul3A_526 = arith.muli %add3A_342, %mul3A_525 : i32
        %add3A_527 = arith.constant 2 : i32
        %add3A_528 = arith.addi %mul3A_526, %add3A_527 : i32
        %mul3A_529 = arith.constant 16 : i32
        %mul3A_530 = arith.muli %add3A_528, %mul3A_529 : i32
        %swap3A_531 = arith.constant 0 : i32
        %swap3A_532 = arith.index_cast %add3A_332 : i32 to index
        %swap3A_533 = arith.index_cast %swap3A_531 : i32 to index
        %swap3A_534 = arith.index_cast %mul3A_530 : i32 to index
        %swap3A_535 = tpu.vector_load %arg7[%swap3A_532, %swap3A_533, %swap3A_534] {strides = array<i32>} : memref<8x4x1024xf32, #tpu.memory_space<vmem>>, vector<1x1x16xf32>,
        %swap3A_536 = vector.shape_cast %swap3A_535 : vector<1x1x16xf32> to vector<16xf32>
        %swap3A_537 = vector.shape_cast %get3A_371 : vector<16xf32> to vector<1x1x16xf32>
        tpu.vector_store %arg7[%swap3A_532, %swap3A_533, %swap3A_534], %swap3A_537 {add = true, strides = array<i32>} : memref<8x4x1024xf32, #tpu.memory_space<vmem>>, vector<1x1x16xf32>,
        %mul3A_538 = arith.constant 8 : i32
        %mul3A_539 = arith.muli %add3A_342, %mul3A_538 : i32
        %add3A_540 = arith.constant 2 : i32
        %add3A_541 = arith.addi %mul3A_539, %add3A_540 : i32
        %mul3A_542 = arith.constant 16 : i32
        %mul3A_543 = arith.muli %add3A_541, %mul3A_542 : i32
        %swap3A_544 = arith.constant 1 : i32
        %swap3A_545 = arith.index_cast %add3A_332 : i32 to index
        %swap3A_546 = arith.index_cast %swap3A_544 : i32 to index
        %swap3A_547 = arith.index_cast %mul3A_543 : i32 to index
        %swap3A_548 = tpu.vector_load %arg7[%swap3A_545, %swap3A_546, %swap3A_547] {strides = array<i32>} : memref<8x4x1024xf32, #tpu.memory_space<vmem>>, vector<1x1x16xf32>,
        %swap3A_549 = vector.shape_cast %swap3A_548 : vector<1x1x16xf32> to vector<16xf32>
        %swap3A_550 = vector.shape_cast %get3A_371 : vector<16xf32> to vector<1x1x16xf32>
        tpu.vector_store %arg7[%swap3A_545, %swap3A_546, %swap3A_547], %swap3A_550 {add = true, strides = array<i32>} : memref<8x4x1024xf32, #tpu.memory_space<vmem>>, vector<1x1x16xf32>,
        %mul3A_551 = arith.constant 8 : i32
        %mul3A_552 = arith.muli %add3A_342, %mul3A_551 : i32
        %add3A_553 = arith.constant 2 : i32
        %add3A_554 = arith.addi %mul3A_552, %add3A_553 : i32
        %mul3A_555 = arith.constant 16 : i32
        %mul3A_556 = arith.muli %add3A_554, %mul3A_555 : i32
        %swap3A_557 = arith.constant 2 : i32
        %swap3A_558 = arith.index_cast %add3A_332 : i32 to index
        %swap3A_559 = arith.index_cast %swap3A_557 : i32 to index
        %swap3A_560 = arith.index_cast %mul3A_556 : i32 to index
        %swap3A_561 = tpu.vector_load %arg7[%swap3A_558, %swap3A_559, %swap3A_560] {strides = array<i32>} : memref<8x4x1024xf32, #tpu.memory_space<vmem>>, vector<1x1x16xf32>,
        %swap3A_562 = vector.shape_cast %swap3A_561 : vector<1x1x16xf32> to vector<16xf32>
        %swap3A_563 = vector.shape_cast %get3A_371 : vector<16xf32> to vector<1x1x16xf32>
        tpu.vector_store %arg7[%swap3A_558, %swap3A_559, %swap3A_560], %swap3A_563 {add = true, strides = array<i32>} : memref<8x4x1024xf32, #tpu.memory_space<vmem>>, vector<1x1x16xf32>,
        %mul3A_564 = arith.constant 8 : i32
        %mul3A_565 = arith.muli %add3A_342, %mul3A_564 : i32
        %add3A_566 = arith.constant 2 : i32
        %add3A_567 = arith.addi %mul3A_565, %add3A_566 : i32
        %mul3A_568 = arith.constant 16 : i32
        %mul3A_569 = arith.muli %add3A_567, %mul3A_568 : i32
        %swap3A_570 = arith.constant 3 : i32
        %swap3A_571 = arith.index_cast %add3A_332 : i32 to index
        %swap3A_572 = arith.index_cast %swap3A_570 : i32 to index
        %swap3A_573 = arith.index_cast %mul3A_569 : i32 to index
        %swap3A_574 = tpu.vector_load %arg7[%swap3A_571, %swap3A_572, %swap3A_573] {strides = array<i32>} : memref<8x4x1024xf32, #tpu.memory_space<vmem>>, vector<1x1x16xf32>,
        %swap3A_575 = vector.shape_cast %swap3A_574 : vector<1x1x16xf32> to vector<16xf32>
        %swap3A_576 = vector.shape_cast %get3A_371 : vector<16xf32> to vector<1x1x16xf32>
        tpu.vector_store %arg7[%swap3A_571, %swap3A_572, %swap3A_573], %swap3A_576 {add = true, strides = array<i32>} : memref<8x4x1024xf32, #tpu.memory_space<vmem>>, vector<1x1x16xf32>,
        %mul3A_577 = arith.constant 8 : i32
        %mul3A_578 = arith.muli %add3A_342, %mul3A_577 : i32
        %add3A_579 = arith.constant 3 : i32
        %add3A_580 = arith.addi %mul3A_578, %add3A_579 : i32
        %mul3A_581 = arith.constant 16 : i32
        %mul3A_582 = arith.muli %add3A_580, %mul3A_581 : i32
        %swap3A_583 = arith.constant 0 : i32
        %swap3A_584 = arith.index_cast %add3A_332 : i32 to index
        %swap3A_585 = arith.index_cast %swap3A_583 : i32 to index
        %swap3A_586 = arith.index_cast %mul3A_582 : i32 to index
        %swap3A_587 = tpu.vector_load %arg7[%swap3A_584, %swap3A_585, %swap3A_586] {strides = array<i32>} : memref<8x4x1024xf32, #tpu.memory_space<vmem>>, vector<1x1x16xf32>,
        %swap3A_588 = vector.shape_cast %swap3A_587 : vector<1x1x16xf32> to vector<16xf32>
        %swap3A_589 = vector.shape_cast %get3A_381 : vector<16xf32> to vector<1x1x16xf32>
        tpu.vector_store %arg7[%swap3A_584, %swap3A_585, %swap3A_586], %swap3A_589 {add = true, strides = array<i32>} : memref<8x4x1024xf32, #tpu.memory_space<vmem>>, vector<1x1x16xf32>,
        %mul3A_590 = arith.constant 8 : i32
        %mul3A_591 = arith.muli %add3A_342, %mul3A_590 : i32
        %add3A_592 = arith.constant 3 : i32
        %add3A_593 = arith.addi %mul3A_591, %add3A_592 : i32
        %mul3A_594 = arith.constant 16 : i32
        %mul3A_595 = arith.muli %add3A_593, %mul3A_594 : i32
        %swap3A_596 = arith.constant 1 : i32
        %swap3A_597 = arith.index_cast %add3A_332 : i32 to index
        %swap3A_598 = arith.index_cast %swap3A_596 : i32 to index
        %swap3A_599 = arith.index_cast %mul3A_595 : i32 to index
        %swap3A_600 = tpu.vector_load %arg7[%swap3A_597, %swap3A_598, %swap3A_599] {strides = array<i32>} : memref<8x4x1024xf32, #tpu.memory_space<vmem>>, vector<1x1x16xf32>,
        %swap3A_601 = vector.shape_cast %swap3A_600 : vector<1x1x16xf32> to vector<16xf32>
        %swap3A_602 = vector.shape_cast %get3A_381 : vector<16xf32> to vector<1x1x16xf32>
        tpu.vector_store %arg7[%swap3A_597, %swap3A_598, %swap3A_599], %swap3A_602 {add = true, strides = array<i32>} : memref<8x4x1024xf32, #tpu.memory_space<vmem>>, vector<1x1x16xf32>,
        %mul3A_603 = arith.constant 8 : i32
        %mul3A_604 = arith.muli %add3A_342, %mul3A_603 : i32
        %add3A_605 = arith.constant 3 : i32
        %add3A_606 = arith.addi %mul3A_604, %add3A_605 : i32
        %mul3A_607 = arith.constant 16 : i32
        %mul3A_608 = arith.muli %add3A_606, %mul3A_607 : i32
        %swap3A_609 = arith.constant 2 : i32
        %swap3A_610 = arith.index_cast %add3A_332 : i32 to index
        %swap3A_611 = arith.index_cast %swap3A_609 : i32 to index
        %swap3A_612 = arith.index_cast %mul3A_608 : i32 to index
        %swap3A_613 = tpu.vector_load %arg7[%swap3A_610, %swap3A_611, %swap3A_612] {strides = array<i32>} : memref<8x4x1024xf32, #tpu.memory_space<vmem>>, vector<1x1x16xf32>,
        %swap3A_614 = vector.shape_cast %swap3A_613 : vector<1x1x16xf32> to vector<16xf32>
        %swap3A_615 = vector.shape_cast %get3A_381 : vector<16xf32> to vector<1x1x16xf32>
        tpu.vector_store %arg7[%swap3A_610, %swap3A_611, %swap3A_612], %swap3A_615 {add = true, strides = array<i32>} : memref<8x4x1024xf32, #tpu.memory_space<vmem>>, vector<1x1x16xf32>,
        %mul3A_616 = arith.constant 8 : i32
        %mul3A_617 = arith.muli %add3A_342, %mul3A_616 : i32
        %add3A_618 = arith.constant 3 : i32
        %add3A_619 = arith.addi %mul3A_617, %add3A_618 : i32
        %mul3A_620 = arith.constant 16 : i32
        %mul3A_621 = arith.muli %add3A_619, %mul3A_620 : i32
        %swap3A_622 = arith.constant 3 : i32
        %swap3A_623 = arith.index_cast %add3A_332 : i32 to index
        %swap3A_624 = arith.index_cast %swap3A_622 : i32 to index
        %swap3A_625 = arith.index_cast %mul3A_621 : i32 to index
        %swap3A_626 = tpu.vector_load %arg7[%swap3A_623, %swap3A_624, %swap3A_625] {strides = array<i32>} : memref<8x4x1024xf32, #tpu.memory_space<vmem>>, vector<1x1x16xf32>,
        %swap3A_627 = vector.shape_cast %swap3A_626 : vector<1x1x16xf32> to vector<16xf32>
        %swap3A_628 = vector.shape_cast %get3A_381 : vector<16xf32> to vector<1x1x16xf32>
        tpu.vector_store %arg7[%swap3A_623, %swap3A_624, %swap3A_625], %swap3A_628 {add = true, strides = array<i32>} : memref<8x4x1024xf32, #tpu.memory_space<vmem>>, vector<1x1x16xf32>,
        %mul3A_629 = arith.constant 8 : i32
        %mul3A_630 = arith.muli %add3A_342, %mul3A_629 : i32
        %add3A_631 = arith.constant 4 : i32
        %add3A_632 = arith.addi %mul3A_630, %add3A_631 : i32
        %mul3A_633 = arith.constant 16 : i32
        %mul3A_634 = arith.muli %add3A_632, %mul3A_633 : i32
        %swap3A_635 = arith.constant 0 : i32
        %swap3A_636 = arith.index_cast %add3A_332 : i32 to index
        %swap3A_637 = arith.index_cast %swap3A_635 : i32 to index
        %swap3A_638 = arith.index_cast %mul3A_634 : i32 to index
        %swap3A_639 = tpu.vector_load %arg7[%swap3A_636, %swap3A_637, %swap3A_638] {strides = array<i32>} : memref<8x4x1024xf32, #tpu.memory_space<vmem>>, vector<1x1x16xf32>,
        %swap3A_640 = vector.shape_cast %swap3A_639 : vector<1x1x16xf32> to vector<16xf32>
        %swap3A_641 = vector.shape_cast %get3A_391 : vector<16xf32> to vector<1x1x16xf32>
        tpu.vector_store %arg7[%swap3A_636, %swap3A_637, %swap3A_638], %swap3A_641 {add = true, strides = array<i32>} : memref<8x4x1024xf32, #tpu.memory_space<vmem>>, vector<1x1x16xf32>,
        %mul3A_642 = arith.constant 8 : i32
        %mul3A_643 = arith.muli %add3A_342, %mul3A_642 : i32
        %add3A_644 = arith.constant 4 : i32
        %add3A_645 = arith.addi %mul3A_643, %add3A_644 : i32
        %mul3A_646 = arith.constant 16 : i32
        %mul3A_647 = arith.muli %add3A_645, %mul3A_646 : i32
        %swap3A_648 = arith.constant 1 : i32
        %swap3A_649 = arith.index_cast %add3A_332 : i32 to index
        %swap3A_650 = arith.index_cast %swap3A_648 : i32 to index
        %swap3A_651 = arith.index_cast %mul3A_647 : i32 to index
        %swap3A_652 = tpu.vector_load %arg7[%swap3A_649, %swap3A_650, %swap3A_651] {strides = array<i32>} : memref<8x4x1024xf32, #tpu.memory_space<vmem>>, vector<1x1x16xf32>,
        %swap3A_653 = vector.shape_cast %swap3A_652 : vector<1x1x16xf32> to vector<16xf32>
        %swap3A_654 = vector.shape_cast %get3A_391 : vector<16xf32> to vector<1x1x16xf32>
        tpu.vector_store %arg7[%swap3A_649, %swap3A_650, %swap3A_651], %swap3A_654 {add = true, strides = array<i32>} : memref<8x4x1024xf32, #tpu.memory_space<vmem>>, vector<1x1x16xf32>,
        %mul3A_655 = arith.constant 8 : i32
        %mul3A_656 = arith.muli %add3A_342, %mul3A_655 : i32
        %add3A_657 = arith.constant 4 : i32
        %add3A_658 = arith.addi %mul3A_656, %add3A_657 : i32
        %mul3A_659 = arith.constant 16 : i32
        %mul3A_660 = arith.muli %add3A_658, %mul3A_659 : i32
        %swap3A_661 = arith.constant 2 : i32
        %swap3A_662 = arith.index_cast %add3A_332 : i32 to index
        %swap3A_663 = arith.index_cast %swap3A_661 : i32 to index
        %swap3A_664 = arith.index_cast %mul3A_660 : i32 to index
        %swap3A_665 = tpu.vector_load %arg7[%swap3A_662, %swap3A_663, %swap3A_664] {strides = array<i32>} : memref<8x4x1024xf32, #tpu.memory_space<vmem>>, vector<1x1x16xf32>,
        %swap3A_666 = vector.shape_cast %swap3A_665 : vector<1x1x16xf32> to vector<16xf32>
        %swap3A_667 = vector.shape_cast %get3A_391 : vector<16xf32> to vector<1x1x16xf32>
        tpu.vector_store %arg7[%swap3A_662, %swap3A_663, %swap3A_664], %swap3A_667 {add = true, strides = array<i32>} : memref<8x4x1024xf32, #tpu.memory_space<vmem>>, vector<1x1x16xf32>,
        %mul3A_668 = arith.constant 8 : i32
        %mul3A_669 = arith.muli %add3A_342, %mul3A_668 : i32
        %add3A_670 = arith.constant 4 : i32
        %add3A_671 = arith.addi %mul3A_669, %add3A_670 : i32
        %mul3A_672 = arith.constant 16 : i32
        %mul3A_673 = arith.muli %add3A_671, %mul3A_672 : i32
        %swap3A_674 = arith.constant 3 : i32
        %swap3A_675 = arith.index_cast %add3A_332 : i32 to index
        %swap3A_676 = arith.index_cast %swap3A_674 : i32 to index
        %swap3A_677 = arith.index_cast %mul3A_673 : i32 to index
        %swap3A_678 = tpu.vector_load %arg7[%swap3A_675, %swap3A_676, %swap3A_677] {strides = array<i32>} : memref<8x4x1024xf32, #tpu.memory_space<vmem>>, vector<1x1x16xf32>,
        %swap3A_679 = vector.shape_cast %swap3A_678 : vector<1x1x16xf32> to vector<16xf32>
        %swap3A_680 = vector.shape_cast %get3A_391 : vector<16xf32> to vector<1x1x16xf32>
        tpu.vector_store %arg7[%swap3A_675, %swap3A_676, %swap3A_677], %swap3A_680 {add = true, strides = array<i32>} : memref<8x4x1024xf32, #tpu.memory_space<vmem>>, vector<1x1x16xf32>,
        %mul3A_681 = arith.constant 8 : i32
        %mul3A_682 = arith.muli %add3A_342, %mul3A_681 : i32
        %add3A_683 = arith.constant 5 : i32
        %add3A_684 = arith.addi %mul3A_682, %add3A_683 : i32
        %mul3A_685 = arith.constant 16 : i32
        %mul3A_686 = arith.muli %add3A_684, %mul3A_685 : i32
        %swap3A_687 = arith.constant 0 : i32
        %swap3A_688 = arith.index_cast %add3A_332 : i32 to index
        %swap3A_689 = arith.index_cast %swap3A_687 : i32 to index
        %swap3A_690 = arith.index_cast %mul3A_686 : i32 to index
        %swap3A_691 = tpu.vector_load %arg7[%swap3A_688, %swap3A_689, %swap3A_690] {strides = array<i32>} : memref<8x4x1024xf32, #tpu.memory_space<vmem>>, vector<1x1x16xf32>,
        %swap3A_692 = vector.shape_cast %swap3A_691 : vector<1x1x16xf32> to vector<16xf32>
        %swap3A_693 = vector.shape_cast %get3A_401 : vector<16xf32> to vector<1x1x16xf32>
        tpu.vector_store %arg7[%swap3A_688, %swap3A_689, %swap3A_690], %swap3A_693 {add = true, strides = array<i32>} : memref<8x4x1024xf32, #tpu.memory_space<vmem>>, vector<1x1x16xf32>,
        %mul3A_694 = arith.constant 8 : i32
        %mul3A_695 = arith.muli %add3A_342, %mul3A_694 : i32
        %add3A_696 = arith.constant 5 : i32
        %add3A_697 = arith.addi %mul3A_695, %add3A_696 : i32
        %mul3A_698 = arith.constant 16 : i32
        %mul3A_699 = arith.muli %add3A_697, %mul3A_698 : i32
        %swap3A_700 = arith.constant 1 : i32
        %swap3A_701 = arith.index_cast %add3A_332 : i32 to index
        %swap3A_702 = arith.index_cast %swap3A_700 : i32 to index
        %swap3A_703 = arith.index_cast %mul3A_699 : i32 to index
        %swap3A_704 = tpu.vector_load %arg7[%swap3A_701, %swap3A_702, %swap3A_703] {strides = array<i32>} : memref<8x4x1024xf32, #tpu.memory_space<vmem>>, vector<1x1x16xf32>,
        %swap3A_705 = vector.shape_cast %swap3A_704 : vector<1x1x16xf32> to vector<16xf32>
        %swap3A_706 = vector.shape_cast %get3A_401 : vector<16xf32> to vector<1x1x16xf32>
        tpu.vector_store %arg7[%swap3A_701, %swap3A_702, %swap3A_703], %swap3A_706 {add = true, strides = array<i32>} : memref<8x4x1024xf32, #tpu.memory_space<vmem>>, vector<1x1x16xf32>,
        %mul3A_707 = arith.constant 8 : i32
        %mul3A_708 = arith.muli %add3A_342, %mul3A_707 : i32
        %add3A_709 = arith.constant 5 : i32
        %add3A_710 = arith.addi %mul3A_708, %add3A_709 : i32
        %mul3A_711 = arith.constant 16 : i32
        %mul3A_712 = arith.muli %add3A_710, %mul3A_711 : i32
        %swap3A_713 = arith.constant 2 : i32
        %swap3A_714 = arith.index_cast %add3A_332 : i32 to index
        %swap3A_715 = arith.index_cast %swap3A_713 : i32 to index
        %swap3A_716 = arith.index_cast %mul3A_712 : i32 to index
        %swap3A_717 = tpu.vector_load %arg7[%swap3A_714, %swap3A_715, %swap3A_716] {strides = array<i32>} : memref<8x4x1024xf32, #tpu.memory_space<vmem>>, vector<1x1x16xf32>,
        %swap3A_718 = vector.shape_cast %swap3A_717 : vector<1x1x16xf32> to vector<16xf32>
        %swap3A_719 = vector.shape_cast %get3A_401 : vector<16xf32> to vector<1x1x16xf32>
        tpu.vector_store %arg7[%swap3A_714, %swap3A_715, %swap3A_716], %swap3A_719 {add = true, strides = array<i32>} : memref<8x4x1024xf32, #tpu.memory_space<vmem>>, vector<1x1x16xf32>,
        %mul3A_720 = arith.constant 8 : i32
        %mul3A_721 = arith.muli %add3A_342, %mul3A_720 : i32
        %add3A_722 = arith.constant 5 : i32
        %add3A_723 = arith.addi %mul3A_721, %add3A_722 : i32
        %mul3A_724 = arith.constant 16 : i32
        %mul3A_725 = arith.muli %add3A_723, %mul3A_724 : i32
        %swap3A_726 = arith.constant 3 : i32
        %swap3A_727 = arith.index_cast %add3A_332 : i32 to index
        %swap3A_728 = arith.index_cast %swap3A_726 : i32 to index
        %swap3A_729 = arith.index_cast %mul3A_725 : i32 to index
        %swap3A_730 = tpu.vector_load %arg7[%swap3A_727, %swap3A_728, %swap3A_729] {strides = array<i32>} : memref<8x4x1024xf32, #tpu.memory_space<vmem>>, vector<1x1x16xf32>,
        %swap3A_731 = vector.shape_cast %swap3A_730 : vector<1x1x16xf32> to vector<16xf32>
        %swap3A_732 = vector.shape_cast %get3A_401 : vector<16xf32> to vector<1x1x16xf32>
        tpu.vector_store %arg7[%swap3A_727, %swap3A_728, %swap3A_729], %swap3A_732 {add = true, strides = array<i32>} : memref<8x4x1024xf32, #tpu.memory_space<vmem>>, vector<1x1x16xf32>,
        %mul3A_733 = arith.constant 8 : i32
        %mul3A_734 = arith.muli %add3A_342, %mul3A_733 : i32
        %add3A_735 = arith.constant 6 : i32
        %add3A_736 = arith.addi %mul3A_734, %add3A_735 : i32
        %mul3A_737 = arith.constant 16 : i32
        %mul3A_738 = arith.muli %add3A_736, %mul3A_737 : i32
        %swap3A_739 = arith.constant 0 : i32
        %swap3A_740 = arith.index_cast %add3A_332 : i32 to index
        %swap3A_741 = arith.index_cast %swap3A_739 : i32 to index
        %swap3A_742 = arith.index_cast %mul3A_738 : i32 to index
        %swap3A_743 = tpu.vector_load %arg7[%swap3A_740, %swap3A_741, %swap3A_742] {strides = array<i32>} : memref<8x4x1024xf32, #tpu.memory_space<vmem>>, vector<1x1x16xf32>,
        %swap3A_744 = vector.shape_cast %swap3A_743 : vector<1x1x16xf32> to vector<16xf32>
        %swap3A_745 = vector.shape_cast %get3A_411 : vector<16xf32> to vector<1x1x16xf32>
        tpu.vector_store %arg7[%swap3A_740, %swap3A_741, %swap3A_742], %swap3A_745 {add = true, strides = array<i32>} : memref<8x4x1024xf32, #tpu.memory_space<vmem>>, vector<1x1x16xf32>,
        %mul3A_746 = arith.constant 8 : i32
        %mul3A_747 = arith.muli %add3A_342, %mul3A_746 : i32
        %add3A_748 = arith.constant 6 : i32
        %add3A_749 = arith.addi %mul3A_747, %add3A_748 : i32
        %mul3A_750 = arith.constant 16 : i32
        %mul3A_751 = arith.muli %add3A_749, %mul3A_750 : i32
        %swap3A_752 = arith.constant 1 : i32
        %swap3A_753 = arith.index_cast %add3A_332 : i32 to index
        %swap3A_754 = arith.index_cast %swap3A_752 : i32 to index
        %swap3A_755 = arith.index_cast %mul3A_751 : i32 to index
        %swap3A_756 = tpu.vector_load %arg7[%swap3A_753, %swap3A_754, %swap3A_755] {strides = array<i32>} : memref<8x4x1024xf32, #tpu.memory_space<vmem>>, vector<1x1x16xf32>,
        %swap3A_757 = vector.shape_cast %swap3A_756 : vector<1x1x16xf32> to vector<16xf32>
        %swap3A_758 = vector.shape_cast %get3A_411 : vector<16xf32> to vector<1x1x16xf32>
        tpu.vector_store %arg7[%swap3A_753, %swap3A_754, %swap3A_755], %swap3A_758 {add = true, strides = array<i32>} : memref<8x4x1024xf32, #tpu.memory_space<vmem>>, vector<1x1x16xf32>,
        %mul3A_759 = arith.constant 8 : i32
        %mul3A_760 = arith.muli %add3A_342, %mul3A_759 : i32
        %add3A_761 = arith.constant 6 : i32
        %add3A_762 = arith.addi %mul3A_760, %add3A_761 : i32
        %mul3A_763 = arith.constant 16 : i32
        %mul3A_764 = arith.muli %add3A_762, %mul3A_763 : i32
        %swap3A_765 = arith.constant 2 : i32
        %swap3A_766 = arith.index_cast %add3A_332 : i32 to index
        %swap3A_767 = arith.index_cast %swap3A_765 : i32 to index
        %swap3A_768 = arith.index_cast %mul3A_764 : i32 to index
        %swap3A_769 = tpu.vector_load %arg7[%swap3A_766, %swap3A_767, %swap3A_768] {strides = array<i32>} : memref<8x4x1024xf32, #tpu.memory_space<vmem>>, vector<1x1x16xf32>,
        %swap3A_770 = vector.shape_cast %swap3A_769 : vector<1x1x16xf32> to vector<16xf32>
        %swap3A_771 = vector.shape_cast %get3A_411 : vector<16xf32> to vector<1x1x16xf32>
        tpu.vector_store %arg7[%swap3A_766, %swap3A_767, %swap3A_768], %swap3A_771 {add = true, strides = array<i32>} : memref<8x4x1024xf32, #tpu.memory_space<vmem>>, vector<1x1x16xf32>,
        %mul3A_772 = arith.constant 8 : i32
        %mul3A_773 = arith.muli %add3A_342, %mul3A_772 : i32
        %add3A_774 = arith.constant 6 : i32
        %add3A_775 = arith.addi %mul3A_773, %add3A_774 : i32
        %mul3A_776 = arith.constant 16 : i32
        %mul3A_777 = arith.muli %add3A_775, %mul3A_776 : i32
        %swap3A_778 = arith.constant 3 : i32
        %swap3A_779 = arith.index_cast %add3A_332 : i32 to index
        %swap3A_780 = arith.index_cast %swap3A_778 : i32 to index
        %swap3A_781 = arith.index_cast %mul3A_777 : i32 to index
        %swap3A_782 = tpu.vector_load %arg7[%swap3A_779, %swap3A_780, %swap3A_781] {strides = array<i32>} : memref<8x4x1024xf32, #tpu.memory_space<vmem>>, vector<1x1x16xf32>,
        %swap3A_783 = vector.shape_cast %swap3A_782 : vector<1x1x16xf32> to vector<16xf32>
        %swap3A_784 = vector.shape_cast %get3A_411 : vector<16xf32> to vector<1x1x16xf32>
        tpu.vector_store %arg7[%swap3A_779, %swap3A_780, %swap3A_781], %swap3A_784 {add = true, strides = array<i32>} : memref<8x4x1024xf32, #tpu.memory_space<vmem>>, vector<1x1x16xf32>,
        %mul3A_785 = arith.constant 8 : i32
        %mul3A_786 = arith.muli %add3A_342, %mul3A_785 : i32
        %add3A_787 = arith.constant 7 : i32
        %add3A_788 = arith.addi %mul3A_786, %add3A_787 : i32
        %mul3A_789 = arith.constant 16 : i32
        %mul3A_790 = arith.muli %add3A_788, %mul3A_789 : i32
        %swap3A_791 = arith.constant 0 : i32
        %swap3A_792 = arith.index_cast %add3A_332 : i32 to index
        %swap3A_793 = arith.index_cast %swap3A_791 : i32 to index
        %swap3A_794 = arith.index_cast %mul3A_790 : i32 to index
        %swap3A_795 = tpu.vector_load %arg7[%swap3A_792, %swap3A_793, %swap3A_794] {strides = array<i32>} : memref<8x4x1024xf32, #tpu.memory_space<vmem>>, vector<1x1x16xf32>,
        %swap3A_796 = vector.shape_cast %swap3A_795 : vector<1x1x16xf32> to vector<16xf32>
        %swap3A_797 = vector.shape_cast %get3A_421 : vector<16xf32> to vector<1x1x16xf32>
        tpu.vector_store %arg7[%swap3A_792, %swap3A_793, %swap3A_794], %swap3A_797 {add = true, strides = array<i32>} : memref<8x4x1024xf32, #tpu.memory_space<vmem>>, vector<1x1x16xf32>,
        %mul3A_798 = arith.constant 8 : i32
        %mul3A_799 = arith.muli %add3A_342, %mul3A_798 : i32
        %add3A_800 = arith.constant 7 : i32
        %add3A_801 = arith.addi %mul3A_799, %add3A_800 : i32
        %mul3A_802 = arith.constant 16 : i32
        %mul3A_803 = arith.muli %add3A_801, %mul3A_802 : i32
        %swap3A_804 = arith.constant 1 : i32
        %swap3A_805 = arith.index_cast %add3A_332 : i32 to index
        %swap3A_806 = arith.index_cast %swap3A_804 : i32 to index
        %swap3A_807 = arith.index_cast %mul3A_803 : i32 to index
        %swap3A_808 = tpu.vector_load %arg7[%swap3A_805, %swap3A_806, %swap3A_807] {strides = array<i32>} : memref<8x4x1024xf32, #tpu.memory_space<vmem>>, vector<1x1x16xf32>,
        %swap3A_809 = vector.shape_cast %swap3A_808 : vector<1x1x16xf32> to vector<16xf32>
        %swap3A_810 = vector.shape_cast %get3A_421 : vector<16xf32> to vector<1x1x16xf32>
        tpu.vector_store %arg7[%swap3A_805, %swap3A_806, %swap3A_807], %swap3A_810 {add = true, strides = array<i32>} : memref<8x4x1024xf32, #tpu.memory_space<vmem>>, vector<1x1x16xf32>,
        %mul3A_811 = arith.constant 8 : i32
        %mul3A_812 = arith.muli %add3A_342, %mul3A_811 : i32
        %add3A_813 = arith.constant 7 : i32
        %add3A_814 = arith.addi %mul3A_812, %add3A_813 : i32
        %mul3A_815 = arith.constant 16 : i32
        %mul3A_816 = arith.muli %add3A_814, %mul3A_815 : i32
        %swap3A_817 = arith.constant 2 : i32
        %swap3A_818 = arith.index_cast %add3A_332 : i32 to index
        %swap3A_819 = arith.index_cast %swap3A_817 : i32 to index
        %swap3A_820 = arith.index_cast %mul3A_816 : i32 to index
        %swap3A_821 = tpu.vector_load %arg7[%swap3A_818, %swap3A_819, %swap3A_820] {strides = array<i32>} : memref<8x4x1024xf32, #tpu.memory_space<vmem>>, vector<1x1x16xf32>,
        %swap3A_822 = vector.shape_cast %swap3A_821 : vector<1x1x16xf32> to vector<16xf32>
        %swap3A_823 = vector.shape_cast %get3A_421 : vector<16xf32> to vector<1x1x16xf32>
        tpu.vector_store %arg7[%swap3A_818, %swap3A_819, %swap3A_820], %swap3A_823 {add = true, strides = array<i32>} : memref<8x4x1024xf32, #tpu.memory_space<vmem>>, vector<1x1x16xf32>,
        %mul3A_824 = arith.constant 8 : i32
        %mul3A_825 = arith.muli %add3A_342, %mul3A_824 : i32
        %add3A_826 = arith.constant 7 : i32
        %add3A_827 = arith.addi %mul3A_825, %add3A_826 : i32
        %mul3A_828 = arith.constant 16 : i32
        %mul3A_829 = arith.muli %add3A_827, %mul3A_828 : i32
        %swap3A_830 = arith.constant 3 : i32
        %swap3A_831 = arith.index_cast %add3A_332 : i32 to index
        %swap3A_832 = arith.index_cast %swap3A_830 : i32 to index
        %swap3A_833 = arith.index_cast %mul3A_829 : i32 to index
        %swap3A_834 = tpu.vector_load %arg7[%swap3A_831, %swap3A_832, %swap3A_833] {strides = array<i32>} : memref<8x4x1024xf32, #tpu.memory_space<vmem>>, vector<1x1x16xf32>,
        %swap3A_835 = vector.shape_cast %swap3A_834 : vector<1x1x16xf32> to vector<16xf32>
        %swap3A_836 = vector.shape_cast %get3A_421 : vector<16xf32> to vector<1x1x16xf32>
        tpu.vector_store %arg7[%swap3A_831, %swap3A_832, %swap3A_833], %swap3A_836 {add = true, strides = array<i32>} : memref<8x4x1024xf32, #tpu.memory_space<vmem>>, vector<1x1x16xf32>,
      }
      %scan3A_337 = arith.constant 8 : i32
    }
    %scan3A_114 = arith.constant 8 : i32
    %add3A_115 = arith.constant 16 : i32
    %add3A_116 = arith.addi %mul3A_2, %add3A_115 : i32
    %dma_start3A_117 = arith.constant 0 : i32
    %dma_start3A_118 = arith.constant 0 : i32
    %dma_start3A_119 = tpu.memref_slice %arg4[%add3A_116, %dma_start3A_117, %dma_start3A_118] : memref<2048x4x1024xf32, #tpu.memory_space<hbm>> -> memref<8x4x1024xf32, #tpu.memory_space<hbm>>
    %dma_start3A_120 = arith.constant 0 : i32
    %dma_start3A_121 = arith.constant 0 : i32
    %dma_start3A_122 = tpu.memref_slice %arg4[%add3A_116, %dma_start3A_120, %dma_start3A_121] : memref<2048x4x1024xf32, #tpu.memory_space<hbm>> -> memref<8x4x1024xf32, #tpu.memory_space<hbm>>
    tpu.enqueue_dma source(%arg7 : memref<8x4x1024xf32, #tpu.memory_space<vmem>>) target(%dma_start3A_122 : memref<8x4x1024xf32, #tpu.memory_space<hbm>>) target_semaphore(%arg19 : memref<!tpu.dma_semaphore, #tpu.memory_space<semaphore_mem>>)
    %dma_wait3A_123 = arith.constant 0 : i32
    %dma_wait3A_124 = arith.constant 0 : i32
    %dma_wait3A_125 = tpu.memref_slice %arg4[%add3A_75, %dma_wait3A_123, %dma_wait3A_124] : memref<2048x4x1024xf32, #tpu.memory_space<hbm>> -> memref<8x4x1024xf32, #tpu.memory_space<hbm>>
    %dma_wait3A_126 = arith.constant 0 : i32
    %dma_wait3A_127 = arith.constant 0 : i32
    %dma_wait3A_128 = tpu.memref_slice %arg4[%add3A_75, %dma_wait3A_126, %dma_wait3A_127] : memref<2048x4x1024xf32, #tpu.memory_space<hbm>> -> memref<8x4x1024xf32, #tpu.memory_space<hbm>>
    tpu.wait_dma2 semaphore(%arg18 : memref<!tpu.dma_semaphore, #tpu.memory_space<semaphore_mem>>) src(%arg6 : memref<8x4x1024xf32, #tpu.memory_space<vmem>>) dst(%dma_wait3A_128 : memref<8x4x1024xf32, #tpu.memory_space<hbm>>)
    %add3A_129 = arith.constant 32 : i32
    %add3A_130 = arith.addi %mul3A_2, %add3A_129 : i32
    %dma_start3A_131 = arith.constant 0 : i32
    %dma_start3A_132 = arith.constant 0 : i32
    %dma_start3A_133 = tpu.memref_slice %arg2[%add3A_130, %dma_start3A_131, %dma_start3A_132] : memref<2048x4x1024xf32, #tpu.memory_space<hbm>> -> memref<8x4x1024xf32, #tpu.memory_space<hbm>>
    %dma_start3A_134 = arith.constant 0 : i32
    %dma_start3A_135 = arith.constant 0 : i32
    %dma_start3A_136 = tpu.memref_slice %arg2[%add3A_130, %dma_start3A_134, %dma_start3A_135] : memref<2048x4x1024xf32, #tpu.memory_space<hbm>> -> memref<8x4x1024xf32, #tpu.memory_space<hbm>>
    tpu.enqueue_dma source(%dma_start3A_136 : memref<8x4x1024xf32, #tpu.memory_space<hbm>>) target(%arg6 : memref<8x4x1024xf32, #tpu.memory_space<vmem>>) target_semaphore(%arg12 : memref<!tpu.dma_semaphore, #tpu.memory_space<semaphore_mem>>)
    %dma_start3A_137 = arith.constant 0 : i32
    %dma_start3A_138 = tpu.memref_slice %arg3[%add3A_130, %dma_start3A_137] : memref<2048x1024xf32, #tpu.memory_space<hbm>> -> memref<8x1024xf32, #tpu.memory_space<hbm>>
    %dma_start3A_139 = arith.constant 0 : i32
    %dma_start3A_140 = tpu.memref_slice %arg3[%add3A_130, %dma_start3A_139] : memref<2048x1024xf32, #tpu.memory_space<hbm>> -> memref<8x1024xf32, #tpu.memory_space<hbm>>
    tpu.enqueue_dma source(%dma_start3A_140 : memref<8x1024xf32, #tpu.memory_space<hbm>>) target(%arg9 : memref<8x1024xf32, #tpu.memory_space<vmem>>) target_semaphore(%arg15 : memref<!tpu.dma_semaphore, #tpu.memory_space<semaphore_mem>>)
    %dma_wait3A_141 = arith.constant 0 : i32
    %dma_wait3A_142 = arith.constant 0 : i32
    %dma_wait3A_143 = tpu.memref_slice %arg2[%add3A_89, %dma_wait3A_141, %dma_wait3A_142] : memref<2048x4x1024xf32, #tpu.memory_space<hbm>> -> memref<8x4x1024xf32, #tpu.memory_space<hbm>>
    %dma_wait3A_144 = arith.constant 0 : i32
    %dma_wait3A_145 = arith.constant 0 : i32
    %dma_wait3A_146 = tpu.memref_slice %arg2[%add3A_89, %dma_wait3A_144, %dma_wait3A_145] : memref<2048x4x1024xf32, #tpu.memory_space<hbm>> -> memref<8x4x1024xf32, #tpu.memory_space<hbm>>
    tpu.wait_dma2 semaphore(%arg11 : memref<!tpu.dma_semaphore, #tpu.memory_space<semaphore_mem>>) src(%dma_wait3A_146 : memref<8x4x1024xf32, #tpu.memory_space<hbm>>) dst(%arg5 : memref<8x4x1024xf32, #tpu.memory_space<vmem>>)
    %dma_wait3A_147 = arith.constant 0 : i32
    %dma_wait3A_148 = tpu.memref_slice %arg3[%add3A_89, %dma_wait3A_147] : memref<2048x1024xf32, #tpu.memory_space<hbm>> -> memref<8x1024xf32, #tpu.memory_space<hbm>>
    %dma_wait3A_149 = arith.constant 0 : i32
    %dma_wait3A_150 = tpu.memref_slice %arg3[%add3A_89, %dma_wait3A_149] : memref<2048x1024xf32, #tpu.memory_space<hbm>> -> memref<8x1024xf32, #tpu.memory_space<hbm>>
    tpu.wait_dma2 semaphore(%arg14 : memref<!tpu.dma_semaphore, #tpu.memory_space<semaphore_mem>>) src(%dma_wait3A_150 : memref<8x1024xf32, #tpu.memory_space<hbm>>) dst(%arg8 : memref<8x1024xf32, #tpu.memory_space<vmem>>)
    %scan3A_151 = arith.constant 0 : i32
    %scan3A_152 = arith.constant 8 : i32
    %scan3A_153 = arith.addi %scan3A_151, %scan3A_152 : i32
    %scan3A_154 = arith.constant 1 : i32
    scf.for %scan3A_328 = %scan3A_151 to %scan3A_153 step %scan3A_154  : i32 {
      %mul3A_329 = arith.constant 1 : i32
      %mul3A_330 = arith.muli %scan3A_328, %mul3A_329 : i32
      %add3A_331 = arith.constant 0 : i32
      %add3A_332 = arith.addi %add3A_331, %mul3A_330 : i32
      %scan3A_333 = arith.constant 0 : i32
      %scan3A_334 = arith.constant 8 : i32
      %scan3A_335 = arith.addi %scan3A_333, %scan3A_334 : i32
      %scan3A_336 = arith.constant 1 : i32
      scf.for %scan3A_338 = %scan3A_333 to %scan3A_335 step %scan3A_336  : i32 {
        %mul3A_339 = arith.constant 1 : i32
        %mul3A_340 = arith.muli %scan3A_338, %mul3A_339 : i32
        %add3A_341 = arith.constant 0 : i32
        %add3A_342 = arith.addi %add3A_341, %mul3A_340 : i32
        %mul3A_343 = arith.constant 8 : i32
        %mul3A_344 = arith.muli %add3A_342, %mul3A_343 : i32
        %add3A_345 = arith.constant 0 : i32
        %add3A_346 = arith.addi %mul3A_344, %add3A_345 : i32
        %mul3A_347 = arith.constant 16 : i32
        %mul3A_348 = arith.muli %add3A_346, %mul3A_347 : i32
        %get3A = arith.index_cast %add3A_332 : i32 to index
        %get3A_349 = arith.index_cast %mul3A_348 : i32 to index
        %get3A_350 = tpu.vector_load %arg8[%get3A, %get3A_349] {strides = array<i32>} : memref<8x1024xf32, #tpu.memory_space<vmem>>, vector<1x16xf32>,
        %get3A_351 = vector.shape_cast %get3A_350 : vector<1x16xf32> to vector<16xf32>
        %mul3A_352 = arith.constant 8 : i32
        %mul3A_353 = arith.muli %add3A_342, %mul3A_352 : i32
        %add3A_354 = arith.constant 1 : i32
        %add3A_355 = arith.addi %mul3A_353, %add3A_354 : i32
        %mul3A_356 = arith.constant 16 : i32
        %mul3A_357 = arith.muli %add3A_355, %mul3A_356 : i32
        %get3A_358 = arith.index_cast %add3A_332 : i32 to index
        %get3A_359 = arith.index_cast %mul3A_357 : i32 to index
        %get3A_360 = tpu.vector_load %arg8[%get3A_358, %get3A_359] {strides = array<i32>} : memref<8x1024xf32, #tpu.memory_space<vmem>>, vector<1x16xf32>,
        %get3A_361 = vector.shape_cast %get3A_360 : vector<1x16xf32> to vector<16xf32>
        %mul3A_362 = arith.constant 8 : i32
        %mul3A_363 = arith.muli %add3A_342, %mul3A_362 : i32
        %add3A_364 = arith.constant 2 : i32
        %add3A_365 = arith.addi %mul3A_363, %add3A_364 : i32
        %mul3A_366 = arith.constant 16 : i32
        %mul3A_367 = arith.muli %add3A_365, %mul3A_366 : i32
        %get3A_368 = arith.index_cast %add3A_332 : i32 to index
        %get3A_369 = arith.index_cast %mul3A_367 : i32 to index
        %get3A_370 = tpu.vector_load %arg8[%get3A_368, %get3A_369] {strides = array<i32>} : memref<8x1024xf32, #tpu.memory_space<vmem>>, vector<1x16xf32>,
        %get3A_371 = vector.shape_cast %get3A_370 : vector<1x16xf32> to vector<16xf32>
        %mul3A_372 = arith.constant 8 : i32
        %mul3A_373 = arith.muli %add3A_342, %mul3A_372 : i32
        %add3A_374 = arith.constant 3 : i32
        %add3A_375 = arith.addi %mul3A_373, %add3A_374 : i32
        %mul3A_376 = arith.constant 16 : i32
        %mul3A_377 = arith.muli %add3A_375, %mul3A_376 : i32
        %get3A_378 = arith.index_cast %add3A_332 : i32 to index
        %get3A_379 = arith.index_cast %mul3A_377 : i32 to index
        %get3A_380 = tpu.vector_load %arg8[%get3A_378, %get3A_379] {strides = array<i32>} : memref<8x1024xf32, #tpu.memory_space<vmem>>, vector<1x16xf32>,
        %get3A_381 = vector.shape_cast %get3A_380 : vector<1x16xf32> to vector<16xf32>
        %mul3A_382 = arith.constant 8 : i32
        %mul3A_383 = arith.muli %add3A_342, %mul3A_382 : i32
        %add3A_384 = arith.constant 4 : i32
        %add3A_385 = arith.addi %mul3A_383, %add3A_384 : i32
        %mul3A_386 = arith.constant 16 : i32
        %mul3A_387 = arith.muli %add3A_385, %mul3A_386 : i32
        %get3A_388 = arith.index_cast %add3A_332 : i32 to index
        %get3A_389 = arith.index_cast %mul3A_387 : i32 to index
        %get3A_390 = tpu.vector_load %arg8[%get3A_388, %get3A_389] {strides = array<i32>} : memref<8x1024xf32, #tpu.memory_space<vmem>>, vector<1x16xf32>,
        %get3A_391 = vector.shape_cast %get3A_390 : vector<1x16xf32> to vector<16xf32>
        %mul3A_392 = arith.constant 8 : i32
        %mul3A_393 = arith.muli %add3A_342, %mul3A_392 : i32
        %add3A_394 = arith.constant 5 : i32
        %add3A_395 = arith.addi %mul3A_393, %add3A_394 : i32
        %mul3A_396 = arith.constant 16 : i32
        %mul3A_397 = arith.muli %add3A_395, %mul3A_396 : i32
        %get3A_398 = arith.index_cast %add3A_332 : i32 to index
        %get3A_399 = arith.index_cast %mul3A_397 : i32 to index
        %get3A_400 = tpu.vector_load %arg8[%get3A_398, %get3A_399] {strides = array<i32>} : memref<8x1024xf32, #tpu.memory_space<vmem>>, vector<1x16xf32>,
        %get3A_401 = vector.shape_cast %get3A_400 : vector<1x16xf32> to vector<16xf32>
        %mul3A_402 = arith.constant 8 : i32
        %mul3A_403 = arith.muli %add3A_342, %mul3A_402 : i32
        %add3A_404 = arith.constant 6 : i32
        %add3A_405 = arith.addi %mul3A_403, %add3A_404 : i32
        %mul3A_406 = arith.constant 16 : i32
        %mul3A_407 = arith.muli %add3A_405, %mul3A_406 : i32
        %get3A_408 = arith.index_cast %add3A_332 : i32 to index
        %get3A_409 = arith.index_cast %mul3A_407 : i32 to index
        %get3A_410 = tpu.vector_load %arg8[%get3A_408, %get3A_409] {strides = array<i32>} : memref<8x1024xf32, #tpu.memory_space<vmem>>, vector<1x16xf32>,
        %get3A_411 = vector.shape_cast %get3A_410 : vector<1x16xf32> to vector<16xf32>
        %mul3A_412 = arith.constant 8 : i32
        %mul3A_413 = arith.muli %add3A_342, %mul3A_412 : i32
        %add3A_414 = arith.constant 7 : i32
        %add3A_415 = arith.addi %mul3A_413, %add3A_414 : i32
        %mul3A_416 = arith.constant 16 : i32
        %mul3A_417 = arith.muli %add3A_415, %mul3A_416 : i32
        %get3A_418 = arith.index_cast %add3A_332 : i32 to index
        %get3A_419 = arith.index_cast %mul3A_417 : i32 to index
        %get3A_420 = tpu.vector_load %arg8[%get3A_418, %get3A_419] {strides = array<i32>} : memref<8x1024xf32, #tpu.memory_space<vmem>>, vector<1x16xf32>,
        %get3A_421 = vector.shape_cast %get3A_420 : vector<1x16xf32> to vector<16xf32>
        %mul3A_422 = arith.constant 8 : i32
        %mul3A_423 = arith.muli %add3A_342, %mul3A_422 : i32
        %add3A_424 = arith.constant 0 : i32
        %add3A_425 = arith.addi %mul3A_423, %add3A_424 : i32
        %mul3A_426 = arith.constant 16 : i32
        %mul3A_427 = arith.muli %add3A_425, %mul3A_426 : i32
        %swap3A = arith.constant 0 : i32
        %swap3A_428 = arith.index_cast %add3A_332 : i32 to index
        %swap3A_429 = arith.index_cast %swap3A : i32 to index
        %swap3A_430 = arith.index_cast %mul3A_427 : i32 to index
        %swap3A_431 = tpu.vector_load %arg5[%swap3A_428, %swap3A_429, %swap3A_430] {strides = array<i32>} : memref<8x4x1024xf32, #tpu.memory_space<vmem>>, vector<1x1x16xf32>,
        %swap3A_432 = vector.shape_cast %swap3A_431 : vector<1x1x16xf32> to vector<16xf32>
        %swap3A_433 = vector.shape_cast %get3A_351 : vector<16xf32> to vector<1x1x16xf32>
        tpu.vector_store %arg5[%swap3A_428, %swap3A_429, %swap3A_430], %swap3A_433 {add = true, strides = array<i32>} : memref<8x4x1024xf32, #tpu.memory_space<vmem>>, vector<1x1x16xf32>,
        %mul3A_434 = arith.constant 8 : i32
        %mul3A_435 = arith.muli %add3A_342, %mul3A_434 : i32
        %add3A_436 = arith.constant 0 : i32
        %add3A_437 = arith.addi %mul3A_435, %add3A_436 : i32
        %mul3A_438 = arith.constant 16 : i32
        %mul3A_439 = arith.muli %add3A_437, %mul3A_438 : i32
        %swap3A_440 = arith.constant 1 : i32
        %swap3A_441 = arith.index_cast %add3A_332 : i32 to index
        %swap3A_442 = arith.index_cast %swap3A_440 : i32 to index
        %swap3A_443 = arith.index_cast %mul3A_439 : i32 to index
        %swap3A_444 = tpu.vector_load %arg5[%swap3A_441, %swap3A_442, %swap3A_443] {strides = array<i32>} : memref<8x4x1024xf32, #tpu.memory_space<vmem>>, vector<1x1x16xf32>,
        %swap3A_445 = vector.shape_cast %swap3A_444 : vector<1x1x16xf32> to vector<16xf32>
        %swap3A_446 = vector.shape_cast %get3A_351 : vector<16xf32> to vector<1x1x16xf32>
        tpu.vector_store %arg5[%swap3A_441, %swap3A_442, %swap3A_443], %swap3A_446 {add = true, strides = array<i32>} : memref<8x4x1024xf32, #tpu.memory_space<vmem>>, vector<1x1x16xf32>,
        %mul3A_447 = arith.constant 8 : i32
        %mul3A_448 = arith.muli %add3A_342, %mul3A_447 : i32
        %add3A_449 = arith.constant 0 : i32
        %add3A_450 = arith.addi %mul3A_448, %add3A_449 : i32
        %mul3A_451 = arith.constant 16 : i32
        %mul3A_452 = arith.muli %add3A_450, %mul3A_451 : i32
        %swap3A_453 = arith.constant 2 : i32
        %swap3A_454 = arith.index_cast %add3A_332 : i32 to index
        %swap3A_455 = arith.index_cast %swap3A_453 : i32 to index
        %swap3A_456 = arith.index_cast %mul3A_452 : i32 to index
        %swap3A_457 = tpu.vector_load %arg5[%swap3A_454, %swap3A_455, %swap3A_456] {strides = array<i32>} : memref<8x4x1024xf32, #tpu.memory_space<vmem>>, vector<1x1x16xf32>,
        %swap3A_458 = vector.shape_cast %swap3A_457 : vector<1x1x16xf32> to vector<16xf32>
        %swap3A_459 = vector.shape_cast %get3A_351 : vector<16xf32> to vector<1x1x16xf32>
        tpu.vector_store %arg5[%swap3A_454, %swap3A_455, %swap3A_456], %swap3A_459 {add = true, strides = array<i32>} : memref<8x4x1024xf32, #tpu.memory_space<vmem>>, vector<1x1x16xf32>,
        %mul3A_460 = arith.constant 8 : i32
        %mul3A_461 = arith.muli %add3A_342, %mul3A_460 : i32
        %add3A_462 = arith.constant 0 : i32
        %add3A_463 = arith.addi %mul3A_461, %add3A_462 : i32
        %mul3A_464 = arith.constant 16 : i32
        %mul3A_465 = arith.muli %add3A_463, %mul3A_464 : i32
        %swap3A_466 = arith.constant 3 : i32
        %swap3A_467 = arith.index_cast %add3A_332 : i32 to index
        %swap3A_468 = arith.index_cast %swap3A_466 : i32 to index
        %swap3A_469 = arith.index_cast %mul3A_465 : i32 to index
        %swap3A_470 = tpu.vector_load %arg5[%swap3A_467, %swap3A_468, %swap3A_469] {strides = array<i32>} : memref<8x4x1024xf32, #tpu.memory_space<vmem>>, vector<1x1x16xf32>,
        %swap3A_471 = vector.shape_cast %swap3A_470 : vector<1x1x16xf32> to vector<16xf32>
        %swap3A_472 = vector.shape_cast %get3A_351 : vector<16xf32> to vector<1x1x16xf32>
        tpu.vector_store %arg5[%swap3A_467, %swap3A_468, %swap3A_469], %swap3A_472 {add = true, strides = array<i32>} : memref<8x4x1024xf32, #tpu.memory_space<vmem>>, vector<1x1x16xf32>,
        %mul3A_473 = arith.constant 8 : i32
        %mul3A_474 = arith.muli %add3A_342, %mul3A_473 : i32
        %add3A_475 = arith.constant 1 : i32
        %add3A_476 = arith.addi %mul3A_474, %add3A_475 : i32
        %mul3A_477 = arith.constant 16 : i32
        %mul3A_478 = arith.muli %add3A_476, %mul3A_477 : i32
        %swap3A_479 = arith.constant 0 : i32
        %swap3A_480 = arith.index_cast %add3A_332 : i32 to index
        %swap3A_481 = arith.index_cast %swap3A_479 : i32 to index
        %swap3A_482 = arith.index_cast %mul3A_478 : i32 to index
        %swap3A_483 = tpu.vector_load %arg5[%swap3A_480, %swap3A_481, %swap3A_482] {strides = array<i32>} : memref<8x4x1024xf32, #tpu.memory_space<vmem>>, vector<1x1x16xf32>,
        %swap3A_484 = vector.shape_cast %swap3A_483 : vector<1x1x16xf32> to vector<16xf32>
        %swap3A_485 = vector.shape_cast %get3A_361 : vector<16xf32> to vector<1x1x16xf32>
        tpu.vector_store %arg5[%swap3A_480, %swap3A_481, %swap3A_482], %swap3A_485 {add = true, strides = array<i32>} : memref<8x4x1024xf32, #tpu.memory_space<vmem>>, vector<1x1x16xf32>,
        %mul3A_486 = arith.constant 8 : i32
        %mul3A_487 = arith.muli %add3A_342, %mul3A_486 : i32
        %add3A_488 = arith.constant 1 : i32
        %add3A_489 = arith.addi %mul3A_487, %add3A_488 : i32
        %mul3A_490 = arith.constant 16 : i32
        %mul3A_491 = arith.muli %add3A_489, %mul3A_490 : i32
        %swap3A_492 = arith.constant 1 : i32
        %swap3A_493 = arith.index_cast %add3A_332 : i32 to index
        %swap3A_494 = arith.index_cast %swap3A_492 : i32 to index
        %swap3A_495 = arith.index_cast %mul3A_491 : i32 to index
        %swap3A_496 = tpu.vector_load %arg5[%swap3A_493, %swap3A_494, %swap3A_495] {strides = array<i32>} : memref<8x4x1024xf32, #tpu.memory_space<vmem>>, vector<1x1x16xf32>,
        %swap3A_497 = vector.shape_cast %swap3A_496 : vector<1x1x16xf32> to vector<16xf32>
        %swap3A_498 = vector.shape_cast %get3A_361 : vector<16xf32> to vector<1x1x16xf32>
        tpu.vector_store %arg5[%swap3A_493, %swap3A_494, %swap3A_495], %swap3A_498 {add = true, strides = array<i32>} : memref<8x4x1024xf32, #tpu.memory_space<vmem>>, vector<1x1x16xf32>,
        %mul3A_499 = arith.constant 8 : i32
        %mul3A_500 = arith.muli %add3A_342, %mul3A_499 : i32
        %add3A_501 = arith.constant 1 : i32
        %add3A_502 = arith.addi %mul3A_500, %add3A_501 : i32
        %mul3A_503 = arith.constant 16 : i32
        %mul3A_504 = arith.muli %add3A_502, %mul3A_503 : i32
        %swap3A_505 = arith.constant 2 : i32
        %swap3A_506 = arith.index_cast %add3A_332 : i32 to index
        %swap3A_507 = arith.index_cast %swap3A_505 : i32 to index
        %swap3A_508 = arith.index_cast %mul3A_504 : i32 to index
        %swap3A_509 = tpu.vector_load %arg5[%swap3A_506, %swap3A_507, %swap3A_508] {strides = array<i32>} : memref<8x4x1024xf32, #tpu.memory_space<vmem>>, vector<1x1x16xf32>,
        %swap3A_510 = vector.shape_cast %swap3A_509 : vector<1x1x16xf32> to vector<16xf32>
        %swap3A_511 = vector.shape_cast %get3A_361 : vector<16xf32> to vector<1x1x16xf32>
        tpu.vector_store %arg5[%swap3A_506, %swap3A_507, %swap3A_508], %swap3A_511 {add = true, strides = array<i32>} : memref<8x4x1024xf32, #tpu.memory_space<vmem>>, vector<1x1x16xf32>,
        %mul3A_512 = arith.constant 8 : i32
        %mul3A_513 = arith.muli %add3A_342, %mul3A_512 : i32
        %add3A_514 = arith.constant 1 : i32
        %add3A_515 = arith.addi %mul3A_513, %add3A_514 : i32
        %mul3A_516 = arith.constant 16 : i32
        %mul3A_517 = arith.muli %add3A_515, %mul3A_516 : i32
        %swap3A_518 = arith.constant 3 : i32
        %swap3A_519 = arith.index_cast %add3A_332 : i32 to index
        %swap3A_520 = arith.index_cast %swap3A_518 : i32 to index
        %swap3A_521 = arith.index_cast %mul3A_517 : i32 to index
        %swap3A_522 = tpu.vector_load %arg5[%swap3A_519, %swap3A_520, %swap3A_521] {strides = array<i32>} : memref<8x4x1024xf32, #tpu.memory_space<vmem>>, vector<1x1x16xf32>,
        %swap3A_523 = vector.shape_cast %swap3A_522 : vector<1x1x16xf32> to vector<16xf32>
        %swap3A_524 = vector.shape_cast %get3A_361 : vector<16xf32> to vector<1x1x16xf32>
        tpu.vector_store %arg5[%swap3A_519, %swap3A_520, %swap3A_521], %swap3A_524 {add = true, strides = array<i32>} : memref<8x4x1024xf32, #tpu.memory_space<vmem>>, vector<1x1x16xf32>,
        %mul3A_525 = arith.constant 8 : i32
        %mul3A_526 = arith.muli %add3A_342, %mul3A_525 : i32
        %add3A_527 = arith.constant 2 : i32
        %add3A_528 = arith.addi %mul3A_526, %add3A_527 : i32
        %mul3A_529 = arith.constant 16 : i32
        %mul3A_530 = arith.muli %add3A_528, %mul3A_529 : i32
        %swap3A_531 = arith.constant 0 : i32
        %swap3A_532 = arith.index_cast %add3A_332 : i32 to index
        %swap3A_533 = arith.index_cast %swap3A_531 : i32 to index
        %swap3A_534 = arith.index_cast %mul3A_530 : i32 to index
        %swap3A_535 = tpu.vector_load %arg5[%swap3A_532, %swap3A_533, %swap3A_534] {strides = array<i32>} : memref<8x4x1024xf32, #tpu.memory_space<vmem>>, vector<1x1x16xf32>,
        %swap3A_536 = vector.shape_cast %swap3A_535 : vector<1x1x16xf32> to vector<16xf32>
        %swap3A_537 = vector.shape_cast %get3A_371 : vector<16xf32> to vector<1x1x16xf32>
        tpu.vector_store %arg5[%swap3A_532, %swap3A_533, %swap3A_534], %swap3A_537 {add = true, strides = array<i32>} : memref<8x4x1024xf32, #tpu.memory_space<vmem>>, vector<1x1x16xf32>,
        %mul3A_538 = arith.constant 8 : i32
        %mul3A_539 = arith.muli %add3A_342, %mul3A_538 : i32
        %add3A_540 = arith.constant 2 : i32
        %add3A_541 = arith.addi %mul3A_539, %add3A_540 : i32
        %mul3A_542 = arith.constant 16 : i32
        %mul3A_543 = arith.muli %add3A_541, %mul3A_542 : i32
        %swap3A_544 = arith.constant 1 : i32
        %swap3A_545 = arith.index_cast %add3A_332 : i32 to index
        %swap3A_546 = arith.index_cast %swap3A_544 : i32 to index
        %swap3A_547 = arith.index_cast %mul3A_543 : i32 to index
        %swap3A_548 = tpu.vector_load %arg5[%swap3A_545, %swap3A_546, %swap3A_547] {strides = array<i32>} : memref<8x4x1024xf32, #tpu.memory_space<vmem>>, vector<1x1x16xf32>,
        %swap3A_549 = vector.shape_cast %swap3A_548 : vector<1x1x16xf32> to vector<16xf32>
        %swap3A_550 = vector.shape_cast %get3A_371 : vector<16xf32> to vector<1x1x16xf32>
        tpu.vector_store %arg5[%swap3A_545, %swap3A_546, %swap3A_547], %swap3A_550 {add = true, strides = array<i32>} : memref<8x4x1024xf32, #tpu.memory_space<vmem>>, vector<1x1x16xf32>,
        %mul3A_551 = arith.constant 8 : i32
        %mul3A_552 = arith.muli %add3A_342, %mul3A_551 : i32
        %add3A_553 = arith.constant 2 : i32
        %add3A_554 = arith.addi %mul3A_552, %add3A_553 : i32
        %mul3A_555 = arith.constant 16 : i32
        %mul3A_556 = arith.muli %add3A_554, %mul3A_555 : i32
        %swap3A_557 = arith.constant 2 : i32
        %swap3A_558 = arith.index_cast %add3A_332 : i32 to index
        %swap3A_559 = arith.index_cast %swap3A_557 : i32 to index
        %swap3A_560 = arith.index_cast %mul3A_556 : i32 to index
        %swap3A_561 = tpu.vector_load %arg5[%swap3A_558, %swap3A_559, %swap3A_560] {strides = array<i32>} : memref<8x4x1024xf32, #tpu.memory_space<vmem>>, vector<1x1x16xf32>,
        %swap3A_562 = vector.shape_cast %swap3A_561 : vector<1x1x16xf32> to vector<16xf32>
        %swap3A_563 = vector.shape_cast %get3A_371 : vector<16xf32> to vector<1x1x16xf32>
        tpu.vector_store %arg5[%swap3A_558, %swap3A_559, %swap3A_560], %swap3A_563 {add = true, strides = array<i32>} : memref<8x4x1024xf32, #tpu.memory_space<vmem>>, vector<1x1x16xf32>,
        %mul3A_564 = arith.constant 8 : i32
        %mul3A_565 = arith.muli %add3A_342, %mul3A_564 : i32
        %add3A_566 = arith.constant 2 : i32
        %add3A_567 = arith.addi %mul3A_565, %add3A_566 : i32
        %mul3A_568 = arith.constant 16 : i32
        %mul3A_569 = arith.muli %add3A_567, %mul3A_568 : i32
        %swap3A_570 = arith.constant 3 : i32
        %swap3A_571 = arith.index_cast %add3A_332 : i32 to index
        %swap3A_572 = arith.index_cast %swap3A_570 : i32 to index
        %swap3A_573 = arith.index_cast %mul3A_569 : i32 to index
        %swap3A_574 = tpu.vector_load %arg5[%swap3A_571, %swap3A_572, %swap3A_573] {strides = array<i32>} : memref<8x4x1024xf32, #tpu.memory_space<vmem>>, vector<1x1x16xf32>,
        %swap3A_575 = vector.shape_cast %swap3A_574 : vector<1x1x16xf32> to vector<16xf32>
        %swap3A_576 = vector.shape_cast %get3A_371 : vector<16xf32> to vector<1x1x16xf32>
        tpu.vector_store %arg5[%swap3A_571, %swap3A_572, %swap3A_573], %swap3A_576 {add = true, strides = array<i32>} : memref<8x4x1024xf32, #tpu.memory_space<vmem>>, vector<1x1x16xf32>,
        %mul3A_577 = arith.constant 8 : i32
        %mul3A_578 = arith.muli %add3A_342, %mul3A_577 : i32
        %add3A_579 = arith.constant 3 : i32
        %add3A_580 = arith.addi %mul3A_578, %add3A_579 : i32
        %mul3A_581 = arith.constant 16 : i32
        %mul3A_582 = arith.muli %add3A_580, %mul3A_581 : i32
        %swap3A_583 = arith.constant 0 : i32
        %swap3A_584 = arith.index_cast %add3A_332 : i32 to index
        %swap3A_585 = arith.index_cast %swap3A_583 : i32 to index
        %swap3A_586 = arith.index_cast %mul3A_582 : i32 to index
        %swap3A_587 = tpu.vector_load %arg5[%swap3A_584, %swap3A_585, %swap3A_586] {strides = array<i32>} : memref<8x4x1024xf32, #tpu.memory_space<vmem>>, vector<1x1x16xf32>,
        %swap3A_588 = vector.shape_cast %swap3A_587 : vector<1x1x16xf32> to vector<16xf32>
        %swap3A_589 = vector.shape_cast %get3A_381 : vector<16xf32> to vector<1x1x16xf32>
        tpu.vector_store %arg5[%swap3A_584, %swap3A_585, %swap3A_586], %swap3A_589 {add = true, strides = array<i32>} : memref<8x4x1024xf32, #tpu.memory_space<vmem>>, vector<1x1x16xf32>,
        %mul3A_590 = arith.constant 8 : i32
        %mul3A_591 = arith.muli %add3A_342, %mul3A_590 : i32
        %add3A_592 = arith.constant 3 : i32
        %add3A_593 = arith.addi %mul3A_591, %add3A_592 : i32
        %mul3A_594 = arith.constant 16 : i32
        %mul3A_595 = arith.muli %add3A_593, %mul3A_594 : i32
        %swap3A_596 = arith.constant 1 : i32
        %swap3A_597 = arith.index_cast %add3A_332 : i32 to index
        %swap3A_598 = arith.index_cast %swap3A_596 : i32 to index
        %swap3A_599 = arith.index_cast %mul3A_595 : i32 to index
        %swap3A_600 = tpu.vector_load %arg5[%swap3A_597, %swap3A_598, %swap3A_599] {strides = array<i32>} : memref<8x4x1024xf32, #tpu.memory_space<vmem>>, vector<1x1x16xf32>,
        %swap3A_601 = vector.shape_cast %swap3A_600 : vector<1x1x16xf32> to vector<16xf32>
        %swap3A_602 = vector.shape_cast %get3A_381 : vector<16xf32> to vector<1x1x16xf32>
        tpu.vector_store %arg5[%swap3A_597, %swap3A_598, %swap3A_599], %swap3A_602 {add = true, strides = array<i32>} : memref<8x4x1024xf32, #tpu.memory_space<vmem>>, vector<1x1x16xf32>,
        %mul3A_603 = arith.constant 8 : i32
        %mul3A_604 = arith.muli %add3A_342, %mul3A_603 : i32
        %add3A_605 = arith.constant 3 : i32
        %add3A_606 = arith.addi %mul3A_604, %add3A_605 : i32
        %mul3A_607 = arith.constant 16 : i32
        %mul3A_608 = arith.muli %add3A_606, %mul3A_607 : i32
        %swap3A_609 = arith.constant 2 : i32
        %swap3A_610 = arith.index_cast %add3A_332 : i32 to index
        %swap3A_611 = arith.index_cast %swap3A_609 : i32 to index
        %swap3A_612 = arith.index_cast %mul3A_608 : i32 to index
        %swap3A_613 = tpu.vector_load %arg5[%swap3A_610, %swap3A_611, %swap3A_612] {strides = array<i32>} : memref<8x4x1024xf32, #tpu.memory_space<vmem>>, vector<1x1x16xf32>,
        %swap3A_614 = vector.shape_cast %swap3A_613 : vector<1x1x16xf32> to vector<16xf32>
        %swap3A_615 = vector.shape_cast %get3A_381 : vector<16xf32> to vector<1x1x16xf32>
        tpu.vector_store %arg5[%swap3A_610, %swap3A_611, %swap3A_612], %swap3A_615 {add = true, strides = array<i32>} : memref<8x4x1024xf32, #tpu.memory_space<vmem>>, vector<1x1x16xf32>,
        %mul3A_616 = arith.constant 8 : i32
        %mul3A_617 = arith.muli %add3A_342, %mul3A_616 : i32
        %add3A_618 = arith.constant 3 : i32
        %add3A_619 = arith.addi %mul3A_617, %add3A_618 : i32
        %mul3A_620 = arith.constant 16 : i32
        %mul3A_621 = arith.muli %add3A_619, %mul3A_620 : i32
        %swap3A_622 = arith.constant 3 : i32
        %swap3A_623 = arith.index_cast %add3A_332 : i32 to index
        %swap3A_624 = arith.index_cast %swap3A_622 : i32 to index
        %swap3A_625 = arith.index_cast %mul3A_621 : i32 to index
        %swap3A_626 = tpu.vector_load %arg5[%swap3A_623, %swap3A_624, %swap3A_625] {strides = array<i32>} : memref<8x4x1024xf32, #tpu.memory_space<vmem>>, vector<1x1x16xf32>,
        %swap3A_627 = vector.shape_cast %swap3A_626 : vector<1x1x16xf32> to vector<16xf32>
        %swap3A_628 = vector.shape_cast %get3A_381 : vector<16xf32> to vector<1x1x16xf32>
        tpu.vector_store %arg5[%swap3A_623, %swap3A_624, %swap3A_625], %swap3A_628 {add = true, strides = array<i32>} : memref<8x4x1024xf32, #tpu.memory_space<vmem>>, vector<1x1x16xf32>,
        %mul3A_629 = arith.constant 8 : i32
        %mul3A_630 = arith.muli %add3A_342, %mul3A_629 : i32
        %add3A_631 = arith.constant 4 : i32
        %add3A_632 = arith.addi %mul3A_630, %add3A_631 : i32
        %mul3A_633 = arith.constant 16 : i32
        %mul3A_634 = arith.muli %add3A_632, %mul3A_633 : i32
        %swap3A_635 = arith.constant 0 : i32
        %swap3A_636 = arith.index_cast %add3A_332 : i32 to index
        %swap3A_637 = arith.index_cast %swap3A_635 : i32 to index
        %swap3A_638 = arith.index_cast %mul3A_634 : i32 to index
        %swap3A_639 = tpu.vector_load %arg5[%swap3A_636, %swap3A_637, %swap3A_638] {strides = array<i32>} : memref<8x4x1024xf32, #tpu.memory_space<vmem>>, vector<1x1x16xf32>,
        %swap3A_640 = vector.shape_cast %swap3A_639 : vector<1x1x16xf32> to vector<16xf32>
        %swap3A_641 = vector.shape_cast %get3A_391 : vector<16xf32> to vector<1x1x16xf32>
        tpu.vector_store %arg5[%swap3A_636, %swap3A_637, %swap3A_638], %swap3A_641 {add = true, strides = array<i32>} : memref<8x4x1024xf32, #tpu.memory_space<vmem>>, vector<1x1x16xf32>,
        %mul3A_642 = arith.constant 8 : i32
        %mul3A_643 = arith.muli %add3A_342, %mul3A_642 : i32
        %add3A_644 = arith.constant 4 : i32
        %add3A_645 = arith.addi %mul3A_643, %add3A_644 : i32
        %mul3A_646 = arith.constant 16 : i32
        %mul3A_647 = arith.muli %add3A_645, %mul3A_646 : i32
        %swap3A_648 = arith.constant 1 : i32
        %swap3A_649 = arith.index_cast %add3A_332 : i32 to index
        %swap3A_650 = arith.index_cast %swap3A_648 : i32 to index
        %swap3A_651 = arith.index_cast %mul3A_647 : i32 to index
        %swap3A_652 = tpu.vector_load %arg5[%swap3A_649, %swap3A_650, %swap3A_651] {strides = array<i32>} : memref<8x4x1024xf32, #tpu.memory_space<vmem>>, vector<1x1x16xf32>,
        %swap3A_653 = vector.shape_cast %swap3A_652 : vector<1x1x16xf32> to vector<16xf32>
        %swap3A_654 = vector.shape_cast %get3A_391 : vector<16xf32> to vector<1x1x16xf32>
        tpu.vector_store %arg5[%swap3A_649, %swap3A_650, %swap3A_651], %swap3A_654 {add = true, strides = array<i32>} : memref<8x4x1024xf32, #tpu.memory_space<vmem>>, vector<1x1x16xf32>,
        %mul3A_655 = arith.constant 8 : i32
        %mul3A_656 = arith.muli %add3A_342, %mul3A_655 : i32
        %add3A_657 = arith.constant 4 : i32
        %add3A_658 = arith.addi %mul3A_656, %add3A_657 : i32
        %mul3A_659 = arith.constant 16 : i32
        %mul3A_660 = arith.muli %add3A_658, %mul3A_659 : i32
        %swap3A_661 = arith.constant 2 : i32
        %swap3A_662 = arith.index_cast %add3A_332 : i32 to index
        %swap3A_663 = arith.index_cast %swap3A_661 : i32 to index
        %swap3A_664 = arith.index_cast %mul3A_660 : i32 to index
        %swap3A_665 = tpu.vector_load %arg5[%swap3A_662, %swap3A_663, %swap3A_664] {strides = array<i32>} : memref<8x4x1024xf32, #tpu.memory_space<vmem>>, vector<1x1x16xf32>,
        %swap3A_666 = vector.shape_cast %swap3A_665 : vector<1x1x16xf32> to vector<16xf32>
        %swap3A_667 = vector.shape_cast %get3A_391 : vector<16xf32> to vector<1x1x16xf32>
        tpu.vector_store %arg5[%swap3A_662, %swap3A_663, %swap3A_664], %swap3A_667 {add = true, strides = array<i32>} : memref<8x4x1024xf32, #tpu.memory_space<vmem>>, vector<1x1x16xf32>,
        %mul3A_668 = arith.constant 8 : i32
        %mul3A_669 = arith.muli %add3A_342, %mul3A_668 : i32
        %add3A_670 = arith.constant 4 : i32
        %add3A_671 = arith.addi %mul3A_669, %add3A_670 : i32
        %mul3A_672 = arith.constant 16 : i32
        %mul3A_673 = arith.muli %add3A_671, %mul3A_672 : i32
        %swap3A_674 = arith.constant 3 : i32
        %swap3A_675 = arith.index_cast %add3A_332 : i32 to index
        %swap3A_676 = arith.index_cast %swap3A_674 : i32 to index
        %swap3A_677 = arith.index_cast %mul3A_673 : i32 to index
        %swap3A_678 = tpu.vector_load %arg5[%swap3A_675, %swap3A_676, %swap3A_677] {strides = array<i32>} : memref<8x4x1024xf32, #tpu.memory_space<vmem>>, vector<1x1x16xf32>,
        %swap3A_679 = vector.shape_cast %swap3A_678 : vector<1x1x16xf32> to vector<16xf32>
        %swap3A_680 = vector.shape_cast %get3A_391 : vector<16xf32> to vector<1x1x16xf32>
        tpu.vector_store %arg5[%swap3A_675, %swap3A_676, %swap3A_677], %swap3A_680 {add = true, strides = array<i32>} : memref<8x4x1024xf32, #tpu.memory_space<vmem>>, vector<1x1x16xf32>,
        %mul3A_681 = arith.constant 8 : i32
        %mul3A_682 = arith.muli %add3A_342, %mul3A_681 : i32
        %add3A_683 = arith.constant 5 : i32
        %add3A_684 = arith.addi %mul3A_682, %add3A_683 : i32
        %mul3A_685 = arith.constant 16 : i32
        %mul3A_686 = arith.muli %add3A_684, %mul3A_685 : i32
        %swap3A_687 = arith.constant 0 : i32
        %swap3A_688 = arith.index_cast %add3A_332 : i32 to index
        %swap3A_689 = arith.index_cast %swap3A_687 : i32 to index
        %swap3A_690 = arith.index_cast %mul3A_686 : i32 to index
        %swap3A_691 = tpu.vector_load %arg5[%swap3A_688, %swap3A_689, %swap3A_690] {strides = array<i32>} : memref<8x4x1024xf32, #tpu.memory_space<vmem>>, vector<1x1x16xf32>,
        %swap3A_692 = vector.shape_cast %swap3A_691 : vector<1x1x16xf32> to vector<16xf32>
        %swap3A_693 = vector.shape_cast %get3A_401 : vector<16xf32> to vector<1x1x16xf32>
        tpu.vector_store %arg5[%swap3A_688, %swap3A_689, %swap3A_690], %swap3A_693 {add = true, strides = array<i32>} : memref<8x4x1024xf32, #tpu.memory_space<vmem>>, vector<1x1x16xf32>,
        %mul3A_694 = arith.constant 8 : i32
        %mul3A_695 = arith.muli %add3A_342, %mul3A_694 : i32
        %add3A_696 = arith.constant 5 : i32
        %add3A_697 = arith.addi %mul3A_695, %add3A_696 : i32
        %mul3A_698 = arith.constant 16 : i32
        %mul3A_699 = arith.muli %add3A_697, %mul3A_698 : i32
        %swap3A_700 = arith.constant 1 : i32
        %swap3A_701 = arith.index_cast %add3A_332 : i32 to index
        %swap3A_702 = arith.index_cast %swap3A_700 : i32 to index
        %swap3A_703 = arith.index_cast %mul3A_699 : i32 to index
        %swap3A_704 = tpu.vector_load %arg5[%swap3A_701, %swap3A_702, %swap3A_703] {strides = array<i32>} : memref<8x4x1024xf32, #tpu.memory_space<vmem>>, vector<1x1x16xf32>,
        %swap3A_705 = vector.shape_cast %swap3A_704 : vector<1x1x16xf32> to vector<16xf32>
        %swap3A_706 = vector.shape_cast %get3A_401 : vector<16xf32> to vector<1x1x16xf32>
        tpu.vector_store %arg5[%swap3A_701, %swap3A_702, %swap3A_703], %swap3A_706 {add = true, strides = array<i32>} : memref<8x4x1024xf32, #tpu.memory_space<vmem>>, vector<1x1x16xf32>,
        %mul3A_707 = arith.constant 8 : i32
        %mul3A_708 = arith.muli %add3A_342, %mul3A_707 : i32
        %add3A_709 = arith.constant 5 : i32
        %add3A_710 = arith.addi %mul3A_708, %add3A_709 : i32
        %mul3A_711 = arith.constant 16 : i32
        %mul3A_712 = arith.muli %add3A_710, %mul3A_711 : i32
        %swap3A_713 = arith.constant 2 : i32
        %swap3A_714 = arith.index_cast %add3A_332 : i32 to index
        %swap3A_715 = arith.index_cast %swap3A_713 : i32 to index
        %swap3A_716 = arith.index_cast %mul3A_712 : i32 to index
        %swap3A_717 = tpu.vector_load %arg5[%swap3A_714, %swap3A_715, %swap3A_716] {strides = array<i32>} : memref<8x4x1024xf32, #tpu.memory_space<vmem>>, vector<1x1x16xf32>,
        %swap3A_718 = vector.shape_cast %swap3A_717 : vector<1x1x16xf32> to vector<16xf32>
        %swap3A_719 = vector.shape_cast %get3A_401 : vector<16xf32> to vector<1x1x16xf32>
        tpu.vector_store %arg5[%swap3A_714, %swap3A_715, %swap3A_716], %swap3A_719 {add = true, strides = array<i32>} : memref<8x4x1024xf32, #tpu.memory_space<vmem>>, vector<1x1x16xf32>,
        %mul3A_720 = arith.constant 8 : i32
        %mul3A_721 = arith.muli %add3A_342, %mul3A_720 : i32
        %add3A_722 = arith.constant 5 : i32
        %add3A_723 = arith.addi %mul3A_721, %add3A_722 : i32
        %mul3A_724 = arith.constant 16 : i32
        %mul3A_725 = arith.muli %add3A_723, %mul3A_724 : i32
        %swap3A_726 = arith.constant 3 : i32
        %swap3A_727 = arith.index_cast %add3A_332 : i32 to index
        %swap3A_728 = arith.index_cast %swap3A_726 : i32 to index
        %swap3A_729 = arith.index_cast %mul3A_725 : i32 to index
        %swap3A_730 = tpu.vector_load %arg5[%swap3A_727, %swap3A_728, %swap3A_729] {strides = array<i32>} : memref<8x4x1024xf32, #tpu.memory_space<vmem>>, vector<1x1x16xf32>,
        %swap3A_731 = vector.shape_cast %swap3A_730 : vector<1x1x16xf32> to vector<16xf32>
        %swap3A_732 = vector.shape_cast %get3A_401 : vector<16xf32> to vector<1x1x16xf32>
        tpu.vector_store %arg5[%swap3A_727, %swap3A_728, %swap3A_729], %swap3A_732 {add = true, strides = array<i32>} : memref<8x4x1024xf32, #tpu.memory_space<vmem>>, vector<1x1x16xf32>,
        %mul3A_733 = arith.constant 8 : i32
        %mul3A_734 = arith.muli %add3A_342, %mul3A_733 : i32
        %add3A_735 = arith.constant 6 : i32
        %add3A_736 = arith.addi %mul3A_734, %add3A_735 : i32
        %mul3A_737 = arith.constant 16 : i32
        %mul3A_738 = arith.muli %add3A_736, %mul3A_737 : i32
        %swap3A_739 = arith.constant 0 : i32
        %swap3A_740 = arith.index_cast %add3A_332 : i32 to index
        %swap3A_741 = arith.index_cast %swap3A_739 : i32 to index
        %swap3A_742 = arith.index_cast %mul3A_738 : i32 to index
        %swap3A_743 = tpu.vector_load %arg5[%swap3A_740, %swap3A_741, %swap3A_742] {strides = array<i32>} : memref<8x4x1024xf32, #tpu.memory_space<vmem>>, vector<1x1x16xf32>,
        %swap3A_744 = vector.shape_cast %swap3A_743 : vector<1x1x16xf32> to vector<16xf32>
        %swap3A_745 = vector.shape_cast %get3A_411 : vector<16xf32> to vector<1x1x16xf32>
        tpu.vector_store %arg5[%swap3A_740, %swap3A_741, %swap3A_742], %swap3A_745 {add = true, strides = array<i32>} : memref<8x4x1024xf32, #tpu.memory_space<vmem>>, vector<1x1x16xf32>,
        %mul3A_746 = arith.constant 8 : i32
        %mul3A_747 = arith.muli %add3A_342, %mul3A_746 : i32
        %add3A_748 = arith.constant 6 : i32
        %add3A_749 = arith.addi %mul3A_747, %add3A_748 : i32
        %mul3A_750 = arith.constant 16 : i32
        %mul3A_751 = arith.muli %add3A_749, %mul3A_750 : i32
        %swap3A_752 = arith.constant 1 : i32
        %swap3A_753 = arith.index_cast %add3A_332 : i32 to index
        %swap3A_754 = arith.index_cast %swap3A_752 : i32 to index
        %swap3A_755 = arith.index_cast %mul3A_751 : i32 to index
        %swap3A_756 = tpu.vector_load %arg5[%swap3A_753, %swap3A_754, %swap3A_755] {strides = array<i32>} : memref<8x4x1024xf32, #tpu.memory_space<vmem>>, vector<1x1x16xf32>,
        %swap3A_757 = vector.shape_cast %swap3A_756 : vector<1x1x16xf32> to vector<16xf32>
        %swap3A_758 = vector.shape_cast %get3A_411 : vector<16xf32> to vector<1x1x16xf32>
        tpu.vector_store %arg5[%swap3A_753, %swap3A_754, %swap3A_755], %swap3A_758 {add = true, strides = array<i32>} : memref<8x4x1024xf32, #tpu.memory_space<vmem>>, vector<1x1x16xf32>,
        %mul3A_759 = arith.constant 8 : i32
        %mul3A_760 = arith.muli %add3A_342, %mul3A_759 : i32
        %add3A_761 = arith.constant 6 : i32
        %add3A_762 = arith.addi %mul3A_760, %add3A_761 : i32
        %mul3A_763 = arith.constant 16 : i32
        %mul3A_764 = arith.muli %add3A_762, %mul3A_763 : i32
        %swap3A_765 = arith.constant 2 : i32
        %swap3A_766 = arith.index_cast %add3A_332 : i32 to index
        %swap3A_767 = arith.index_cast %swap3A_765 : i32 to index
        %swap3A_768 = arith.index_cast %mul3A_764 : i32 to index
        %swap3A_769 = tpu.vector_load %arg5[%swap3A_766, %swap3A_767, %swap3A_768] {strides = array<i32>} : memref<8x4x1024xf32, #tpu.memory_space<vmem>>, vector<1x1x16xf32>,
        %swap3A_770 = vector.shape_cast %swap3A_769 : vector<1x1x16xf32> to vector<16xf32>
        %swap3A_771 = vector.shape_cast %get3A_411 : vector<16xf32> to vector<1x1x16xf32>
        tpu.vector_store %arg5[%swap3A_766, %swap3A_767, %swap3A_768], %swap3A_771 {add = true, strides = array<i32>} : memref<8x4x1024xf32, #tpu.memory_space<vmem>>, vector<1x1x16xf32>,
        %mul3A_772 = arith.constant 8 : i32
        %mul3A_773 = arith.muli %add3A_342, %mul3A_772 : i32
        %add3A_774 = arith.constant 6 : i32
        %add3A_775 = arith.addi %mul3A_773, %add3A_774 : i32
        %mul3A_776 = arith.constant 16 : i32
        %mul3A_777 = arith.muli %add3A_775, %mul3A_776 : i32
        %swap3A_778 = arith.constant 3 : i32
        %swap3A_779 = arith.index_cast %add3A_332 : i32 to index
        %swap3A_780 = arith.index_cast %swap3A_778 : i32 to index
        %swap3A_781 = arith.index_cast %mul3A_777 : i32 to index
        %swap3A_782 = tpu.vector_load %arg5[%swap3A_779, %swap3A_780, %swap3A_781] {strides = array<i32>} : memref<8x4x1024xf32, #tpu.memory_space<vmem>>, vector<1x1x16xf32>,
        %swap3A_783 = vector.shape_cast %swap3A_782 : vector<1x1x16xf32> to vector<16xf32>
        %swap3A_784 = vector.shape_cast %get3A_411 : vector<16xf32> to vector<1x1x16xf32>
        tpu.vector_store %arg5[%swap3A_779, %swap3A_780, %swap3A_781], %swap3A_784 {add = true, strides = array<i32>} : memref<8x4x1024xf32, #tpu.memory_space<vmem>>, vector<1x1x16xf32>,
        %mul3A_785 = arith.constant 8 : i32
        %mul3A_786 = arith.muli %add3A_342, %mul3A_785 : i32
        %add3A_787 = arith.constant 7 : i32
        %add3A_788 = arith.addi %mul3A_786, %add3A_787 : i32
        %mul3A_789 = arith.constant 16 : i32
        %mul3A_790 = arith.muli %add3A_788, %mul3A_789 : i32
        %swap3A_791 = arith.constant 0 : i32
        %swap3A_792 = arith.index_cast %add3A_332 : i32 to index
        %swap3A_793 = arith.index_cast %swap3A_791 : i32 to index
        %swap3A_794 = arith.index_cast %mul3A_790 : i32 to index
        %swap3A_795 = tpu.vector_load %arg5[%swap3A_792, %swap3A_793, %swap3A_794] {strides = array<i32>} : memref<8x4x1024xf32, #tpu.memory_space<vmem>>, vector<1x1x16xf32>,
        %swap3A_796 = vector.shape_cast %swap3A_795 : vector<1x1x16xf32> to vector<16xf32>
        %swap3A_797 = vector.shape_cast %get3A_421 : vector<16xf32> to vector<1x1x16xf32>
        tpu.vector_store %arg5[%swap3A_792, %swap3A_793, %swap3A_794], %swap3A_797 {add = true, strides = array<i32>} : memref<8x4x1024xf32, #tpu.memory_space<vmem>>, vector<1x1x16xf32>,
        %mul3A_798 = arith.constant 8 : i32
        %mul3A_799 = arith.muli %add3A_342, %mul3A_798 : i32
        %add3A_800 = arith.constant 7 : i32
        %add3A_801 = arith.addi %mul3A_799, %add3A_800 : i32
        %mul3A_802 = arith.constant 16 : i32
        %mul3A_803 = arith.muli %add3A_801, %mul3A_802 : i32
        %swap3A_804 = arith.constant 1 : i32
        %swap3A_805 = arith.index_cast %add3A_332 : i32 to index
        %swap3A_806 = arith.index_cast %swap3A_804 : i32 to index
        %swap3A_807 = arith.index_cast %mul3A_803 : i32 to index
        %swap3A_808 = tpu.vector_load %arg5[%swap3A_805, %swap3A_806, %swap3A_807] {strides = array<i32>} : memref<8x4x1024xf32, #tpu.memory_space<vmem>>, vector<1x1x16xf32>,
        %swap3A_809 = vector.shape_cast %swap3A_808 : vector<1x1x16xf32> to vector<16xf32>
        %swap3A_810 = vector.shape_cast %get3A_421 : vector<16xf32> to vector<1x1x16xf32>
        tpu.vector_store %arg5[%swap3A_805, %swap3A_806, %swap3A_807], %swap3A_810 {add = true, strides = array<i32>} : memref<8x4x1024xf32, #tpu.memory_space<vmem>>, vector<1x1x16xf32>,
        %mul3A_811 = arith.constant 8 : i32
        %mul3A_812 = arith.muli %add3A_342, %mul3A_811 : i32
        %add3A_813 = arith.constant 7 : i32
        %add3A_814 = arith.addi %mul3A_812, %add3A_813 : i32
        %mul3A_815 = arith.constant 16 : i32
        %mul3A_816 = arith.muli %add3A_814, %mul3A_815 : i32
        %swap3A_817 = arith.constant 2 : i32
        %swap3A_818 = arith.index_cast %add3A_332 : i32 to index
        %swap3A_819 = arith.index_cast %swap3A_817 : i32 to index
        %swap3A_820 = arith.index_cast %mul3A_816 : i32 to index
        %swap3A_821 = tpu.vector_load %arg5[%swap3A_818, %swap3A_819, %swap3A_820] {strides = array<i32>} : memref<8x4x1024xf32, #tpu.memory_space<vmem>>, vector<1x1x16xf32>,
        %swap3A_822 = vector.shape_cast %swap3A_821 : vector<1x1x16xf32> to vector<16xf32>
        %swap3A_823 = vector.shape_cast %get3A_421 : vector<16xf32> to vector<1x1x16xf32>
        tpu.vector_store %arg5[%swap3A_818, %swap3A_819, %swap3A_820], %swap3A_823 {add = true, strides = array<i32>} : memref<8x4x1024xf32, #tpu.memory_space<vmem>>, vector<1x1x16xf32>,
        %mul3A_824 = arith.constant 8 : i32
        %mul3A_825 = arith.muli %add3A_342, %mul3A_824 : i32
        %add3A_826 = arith.constant 7 : i32
        %add3A_827 = arith.addi %mul3A_825, %add3A_826 : i32
        %mul3A_828 = arith.constant 16 : i32
        %mul3A_829 = arith.muli %add3A_827, %mul3A_828 : i32
        %swap3A_830 = arith.constant 3 : i32
        %swap3A_831 = arith.index_cast %add3A_332 : i32 to index
        %swap3A_832 = arith.index_cast %swap3A_830 : i32 to index
        %swap3A_833 = arith.index_cast %mul3A_829 : i32 to index
        %swap3A_834 = tpu.vector_load %arg5[%swap3A_831, %swap3A_832, %swap3A_833] {strides = array<i32>} : memref<8x4x1024xf32, #tpu.memory_space<vmem>>, vector<1x1x16xf32>,
        %swap3A_835 = vector.shape_cast %swap3A_834 : vector<1x1x16xf32> to vector<16xf32>
        %swap3A_836 = vector.shape_cast %get3A_421 : vector<16xf32> to vector<1x1x16xf32>
        tpu.vector_store %arg5[%swap3A_831, %swap3A_832, %swap3A_833], %swap3A_836 {add = true, strides = array<i32>} : memref<8x4x1024xf32, #tpu.memory_space<vmem>>, vector<1x1x16xf32>,
      }
      %scan3A_337 = arith.constant 8 : i32
    }
    %scan3A_155 = arith.constant 8 : i32
    %add3A_156 = arith.constant 24 : i32
    %add3A_157 = arith.addi %mul3A_2, %add3A_156 : i32
    %dma_start3A_158 = arith.constant 0 : i32
    %dma_start3A_159 = arith.constant 0 : i32
    %dma_start3A_160 = tpu.memref_slice %arg4[%add3A_157, %dma_start3A_158, %dma_start3A_159] : memref<2048x4x1024xf32, #tpu.memory_space<hbm>> -> memref<8x4x1024xf32, #tpu.memory_space<hbm>>
    %dma_start3A_161 = arith.constant 0 : i32
    %dma_start3A_162 = arith.constant 0 : i32
    %dma_start3A_163 = tpu.memref_slice %arg4[%add3A_157, %dma_start3A_161, %dma_start3A_162] : memref<2048x4x1024xf32, #tpu.memory_space<hbm>> -> memref<8x4x1024xf32, #tpu.memory_space<hbm>>
    tpu.enqueue_dma source(%arg5 : memref<8x4x1024xf32, #tpu.memory_space<vmem>>) target(%dma_start3A_163 : memref<8x4x1024xf32, #tpu.memory_space<hbm>>) target_semaphore(%arg17 : memref<!tpu.dma_semaphore, #tpu.memory_space<semaphore_mem>>)
    %dma_wait3A_164 = arith.constant 0 : i32
    %dma_wait3A_165 = arith.constant 0 : i32
    %dma_wait3A_166 = tpu.memref_slice %arg4[%add3A_116, %dma_wait3A_164, %dma_wait3A_165] : memref<2048x4x1024xf32, #tpu.memory_space<hbm>> -> memref<8x4x1024xf32, #tpu.memory_space<hbm>>
    %dma_wait3A_167 = arith.constant 0 : i32
    %dma_wait3A_168 = arith.constant 0 : i32
    %dma_wait3A_169 = tpu.memref_slice %arg4[%add3A_116, %dma_wait3A_167, %dma_wait3A_168] : memref<2048x4x1024xf32, #tpu.memory_space<hbm>> -> memref<8x4x1024xf32, #tpu.memory_space<hbm>>
    tpu.wait_dma2 semaphore(%arg19 : memref<!tpu.dma_semaphore, #tpu.memory_space<semaphore_mem>>) src(%arg7 : memref<8x4x1024xf32, #tpu.memory_space<vmem>>) dst(%dma_wait3A_169 : memref<8x4x1024xf32, #tpu.memory_space<hbm>>)
    %add3A_170 = arith.constant 40 : i32
    %add3A_171 = arith.addi %mul3A_2, %add3A_170 : i32
    %dma_start3A_172 = arith.constant 0 : i32
    %dma_start3A_173 = arith.constant 0 : i32
    %dma_start3A_174 = tpu.memref_slice %arg2[%add3A_171, %dma_start3A_172, %dma_start3A_173] : memref<2048x4x1024xf32, #tpu.memory_space<hbm>> -> memref<8x4x1024xf32, #tpu.memory_space<hbm>>
    %dma_start3A_175 = arith.constant 0 : i32
    %dma_start3A_176 = arith.constant 0 : i32
    %dma_start3A_177 = tpu.memref_slice %arg2[%add3A_171, %dma_start3A_175, %dma_start3A_176] : memref<2048x4x1024xf32, #tpu.memory_space<hbm>> -> memref<8x4x1024xf32, #tpu.memory_space<hbm>>
    tpu.enqueue_dma source(%dma_start3A_177 : memref<8x4x1024xf32, #tpu.memory_space<hbm>>) target(%arg7 : memref<8x4x1024xf32, #tpu.memory_space<vmem>>) target_semaphore(%arg13 : memref<!tpu.dma_semaphore, #tpu.memory_space<semaphore_mem>>)
    %dma_start3A_178 = arith.constant 0 : i32
    %dma_start3A_179 = tpu.memref_slice %arg3[%add3A_171, %dma_start3A_178] : memref<2048x1024xf32, #tpu.memory_space<hbm>> -> memref<8x1024xf32, #tpu.memory_space<hbm>>
    %dma_start3A_180 = arith.constant 0 : i32
    %dma_start3A_181 = tpu.memref_slice %arg3[%add3A_171, %dma_start3A_180] : memref<2048x1024xf32, #tpu.memory_space<hbm>> -> memref<8x1024xf32, #tpu.memory_space<hbm>>
    tpu.enqueue_dma source(%dma_start3A_181 : memref<8x1024xf32, #tpu.memory_space<hbm>>) target(%arg10 : memref<8x1024xf32, #tpu.memory_space<vmem>>) target_semaphore(%arg16 : memref<!tpu.dma_semaphore, #tpu.memory_space<semaphore_mem>>)
    %dma_wait3A_182 = arith.constant 0 : i32
    %dma_wait3A_183 = arith.constant 0 : i32
    %dma_wait3A_184 = tpu.memref_slice %arg2[%add3A_130, %dma_wait3A_182, %dma_wait3A_183] : memref<2048x4x1024xf32, #tpu.memory_space<hbm>> -> memref<8x4x1024xf32, #tpu.memory_space<hbm>>
    %dma_wait3A_185 = arith.constant 0 : i32
    %dma_wait3A_186 = arith.constant 0 : i32
    %dma_wait3A_187 = tpu.memref_slice %arg2[%add3A_130, %dma_wait3A_185, %dma_wait3A_186] : memref<2048x4x1024xf32, #tpu.memory_space<hbm>> -> memref<8x4x1024xf32, #tpu.memory_space<hbm>>
    tpu.wait_dma2 semaphore(%arg12 : memref<!tpu.dma_semaphore, #tpu.memory_space<semaphore_mem>>) src(%dma_wait3A_187 : memref<8x4x1024xf32, #tpu.memory_space<hbm>>) dst(%arg6 : memref<8x4x1024xf32, #tpu.memory_space<vmem>>)
    %dma_wait3A_188 = arith.constant 0 : i32
    %dma_wait3A_189 = tpu.memref_slice %arg3[%add3A_130, %dma_wait3A_188] : memref<2048x1024xf32, #tpu.memory_space<hbm>> -> memref<8x1024xf32, #tpu.memory_space<hbm>>
    %dma_wait3A_190 = arith.constant 0 : i32
    %dma_wait3A_191 = tpu.memref_slice %arg3[%add3A_130, %dma_wait3A_190] : memref<2048x1024xf32, #tpu.memory_space<hbm>> -> memref<8x1024xf32, #tpu.memory_space<hbm>>
    tpu.wait_dma2 semaphore(%arg15 : memref<!tpu.dma_semaphore, #tpu.memory_space<semaphore_mem>>) src(%dma_wait3A_191 : memref<8x1024xf32, #tpu.memory_space<hbm>>) dst(%arg9 : memref<8x1024xf32, #tpu.memory_space<vmem>>)
    %scan3A_192 = arith.constant 0 : i32
    %scan3A_193 = arith.constant 8 : i32
    %scan3A_194 = arith.addi %scan3A_192, %scan3A_193 : i32
    %scan3A_195 = arith.constant 1 : i32
    scf.for %scan3A_328 = %scan3A_192 to %scan3A_194 step %scan3A_195  : i32 {
      %mul3A_329 = arith.constant 1 : i32
      %mul3A_330 = arith.muli %scan3A_328, %mul3A_329 : i32
      %add3A_331 = arith.constant 0 : i32
      %add3A_332 = arith.addi %add3A_331, %mul3A_330 : i32
      %scan3A_333 = arith.constant 0 : i32
      %scan3A_334 = arith.constant 8 : i32
      %scan3A_335 = arith.addi %scan3A_333, %scan3A_334 : i32
      %scan3A_336 = arith.constant 1 : i32
      scf.for %scan3A_338 = %scan3A_333 to %scan3A_335 step %scan3A_336  : i32 {
        %mul3A_339 = arith.constant 1 : i32
        %mul3A_340 = arith.muli %scan3A_338, %mul3A_339 : i32
        %add3A_341 = arith.constant 0 : i32
        %add3A_342 = arith.addi %add3A_341, %mul3A_340 : i32
        %mul3A_343 = arith.constant 8 : i32
        %mul3A_344 = arith.muli %add3A_342, %mul3A_343 : i32
        %add3A_345 = arith.constant 0 : i32
        %add3A_346 = arith.addi %mul3A_344, %add3A_345 : i32
        %mul3A_347 = arith.constant 16 : i32
        %mul3A_348 = arith.muli %add3A_346, %mul3A_347 : i32
        %get3A = arith.index_cast %add3A_332 : i32 to index
        %get3A_349 = arith.index_cast %mul3A_348 : i32 to index
        %get3A_350 = tpu.vector_load %arg9[%get3A, %get3A_349] {strides = array<i32>} : memref<8x1024xf32, #tpu.memory_space<vmem>>, vector<1x16xf32>,
        %get3A_351 = vector.shape_cast %get3A_350 : vector<1x16xf32> to vector<16xf32>
        %mul3A_352 = arith.constant 8 : i32
        %mul3A_353 = arith.muli %add3A_342, %mul3A_352 : i32
        %add3A_354 = arith.constant 1 : i32
        %add3A_355 = arith.addi %mul3A_353, %add3A_354 : i32
        %mul3A_356 = arith.constant 16 : i32
        %mul3A_357 = arith.muli %add3A_355, %mul3A_356 : i32
        %get3A_358 = arith.index_cast %add3A_332 : i32 to index
        %get3A_359 = arith.index_cast %mul3A_357 : i32 to index
        %get3A_360 = tpu.vector_load %arg9[%get3A_358, %get3A_359] {strides = array<i32>} : memref<8x1024xf32, #tpu.memory_space<vmem>>, vector<1x16xf32>,
        %get3A_361 = vector.shape_cast %get3A_360 : vector<1x16xf32> to vector<16xf32>
        %mul3A_362 = arith.constant 8 : i32
        %mul3A_363 = arith.muli %add3A_342, %mul3A_362 : i32
        %add3A_364 = arith.constant 2 : i32
        %add3A_365 = arith.addi %mul3A_363, %add3A_364 : i32
        %mul3A_366 = arith.constant 16 : i32
        %mul3A_367 = arith.muli %add3A_365, %mul3A_366 : i32
        %get3A_368 = arith.index_cast %add3A_332 : i32 to index
        %get3A_369 = arith.index_cast %mul3A_367 : i32 to index
        %get3A_370 = tpu.vector_load %arg9[%get3A_368, %get3A_369] {strides = array<i32>} : memref<8x1024xf32, #tpu.memory_space<vmem>>, vector<1x16xf32>,
        %get3A_371 = vector.shape_cast %get3A_370 : vector<1x16xf32> to vector<16xf32>
        %mul3A_372 = arith.constant 8 : i32
        %mul3A_373 = arith.muli %add3A_342, %mul3A_372 : i32
        %add3A_374 = arith.constant 3 : i32
        %add3A_375 = arith.addi %mul3A_373, %add3A_374 : i32
        %mul3A_376 = arith.constant 16 : i32
        %mul3A_377 = arith.muli %add3A_375, %mul3A_376 : i32
        %get3A_378 = arith.index_cast %add3A_332 : i32 to index
        %get3A_379 = arith.index_cast %mul3A_377 : i32 to index
        %get3A_380 = tpu.vector_load %arg9[%get3A_378, %get3A_379] {strides = array<i32>} : memref<8x1024xf32, #tpu.memory_space<vmem>>, vector<1x16xf32>,
        %get3A_381 = vector.shape_cast %get3A_380 : vector<1x16xf32> to vector<16xf32>
        %mul3A_382 = arith.constant 8 : i32
        %mul3A_383 = arith.muli %add3A_342, %mul3A_382 : i32
        %add3A_384 = arith.constant 4 : i32
        %add3A_385 = arith.addi %mul3A_383, %add3A_384 : i32
        %mul3A_386 = arith.constant 16 : i32
        %mul3A_387 = arith.muli %add3A_385, %mul3A_386 : i32
        %get3A_388 = arith.index_cast %add3A_332 : i32 to index
        %get3A_389 = arith.index_cast %mul3A_387 : i32 to index
        %get3A_390 = tpu.vector_load %arg9[%get3A_388, %get3A_389] {strides = array<i32>} : memref<8x1024xf32, #tpu.memory_space<vmem>>, vector<1x16xf32>,
        %get3A_391 = vector.shape_cast %get3A_390 : vector<1x16xf32> to vector<16xf32>
        %mul3A_392 = arith.constant 8 : i32
        %mul3A_393 = arith.muli %add3A_342, %mul3A_392 : i32
        %add3A_394 = arith.constant 5 : i32
        %add3A_395 = arith.addi %mul3A_393, %add3A_394 : i32
        %mul3A_396 = arith.constant 16 : i32
        %mul3A_397 = arith.muli %add3A_395, %mul3A_396 : i32
        %get3A_398 = arith.index_cast %add3A_332 : i32 to index
        %get3A_399 = arith.index_cast %mul3A_397 : i32 to index
        %get3A_400 = tpu.vector_load %arg9[%get3A_398, %get3A_399] {strides = array<i32>} : memref<8x1024xf32, #tpu.memory_space<vmem>>, vector<1x16xf32>,
        %get3A_401 = vector.shape_cast %get3A_400 : vector<1x16xf32> to vector<16xf32>
        %mul3A_402 = arith.constant 8 : i32
        %mul3A_403 = arith.muli %add3A_342, %mul3A_402 : i32
        %add3A_404 = arith.constant 6 : i32
        %add3A_405 = arith.addi %mul3A_403, %add3A_404 : i32
        %mul3A_406 = arith.constant 16 : i32
        %mul3A_407 = arith.muli %add3A_405, %mul3A_406 : i32
        %get3A_408 = arith.index_cast %add3A_332 : i32 to index
        %get3A_409 = arith.index_cast %mul3A_407 : i32 to index
        %get3A_410 = tpu.vector_load %arg9[%get3A_408, %get3A_409] {strides = array<i32>} : memref<8x1024xf32, #tpu.memory_space<vmem>>, vector<1x16xf32>,
        %get3A_411 = vector.shape_cast %get3A_410 : vector<1x16xf32> to vector<16xf32>
        %mul3A_412 = arith.constant 8 : i32
        %mul3A_413 = arith.muli %add3A_342, %mul3A_412 : i32
        %add3A_414 = arith.constant 7 : i32
        %add3A_415 = arith.addi %mul3A_413, %add3A_414 : i32
        %mul3A_416 = arith.constant 16 : i32
        %mul3A_417 = arith.muli %add3A_415, %mul3A_416 : i32
        %get3A_418 = arith.index_cast %add3A_332 : i32 to index
        %get3A_419 = arith.index_cast %mul3A_417 : i32 to index
        %get3A_420 = tpu.vector_load %arg9[%get3A_418, %get3A_419] {strides = array<i32>} : memref<8x1024xf32, #tpu.memory_space<vmem>>, vector<1x16xf32>,
        %get3A_421 = vector.shape_cast %get3A_420 : vector<1x16xf32> to vector<16xf32>
        %mul3A_422 = arith.constant 8 : i32
        %mul3A_423 = arith.muli %add3A_342, %mul3A_422 : i32
        %add3A_424 = arith.constant 0 : i32
        %add3A_425 = arith.addi %mul3A_423, %add3A_424 : i32
        %mul3A_426 = arith.constant 16 : i32
        %mul3A_427 = arith.muli %add3A_425, %mul3A_426 : i32
        %swap3A = arith.constant 0 : i32
        %swap3A_428 = arith.index_cast %add3A_332 : i32 to index
        %swap3A_429 = arith.index_cast %swap3A : i32 to index
        %swap3A_430 = arith.index_cast %mul3A_427 : i32 to index
        %swap3A_431 = tpu.vector_load %arg6[%swap3A_428, %swap3A_429, %swap3A_430] {strides = array<i32>} : memref<8x4x1024xf32, #tpu.memory_space<vmem>>, vector<1x1x16xf32>,
        %swap3A_432 = vector.shape_cast %swap3A_431 : vector<1x1x16xf32> to vector<16xf32>
        %swap3A_433 = vector.shape_cast %get3A_351 : vector<16xf32> to vector<1x1x16xf32>
        tpu.vector_store %arg6[%swap3A_428, %swap3A_429, %swap3A_430], %swap3A_433 {add = true, strides = array<i32>} : memref<8x4x1024xf32, #tpu.memory_space<vmem>>, vector<1x1x16xf32>,
        %mul3A_434 = arith.constant 8 : i32
        %mul3A_435 = arith.muli %add3A_342, %mul3A_434 : i32
        %add3A_436 = arith.constant 0 : i32
        %add3A_437 = arith.addi %mul3A_435, %add3A_436 : i32
        %mul3A_438 = arith.constant 16 : i32
        %mul3A_439 = arith.muli %add3A_437, %mul3A_438 : i32
        %swap3A_440 = arith.constant 1 : i32
        %swap3A_441 = arith.index_cast %add3A_332 : i32 to index
        %swap3A_442 = arith.index_cast %swap3A_440 : i32 to index
        %swap3A_443 = arith.index_cast %mul3A_439 : i32 to index
        %swap3A_444 = tpu.vector_load %arg6[%swap3A_441, %swap3A_442, %swap3A_443] {strides = array<i32>} : memref<8x4x1024xf32, #tpu.memory_space<vmem>>, vector<1x1x16xf32>,
        %swap3A_445 = vector.shape_cast %swap3A_444 : vector<1x1x16xf32> to vector<16xf32>
        %swap3A_446 = vector.shape_cast %get3A_351 : vector<16xf32> to vector<1x1x16xf32>
        tpu.vector_store %arg6[%swap3A_441, %swap3A_442, %swap3A_443], %swap3A_446 {add = true, strides = array<i32>} : memref<8x4x1024xf32, #tpu.memory_space<vmem>>, vector<1x1x16xf32>,
        %mul3A_447 = arith.constant 8 : i32
        %mul3A_448 = arith.muli %add3A_342, %mul3A_447 : i32
        %add3A_449 = arith.constant 0 : i32
        %add3A_450 = arith.addi %mul3A_448, %add3A_449 : i32
        %mul3A_451 = arith.constant 16 : i32
        %mul3A_452 = arith.muli %add3A_450, %mul3A_451 : i32
        %swap3A_453 = arith.constant 2 : i32
        %swap3A_454 = arith.index_cast %add3A_332 : i32 to index
        %swap3A_455 = arith.index_cast %swap3A_453 : i32 to index
        %swap3A_456 = arith.index_cast %mul3A_452 : i32 to index
        %swap3A_457 = tpu.vector_load %arg6[%swap3A_454, %swap3A_455, %swap3A_456] {strides = array<i32>} : memref<8x4x1024xf32, #tpu.memory_space<vmem>>, vector<1x1x16xf32>,
        %swap3A_458 = vector.shape_cast %swap3A_457 : vector<1x1x16xf32> to vector<16xf32>
        %swap3A_459 = vector.shape_cast %get3A_351 : vector<16xf32> to vector<1x1x16xf32>
        tpu.vector_store %arg6[%swap3A_454, %swap3A_455, %swap3A_456], %swap3A_459 {add = true, strides = array<i32>} : memref<8x4x1024xf32, #tpu.memory_space<vmem>>, vector<1x1x16xf32>,
        %mul3A_460 = arith.constant 8 : i32
        %mul3A_461 = arith.muli %add3A_342, %mul3A_460 : i32
        %add3A_462 = arith.constant 0 : i32
        %add3A_463 = arith.addi %mul3A_461, %add3A_462 : i32
        %mul3A_464 = arith.constant 16 : i32
        %mul3A_465 = arith.muli %add3A_463, %mul3A_464 : i32
        %swap3A_466 = arith.constant 3 : i32
        %swap3A_467 = arith.index_cast %add3A_332 : i32 to index
        %swap3A_468 = arith.index_cast %swap3A_466 : i32 to index
        %swap3A_469 = arith.index_cast %mul3A_465 : i32 to index
        %swap3A_470 = tpu.vector_load %arg6[%swap3A_467, %swap3A_468, %swap3A_469] {strides = array<i32>} : memref<8x4x1024xf32, #tpu.memory_space<vmem>>, vector<1x1x16xf32>,
        %swap3A_471 = vector.shape_cast %swap3A_470 : vector<1x1x16xf32> to vector<16xf32>
        %swap3A_472 = vector.shape_cast %get3A_351 : vector<16xf32> to vector<1x1x16xf32>
        tpu.vector_store %arg6[%swap3A_467, %swap3A_468, %swap3A_469], %swap3A_472 {add = true, strides = array<i32>} : memref<8x4x1024xf32, #tpu.memory_space<vmem>>, vector<1x1x16xf32>,
        %mul3A_473 = arith.constant 8 : i32
        %mul3A_474 = arith.muli %add3A_342, %mul3A_473 : i32
        %add3A_475 = arith.constant 1 : i32
        %add3A_476 = arith.addi %mul3A_474, %add3A_475 : i32
        %mul3A_477 = arith.constant 16 : i32
        %mul3A_478 = arith.muli %add3A_476, %mul3A_477 : i32
        %swap3A_479 = arith.constant 0 : i32
        %swap3A_480 = arith.index_cast %add3A_332 : i32 to index
        %swap3A_481 = arith.index_cast %swap3A_479 : i32 to index
        %swap3A_482 = arith.index_cast %mul3A_478 : i32 to index
        %swap3A_483 = tpu.vector_load %arg6[%swap3A_480, %swap3A_481, %swap3A_482] {strides = array<i32>} : memref<8x4x1024xf32, #tpu.memory_space<vmem>>, vector<1x1x16xf32>,
        %swap3A_484 = vector.shape_cast %swap3A_483 : vector<1x1x16xf32> to vector<16xf32>
        %swap3A_485 = vector.shape_cast %get3A_361 : vector<16xf32> to vector<1x1x16xf32>
        tpu.vector_store %arg6[%swap3A_480, %swap3A_481, %swap3A_482], %swap3A_485 {add = true, strides = array<i32>} : memref<8x4x1024xf32, #tpu.memory_space<vmem>>, vector<1x1x16xf32>,
        %mul3A_486 = arith.constant 8 : i32
        %mul3A_487 = arith.muli %add3A_342, %mul3A_486 : i32
        %add3A_488 = arith.constant 1 : i32
        %add3A_489 = arith.addi %mul3A_487, %add3A_488 : i32
        %mul3A_490 = arith.constant 16 : i32
        %mul3A_491 = arith.muli %add3A_489, %mul3A_490 : i32
        %swap3A_492 = arith.constant 1 : i32
        %swap3A_493 = arith.index_cast %add3A_332 : i32 to index
        %swap3A_494 = arith.index_cast %swap3A_492 : i32 to index
        %swap3A_495 = arith.index_cast %mul3A_491 : i32 to index
        %swap3A_496 = tpu.vector_load %arg6[%swap3A_493, %swap3A_494, %swap3A_495] {strides = array<i32>} : memref<8x4x1024xf32, #tpu.memory_space<vmem>>, vector<1x1x16xf32>,
        %swap3A_497 = vector.shape_cast %swap3A_496 : vector<1x1x16xf32> to vector<16xf32>
        %swap3A_498 = vector.shape_cast %get3A_361 : vector<16xf32> to vector<1x1x16xf32>
        tpu.vector_store %arg6[%swap3A_493, %swap3A_494, %swap3A_495], %swap3A_498 {add = true, strides = array<i32>} : memref<8x4x1024xf32, #tpu.memory_space<vmem>>, vector<1x1x16xf32>,
        %mul3A_499 = arith.constant 8 : i32
        %mul3A_500 = arith.muli %add3A_342, %mul3A_499 : i32
        %add3A_501 = arith.constant 1 : i32
        %add3A_502 = arith.addi %mul3A_500, %add3A_501 : i32
        %mul3A_503 = arith.constant 16 : i32
        %mul3A_504 = arith.muli %add3A_502, %mul3A_503 : i32
        %swap3A_505 = arith.constant 2 : i32
        %swap3A_506 = arith.index_cast %add3A_332 : i32 to index
        %swap3A_507 = arith.index_cast %swap3A_505 : i32 to index
        %swap3A_508 = arith.index_cast %mul3A_504 : i32 to index
        %swap3A_509 = tpu.vector_load %arg6[%swap3A_506, %swap3A_507, %swap3A_508] {strides = array<i32>} : memref<8x4x1024xf32, #tpu.memory_space<vmem>>, vector<1x1x16xf32>,
        %swap3A_510 = vector.shape_cast %swap3A_509 : vector<1x1x16xf32> to vector<16xf32>
        %swap3A_511 = vector.shape_cast %get3A_361 : vector<16xf32> to vector<1x1x16xf32>
        tpu.vector_store %arg6[%swap3A_506, %swap3A_507, %swap3A_508], %swap3A_511 {add = true, strides = array<i32>} : memref<8x4x1024xf32, #tpu.memory_space<vmem>>, vector<1x1x16xf32>,
        %mul3A_512 = arith.constant 8 : i32
        %mul3A_513 = arith.muli %add3A_342, %mul3A_512 : i32
        %add3A_514 = arith.constant 1 : i32
        %add3A_515 = arith.addi %mul3A_513, %add3A_514 : i32
        %mul3A_516 = arith.constant 16 : i32
        %mul3A_517 = arith.muli %add3A_515, %mul3A_516 : i32
        %swap3A_518 = arith.constant 3 : i32
        %swap3A_519 = arith.index_cast %add3A_332 : i32 to index
        %swap3A_520 = arith.index_cast %swap3A_518 : i32 to index
        %swap3A_521 = arith.index_cast %mul3A_517 : i32 to index
        %swap3A_522 = tpu.vector_load %arg6[%swap3A_519, %swap3A_520, %swap3A_521] {strides = array<i32>} : memref<8x4x1024xf32, #tpu.memory_space<vmem>>, vector<1x1x16xf32>,
        %swap3A_523 = vector.shape_cast %swap3A_522 : vector<1x1x16xf32> to vector<16xf32>
        %swap3A_524 = vector.shape_cast %get3A_361 : vector<16xf32> to vector<1x1x16xf32>
        tpu.vector_store %arg6[%swap3A_519, %swap3A_520, %swap3A_521], %swap3A_524 {add = true, strides = array<i32>} : memref<8x4x1024xf32, #tpu.memory_space<vmem>>, vector<1x1x16xf32>,
        %mul3A_525 = arith.constant 8 : i32
        %mul3A_526 = arith.muli %add3A_342, %mul3A_525 : i32
        %add3A_527 = arith.constant 2 : i32
        %add3A_528 = arith.addi %mul3A_526, %add3A_527 : i32
        %mul3A_529 = arith.constant 16 : i32
        %mul3A_530 = arith.muli %add3A_528, %mul3A_529 : i32
        %swap3A_531 = arith.constant 0 : i32
        %swap3A_532 = arith.index_cast %add3A_332 : i32 to index
        %swap3A_533 = arith.index_cast %swap3A_531 : i32 to index
        %swap3A_534 = arith.index_cast %mul3A_530 : i32 to index
        %swap3A_535 = tpu.vector_load %arg6[%swap3A_532, %swap3A_533, %swap3A_534] {strides = array<i32>} : memref<8x4x1024xf32, #tpu.memory_space<vmem>>, vector<1x1x16xf32>,
        %swap3A_536 = vector.shape_cast %swap3A_535 : vector<1x1x16xf32> to vector<16xf32>
        %swap3A_537 = vector.shape_cast %get3A_371 : vector<16xf32> to vector<1x1x16xf32>
        tpu.vector_store %arg6[%swap3A_532, %swap3A_533, %swap3A_534], %swap3A_537 {add = true, strides = array<i32>} : memref<8x4x1024xf32, #tpu.memory_space<vmem>>, vector<1x1x16xf32>,
        %mul3A_538 = arith.constant 8 : i32
        %mul3A_539 = arith.muli %add3A_342, %mul3A_538 : i32
        %add3A_540 = arith.constant 2 : i32
        %add3A_541 = arith.addi %mul3A_539, %add3A_540 : i32
        %mul3A_542 = arith.constant 16 : i32
        %mul3A_543 = arith.muli %add3A_541, %mul3A_542 : i32
        %swap3A_544 = arith.constant 1 : i32
        %swap3A_545 = arith.index_cast %add3A_332 : i32 to index
        %swap3A_546 = arith.index_cast %swap3A_544 : i32 to index
        %swap3A_547 = arith.index_cast %mul3A_543 : i32 to index
        %swap3A_548 = tpu.vector_load %arg6[%swap3A_545, %swap3A_546, %swap3A_547] {strides = array<i32>} : memref<8x4x1024xf32, #tpu.memory_space<vmem>>, vector<1x1x16xf32>,
        %swap3A_549 = vector.shape_cast %swap3A_548 : vector<1x1x16xf32> to vector<16xf32>
        %swap3A_550 = vector.shape_cast %get3A_371 : vector<16xf32> to vector<1x1x16xf32>
        tpu.vector_store %arg6[%swap3A_545, %swap3A_546, %swap3A_547], %swap3A_550 {add = true, strides = array<i32>} : memref<8x4x1024xf32, #tpu.memory_space<vmem>>, vector<1x1x16xf32>,
        %mul3A_551 = arith.constant 8 : i32
        %mul3A_552 = arith.muli %add3A_342, %mul3A_551 : i32
        %add3A_553 = arith.constant 2 : i32
        %add3A_554 = arith.addi %mul3A_552, %add3A_553 : i32
        %mul3A_555 = arith.constant 16 : i32
        %mul3A_556 = arith.muli %add3A_554, %mul3A_555 : i32
        %swap3A_557 = arith.constant 2 : i32
        %swap3A_558 = arith.index_cast %add3A_332 : i32 to index
        %swap3A_559 = arith.index_cast %swap3A_557 : i32 to index
        %swap3A_560 = arith.index_cast %mul3A_556 : i32 to index
        %swap3A_561 = tpu.vector_load %arg6[%swap3A_558, %swap3A_559, %swap3A_560] {strides = array<i32>} : memref<8x4x1024xf32, #tpu.memory_space<vmem>>, vector<1x1x16xf32>,
        %swap3A_562 = vector.shape_cast %swap3A_561 : vector<1x1x16xf32> to vector<16xf32>
        %swap3A_563 = vector.shape_cast %get3A_371 : vector<16xf32> to vector<1x1x16xf32>
        tpu.vector_store %arg6[%swap3A_558, %swap3A_559, %swap3A_560], %swap3A_563 {add = true, strides = array<i32>} : memref<8x4x1024xf32, #tpu.memory_space<vmem>>, vector<1x1x16xf32>,
        %mul3A_564 = arith.constant 8 : i32
        %mul3A_565 = arith.muli %add3A_342, %mul3A_564 : i32
        %add3A_566 = arith.constant 2 : i32
        %add3A_567 = arith.addi %mul3A_565, %add3A_566 : i32
        %mul3A_568 = arith.constant 16 : i32
        %mul3A_569 = arith.muli %add3A_567, %mul3A_568 : i32
        %swap3A_570 = arith.constant 3 : i32
        %swap3A_571 = arith.index_cast %add3A_332 : i32 to index
        %swap3A_572 = arith.index_cast %swap3A_570 : i32 to index
        %swap3A_573 = arith.index_cast %mul3A_569 : i32 to index
        %swap3A_574 = tpu.vector_load %arg6[%swap3A_571, %swap3A_572, %swap3A_573] {strides = array<i32>} : memref<8x4x1024xf32, #tpu.memory_space<vmem>>, vector<1x1x16xf32>,
        %swap3A_575 = vector.shape_cast %swap3A_574 : vector<1x1x16xf32> to vector<16xf32>
        %swap3A_576 = vector.shape_cast %get3A_371 : vector<16xf32> to vector<1x1x16xf32>
        tpu.vector_store %arg6[%swap3A_571, %swap3A_572, %swap3A_573], %swap3A_576 {add = true, strides = array<i32>} : memref<8x4x1024xf32, #tpu.memory_space<vmem>>, vector<1x1x16xf32>,
        %mul3A_577 = arith.constant 8 : i32
        %mul3A_578 = arith.muli %add3A_342, %mul3A_577 : i32
        %add3A_579 = arith.constant 3 : i32
        %add3A_580 = arith.addi %mul3A_578, %add3A_579 : i32
        %mul3A_581 = arith.constant 16 : i32
        %mul3A_582 = arith.muli %add3A_580, %mul3A_581 : i32
        %swap3A_583 = arith.constant 0 : i32
        %swap3A_584 = arith.index_cast %add3A_332 : i32 to index
        %swap3A_585 = arith.index_cast %swap3A_583 : i32 to index
        %swap3A_586 = arith.index_cast %mul3A_582 : i32 to index
        %swap3A_587 = tpu.vector_load %arg6[%swap3A_584, %swap3A_585, %swap3A_586] {strides = array<i32>} : memref<8x4x1024xf32, #tpu.memory_space<vmem>>, vector<1x1x16xf32>,
        %swap3A_588 = vector.shape_cast %swap3A_587 : vector<1x1x16xf32> to vector<16xf32>
        %swap3A_589 = vector.shape_cast %get3A_381 : vector<16xf32> to vector<1x1x16xf32>
        tpu.vector_store %arg6[%swap3A_584, %swap3A_585, %swap3A_586], %swap3A_589 {add = true, strides = array<i32>} : memref<8x4x1024xf32, #tpu.memory_space<vmem>>, vector<1x1x16xf32>,
        %mul3A_590 = arith.constant 8 : i32
        %mul3A_591 = arith.muli %add3A_342, %mul3A_590 : i32
        %add3A_592 = arith.constant 3 : i32
        %add3A_593 = arith.addi %mul3A_591, %add3A_592 : i32
        %mul3A_594 = arith.constant 16 : i32
        %mul3A_595 = arith.muli %add3A_593, %mul3A_594 : i32
        %swap3A_596 = arith.constant 1 : i32
        %swap3A_597 = arith.index_cast %add3A_332 : i32 to index
        %swap3A_598 = arith.index_cast %swap3A_596 : i32 to index
        %swap3A_599 = arith.index_cast %mul3A_595 : i32 to index
        %swap3A_600 = tpu.vector_load %arg6[%swap3A_597, %swap3A_598, %swap3A_599] {strides = array<i32>} : memref<8x4x1024xf32, #tpu.memory_space<vmem>>, vector<1x1x16xf32>,
        %swap3A_601 = vector.shape_cast %swap3A_600 : vector<1x1x16xf32> to vector<16xf32>
        %swap3A_602 = vector.shape_cast %get3A_381 : vector<16xf32> to vector<1x1x16xf32>
        tpu.vector_store %arg6[%swap3A_597, %swap3A_598, %swap3A_599], %swap3A_602 {add = true, strides = array<i32>} : memref<8x4x1024xf32, #tpu.memory_space<vmem>>, vector<1x1x16xf32>,
        %mul3A_603 = arith.constant 8 : i32
        %mul3A_604 = arith.muli %add3A_342, %mul3A_603 : i32
        %add3A_605 = arith.constant 3 : i32
        %add3A_606 = arith.addi %mul3A_604, %add3A_605 : i32
        %mul3A_607 = arith.constant 16 : i32
        %mul3A_608 = arith.muli %add3A_606, %mul3A_607 : i32
        %swap3A_609 = arith.constant 2 : i32
        %swap3A_610 = arith.index_cast %add3A_332 : i32 to index
        %swap3A_611 = arith.index_cast %swap3A_609 : i32 to index
        %swap3A_612 = arith.index_cast %mul3A_608 : i32 to index
        %swap3A_613 = tpu.vector_load %arg6[%swap3A_610, %swap3A_611, %swap3A_612] {strides = array<i32>} : memref<8x4x1024xf32, #tpu.memory_space<vmem>>, vector<1x1x16xf32>,
        %swap3A_614 = vector.shape_cast %swap3A_613 : vector<1x1x16xf32> to vector<16xf32>
        %swap3A_615 = vector.shape_cast %get3A_381 : vector<16xf32> to vector<1x1x16xf32>
        tpu.vector_store %arg6[%swap3A_610, %swap3A_611, %swap3A_612], %swap3A_615 {add = true, strides = array<i32>} : memref<8x4x1024xf32, #tpu.memory_space<vmem>>, vector<1x1x16xf32>,
        %mul3A_616 = arith.constant 8 : i32
        %mul3A_617 = arith.muli %add3A_342, %mul3A_616 : i32
        %add3A_618 = arith.constant 3 : i32
        %add3A_619 = arith.addi %mul3A_617, %add3A_618 : i32
        %mul3A_620 = arith.constant 16 : i32
        %mul3A_621 = arith.muli %add3A_619, %mul3A_620 : i32
        %swap3A_622 = arith.constant 3 : i32
        %swap3A_623 = arith.index_cast %add3A_332 : i32 to index
        %swap3A_624 = arith.index_cast %swap3A_622 : i32 to index
        %swap3A_625 = arith.index_cast %mul3A_621 : i32 to index
        %swap3A_626 = tpu.vector_load %arg6[%swap3A_623, %swap3A_624, %swap3A_625] {strides = array<i32>} : memref<8x4x1024xf32, #tpu.memory_space<vmem>>, vector<1x1x16xf32>,
        %swap3A_627 = vector.shape_cast %swap3A_626 : vector<1x1x16xf32> to vector<16xf32>
        %swap3A_628 = vector.shape_cast %get3A_381 : vector<16xf32> to vector<1x1x16xf32>
        tpu.vector_store %arg6[%swap3A_623, %swap3A_624, %swap3A_625], %swap3A_628 {add = true, strides = array<i32>} : memref<8x4x1024xf32, #tpu.memory_space<vmem>>, vector<1x1x16xf32>,
        %mul3A_629 = arith.constant 8 : i32
        %mul3A_630 = arith.muli %add3A_342, %mul3A_629 : i32
        %add3A_631 = arith.constant 4 : i32
        %add3A_632 = arith.addi %mul3A_630, %add3A_631 : i32
        %mul3A_633 = arith.constant 16 : i32
        %mul3A_634 = arith.muli %add3A_632, %mul3A_633 : i32
        %swap3A_635 = arith.constant 0 : i32
        %swap3A_636 = arith.index_cast %add3A_332 : i32 to index
        %swap3A_637 = arith.index_cast %swap3A_635 : i32 to index
        %swap3A_638 = arith.index_cast %mul3A_634 : i32 to index
        %swap3A_639 = tpu.vector_load %arg6[%swap3A_636, %swap3A_637, %swap3A_638] {strides = array<i32>} : memref<8x4x1024xf32, #tpu.memory_space<vmem>>, vector<1x1x16xf32>,
        %swap3A_640 = vector.shape_cast %swap3A_639 : vector<1x1x16xf32> to vector<16xf32>
        %swap3A_641 = vector.shape_cast %get3A_391 : vector<16xf32> to vector<1x1x16xf32>
        tpu.vector_store %arg6[%swap3A_636, %swap3A_637, %swap3A_638], %swap3A_641 {add = true, strides = array<i32>} : memref<8x4x1024xf32, #tpu.memory_space<vmem>>, vector<1x1x16xf32>,
        %mul3A_642 = arith.constant 8 : i32
        %mul3A_643 = arith.muli %add3A_342, %mul3A_642 : i32
        %add3A_644 = arith.constant 4 : i32
        %add3A_645 = arith.addi %mul3A_643, %add3A_644 : i32
        %mul3A_646 = arith.constant 16 : i32
        %mul3A_647 = arith.muli %add3A_645, %mul3A_646 : i32
        %swap3A_648 = arith.constant 1 : i32
        %swap3A_649 = arith.index_cast %add3A_332 : i32 to index
        %swap3A_650 = arith.index_cast %swap3A_648 : i32 to index
        %swap3A_651 = arith.index_cast %mul3A_647 : i32 to index
        %swap3A_652 = tpu.vector_load %arg6[%swap3A_649, %swap3A_650, %swap3A_651] {strides = array<i32>} : memref<8x4x1024xf32, #tpu.memory_space<vmem>>, vector<1x1x16xf32>,
        %swap3A_653 = vector.shape_cast %swap3A_652 : vector<1x1x16xf32> to vector<16xf32>
        %swap3A_654 = vector.shape_cast %get3A_391 : vector<16xf32> to vector<1x1x16xf32>
        tpu.vector_store %arg6[%swap3A_649, %swap3A_650, %swap3A_651], %swap3A_654 {add = true, strides = array<i32>} : memref<8x4x1024xf32, #tpu.memory_space<vmem>>, vector<1x1x16xf32>,
        %mul3A_655 = arith.constant 8 : i32
        %mul3A_656 = arith.muli %add3A_342, %mul3A_655 : i32
        %add3A_657 = arith.constant 4 : i32
        %add3A_658 = arith.addi %mul3A_656, %add3A_657 : i32
        %mul3A_659 = arith.constant 16 : i32
        %mul3A_660 = arith.muli %add3A_658, %mul3A_659 : i32
        %swap3A_661 = arith.constant 2 : i32
        %swap3A_662 = arith.index_cast %add3A_332 : i32 to index
        %swap3A_663 = arith.index_cast %swap3A_661 : i32 to index
        %swap3A_664 = arith.index_cast %mul3A_660 : i32 to index
        %swap3A_665 = tpu.vector_load %arg6[%swap3A_662, %swap3A_663, %swap3A_664] {strides = array<i32>} : memref<8x4x1024xf32, #tpu.memory_space<vmem>>, vector<1x1x16xf32>,
        %swap3A_666 = vector.shape_cast %swap3A_665 : vector<1x1x16xf32> to vector<16xf32>
        %swap3A_667 = vector.shape_cast %get3A_391 : vector<16xf32> to vector<1x1x16xf32>
        tpu.vector_store %arg6[%swap3A_662, %swap3A_663, %swap3A_664], %swap3A_667 {add = true, strides = array<i32>} : memref<8x4x1024xf32, #tpu.memory_space<vmem>>, vector<1x1x16xf32>,
        %mul3A_668 = arith.constant 8 : i32
        %mul3A_669 = arith.muli %add3A_342, %mul3A_668 : i32
        %add3A_670 = arith.constant 4 : i32
        %add3A_671 = arith.addi %mul3A_669, %add3A_670 : i32
        %mul3A_672 = arith.constant 16 : i32
        %mul3A_673 = arith.muli %add3A_671, %mul3A_672 : i32
        %swap3A_674 = arith.constant 3 : i32
        %swap3A_675 = arith.index_cast %add3A_332 : i32 to index
        %swap3A_676 = arith.index_cast %swap3A_674 : i32 to index
        %swap3A_677 = arith.index_cast %mul3A_673 : i32 to index
        %swap3A_678 = tpu.vector_load %arg6[%swap3A_675, %swap3A_676, %swap3A_677] {strides = array<i32>} : memref<8x4x1024xf32, #tpu.memory_space<vmem>>, vector<1x1x16xf32>,
        %swap3A_679 = vector.shape_cast %swap3A_678 : vector<1x1x16xf32> to vector<16xf32>
        %swap3A_680 = vector.shape_cast %get3A_391 : vector<16xf32> to vector<1x1x16xf32>
        tpu.vector_store %arg6[%swap3A_675, %swap3A_676, %swap3A_677], %swap3A_680 {add = true, strides = array<i32>} : memref<8x4x1024xf32, #tpu.memory_space<vmem>>, vector<1x1x16xf32>,
        %mul3A_681 = arith.constant 8 : i32
        %mul3A_682 = arith.muli %add3A_342, %mul3A_681 : i32
        %add3A_683 = arith.constant 5 : i32
        %add3A_684 = arith.addi %mul3A_682, %add3A_683 : i32
        %mul3A_685 = arith.constant 16 : i32
        %mul3A_686 = arith.muli %add3A_684, %mul3A_685 : i32
        %swap3A_687 = arith.constant 0 : i32
        %swap3A_688 = arith.index_cast %add3A_332 : i32 to index
        %swap3A_689 = arith.index_cast %swap3A_687 : i32 to index
        %swap3A_690 = arith.index_cast %mul3A_686 : i32 to index
        %swap3A_691 = tpu.vector_load %arg6[%swap3A_688, %swap3A_689, %swap3A_690] {strides = array<i32>} : memref<8x4x1024xf32, #tpu.memory_space<vmem>>, vector<1x1x16xf32>,
        %swap3A_692 = vector.shape_cast %swap3A_691 : vector<1x1x16xf32> to vector<16xf32>
        %swap3A_693 = vector.shape_cast %get3A_401 : vector<16xf32> to vector<1x1x16xf32>
        tpu.vector_store %arg6[%swap3A_688, %swap3A_689, %swap3A_690], %swap3A_693 {add = true, strides = array<i32>} : memref<8x4x1024xf32, #tpu.memory_space<vmem>>, vector<1x1x16xf32>,
        %mul3A_694 = arith.constant 8 : i32
        %mul3A_695 = arith.muli %add3A_342, %mul3A_694 : i32
        %add3A_696 = arith.constant 5 : i32
        %add3A_697 = arith.addi %mul3A_695, %add3A_696 : i32
        %mul3A_698 = arith.constant 16 : i32
        %mul3A_699 = arith.muli %add3A_697, %mul3A_698 : i32
        %swap3A_700 = arith.constant 1 : i32
        %swap3A_701 = arith.index_cast %add3A_332 : i32 to index
        %swap3A_702 = arith.index_cast %swap3A_700 : i32 to index
        %swap3A_703 = arith.index_cast %mul3A_699 : i32 to index
        %swap3A_704 = tpu.vector_load %arg6[%swap3A_701, %swap3A_702, %swap3A_703] {strides = array<i32>} : memref<8x4x1024xf32, #tpu.memory_space<vmem>>, vector<1x1x16xf32>,
        %swap3A_705 = vector.shape_cast %swap3A_704 : vector<1x1x16xf32> to vector<16xf32>
        %swap3A_706 = vector.shape_cast %get3A_401 : vector<16xf32> to vector<1x1x16xf32>
        tpu.vector_store %arg6[%swap3A_701, %swap3A_702, %swap3A_703], %swap3A_706 {add = true, strides = array<i32>} : memref<8x4x1024xf32, #tpu.memory_space<vmem>>, vector<1x1x16xf32>,
        %mul3A_707 = arith.constant 8 : i32
        %mul3A_708 = arith.muli %add3A_342, %mul3A_707 : i32
        %add3A_709 = arith.constant 5 : i32
        %add3A_710 = arith.addi %mul3A_708, %add3A_709 : i32
        %mul3A_711 = arith.constant 16 : i32
        %mul3A_712 = arith.muli %add3A_710, %mul3A_711 : i32
        %swap3A_713 = arith.constant 2 : i32
        %swap3A_714 = arith.index_cast %add3A_332 : i32 to index
        %swap3A_715 = arith.index_cast %swap3A_713 : i32 to index
        %swap3A_716 = arith.index_cast %mul3A_712 : i32 to index
        %swap3A_717 = tpu.vector_load %arg6[%swap3A_714, %swap3A_715, %swap3A_716] {strides = array<i32>} : memref<8x4x1024xf32, #tpu.memory_space<vmem>>, vector<1x1x16xf32>,
        %swap3A_718 = vector.shape_cast %swap3A_717 : vector<1x1x16xf32> to vector<16xf32>
        %swap3A_719 = vector.shape_cast %get3A_401 : vector<16xf32> to vector<1x1x16xf32>
        tpu.vector_store %arg6[%swap3A_714, %swap3A_715, %swap3A_716], %swap3A_719 {add = true, strides = array<i32>} : memref<8x4x1024xf32, #tpu.memory_space<vmem>>, vector<1x1x16xf32>,
        %mul3A_720 = arith.constant 8 : i32
        %mul3A_721 = arith.muli %add3A_342, %mul3A_720 : i32
        %add3A_722 = arith.constant 5 : i32
        %add3A_723 = arith.addi %mul3A_721, %add3A_722 : i32
        %mul3A_724 = arith.constant 16 : i32
        %mul3A_725 = arith.muli %add3A_723, %mul3A_724 : i32
        %swap3A_726 = arith.constant 3 : i32
        %swap3A_727 = arith.index_cast %add3A_332 : i32 to index
        %swap3A_728 = arith.index_cast %swap3A_726 : i32 to index
        %swap3A_729 = arith.index_cast %mul3A_725 : i32 to index
        %swap3A_730 = tpu.vector_load %arg6[%swap3A_727, %swap3A_728, %swap3A_729] {strides = array<i32>} : memref<8x4x1024xf32, #tpu.memory_space<vmem>>, vector<1x1x16xf32>,
        %swap3A_731 = vector.shape_cast %swap3A_730 : vector<1x1x16xf32> to vector<16xf32>
        %swap3A_732 = vector.shape_cast %get3A_401 : vector<16xf32> to vector<1x1x16xf32>
        tpu.vector_store %arg6[%swap3A_727, %swap3A_728, %swap3A_729], %swap3A_732 {add = true, strides = array<i32>} : memref<8x4x1024xf32, #tpu.memory_space<vmem>>, vector<1x1x16xf32>,
        %mul3A_733 = arith.constant 8 : i32
        %mul3A_734 = arith.muli %add3A_342, %mul3A_733 : i32
        %add3A_735 = arith.constant 6 : i32
        %add3A_736 = arith.addi %mul3A_734, %add3A_735 : i32
        %mul3A_737 = arith.constant 16 : i32
        %mul3A_738 = arith.muli %add3A_736, %mul3A_737 : i32
        %swap3A_739 = arith.constant 0 : i32
        %swap3A_740 = arith.index_cast %add3A_332 : i32 to index
        %swap3A_741 = arith.index_cast %swap3A_739 : i32 to index
        %swap3A_742 = arith.index_cast %mul3A_738 : i32 to index
        %swap3A_743 = tpu.vector_load %arg6[%swap3A_740, %swap3A_741, %swap3A_742] {strides = array<i32>} : memref<8x4x1024xf32, #tpu.memory_space<vmem>>, vector<1x1x16xf32>,
        %swap3A_744 = vector.shape_cast %swap3A_743 : vector<1x1x16xf32> to vector<16xf32>
        %swap3A_745 = vector.shape_cast %get3A_411 : vector<16xf32> to vector<1x1x16xf32>
        tpu.vector_store %arg6[%swap3A_740, %swap3A_741, %swap3A_742], %swap3A_745 {add = true, strides = array<i32>} : memref<8x4x1024xf32, #tpu.memory_space<vmem>>, vector<1x1x16xf32>,
        %mul3A_746 = arith.constant 8 : i32
        %mul3A_747 = arith.muli %add3A_342, %mul3A_746 : i32
        %add3A_748 = arith.constant 6 : i32
        %add3A_749 = arith.addi %mul3A_747, %add3A_748 : i32
        %mul3A_750 = arith.constant 16 : i32
        %mul3A_751 = arith.muli %add3A_749, %mul3A_750 : i32
        %swap3A_752 = arith.constant 1 : i32
        %swap3A_753 = arith.index_cast %add3A_332 : i32 to index
        %swap3A_754 = arith.index_cast %swap3A_752 : i32 to index
        %swap3A_755 = arith.index_cast %mul3A_751 : i32 to index
        %swap3A_756 = tpu.vector_load %arg6[%swap3A_753, %swap3A_754, %swap3A_755] {strides = array<i32>} : memref<8x4x1024xf32, #tpu.memory_space<vmem>>, vector<1x1x16xf32>,
        %swap3A_757 = vector.shape_cast %swap3A_756 : vector<1x1x16xf32> to vector<16xf32>
        %swap3A_758 = vector.shape_cast %get3A_411 : vector<16xf32> to vector<1x1x16xf32>
        tpu.vector_store %arg6[%swap3A_753, %swap3A_754, %swap3A_755], %swap3A_758 {add = true, strides = array<i32>} : memref<8x4x1024xf32, #tpu.memory_space<vmem>>, vector<1x1x16xf32>,
        %mul3A_759 = arith.constant 8 : i32
        %mul3A_760 = arith.muli %add3A_342, %mul3A_759 : i32
        %add3A_761 = arith.constant 6 : i32
        %add3A_762 = arith.addi %mul3A_760, %add3A_761 : i32
        %mul3A_763 = arith.constant 16 : i32
        %mul3A_764 = arith.muli %add3A_762, %mul3A_763 : i32
        %swap3A_765 = arith.constant 2 : i32
        %swap3A_766 = arith.index_cast %add3A_332 : i32 to index
        %swap3A_767 = arith.index_cast %swap3A_765 : i32 to index
        %swap3A_768 = arith.index_cast %mul3A_764 : i32 to index
        %swap3A_769 = tpu.vector_load %arg6[%swap3A_766, %swap3A_767, %swap3A_768] {strides = array<i32>} : memref<8x4x1024xf32, #tpu.memory_space<vmem>>, vector<1x1x16xf32>,
        %swap3A_770 = vector.shape_cast %swap3A_769 : vector<1x1x16xf32> to vector<16xf32>
        %swap3A_771 = vector.shape_cast %get3A_411 : vector<16xf32> to vector<1x1x16xf32>
        tpu.vector_store %arg6[%swap3A_766, %swap3A_767, %swap3A_768], %swap3A_771 {add = true, strides = array<i32>} : memref<8x4x1024xf32, #tpu.memory_space<vmem>>, vector<1x1x16xf32>,
        %mul3A_772 = arith.constant 8 : i32
        %mul3A_773 = arith.muli %add3A_342, %mul3A_772 : i32
        %add3A_774 = arith.constant 6 : i32
        %add3A_775 = arith.addi %mul3A_773, %add3A_774 : i32
        %mul3A_776 = arith.constant 16 : i32
        %mul3A_777 = arith.muli %add3A_775, %mul3A_776 : i32
        %swap3A_778 = arith.constant 3 : i32
        %swap3A_779 = arith.index_cast %add3A_332 : i32 to index
        %swap3A_780 = arith.index_cast %swap3A_778 : i32 to index
        %swap3A_781 = arith.index_cast %mul3A_777 : i32 to index
        %swap3A_782 = tpu.vector_load %arg6[%swap3A_779, %swap3A_780, %swap3A_781] {strides = array<i32>} : memref<8x4x1024xf32, #tpu.memory_space<vmem>>, vector<1x1x16xf32>,
        %swap3A_783 = vector.shape_cast %swap3A_782 : vector<1x1x16xf32> to vector<16xf32>
        %swap3A_784 = vector.shape_cast %get3A_411 : vector<16xf32> to vector<1x1x16xf32>
        tpu.vector_store %arg6[%swap3A_779, %swap3A_780, %swap3A_781], %swap3A_784 {add = true, strides = array<i32>} : memref<8x4x1024xf32, #tpu.memory_space<vmem>>, vector<1x1x16xf32>,
        %mul3A_785 = arith.constant 8 : i32
        %mul3A_786 = arith.muli %add3A_342, %mul3A_785 : i32
        %add3A_787 = arith.constant 7 : i32
        %add3A_788 = arith.addi %mul3A_786, %add3A_787 : i32
        %mul3A_789 = arith.constant 16 : i32
        %mul3A_790 = arith.muli %add3A_788, %mul3A_789 : i32
        %swap3A_791 = arith.constant 0 : i32
        %swap3A_792 = arith.index_cast %add3A_332 : i32 to index
        %swap3A_793 = arith.index_cast %swap3A_791 : i32 to index
        %swap3A_794 = arith.index_cast %mul3A_790 : i32 to index
        %swap3A_795 = tpu.vector_load %arg6[%swap3A_792, %swap3A_793, %swap3A_794] {strides = array<i32>} : memref<8x4x1024xf32, #tpu.memory_space<vmem>>, vector<1x1x16xf32>,
        %swap3A_796 = vector.shape_cast %swap3A_795 : vector<1x1x16xf32> to vector<16xf32>
        %swap3A_797 = vector.shape_cast %get3A_421 : vector<16xf32> to vector<1x1x16xf32>
        tpu.vector_store %arg6[%swap3A_792, %swap3A_793, %swap3A_794], %swap3A_797 {add = true, strides = array<i32>} : memref<8x4x1024xf32, #tpu.memory_space<vmem>>, vector<1x1x16xf32>,
        %mul3A_798 = arith.constant 8 : i32
        %mul3A_799 = arith.muli %add3A_342, %mul3A_798 : i32
        %add3A_800 = arith.constant 7 : i32
        %add3A_801 = arith.addi %mul3A_799, %add3A_800 : i32
        %mul3A_802 = arith.constant 16 : i32
        %mul3A_803 = arith.muli %add3A_801, %mul3A_802 : i32
        %swap3A_804 = arith.constant 1 : i32
        %swap3A_805 = arith.index_cast %add3A_332 : i32 to index
        %swap3A_806 = arith.index_cast %swap3A_804 : i32 to index
        %swap3A_807 = arith.index_cast %mul3A_803 : i32 to index
        %swap3A_808 = tpu.vector_load %arg6[%swap3A_805, %swap3A_806, %swap3A_807] {strides = array<i32>} : memref<8x4x1024xf32, #tpu.memory_space<vmem>>, vector<1x1x16xf32>,
        %swap3A_809 = vector.shape_cast %swap3A_808 : vector<1x1x16xf32> to vector<16xf32>
        %swap3A_810 = vector.shape_cast %get3A_421 : vector<16xf32> to vector<1x1x16xf32>
        tpu.vector_store %arg6[%swap3A_805, %swap3A_806, %swap3A_807], %swap3A_810 {add = true, strides = array<i32>} : memref<8x4x1024xf32, #tpu.memory_space<vmem>>, vector<1x1x16xf32>,
        %mul3A_811 = arith.constant 8 : i32
        %mul3A_812 = arith.muli %add3A_342, %mul3A_811 : i32
        %add3A_813 = arith.constant 7 : i32
        %add3A_814 = arith.addi %mul3A_812, %add3A_813 : i32
        %mul3A_815 = arith.constant 16 : i32
        %mul3A_816 = arith.muli %add3A_814, %mul3A_815 : i32
        %swap3A_817 = arith.constant 2 : i32
        %swap3A_818 = arith.index_cast %add3A_332 : i32 to index
        %swap3A_819 = arith.index_cast %swap3A_817 : i32 to index
        %swap3A_820 = arith.index_cast %mul3A_816 : i32 to index
        %swap3A_821 = tpu.vector_load %arg6[%swap3A_818, %swap3A_819, %swap3A_820] {strides = array<i32>} : memref<8x4x1024xf32, #tpu.memory_space<vmem>>, vector<1x1x16xf32>,
        %swap3A_822 = vector.shape_cast %swap3A_821 : vector<1x1x16xf32> to vector<16xf32>
        %swap3A_823 = vector.shape_cast %get3A_421 : vector<16xf32> to vector<1x1x16xf32>
        tpu.vector_store %arg6[%swap3A_818, %swap3A_819, %swap3A_820], %swap3A_823 {add = true, strides = array<i32>} : memref<8x4x1024xf32, #tpu.memory_space<vmem>>, vector<1x1x16xf32>,
        %mul3A_824 = arith.constant 8 : i32
        %mul3A_825 = arith.muli %add3A_342, %mul3A_824 : i32
        %add3A_826 = arith.constant 7 : i32
        %add3A_827 = arith.addi %mul3A_825, %add3A_826 : i32
        %mul3A_828 = arith.constant 16 : i32
        %mul3A_829 = arith.muli %add3A_827, %mul3A_828 : i32
        %swap3A_830 = arith.constant 3 : i32
        %swap3A_831 = arith.index_cast %add3A_332 : i32 to index
        %swap3A_832 = arith.index_cast %swap3A_830 : i32 to index
        %swap3A_833 = arith.index_cast %mul3A_829 : i32 to index
        %swap3A_834 = tpu.vector_load %arg6[%swap3A_831, %swap3A_832, %swap3A_833] {strides = array<i32>} : memref<8x4x1024xf32, #tpu.memory_space<vmem>>, vector<1x1x16xf32>,
        %swap3A_835 = vector.shape_cast %swap3A_834 : vector<1x1x16xf32> to vector<16xf32>
        %swap3A_836 = vector.shape_cast %get3A_421 : vector<16xf32> to vector<1x1x16xf32>
        tpu.vector_store %arg6[%swap3A_831, %swap3A_832, %swap3A_833], %swap3A_836 {add = true, strides = array<i32>} : memref<8x4x1024xf32, #tpu.memory_space<vmem>>, vector<1x1x16xf32>,
      }
      %scan3A_337 = arith.constant 8 : i32
    }
    %scan3A_196 = arith.constant 8 : i32
    %add3A_197 = arith.constant 32 : i32
    %add3A_198 = arith.addi %mul3A_2, %add3A_197 : i32
    %dma_start3A_199 = arith.constant 0 : i32
    %dma_start3A_200 = arith.constant 0 : i32
    %dma_start3A_201 = tpu.memref_slice %arg4[%add3A_198, %dma_start3A_199, %dma_start3A_200] : memref<2048x4x1024xf32, #tpu.memory_space<hbm>> -> memref<8x4x1024xf32, #tpu.memory_space<hbm>>
    %dma_start3A_202 = arith.constant 0 : i32
    %dma_start3A_203 = arith.constant 0 : i32
    %dma_start3A_204 = tpu.memref_slice %arg4[%add3A_198, %dma_start3A_202, %dma_start3A_203] : memref<2048x4x1024xf32, #tpu.memory_space<hbm>> -> memref<8x4x1024xf32, #tpu.memory_space<hbm>>
    tpu.enqueue_dma source(%arg6 : memref<8x4x1024xf32, #tpu.memory_space<vmem>>) target(%dma_start3A_204 : memref<8x4x1024xf32, #tpu.memory_space<hbm>>) target_semaphore(%arg18 : memref<!tpu.dma_semaphore, #tpu.memory_space<semaphore_mem>>)
    %dma_wait3A_205 = arith.constant 0 : i32
    %dma_wait3A_206 = arith.constant 0 : i32
    %dma_wait3A_207 = tpu.memref_slice %arg4[%add3A_157, %dma_wait3A_205, %dma_wait3A_206] : memref<2048x4x1024xf32, #tpu.memory_space<hbm>> -> memref<8x4x1024xf32, #tpu.memory_space<hbm>>
    %dma_wait3A_208 = arith.constant 0 : i32
    %dma_wait3A_209 = arith.constant 0 : i32
    %dma_wait3A_210 = tpu.memref_slice %arg4[%add3A_157, %dma_wait3A_208, %dma_wait3A_209] : memref<2048x4x1024xf32, #tpu.memory_space<hbm>> -> memref<8x4x1024xf32, #tpu.memory_space<hbm>>
    tpu.wait_dma2 semaphore(%arg17 : memref<!tpu.dma_semaphore, #tpu.memory_space<semaphore_mem>>) src(%arg5 : memref<8x4x1024xf32, #tpu.memory_space<vmem>>) dst(%dma_wait3A_210 : memref<8x4x1024xf32, #tpu.memory_space<hbm>>)
    %add3A_211 = arith.constant 48 : i32
    %add3A_212 = arith.addi %mul3A_2, %add3A_211 : i32
    %dma_start3A_213 = arith.constant 0 : i32
    %dma_start3A_214 = arith.constant 0 : i32
    %dma_start3A_215 = tpu.memref_slice %arg2[%add3A_212, %dma_start3A_213, %dma_start3A_214] : memref<2048x4x1024xf32, #tpu.memory_space<hbm>> -> memref<8x4x1024xf32, #tpu.memory_space<hbm>>
    %dma_start3A_216 = arith.constant 0 : i32
    %dma_start3A_217 = arith.constant 0 : i32
    %dma_start3A_218 = tpu.memref_slice %arg2[%add3A_212, %dma_start3A_216, %dma_start3A_217] : memref<2048x4x1024xf32, #tpu.memory_space<hbm>> -> memref<8x4x1024xf32, #tpu.memory_space<hbm>>
    tpu.enqueue_dma source(%dma_start3A_218 : memref<8x4x1024xf32, #tpu.memory_space<hbm>>) target(%arg5 : memref<8x4x1024xf32, #tpu.memory_space<vmem>>) target_semaphore(%arg11 : memref<!tpu.dma_semaphore, #tpu.memory_space<semaphore_mem>>)
    %dma_start3A_219 = arith.constant 0 : i32
    %dma_start3A_220 = tpu.memref_slice %arg3[%add3A_212, %dma_start3A_219] : memref<2048x1024xf32, #tpu.memory_space<hbm>> -> memref<8x1024xf32, #tpu.memory_space<hbm>>
    %dma_start3A_221 = arith.constant 0 : i32
    %dma_start3A_222 = tpu.memref_slice %arg3[%add3A_212, %dma_start3A_221] : memref<2048x1024xf32, #tpu.memory_space<hbm>> -> memref<8x1024xf32, #tpu.memory_space<hbm>>
    tpu.enqueue_dma source(%dma_start3A_222 : memref<8x1024xf32, #tpu.memory_space<hbm>>) target(%arg8 : memref<8x1024xf32, #tpu.memory_space<vmem>>) target_semaphore(%arg14 : memref<!tpu.dma_semaphore, #tpu.memory_space<semaphore_mem>>)
    %dma_wait3A_223 = arith.constant 0 : i32
    %dma_wait3A_224 = arith.constant 0 : i32
    %dma_wait3A_225 = tpu.memref_slice %arg2[%add3A_171, %dma_wait3A_223, %dma_wait3A_224] : memref<2048x4x1024xf32, #tpu.memory_space<hbm>> -> memref<8x4x1024xf32, #tpu.memory_space<hbm>>
    %dma_wait3A_226 = arith.constant 0 : i32
    %dma_wait3A_227 = arith.constant 0 : i32
    %dma_wait3A_228 = tpu.memref_slice %arg2[%add3A_171, %dma_wait3A_226, %dma_wait3A_227] : memref<2048x4x1024xf32, #tpu.memory_space<hbm>> -> memref<8x4x1024xf32, #tpu.memory_space<hbm>>
    tpu.wait_dma2 semaphore(%arg13 : memref<!tpu.dma_semaphore, #tpu.memory_space<semaphore_mem>>) src(%dma_wait3A_228 : memref<8x4x1024xf32, #tpu.memory_space<hbm>>) dst(%arg7 : memref<8x4x1024xf32, #tpu.memory_space<vmem>>)
    %dma_wait3A_229 = arith.constant 0 : i32
    %dma_wait3A_230 = tpu.memref_slice %arg3[%add3A_171, %dma_wait3A_229] : memref<2048x1024xf32, #tpu.memory_space<hbm>> -> memref<8x1024xf32, #tpu.memory_space<hbm>>
    %dma_wait3A_231 = arith.constant 0 : i32
    %dma_wait3A_232 = tpu.memref_slice %arg3[%add3A_171, %dma_wait3A_231] : memref<2048x1024xf32, #tpu.memory_space<hbm>> -> memref<8x1024xf32, #tpu.memory_space<hbm>>
    tpu.wait_dma2 semaphore(%arg16 : memref<!tpu.dma_semaphore, #tpu.memory_space<semaphore_mem>>) src(%dma_wait3A_232 : memref<8x1024xf32, #tpu.memory_space<hbm>>) dst(%arg10 : memref<8x1024xf32, #tpu.memory_space<vmem>>)
    %scan3A_233 = arith.constant 0 : i32
    %scan3A_234 = arith.constant 8 : i32
    %scan3A_235 = arith.addi %scan3A_233, %scan3A_234 : i32
    %scan3A_236 = arith.constant 1 : i32
    scf.for %scan3A_328 = %scan3A_233 to %scan3A_235 step %scan3A_236  : i32 {
      %mul3A_329 = arith.constant 1 : i32
      %mul3A_330 = arith.muli %scan3A_328, %mul3A_329 : i32
      %add3A_331 = arith.constant 0 : i32
      %add3A_332 = arith.addi %add3A_331, %mul3A_330 : i32
      %scan3A_333 = arith.constant 0 : i32
      %scan3A_334 = arith.constant 8 : i32
      %scan3A_335 = arith.addi %scan3A_333, %scan3A_334 : i32
      %scan3A_336 = arith.constant 1 : i32
      scf.for %scan3A_338 = %scan3A_333 to %scan3A_335 step %scan3A_336  : i32 {
        %mul3A_339 = arith.constant 1 : i32
        %mul3A_340 = arith.muli %scan3A_338, %mul3A_339 : i32
        %add3A_341 = arith.constant 0 : i32
        %add3A_342 = arith.addi %add3A_341, %mul3A_340 : i32
        %mul3A_343 = arith.constant 8 : i32
        %mul3A_344 = arith.muli %add3A_342, %mul3A_343 : i32
        %add3A_345 = arith.constant 0 : i32
        %add3A_346 = arith.addi %mul3A_344, %add3A_345 : i32
        %mul3A_347 = arith.constant 16 : i32
        %mul3A_348 = arith.muli %add3A_346, %mul3A_347 : i32
        %get3A = arith.index_cast %add3A_332 : i32 to index
        %get3A_349 = arith.index_cast %mul3A_348 : i32 to index
        %get3A_350 = tpu.vector_load %arg10[%get3A, %get3A_349] {strides = array<i32>} : memref<8x1024xf32, #tpu.memory_space<vmem>>, vector<1x16xf32>,
        %get3A_351 = vector.shape_cast %get3A_350 : vector<1x16xf32> to vector<16xf32>
        %mul3A_352 = arith.constant 8 : i32
        %mul3A_353 = arith.muli %add3A_342, %mul3A_352 : i32
        %add3A_354 = arith.constant 1 : i32
        %add3A_355 = arith.addi %mul3A_353, %add3A_354 : i32
        %mul3A_356 = arith.constant 16 : i32
        %mul3A_357 = arith.muli %add3A_355, %mul3A_356 : i32
        %get3A_358 = arith.index_cast %add3A_332 : i32 to index
        %get3A_359 = arith.index_cast %mul3A_357 : i32 to index
        %get3A_360 = tpu.vector_load %arg10[%get3A_358, %get3A_359] {strides = array<i32>} : memref<8x1024xf32, #tpu.memory_space<vmem>>, vector<1x16xf32>,
        %get3A_361 = vector.shape_cast %get3A_360 : vector<1x16xf32> to vector<16xf32>
        %mul3A_362 = arith.constant 8 : i32
        %mul3A_363 = arith.muli %add3A_342, %mul3A_362 : i32
        %add3A_364 = arith.constant 2 : i32
        %add3A_365 = arith.addi %mul3A_363, %add3A_364 : i32
        %mul3A_366 = arith.constant 16 : i32
        %mul3A_367 = arith.muli %add3A_365, %mul3A_366 : i32
        %get3A_368 = arith.index_cast %add3A_332 : i32 to index
        %get3A_369 = arith.index_cast %mul3A_367 : i32 to index
        %get3A_370 = tpu.vector_load %arg10[%get3A_368, %get3A_369] {strides = array<i32>} : memref<8x1024xf32, #tpu.memory_space<vmem>>, vector<1x16xf32>,
        %get3A_371 = vector.shape_cast %get3A_370 : vector<1x16xf32> to vector<16xf32>
        %mul3A_372 = arith.constant 8 : i32
        %mul3A_373 = arith.muli %add3A_342, %mul3A_372 : i32
        %add3A_374 = arith.constant 3 : i32
        %add3A_375 = arith.addi %mul3A_373, %add3A_374 : i32
        %mul3A_376 = arith.constant 16 : i32
        %mul3A_377 = arith.muli %add3A_375, %mul3A_376 : i32
        %get3A_378 = arith.index_cast %add3A_332 : i32 to index
        %get3A_379 = arith.index_cast %mul3A_377 : i32 to index
        %get3A_380 = tpu.vector_load %arg10[%get3A_378, %get3A_379] {strides = array<i32>} : memref<8x1024xf32, #tpu.memory_space<vmem>>, vector<1x16xf32>,
        %get3A_381 = vector.shape_cast %get3A_380 : vector<1x16xf32> to vector<16xf32>
        %mul3A_382 = arith.constant 8 : i32
        %mul3A_383 = arith.muli %add3A_342, %mul3A_382 : i32
        %add3A_384 = arith.constant 4 : i32
        %add3A_385 = arith.addi %mul3A_383, %add3A_384 : i32
        %mul3A_386 = arith.constant 16 : i32
        %mul3A_387 = arith.muli %add3A_385, %mul3A_386 : i32
        %get3A_388 = arith.index_cast %add3A_332 : i32 to index
        %get3A_389 = arith.index_cast %mul3A_387 : i32 to index
        %get3A_390 = tpu.vector_load %arg10[%get3A_388, %get3A_389] {strides = array<i32>} : memref<8x1024xf32, #tpu.memory_space<vmem>>, vector<1x16xf32>,
        %get3A_391 = vector.shape_cast %get3A_390 : vector<1x16xf32> to vector<16xf32>
        %mul3A_392 = arith.constant 8 : i32
        %mul3A_393 = arith.muli %add3A_342, %mul3A_392 : i32
        %add3A_394 = arith.constant 5 : i32
        %add3A_395 = arith.addi %mul3A_393, %add3A_394 : i32
        %mul3A_396 = arith.constant 16 : i32
        %mul3A_397 = arith.muli %add3A_395, %mul3A_396 : i32
        %get3A_398 = arith.index_cast %add3A_332 : i32 to index
        %get3A_399 = arith.index_cast %mul3A_397 : i32 to index
        %get3A_400 = tpu.vector_load %arg10[%get3A_398, %get3A_399] {strides = array<i32>} : memref<8x1024xf32, #tpu.memory_space<vmem>>, vector<1x16xf32>,
        %get3A_401 = vector.shape_cast %get3A_400 : vector<1x16xf32> to vector<16xf32>
        %mul3A_402 = arith.constant 8 : i32
        %mul3A_403 = arith.muli %add3A_342, %mul3A_402 : i32
        %add3A_404 = arith.constant 6 : i32
        %add3A_405 = arith.addi %mul3A_403, %add3A_404 : i32
        %mul3A_406 = arith.constant 16 : i32
        %mul3A_407 = arith.muli %add3A_405, %mul3A_406 : i32
        %get3A_408 = arith.index_cast %add3A_332 : i32 to index
        %get3A_409 = arith.index_cast %mul3A_407 : i32 to index
        %get3A_410 = tpu.vector_load %arg10[%get3A_408, %get3A_409] {strides = array<i32>} : memref<8x1024xf32, #tpu.memory_space<vmem>>, vector<1x16xf32>,
        %get3A_411 = vector.shape_cast %get3A_410 : vector<1x16xf32> to vector<16xf32>
        %mul3A_412 = arith.constant 8 : i32
        %mul3A_413 = arith.muli %add3A_342, %mul3A_412 : i32
        %add3A_414 = arith.constant 7 : i32
        %add3A_415 = arith.addi %mul3A_413, %add3A_414 : i32
        %mul3A_416 = arith.constant 16 : i32
        %mul3A_417 = arith.muli %add3A_415, %mul3A_416 : i32
        %get3A_418 = arith.index_cast %add3A_332 : i32 to index
        %get3A_419 = arith.index_cast %mul3A_417 : i32 to index
        %get3A_420 = tpu.vector_load %arg10[%get3A_418, %get3A_419] {strides = array<i32>} : memref<8x1024xf32, #tpu.memory_space<vmem>>, vector<1x16xf32>,
        %get3A_421 = vector.shape_cast %get3A_420 : vector<1x16xf32> to vector<16xf32>
        %mul3A_422 = arith.constant 8 : i32
        %mul3A_423 = arith.muli %add3A_342, %mul3A_422 : i32
        %add3A_424 = arith.constant 0 : i32
        %add3A_425 = arith.addi %mul3A_423, %add3A_424 : i32
        %mul3A_426 = arith.constant 16 : i32
        %mul3A_427 = arith.muli %add3A_425, %mul3A_426 : i32
        %swap3A = arith.constant 0 : i32
        %swap3A_428 = arith.index_cast %add3A_332 : i32 to index
        %swap3A_429 = arith.index_cast %swap3A : i32 to index
        %swap3A_430 = arith.index_cast %mul3A_427 : i32 to index
        %swap3A_431 = tpu.vector_load %arg7[%swap3A_428, %swap3A_429, %swap3A_430] {strides = array<i32>} : memref<8x4x1024xf32, #tpu.memory_space<vmem>>, vector<1x1x16xf32>,
        %swap3A_432 = vector.shape_cast %swap3A_431 : vector<1x1x16xf32> to vector<16xf32>
        %swap3A_433 = vector.shape_cast %get3A_351 : vector<16xf32> to vector<1x1x16xf32>
        tpu.vector_store %arg7[%swap3A_428, %swap3A_429, %swap3A_430], %swap3A_433 {add = true, strides = array<i32>} : memref<8x4x1024xf32, #tpu.memory_space<vmem>>, vector<1x1x16xf32>,
        %mul3A_434 = arith.constant 8 : i32
        %mul3A_435 = arith.muli %add3A_342, %mul3A_434 : i32
        %add3A_436 = arith.constant 0 : i32
        %add3A_437 = arith.addi %mul3A_435, %add3A_436 : i32
        %mul3A_438 = arith.constant 16 : i32
        %mul3A_439 = arith.muli %add3A_437, %mul3A_438 : i32
        %swap3A_440 = arith.constant 1 : i32
        %swap3A_441 = arith.index_cast %add3A_332 : i32 to index
        %swap3A_442 = arith.index_cast %swap3A_440 : i32 to index
        %swap3A_443 = arith.index_cast %mul3A_439 : i32 to index
        %swap3A_444 = tpu.vector_load %arg7[%swap3A_441, %swap3A_442, %swap3A_443] {strides = array<i32>} : memref<8x4x1024xf32, #tpu.memory_space<vmem>>, vector<1x1x16xf32>,
        %swap3A_445 = vector.shape_cast %swap3A_444 : vector<1x1x16xf32> to vector<16xf32>
        %swap3A_446 = vector.shape_cast %get3A_351 : vector<16xf32> to vector<1x1x16xf32>
        tpu.vector_store %arg7[%swap3A_441, %swap3A_442, %swap3A_443], %swap3A_446 {add = true, strides = array<i32>} : memref<8x4x1024xf32, #tpu.memory_space<vmem>>, vector<1x1x16xf32>,
        %mul3A_447 = arith.constant 8 : i32
        %mul3A_448 = arith.muli %add3A_342, %mul3A_447 : i32
        %add3A_449 = arith.constant 0 : i32
        %add3A_450 = arith.addi %mul3A_448, %add3A_449 : i32
        %mul3A_451 = arith.constant 16 : i32
        %mul3A_452 = arith.muli %add3A_450, %mul3A_451 : i32
        %swap3A_453 = arith.constant 2 : i32
        %swap3A_454 = arith.index_cast %add3A_332 : i32 to index
        %swap3A_455 = arith.index_cast %swap3A_453 : i32 to index
        %swap3A_456 = arith.index_cast %mul3A_452 : i32 to index
        %swap3A_457 = tpu.vector_load %arg7[%swap3A_454, %swap3A_455, %swap3A_456] {strides = array<i32>} : memref<8x4x1024xf32, #tpu.memory_space<vmem>>, vector<1x1x16xf32>,
        %swap3A_458 = vector.shape_cast %swap3A_457 : vector<1x1x16xf32> to vector<16xf32>
        %swap3A_459 = vector.shape_cast %get3A_351 : vector<16xf32> to vector<1x1x16xf32>
        tpu.vector_store %arg7[%swap3A_454, %swap3A_455, %swap3A_456], %swap3A_459 {add = true, strides = array<i32>} : memref<8x4x1024xf32, #tpu.memory_space<vmem>>, vector<1x1x16xf32>,
        %mul3A_460 = arith.constant 8 : i32
        %mul3A_461 = arith.muli %add3A_342, %mul3A_460 : i32
        %add3A_462 = arith.constant 0 : i32
        %add3A_463 = arith.addi %mul3A_461, %add3A_462 : i32
        %mul3A_464 = arith.constant 16 : i32
        %mul3A_465 = arith.muli %add3A_463, %mul3A_464 : i32
        %swap3A_466 = arith.constant 3 : i32
        %swap3A_467 = arith.index_cast %add3A_332 : i32 to index
        %swap3A_468 = arith.index_cast %swap3A_466 : i32 to index
        %swap3A_469 = arith.index_cast %mul3A_465 : i32 to index
        %swap3A_470 = tpu.vector_load %arg7[%swap3A_467, %swap3A_468, %swap3A_469] {strides = array<i32>} : memref<8x4x1024xf32, #tpu.memory_space<vmem>>, vector<1x1x16xf32>,
        %swap3A_471 = vector.shape_cast %swap3A_470 : vector<1x1x16xf32> to vector<16xf32>
        %swap3A_472 = vector.shape_cast %get3A_351 : vector<16xf32> to vector<1x1x16xf32>
        tpu.vector_store %arg7[%swap3A_467, %swap3A_468, %swap3A_469], %swap3A_472 {add = true, strides = array<i32>} : memref<8x4x1024xf32, #tpu.memory_space<vmem>>, vector<1x1x16xf32>,
        %mul3A_473 = arith.constant 8 : i32
        %mul3A_474 = arith.muli %add3A_342, %mul3A_473 : i32
        %add3A_475 = arith.constant 1 : i32
        %add3A_476 = arith.addi %mul3A_474, %add3A_475 : i32
        %mul3A_477 = arith.constant 16 : i32
        %mul3A_478 = arith.muli %add3A_476, %mul3A_477 : i32
        %swap3A_479 = arith.constant 0 : i32
        %swap3A_480 = arith.index_cast %add3A_332 : i32 to index
        %swap3A_481 = arith.index_cast %swap3A_479 : i32 to index
        %swap3A_482 = arith.index_cast %mul3A_478 : i32 to index
        %swap3A_483 = tpu.vector_load %arg7[%swap3A_480, %swap3A_481, %swap3A_482] {strides = array<i32>} : memref<8x4x1024xf32, #tpu.memory_space<vmem>>, vector<1x1x16xf32>,
        %swap3A_484 = vector.shape_cast %swap3A_483 : vector<1x1x16xf32> to vector<16xf32>
        %swap3A_485 = vector.shape_cast %get3A_361 : vector<16xf32> to vector<1x1x16xf32>
        tpu.vector_store %arg7[%swap3A_480, %swap3A_481, %swap3A_482], %swap3A_485 {add = true, strides = array<i32>} : memref<8x4x1024xf32, #tpu.memory_space<vmem>>, vector<1x1x16xf32>,
        %mul3A_486 = arith.constant 8 : i32
        %mul3A_487 = arith.muli %add3A_342, %mul3A_486 : i32
        %add3A_488 = arith.constant 1 : i32
        %add3A_489 = arith.addi %mul3A_487, %add3A_488 : i32
        %mul3A_490 = arith.constant 16 : i32
        %mul3A_491 = arith.muli %add3A_489, %mul3A_490 : i32
        %swap3A_492 = arith.constant 1 : i32
        %swap3A_493 = arith.index_cast %add3A_332 : i32 to index
        %swap3A_494 = arith.index_cast %swap3A_492 : i32 to index
        %swap3A_495 = arith.index_cast %mul3A_491 : i32 to index
        %swap3A_496 = tpu.vector_load %arg7[%swap3A_493, %swap3A_494, %swap3A_495] {strides = array<i32>} : memref<8x4x1024xf32, #tpu.memory_space<vmem>>, vector<1x1x16xf32>,
        %swap3A_497 = vector.shape_cast %swap3A_496 : vector<1x1x16xf32> to vector<16xf32>
        %swap3A_498 = vector.shape_cast %get3A_361 : vector<16xf32> to vector<1x1x16xf32>
        tpu.vector_store %arg7[%swap3A_493, %swap3A_494, %swap3A_495], %swap3A_498 {add = true, strides = array<i32>} : memref<8x4x1024xf32, #tpu.memory_space<vmem>>, vector<1x1x16xf32>,
        %mul3A_499 = arith.constant 8 : i32
        %mul3A_500 = arith.muli %add3A_342, %mul3A_499 : i32
        %add3A_501 = arith.constant 1 : i32
        %add3A_502 = arith.addi %mul3A_500, %add3A_501 : i32
        %mul3A_503 = arith.constant 16 : i32
        %mul3A_504 = arith.muli %add3A_502, %mul3A_503 : i32
        %swap3A_505 = arith.constant 2 : i32
        %swap3A_506 = arith.index_cast %add3A_332 : i32 to index
        %swap3A_507 = arith.index_cast %swap3A_505 : i32 to index
        %swap3A_508 = arith.index_cast %mul3A_504 : i32 to index
        %swap3A_509 = tpu.vector_load %arg7[%swap3A_506, %swap3A_507, %swap3A_508] {strides = array<i32>} : memref<8x4x1024xf32, #tpu.memory_space<vmem>>, vector<1x1x16xf32>,
        %swap3A_510 = vector.shape_cast %swap3A_509 : vector<1x1x16xf32> to vector<16xf32>
        %swap3A_511 = vector.shape_cast %get3A_361 : vector<16xf32> to vector<1x1x16xf32>
        tpu.vector_store %arg7[%swap3A_506, %swap3A_507, %swap3A_508], %swap3A_511 {add = true, strides = array<i32>} : memref<8x4x1024xf32, #tpu.memory_space<vmem>>, vector<1x1x16xf32>,
        %mul3A_512 = arith.constant 8 : i32
        %mul3A_513 = arith.muli %add3A_342, %mul3A_512 : i32
        %add3A_514 = arith.constant 1 : i32
        %add3A_515 = arith.addi %mul3A_513, %add3A_514 : i32
        %mul3A_516 = arith.constant 16 : i32
        %mul3A_517 = arith.muli %add3A_515, %mul3A_516 : i32
        %swap3A_518 = arith.constant 3 : i32
        %swap3A_519 = arith.index_cast %add3A_332 : i32 to index
        %swap3A_520 = arith.index_cast %swap3A_518 : i32 to index
        %swap3A_521 = arith.index_cast %mul3A_517 : i32 to index
        %swap3A_522 = tpu.vector_load %arg7[%swap3A_519, %swap3A_520, %swap3A_521] {strides = array<i32>} : memref<8x4x1024xf32, #tpu.memory_space<vmem>>, vector<1x1x16xf32>,
        %swap3A_523 = vector.shape_cast %swap3A_522 : vector<1x1x16xf32> to vector<16xf32>
        %swap3A_524 = vector.shape_cast %get3A_361 : vector<16xf32> to vector<1x1x16xf32>
        tpu.vector_store %arg7[%swap3A_519, %swap3A_520, %swap3A_521], %swap3A_524 {add = true, strides = array<i32>} : memref<8x4x1024xf32, #tpu.memory_space<vmem>>, vector<1x1x16xf32>,
        %mul3A_525 = arith.constant 8 : i32
        %mul3A_526 = arith.muli %add3A_342, %mul3A_525 : i32
        %add3A_527 = arith.constant 2 : i32
        %add3A_528 = arith.addi %mul3A_526, %add3A_527 : i32
        %mul3A_529 = arith.constant 16 : i32
        %mul3A_530 = arith.muli %add3A_528, %mul3A_529 : i32
        %swap3A_531 = arith.constant 0 : i32
        %swap3A_532 = arith.index_cast %add3A_332 : i32 to index
        %swap3A_533 = arith.index_cast %swap3A_531 : i32 to index
        %swap3A_534 = arith.index_cast %mul3A_530 : i32 to index
        %swap3A_535 = tpu.vector_load %arg7[%swap3A_532, %swap3A_533, %swap3A_534] {strides = array<i32>} : memref<8x4x1024xf32, #tpu.memory_space<vmem>>, vector<1x1x16xf32>,
        %swap3A_536 = vector.shape_cast %swap3A_535 : vector<1x1x16xf32> to vector<16xf32>
        %swap3A_537 = vector.shape_cast %get3A_371 : vector<16xf32> to vector<1x1x16xf32>
        tpu.vector_store %arg7[%swap3A_532, %swap3A_533, %swap3A_534], %swap3A_537 {add = true, strides = array<i32>} : memref<8x4x1024xf32, #tpu.memory_space<vmem>>, vector<1x1x16xf32>,
        %mul3A_538 = arith.constant 8 : i32
        %mul3A_539 = arith.muli %add3A_342, %mul3A_538 : i32
        %add3A_540 = arith.constant 2 : i32
        %add3A_541 = arith.addi %mul3A_539, %add3A_540 : i32
        %mul3A_542 = arith.constant 16 : i32
        %mul3A_543 = arith.muli %add3A_541, %mul3A_542 : i32
        %swap3A_544 = arith.constant 1 : i32
        %swap3A_545 = arith.index_cast %add3A_332 : i32 to index
        %swap3A_546 = arith.index_cast %swap3A_544 : i32 to index
        %swap3A_547 = arith.index_cast %mul3A_543 : i32 to index
        %swap3A_548 = tpu.vector_load %arg7[%swap3A_545, %swap3A_546, %swap3A_547] {strides = array<i32>} : memref<8x4x1024xf32, #tpu.memory_space<vmem>>, vector<1x1x16xf32>,
        %swap3A_549 = vector.shape_cast %swap3A_548 : vector<1x1x16xf32> to vector<16xf32>
        %swap3A_550 = vector.shape_cast %get3A_371 : vector<16xf32> to vector<1x1x16xf32>
        tpu.vector_store %arg7[%swap3A_545, %swap3A_546, %swap3A_547], %swap3A_550 {add = true, strides = array<i32>} : memref<8x4x1024xf32, #tpu.memory_space<vmem>>, vector<1x1x16xf32>,
        %mul3A_551 = arith.constant 8 : i32
        %mul3A_552 = arith.muli %add3A_342, %mul3A_551 : i32
        %add3A_553 = arith.constant 2 : i32
        %add3A_554 = arith.addi %mul3A_552, %add3A_553 : i32
        %mul3A_555 = arith.constant 16 : i32
        %mul3A_556 = arith.muli %add3A_554, %mul3A_555 : i32
        %swap3A_557 = arith.constant 2 : i32
        %swap3A_558 = arith.index_cast %add3A_332 : i32 to index
        %swap3A_559 = arith.index_cast %swap3A_557 : i32 to index
        %swap3A_560 = arith.index_cast %mul3A_556 : i32 to index
        %swap3A_561 = tpu.vector_load %arg7[%swap3A_558, %swap3A_559, %swap3A_560] {strides = array<i32>} : memref<8x4x1024xf32, #tpu.memory_space<vmem>>, vector<1x1x16xf32>,
        %swap3A_562 = vector.shape_cast %swap3A_561 : vector<1x1x16xf32> to vector<16xf32>
        %swap3A_563 = vector.shape_cast %get3A_371 : vector<16xf32> to vector<1x1x16xf32>
        tpu.vector_store %arg7[%swap3A_558, %swap3A_559, %swap3A_560], %swap3A_563 {add = true, strides = array<i32>} : memref<8x4x1024xf32, #tpu.memory_space<vmem>>, vector<1x1x16xf32>,
        %mul3A_564 = arith.constant 8 : i32
        %mul3A_565 = arith.muli %add3A_342, %mul3A_564 : i32
        %add3A_566 = arith.constant 2 : i32
        %add3A_567 = arith.addi %mul3A_565, %add3A_566 : i32
        %mul3A_568 = arith.constant 16 : i32
        %mul3A_569 = arith.muli %add3A_567, %mul3A_568 : i32
        %swap3A_570 = arith.constant 3 : i32
        %swap3A_571 = arith.index_cast %add3A_332 : i32 to index
        %swap3A_572 = arith.index_cast %swap3A_570 : i32 to index
        %swap3A_573 = arith.index_cast %mul3A_569 : i32 to index
        %swap3A_574 = tpu.vector_load %arg7[%swap3A_571, %swap3A_572, %swap3A_573] {strides = array<i32>} : memref<8x4x1024xf32, #tpu.memory_space<vmem>>, vector<1x1x16xf32>,
        %swap3A_575 = vector.shape_cast %swap3A_574 : vector<1x1x16xf32> to vector<16xf32>
        %swap3A_576 = vector.shape_cast %get3A_371 : vector<16xf32> to vector<1x1x16xf32>
        tpu.vector_store %arg7[%swap3A_571, %swap3A_572, %swap3A_573], %swap3A_576 {add = true, strides = array<i32>} : memref<8x4x1024xf32, #tpu.memory_space<vmem>>, vector<1x1x16xf32>,
        %mul3A_577 = arith.constant 8 : i32
        %mul3A_578 = arith.muli %add3A_342, %mul3A_577 : i32
        %add3A_579 = arith.constant 3 : i32
        %add3A_580 = arith.addi %mul3A_578, %add3A_579 : i32
        %mul3A_581 = arith.constant 16 : i32
        %mul3A_582 = arith.muli %add3A_580, %mul3A_581 : i32
        %swap3A_583 = arith.constant 0 : i32
        %swap3A_584 = arith.index_cast %add3A_332 : i32 to index
        %swap3A_585 = arith.index_cast %swap3A_583 : i32 to index
        %swap3A_586 = arith.index_cast %mul3A_582 : i32 to index
        %swap3A_587 = tpu.vector_load %arg7[%swap3A_584, %swap3A_585, %swap3A_586] {strides = array<i32>} : memref<8x4x1024xf32, #tpu.memory_space<vmem>>, vector<1x1x16xf32>,
        %swap3A_588 = vector.shape_cast %swap3A_587 : vector<1x1x16xf32> to vector<16xf32>
        %swap3A_589 = vector.shape_cast %get3A_381 : vector<16xf32> to vector<1x1x16xf32>
        tpu.vector_store %arg7[%swap3A_584, %swap3A_585, %swap3A_586], %swap3A_589 {add = true, strides = array<i32>} : memref<8x4x1024xf32, #tpu.memory_space<vmem>>, vector<1x1x16xf32>,
        %mul3A_590 = arith.constant 8 : i32
        %mul3A_591 = arith.muli %add3A_342, %mul3A_590 : i32
        %add3A_592 = arith.constant 3 : i32
        %add3A_593 = arith.addi %mul3A_591, %add3A_592 : i32
        %mul3A_594 = arith.constant 16 : i32
        %mul3A_595 = arith.muli %add3A_593, %mul3A_594 : i32
        %swap3A_596 = arith.constant 1 : i32
        %swap3A_597 = arith.index_cast %add3A_332 : i32 to index
        %swap3A_598 = arith.index_cast %swap3A_596 : i32 to index
        %swap3A_599 = arith.index_cast %mul3A_595 : i32 to index
        %swap3A_600 = tpu.vector_load %arg7[%swap3A_597, %swap3A_598, %swap3A_599] {strides = array<i32>} : memref<8x4x1024xf32, #tpu.memory_space<vmem>>, vector<1x1x16xf32>,
        %swap3A_601 = vector.shape_cast %swap3A_600 : vector<1x1x16xf32> to vector<16xf32>
        %swap3A_602 = vector.shape_cast %get3A_381 : vector<16xf32> to vector<1x1x16xf32>
        tpu.vector_store %arg7[%swap3A_597, %swap3A_598, %swap3A_599], %swap3A_602 {add = true, strides = array<i32>} : memref<8x4x1024xf32, #tpu.memory_space<vmem>>, vector<1x1x16xf32>,
        %mul3A_603 = arith.constant 8 : i32
        %mul3A_604 = arith.muli %add3A_342, %mul3A_603 : i32
        %add3A_605 = arith.constant 3 : i32
        %add3A_606 = arith.addi %mul3A_604, %add3A_605 : i32
        %mul3A_607 = arith.constant 16 : i32
        %mul3A_608 = arith.muli %add3A_606, %mul3A_607 : i32
        %swap3A_609 = arith.constant 2 : i32
        %swap3A_610 = arith.index_cast %add3A_332 : i32 to index
        %swap3A_611 = arith.index_cast %swap3A_609 : i32 to index
        %swap3A_612 = arith.index_cast %mul3A_608 : i32 to index
        %swap3A_613 = tpu.vector_load %arg7[%swap3A_610, %swap3A_611, %swap3A_612] {strides = array<i32>} : memref<8x4x1024xf32, #tpu.memory_space<vmem>>, vector<1x1x16xf32>,
        %swap3A_614 = vector.shape_cast %swap3A_613 : vector<1x1x16xf32> to vector<16xf32>
        %swap3A_615 = vector.shape_cast %get3A_381 : vector<16xf32> to vector<1x1x16xf32>
        tpu.vector_store %arg7[%swap3A_610, %swap3A_611, %swap3A_612], %swap3A_615 {add = true, strides = array<i32>} : memref<8x4x1024xf32, #tpu.memory_space<vmem>>, vector<1x1x16xf32>,
        %mul3A_616 = arith.constant 8 : i32
        %mul3A_617 = arith.muli %add3A_342, %mul3A_616 : i32
        %add3A_618 = arith.constant 3 : i32
        %add3A_619 = arith.addi %mul3A_617, %add3A_618 : i32
        %mul3A_620 = arith.constant 16 : i32
        %mul3A_621 = arith.muli %add3A_619, %mul3A_620 : i32
        %swap3A_622 = arith.constant 3 : i32
        %swap3A_623 = arith.index_cast %add3A_332 : i32 to index
        %swap3A_624 = arith.index_cast %swap3A_622 : i32 to index
        %swap3A_625 = arith.index_cast %mul3A_621 : i32 to index
        %swap3A_626 = tpu.vector_load %arg7[%swap3A_623, %swap3A_624, %swap3A_625] {strides = array<i32>} : memref<8x4x1024xf32, #tpu.memory_space<vmem>>, vector<1x1x16xf32>,
        %swap3A_627 = vector.shape_cast %swap3A_626 : vector<1x1x16xf32> to vector<16xf32>
        %swap3A_628 = vector.shape_cast %get3A_381 : vector<16xf32> to vector<1x1x16xf32>
        tpu.vector_store %arg7[%swap3A_623, %swap3A_624, %swap3A_625], %swap3A_628 {add = true, strides = array<i32>} : memref<8x4x1024xf32, #tpu.memory_space<vmem>>, vector<1x1x16xf32>,
        %mul3A_629 = arith.constant 8 : i32
        %mul3A_630 = arith.muli %add3A_342, %mul3A_629 : i32
        %add3A_631 = arith.constant 4 : i32
        %add3A_632 = arith.addi %mul3A_630, %add3A_631 : i32
        %mul3A_633 = arith.constant 16 : i32
        %mul3A_634 = arith.muli %add3A_632, %mul3A_633 : i32
        %swap3A_635 = arith.constant 0 : i32
        %swap3A_636 = arith.index_cast %add3A_332 : i32 to index
        %swap3A_637 = arith.index_cast %swap3A_635 : i32 to index
        %swap3A_638 = arith.index_cast %mul3A_634 : i32 to index
        %swap3A_639 = tpu.vector_load %arg7[%swap3A_636, %swap3A_637, %swap3A_638] {strides = array<i32>} : memref<8x4x1024xf32, #tpu.memory_space<vmem>>, vector<1x1x16xf32>,
        %swap3A_640 = vector.shape_cast %swap3A_639 : vector<1x1x16xf32> to vector<16xf32>
        %swap3A_641 = vector.shape_cast %get3A_391 : vector<16xf32> to vector<1x1x16xf32>
        tpu.vector_store %arg7[%swap3A_636, %swap3A_637, %swap3A_638], %swap3A_641 {add = true, strides = array<i32>} : memref<8x4x1024xf32, #tpu.memory_space<vmem>>, vector<1x1x16xf32>,
        %mul3A_642 = arith.constant 8 : i32
        %mul3A_643 = arith.muli %add3A_342, %mul3A_642 : i32
        %add3A_644 = arith.constant 4 : i32
        %add3A_645 = arith.addi %mul3A_643, %add3A_644 : i32
        %mul3A_646 = arith.constant 16 : i32
        %mul3A_647 = arith.muli %add3A_645, %mul3A_646 : i32
        %swap3A_648 = arith.constant 1 : i32
        %swap3A_649 = arith.index_cast %add3A_332 : i32 to index
        %swap3A_650 = arith.index_cast %swap3A_648 : i32 to index
        %swap3A_651 = arith.index_cast %mul3A_647 : i32 to index
        %swap3A_652 = tpu.vector_load %arg7[%swap3A_649, %swap3A_650, %swap3A_651] {strides = array<i32>} : memref<8x4x1024xf32, #tpu.memory_space<vmem>>, vector<1x1x16xf32>,
        %swap3A_653 = vector.shape_cast %swap3A_652 : vector<1x1x16xf32> to vector<16xf32>
        %swap3A_654 = vector.shape_cast %get3A_391 : vector<16xf32> to vector<1x1x16xf32>
        tpu.vector_store %arg7[%swap3A_649, %swap3A_650, %swap3A_651], %swap3A_654 {add = true, strides = array<i32>} : memref<8x4x1024xf32, #tpu.memory_space<vmem>>, vector<1x1x16xf32>,
        %mul3A_655 = arith.constant 8 : i32
        %mul3A_656 = arith.muli %add3A_342, %mul3A_655 : i32
        %add3A_657 = arith.constant 4 : i32
        %add3A_658 = arith.addi %mul3A_656, %add3A_657 : i32
        %mul3A_659 = arith.constant 16 : i32
        %mul3A_660 = arith.muli %add3A_658, %mul3A_659 : i32
        %swap3A_661 = arith.constant 2 : i32
        %swap3A_662 = arith.index_cast %add3A_332 : i32 to index
        %swap3A_663 = arith.index_cast %swap3A_661 : i32 to index
        %swap3A_664 = arith.index_cast %mul3A_660 : i32 to index
        %swap3A_665 = tpu.vector_load %arg7[%swap3A_662, %swap3A_663, %swap3A_664] {strides = array<i32>} : memref<8x4x1024xf32, #tpu.memory_space<vmem>>, vector<1x1x16xf32>,
        %swap3A_666 = vector.shape_cast %swap3A_665 : vector<1x1x16xf32> to vector<16xf32>
        %swap3A_667 = vector.shape_cast %get3A_391 : vector<16xf32> to vector<1x1x16xf32>
        tpu.vector_store %arg7[%swap3A_662, %swap3A_663, %swap3A_664], %swap3A_667 {add = true, strides = array<i32>} : memref<8x4x1024xf32, #tpu.memory_space<vmem>>, vector<1x1x16xf32>,
        %mul3A_668 = arith.constant 8 : i32
        %mul3A_669 = arith.muli %add3A_342, %mul3A_668 : i32
        %add3A_670 = arith.constant 4 : i32
        %add3A_671 = arith.addi %mul3A_669, %add3A_670 : i32
        %mul3A_672 = arith.constant 16 : i32
        %mul3A_673 = arith.muli %add3A_671, %mul3A_672 : i32
        %swap3A_674 = arith.constant 3 : i32
        %swap3A_675 = arith.index_cast %add3A_332 : i32 to index
        %swap3A_676 = arith.index_cast %swap3A_674 : i32 to index
        %swap3A_677 = arith.index_cast %mul3A_673 : i32 to index
        %swap3A_678 = tpu.vector_load %arg7[%swap3A_675, %swap3A_676, %swap3A_677] {strides = array<i32>} : memref<8x4x1024xf32, #tpu.memory_space<vmem>>, vector<1x1x16xf32>,
        %swap3A_679 = vector.shape_cast %swap3A_678 : vector<1x1x16xf32> to vector<16xf32>
        %swap3A_680 = vector.shape_cast %get3A_391 : vector<16xf32> to vector<1x1x16xf32>
        tpu.vector_store %arg7[%swap3A_675, %swap3A_676, %swap3A_677], %swap3A_680 {add = true, strides = array<i32>} : memref<8x4x1024xf32, #tpu.memory_space<vmem>>, vector<1x1x16xf32>,
        %mul3A_681 = arith.constant 8 : i32
        %mul3A_682 = arith.muli %add3A_342, %mul3A_681 : i32
        %add3A_683 = arith.constant 5 : i32
        %add3A_684 = arith.addi %mul3A_682, %add3A_683 : i32
        %mul3A_685 = arith.constant 16 : i32
        %mul3A_686 = arith.muli %add3A_684, %mul3A_685 : i32
        %swap3A_687 = arith.constant 0 : i32
        %swap3A_688 = arith.index_cast %add3A_332 : i32 to index
        %swap3A_689 = arith.index_cast %swap3A_687 : i32 to index
        %swap3A_690 = arith.index_cast %mul3A_686 : i32 to index
        %swap3A_691 = tpu.vector_load %arg7[%swap3A_688, %swap3A_689, %swap3A_690] {strides = array<i32>} : memref<8x4x1024xf32, #tpu.memory_space<vmem>>, vector<1x1x16xf32>,
        %swap3A_692 = vector.shape_cast %swap3A_691 : vector<1x1x16xf32> to vector<16xf32>
        %swap3A_693 = vector.shape_cast %get3A_401 : vector<16xf32> to vector<1x1x16xf32>
        tpu.vector_store %arg7[%swap3A_688, %swap3A_689, %swap3A_690], %swap3A_693 {add = true, strides = array<i32>} : memref<8x4x1024xf32, #tpu.memory_space<vmem>>, vector<1x1x16xf32>,
        %mul3A_694 = arith.constant 8 : i32
        %mul3A_695 = arith.muli %add3A_342, %mul3A_694 : i32
        %add3A_696 = arith.constant 5 : i32
        %add3A_697 = arith.addi %mul3A_695, %add3A_696 : i32
        %mul3A_698 = arith.constant 16 : i32
        %mul3A_699 = arith.muli %add3A_697, %mul3A_698 : i32
        %swap3A_700 = arith.constant 1 : i32
        %swap3A_701 = arith.index_cast %add3A_332 : i32 to index
        %swap3A_702 = arith.index_cast %swap3A_700 : i32 to index
        %swap3A_703 = arith.index_cast %mul3A_699 : i32 to index
        %swap3A_704 = tpu.vector_load %arg7[%swap3A_701, %swap3A_702, %swap3A_703] {strides = array<i32>} : memref<8x4x1024xf32, #tpu.memory_space<vmem>>, vector<1x1x16xf32>,
        %swap3A_705 = vector.shape_cast %swap3A_704 : vector<1x1x16xf32> to vector<16xf32>
        %swap3A_706 = vector.shape_cast %get3A_401 : vector<16xf32> to vector<1x1x16xf32>
        tpu.vector_store %arg7[%swap3A_701, %swap3A_702, %swap3A_703], %swap3A_706 {add = true, strides = array<i32>} : memref<8x4x1024xf32, #tpu.memory_space<vmem>>, vector<1x1x16xf32>,
        %mul3A_707 = arith.constant 8 : i32
        %mul3A_708 = arith.muli %add3A_342, %mul3A_707 : i32
        %add3A_709 = arith.constant 5 : i32
        %add3A_710 = arith.addi %mul3A_708, %add3A_709 : i32
        %mul3A_711 = arith.constant 16 : i32
        %mul3A_712 = arith.muli %add3A_710, %mul3A_711 : i32
        %swap3A_713 = arith.constant 2 : i32
        %swap3A_714 = arith.index_cast %add3A_332 : i32 to index
        %swap3A_715 = arith.index_cast %swap3A_713 : i32 to index
        %swap3A_716 = arith.index_cast %mul3A_712 : i32 to index
        %swap3A_717 = tpu.vector_load %arg7[%swap3A_714, %swap3A_715, %swap3A_716] {strides = array<i32>} : memref<8x4x1024xf32, #tpu.memory_space<vmem>>, vector<1x1x16xf32>,
        %swap3A_718 = vector.shape_cast %swap3A_717 : vector<1x1x16xf32> to vector<16xf32>
        %swap3A_719 = vector.shape_cast %get3A_401 : vector<16xf32> to vector<1x1x16xf32>
        tpu.vector_store %arg7[%swap3A_714, %swap3A_715, %swap3A_716], %swap3A_719 {add = true, strides = array<i32>} : memref<8x4x1024xf32, #tpu.memory_space<vmem>>, vector<1x1x16xf32>,
        %mul3A_720 = arith.constant 8 : i32
        %mul3A_721 = arith.muli %add3A_342, %mul3A_720 : i32
        %add3A_722 = arith.constant 5 : i32
        %add3A_723 = arith.addi %mul3A_721, %add3A_722 : i32
        %mul3A_724 = arith.constant 16 : i32
        %mul3A_725 = arith.muli %add3A_723, %mul3A_724 : i32
        %swap3A_726 = arith.constant 3 : i32
        %swap3A_727 = arith.index_cast %add3A_332 : i32 to index
        %swap3A_728 = arith.index_cast %swap3A_726 : i32 to index
        %swap3A_729 = arith.index_cast %mul3A_725 : i32 to index
        %swap3A_730 = tpu.vector_load %arg7[%swap3A_727, %swap3A_728, %swap3A_729] {strides = array<i32>} : memref<8x4x1024xf32, #tpu.memory_space<vmem>>, vector<1x1x16xf32>,
        %swap3A_731 = vector.shape_cast %swap3A_730 : vector<1x1x16xf32> to vector<16xf32>
        %swap3A_732 = vector.shape_cast %get3A_401 : vector<16xf32> to vector<1x1x16xf32>
        tpu.vector_store %arg7[%swap3A_727, %swap3A_728, %swap3A_729], %swap3A_732 {add = true, strides = array<i32>} : memref<8x4x1024xf32, #tpu.memory_space<vmem>>, vector<1x1x16xf32>,
        %mul3A_733 = arith.constant 8 : i32
        %mul3A_734 = arith.muli %add3A_342, %mul3A_733 : i32
        %add3A_735 = arith.constant 6 : i32
        %add3A_736 = arith.addi %mul3A_734, %add3A_735 : i32
        %mul3A_737 = arith.constant 16 : i32
        %mul3A_738 = arith.muli %add3A_736, %mul3A_737 : i32
        %swap3A_739 = arith.constant 0 : i32
        %swap3A_740 = arith.index_cast %add3A_332 : i32 to index
        %swap3A_741 = arith.index_cast %swap3A_739 : i32 to index
        %swap3A_742 = arith.index_cast %mul3A_738 : i32 to index
        %swap3A_743 = tpu.vector_load %arg7[%swap3A_740, %swap3A_741, %swap3A_742] {strides = array<i32>} : memref<8x4x1024xf32, #tpu.memory_space<vmem>>, vector<1x1x16xf32>,
        %swap3A_744 = vector.shape_cast %swap3A_743 : vector<1x1x16xf32> to vector<16xf32>
        %swap3A_745 = vector.shape_cast %get3A_411 : vector<16xf32> to vector<1x1x16xf32>
        tpu.vector_store %arg7[%swap3A_740, %swap3A_741, %swap3A_742], %swap3A_745 {add = true, strides = array<i32>} : memref<8x4x1024xf32, #tpu.memory_space<vmem>>, vector<1x1x16xf32>,
        %mul3A_746 = arith.constant 8 : i32
        %mul3A_747 = arith.muli %add3A_342, %mul3A_746 : i32
        %add3A_748 = arith.constant 6 : i32
        %add3A_749 = arith.addi %mul3A_747, %add3A_748 : i32
        %mul3A_750 = arith.constant 16 : i32
        %mul3A_751 = arith.muli %add3A_749, %mul3A_750 : i32
        %swap3A_752 = arith.constant 1 : i32
        %swap3A_753 = arith.index_cast %add3A_332 : i32 to index
        %swap3A_754 = arith.index_cast %swap3A_752 : i32 to index
        %swap3A_755 = arith.index_cast %mul3A_751 : i32 to index
        %swap3A_756 = tpu.vector_load %arg7[%swap3A_753, %swap3A_754, %swap3A_755] {strides = array<i32>} : memref<8x4x1024xf32, #tpu.memory_space<vmem>>, vector<1x1x16xf32>,
        %swap3A_757 = vector.shape_cast %swap3A_756 : vector<1x1x16xf32> to vector<16xf32>
        %swap3A_758 = vector.shape_cast %get3A_411 : vector<16xf32> to vector<1x1x16xf32>
        tpu.vector_store %arg7[%swap3A_753, %swap3A_754, %swap3A_755], %swap3A_758 {add = true, strides = array<i32>} : memref<8x4x1024xf32, #tpu.memory_space<vmem>>, vector<1x1x16xf32>,
        %mul3A_759 = arith.constant 8 : i32
        %mul3A_760 = arith.muli %add3A_342, %mul3A_759 : i32
        %add3A_761 = arith.constant 6 : i32
        %add3A_762 = arith.addi %mul3A_760, %add3A_761 : i32
        %mul3A_763 = arith.constant 16 : i32
        %mul3A_764 = arith.muli %add3A_762, %mul3A_763 : i32
        %swap3A_765 = arith.constant 2 : i32
        %swap3A_766 = arith.index_cast %add3A_332 : i32 to index
        %swap3A_767 = arith.index_cast %swap3A_765 : i32 to index
        %swap3A_768 = arith.index_cast %mul3A_764 : i32 to index
        %swap3A_769 = tpu.vector_load %arg7[%swap3A_766, %swap3A_767, %swap3A_768] {strides = array<i32>} : memref<8x4x1024xf32, #tpu.memory_space<vmem>>, vector<1x1x16xf32>,
        %swap3A_770 = vector.shape_cast %swap3A_769 : vector<1x1x16xf32> to vector<16xf32>
        %swap3A_771 = vector.shape_cast %get3A_411 : vector<16xf32> to vector<1x1x16xf32>
        tpu.vector_store %arg7[%swap3A_766, %swap3A_767, %swap3A_768], %swap3A_771 {add = true, strides = array<i32>} : memref<8x4x1024xf32, #tpu.memory_space<vmem>>, vector<1x1x16xf32>,
        %mul3A_772 = arith.constant 8 : i32
        %mul3A_773 = arith.muli %add3A_342, %mul3A_772 : i32
        %add3A_774 = arith.constant 6 : i32
        %add3A_775 = arith.addi %mul3A_773, %add3A_774 : i32
        %mul3A_776 = arith.constant 16 : i32
        %mul3A_777 = arith.muli %add3A_775, %mul3A_776 : i32
        %swap3A_778 = arith.constant 3 : i32
        %swap3A_779 = arith.index_cast %add3A_332 : i32 to index
        %swap3A_780 = arith.index_cast %swap3A_778 : i32 to index
        %swap3A_781 = arith.index_cast %mul3A_777 : i32 to index
        %swap3A_782 = tpu.vector_load %arg7[%swap3A_779, %swap3A_780, %swap3A_781] {strides = array<i32>} : memref<8x4x1024xf32, #tpu.memory_space<vmem>>, vector<1x1x16xf32>,
        %swap3A_783 = vector.shape_cast %swap3A_782 : vector<1x1x16xf32> to vector<16xf32>
        %swap3A_784 = vector.shape_cast %get3A_411 : vector<16xf32> to vector<1x1x16xf32>
        tpu.vector_store %arg7[%swap3A_779, %swap3A_780, %swap3A_781], %swap3A_784 {add = true, strides = array<i32>} : memref<8x4x1024xf32, #tpu.memory_space<vmem>>, vector<1x1x16xf32>,
        %mul3A_785 = arith.constant 8 : i32
        %mul3A_786 = arith.muli %add3A_342, %mul3A_785 : i32
        %add3A_787 = arith.constant 7 : i32
        %add3A_788 = arith.addi %mul3A_786, %add3A_787 : i32
        %mul3A_789 = arith.constant 16 : i32
        %mul3A_790 = arith.muli %add3A_788, %mul3A_789 : i32
        %swap3A_791 = arith.constant 0 : i32
        %swap3A_792 = arith.index_cast %add3A_332 : i32 to index
        %swap3A_793 = arith.index_cast %swap3A_791 : i32 to index
        %swap3A_794 = arith.index_cast %mul3A_790 : i32 to index
        %swap3A_795 = tpu.vector_load %arg7[%swap3A_792, %swap3A_793, %swap3A_794] {strides = array<i32>} : memref<8x4x1024xf32, #tpu.memory_space<vmem>>, vector<1x1x16xf32>,
        %swap3A_796 = vector.shape_cast %swap3A_795 : vector<1x1x16xf32> to vector<16xf32>
        %swap3A_797 = vector.shape_cast %get3A_421 : vector<16xf32> to vector<1x1x16xf32>
        tpu.vector_store %arg7[%swap3A_792, %swap3A_793, %swap3A_794], %swap3A_797 {add = true, strides = array<i32>} : memref<8x4x1024xf32, #tpu.memory_space<vmem>>, vector<1x1x16xf32>,
        %mul3A_798 = arith.constant 8 : i32
        %mul3A_799 = arith.muli %add3A_342, %mul3A_798 : i32
        %add3A_800 = arith.constant 7 : i32
        %add3A_801 = arith.addi %mul3A_799, %add3A_800 : i32
        %mul3A_802 = arith.constant 16 : i32
        %mul3A_803 = arith.muli %add3A_801, %mul3A_802 : i32
        %swap3A_804 = arith.constant 1 : i32
        %swap3A_805 = arith.index_cast %add3A_332 : i32 to index
        %swap3A_806 = arith.index_cast %swap3A_804 : i32 to index
        %swap3A_807 = arith.index_cast %mul3A_803 : i32 to index
        %swap3A_808 = tpu.vector_load %arg7[%swap3A_805, %swap3A_806, %swap3A_807] {strides = array<i32>} : memref<8x4x1024xf32, #tpu.memory_space<vmem>>, vector<1x1x16xf32>,
        %swap3A_809 = vector.shape_cast %swap3A_808 : vector<1x1x16xf32> to vector<16xf32>
        %swap3A_810 = vector.shape_cast %get3A_421 : vector<16xf32> to vector<1x1x16xf32>
        tpu.vector_store %arg7[%swap3A_805, %swap3A_806, %swap3A_807], %swap3A_810 {add = true, strides = array<i32>} : memref<8x4x1024xf32, #tpu.memory_space<vmem>>, vector<1x1x16xf32>,
        %mul3A_811 = arith.constant 8 : i32
        %mul3A_812 = arith.muli %add3A_342, %mul3A_811 : i32
        %add3A_813 = arith.constant 7 : i32
        %add3A_814 = arith.addi %mul3A_812, %add3A_813 : i32
        %mul3A_815 = arith.constant 16 : i32
        %mul3A_816 = arith.muli %add3A_814, %mul3A_815 : i32
        %swap3A_817 = arith.constant 2 : i32
        %swap3A_818 = arith.index_cast %add3A_332 : i32 to index
        %swap3A_819 = arith.index_cast %swap3A_817 : i32 to index
        %swap3A_820 = arith.index_cast %mul3A_816 : i32 to index
        %swap3A_821 = tpu.vector_load %arg7[%swap3A_818, %swap3A_819, %swap3A_820] {strides = array<i32>} : memref<8x4x1024xf32, #tpu.memory_space<vmem>>, vector<1x1x16xf32>,
        %swap3A_822 = vector.shape_cast %swap3A_821 : vector<1x1x16xf32> to vector<16xf32>
        %swap3A_823 = vector.shape_cast %get3A_421 : vector<16xf32> to vector<1x1x16xf32>
        tpu.vector_store %arg7[%swap3A_818, %swap3A_819, %swap3A_820], %swap3A_823 {add = true, strides = array<i32>} : memref<8x4x1024xf32, #tpu.memory_space<vmem>>, vector<1x1x16xf32>,
        %mul3A_824 = arith.constant 8 : i32
        %mul3A_825 = arith.muli %add3A_342, %mul3A_824 : i32
        %add3A_826 = arith.constant 7 : i32
        %add3A_827 = arith.addi %mul3A_825, %add3A_826 : i32
        %mul3A_828 = arith.constant 16 : i32
        %mul3A_829 = arith.muli %add3A_827, %mul3A_828 : i32
        %swap3A_830 = arith.constant 3 : i32
        %swap3A_831 = arith.index_cast %add3A_332 : i32 to index
        %swap3A_832 = arith.index_cast %swap3A_830 : i32 to index
        %swap3A_833 = arith.index_cast %mul3A_829 : i32 to index
        %swap3A_834 = tpu.vector_load %arg7[%swap3A_831, %swap3A_832, %swap3A_833] {strides = array<i32>} : memref<8x4x1024xf32, #tpu.memory_space<vmem>>, vector<1x1x16xf32>,
        %swap3A_835 = vector.shape_cast %swap3A_834 : vector<1x1x16xf32> to vector<16xf32>
        %swap3A_836 = vector.shape_cast %get3A_421 : vector<16xf32> to vector<1x1x16xf32>
        tpu.vector_store %arg7[%swap3A_831, %swap3A_832, %swap3A_833], %swap3A_836 {add = true, strides = array<i32>} : memref<8x4x1024xf32, #tpu.memory_space<vmem>>, vector<1x1x16xf32>,
      }
      %scan3A_337 = arith.constant 8 : i32
    }
    %scan3A_237 = arith.constant 8 : i32
    %add3A_238 = arith.constant 40 : i32
    %add3A_239 = arith.addi %mul3A_2, %add3A_238 : i32
    %dma_start3A_240 = arith.constant 0 : i32
    %dma_start3A_241 = arith.constant 0 : i32
    %dma_start3A_242 = tpu.memref_slice %arg4[%add3A_239, %dma_start3A_240, %dma_start3A_241] : memref<2048x4x1024xf32, #tpu.memory_space<hbm>> -> memref<8x4x1024xf32, #tpu.memory_space<hbm>>
    %dma_start3A_243 = arith.constant 0 : i32
    %dma_start3A_244 = arith.constant 0 : i32
    %dma_start3A_245 = tpu.memref_slice %arg4[%add3A_239, %dma_start3A_243, %dma_start3A_244] : memref<2048x4x1024xf32, #tpu.memory_space<hbm>> -> memref<8x4x1024xf32, #tpu.memory_space<hbm>>
    tpu.enqueue_dma source(%arg7 : memref<8x4x1024xf32, #tpu.memory_space<vmem>>) target(%dma_start3A_245 : memref<8x4x1024xf32, #tpu.memory_space<hbm>>) target_semaphore(%arg19 : memref<!tpu.dma_semaphore, #tpu.memory_space<semaphore_mem>>)
    %dma_wait3A_246 = arith.constant 0 : i32
    %dma_wait3A_247 = arith.constant 0 : i32
    %dma_wait3A_248 = tpu.memref_slice %arg4[%add3A_198, %dma_wait3A_246, %dma_wait3A_247] : memref<2048x4x1024xf32, #tpu.memory_space<hbm>> -> memref<8x4x1024xf32, #tpu.memory_space<hbm>>
    %dma_wait3A_249 = arith.constant 0 : i32
    %dma_wait3A_250 = arith.constant 0 : i32
    %dma_wait3A_251 = tpu.memref_slice %arg4[%add3A_198, %dma_wait3A_249, %dma_wait3A_250] : memref<2048x4x1024xf32, #tpu.memory_space<hbm>> -> memref<8x4x1024xf32, #tpu.memory_space<hbm>>
    tpu.wait_dma2 semaphore(%arg18 : memref<!tpu.dma_semaphore, #tpu.memory_space<semaphore_mem>>) src(%arg6 : memref<8x4x1024xf32, #tpu.memory_space<vmem>>) dst(%dma_wait3A_251 : memref<8x4x1024xf32, #tpu.memory_space<hbm>>)
    %add3A_252 = arith.constant 56 : i32
    %add3A_253 = arith.addi %mul3A_2, %add3A_252 : i32
    %dma_start3A_254 = arith.constant 0 : i32
    %dma_start3A_255 = arith.constant 0 : i32
    %dma_start3A_256 = tpu.memref_slice %arg2[%add3A_253, %dma_start3A_254, %dma_start3A_255] : memref<2048x4x1024xf32, #tpu.memory_space<hbm>> -> memref<8x4x1024xf32, #tpu.memory_space<hbm>>
    %dma_start3A_257 = arith.constant 0 : i32
    %dma_start3A_258 = arith.constant 0 : i32
    %dma_start3A_259 = tpu.memref_slice %arg2[%add3A_253, %dma_start3A_257, %dma_start3A_258] : memref<2048x4x1024xf32, #tpu.memory_space<hbm>> -> memref<8x4x1024xf32, #tpu.memory_space<hbm>>
    tpu.enqueue_dma source(%dma_start3A_259 : memref<8x4x1024xf32, #tpu.memory_space<hbm>>) target(%arg6 : memref<8x4x1024xf32, #tpu.memory_space<vmem>>) target_semaphore(%arg12 : memref<!tpu.dma_semaphore, #tpu.memory_space<semaphore_mem>>)
    %dma_start3A_260 = arith.constant 0 : i32
    %dma_start3A_261 = tpu.memref_slice %arg3[%add3A_253, %dma_start3A_260] : memref<2048x1024xf32, #tpu.memory_space<hbm>> -> memref<8x1024xf32, #tpu.memory_space<hbm>>
    %dma_start3A_262 = arith.constant 0 : i32
    %dma_start3A_263 = tpu.memref_slice %arg3[%add3A_253, %dma_start3A_262] : memref<2048x1024xf32, #tpu.memory_space<hbm>> -> memref<8x1024xf32, #tpu.memory_space<hbm>>
    tpu.enqueue_dma source(%dma_start3A_263 : memref<8x1024xf32, #tpu.memory_space<hbm>>) target(%arg9 : memref<8x1024xf32, #tpu.memory_space<vmem>>) target_semaphore(%arg15 : memref<!tpu.dma_semaphore, #tpu.memory_space<semaphore_mem>>)
    %dma_wait3A_264 = arith.constant 0 : i32
    %dma_wait3A_265 = arith.constant 0 : i32
    %dma_wait3A_266 = tpu.memref_slice %arg2[%add3A_212, %dma_wait3A_264, %dma_wait3A_265] : memref<2048x4x1024xf32, #tpu.memory_space<hbm>> -> memref<8x4x1024xf32, #tpu.memory_space<hbm>>
    %dma_wait3A_267 = arith.constant 0 : i32
    %dma_wait3A_268 = arith.constant 0 : i32
    %dma_wait3A_269 = tpu.memref_slice %arg2[%add3A_212, %dma_wait3A_267, %dma_wait3A_268] : memref<2048x4x1024xf32, #tpu.memory_space<hbm>> -> memref<8x4x1024xf32, #tpu.memory_space<hbm>>
    tpu.wait_dma2 semaphore(%arg11 : memref<!tpu.dma_semaphore, #tpu.memory_space<semaphore_mem>>) src(%dma_wait3A_269 : memref<8x4x1024xf32, #tpu.memory_space<hbm>>) dst(%arg5 : memref<8x4x1024xf32, #tpu.memory_space<vmem>>)
    %dma_wait3A_270 = arith.constant 0 : i32
    %dma_wait3A_271 = tpu.memref_slice %arg3[%add3A_212, %dma_wait3A_270] : memref<2048x1024xf32, #tpu.memory_space<hbm>> -> memref<8x1024xf32, #tpu.memory_space<hbm>>
    %dma_wait3A_272 = arith.constant 0 : i32
    %dma_wait3A_273 = tpu.memref_slice %arg3[%add3A_212, %dma_wait3A_272] : memref<2048x1024xf32, #tpu.memory_space<hbm>> -> memref<8x1024xf32, #tpu.memory_space<hbm>>
    tpu.wait_dma2 semaphore(%arg14 : memref<!tpu.dma_semaphore, #tpu.memory_space<semaphore_mem>>) src(%dma_wait3A_273 : memref<8x1024xf32, #tpu.memory_space<hbm>>) dst(%arg8 : memref<8x1024xf32, #tpu.memory_space<vmem>>)
    %scan3A_274 = arith.constant 0 : i32
    %scan3A_275 = arith.constant 8 : i32
    %scan3A_276 = arith.addi %scan3A_274, %scan3A_275 : i32
    %scan3A_277 = arith.constant 1 : i32
    scf.for %scan3A_328 = %scan3A_274 to %scan3A_276 step %scan3A_277  : i32 {
      %mul3A_329 = arith.constant 1 : i32
      %mul3A_330 = arith.muli %scan3A_328, %mul3A_329 : i32
      %add3A_331 = arith.constant 0 : i32
      %add3A_332 = arith.addi %add3A_331, %mul3A_330 : i32
      %scan3A_333 = arith.constant 0 : i32
      %scan3A_334 = arith.constant 8 : i32
      %scan3A_335 = arith.addi %scan3A_333, %scan3A_334 : i32
      %scan3A_336 = arith.constant 1 : i32
      scf.for %scan3A_338 = %scan3A_333 to %scan3A_335 step %scan3A_336  : i32 {
        %mul3A_339 = arith.constant 1 : i32
        %mul3A_340 = arith.muli %scan3A_338, %mul3A_339 : i32
        %add3A_341 = arith.constant 0 : i32
        %add3A_342 = arith.addi %add3A_341, %mul3A_340 : i32
        %mul3A_343 = arith.constant 8 : i32
        %mul3A_344 = arith.muli %add3A_342, %mul3A_343 : i32
        %add3A_345 = arith.constant 0 : i32
        %add3A_346 = arith.addi %mul3A_344, %add3A_345 : i32
        %mul3A_347 = arith.constant 16 : i32
        %mul3A_348 = arith.muli %add3A_346, %mul3A_347 : i32
        %get3A = arith.index_cast %add3A_332 : i32 to index
        %get3A_349 = arith.index_cast %mul3A_348 : i32 to index
        %get3A_350 = tpu.vector_load %arg8[%get3A, %get3A_349] {strides = array<i32>} : memref<8x1024xf32, #tpu.memory_space<vmem>>, vector<1x16xf32>,
        %get3A_351 = vector.shape_cast %get3A_350 : vector<1x16xf32> to vector<16xf32>
        %mul3A_352 = arith.constant 8 : i32
        %mul3A_353 = arith.muli %add3A_342, %mul3A_352 : i32
        %add3A_354 = arith.constant 1 : i32
        %add3A_355 = arith.addi %mul3A_353, %add3A_354 : i32
        %mul3A_356 = arith.constant 16 : i32
        %mul3A_357 = arith.muli %add3A_355, %mul3A_356 : i32
        %get3A_358 = arith.index_cast %add3A_332 : i32 to index
        %get3A_359 = arith.index_cast %mul3A_357 : i32 to index
        %get3A_360 = tpu.vector_load %arg8[%get3A_358, %get3A_359] {strides = array<i32>} : memref<8x1024xf32, #tpu.memory_space<vmem>>, vector<1x16xf32>,
        %get3A_361 = vector.shape_cast %get3A_360 : vector<1x16xf32> to vector<16xf32>
        %mul3A_362 = arith.constant 8 : i32
        %mul3A_363 = arith.muli %add3A_342, %mul3A_362 : i32
        %add3A_364 = arith.constant 2 : i32
        %add3A_365 = arith.addi %mul3A_363, %add3A_364 : i32
        %mul3A_366 = arith.constant 16 : i32
        %mul3A_367 = arith.muli %add3A_365, %mul3A_366 : i32
        %get3A_368 = arith.index_cast %add3A_332 : i32 to index
        %get3A_369 = arith.index_cast %mul3A_367 : i32 to index
        %get3A_370 = tpu.vector_load %arg8[%get3A_368, %get3A_369] {strides = array<i32>} : memref<8x1024xf32, #tpu.memory_space<vmem>>, vector<1x16xf32>,
        %get3A_371 = vector.shape_cast %get3A_370 : vector<1x16xf32> to vector<16xf32>
        %mul3A_372 = arith.constant 8 : i32
        %mul3A_373 = arith.muli %add3A_342, %mul3A_372 : i32
        %add3A_374 = arith.constant 3 : i32
        %add3A_375 = arith.addi %mul3A_373, %add3A_374 : i32
        %mul3A_376 = arith.constant 16 : i32
        %mul3A_377 = arith.muli %add3A_375, %mul3A_376 : i32
        %get3A_378 = arith.index_cast %add3A_332 : i32 to index
        %get3A_379 = arith.index_cast %mul3A_377 : i32 to index
        %get3A_380 = tpu.vector_load %arg8[%get3A_378, %get3A_379] {strides = array<i32>} : memref<8x1024xf32, #tpu.memory_space<vmem>>, vector<1x16xf32>,
        %get3A_381 = vector.shape_cast %get3A_380 : vector<1x16xf32> to vector<16xf32>
        %mul3A_382 = arith.constant 8 : i32
        %mul3A_383 = arith.muli %add3A_342, %mul3A_382 : i32
        %add3A_384 = arith.constant 4 : i32
        %add3A_385 = arith.addi %mul3A_383, %add3A_384 : i32
        %mul3A_386 = arith.constant 16 : i32
        %mul3A_387 = arith.muli %add3A_385, %mul3A_386 : i32
        %get3A_388 = arith.index_cast %add3A_332 : i32 to index
        %get3A_389 = arith.index_cast %mul3A_387 : i32 to index
        %get3A_390 = tpu.vector_load %arg8[%get3A_388, %get3A_389] {strides = array<i32>} : memref<8x1024xf32, #tpu.memory_space<vmem>>, vector<1x16xf32>,
        %get3A_391 = vector.shape_cast %get3A_390 : vector<1x16xf32> to vector<16xf32>
        %mul3A_392 = arith.constant 8 : i32
        %mul3A_393 = arith.muli %add3A_342, %mul3A_392 : i32
        %add3A_394 = arith.constant 5 : i32
        %add3A_395 = arith.addi %mul3A_393, %add3A_394 : i32
        %mul3A_396 = arith.constant 16 : i32
        %mul3A_397 = arith.muli %add3A_395, %mul3A_396 : i32
        %get3A_398 = arith.index_cast %add3A_332 : i32 to index
        %get3A_399 = arith.index_cast %mul3A_397 : i32 to index
        %get3A_400 = tpu.vector_load %arg8[%get3A_398, %get3A_399] {strides = array<i32>} : memref<8x1024xf32, #tpu.memory_space<vmem>>, vector<1x16xf32>,
        %get3A_401 = vector.shape_cast %get3A_400 : vector<1x16xf32> to vector<16xf32>
        %mul3A_402 = arith.constant 8 : i32
        %mul3A_403 = arith.muli %add3A_342, %mul3A_402 : i32
        %add3A_404 = arith.constant 6 : i32
        %add3A_405 = arith.addi %mul3A_403, %add3A_404 : i32
        %mul3A_406 = arith.constant 16 : i32
        %mul3A_407 = arith.muli %add3A_405, %mul3A_406 : i32
        %get3A_408 = arith.index_cast %add3A_332 : i32 to index
        %get3A_409 = arith.index_cast %mul3A_407 : i32 to index
        %get3A_410 = tpu.vector_load %arg8[%get3A_408, %get3A_409] {strides = array<i32>} : memref<8x1024xf32, #tpu.memory_space<vmem>>, vector<1x16xf32>,
        %get3A_411 = vector.shape_cast %get3A_410 : vector<1x16xf32> to vector<16xf32>
        %mul3A_412 = arith.constant 8 : i32
        %mul3A_413 = arith.muli %add3A_342, %mul3A_412 : i32
        %add3A_414 = arith.constant 7 : i32
        %add3A_415 = arith.addi %mul3A_413, %add3A_414 : i32
        %mul3A_416 = arith.constant 16 : i32
        %mul3A_417 = arith.muli %add3A_415, %mul3A_416 : i32
        %get3A_418 = arith.index_cast %add3A_332 : i32 to index
        %get3A_419 = arith.index_cast %mul3A_417 : i32 to index
        %get3A_420 = tpu.vector_load %arg8[%get3A_418, %get3A_419] {strides = array<i32>} : memref<8x1024xf32, #tpu.memory_space<vmem>>, vector<1x16xf32>,
        %get3A_421 = vector.shape_cast %get3A_420 : vector<1x16xf32> to vector<16xf32>
        %mul3A_422 = arith.constant 8 : i32
        %mul3A_423 = arith.muli %add3A_342, %mul3A_422 : i32
        %add3A_424 = arith.constant 0 : i32
        %add3A_425 = arith.addi %mul3A_423, %add3A_424 : i32
        %mul3A_426 = arith.constant 16 : i32
        %mul3A_427 = arith.muli %add3A_425, %mul3A_426 : i32
        %swap3A = arith.constant 0 : i32
        %swap3A_428 = arith.index_cast %add3A_332 : i32 to index
        %swap3A_429 = arith.index_cast %swap3A : i32 to index
        %swap3A_430 = arith.index_cast %mul3A_427 : i32 to index
        %swap3A_431 = tpu.vector_load %arg5[%swap3A_428, %swap3A_429, %swap3A_430] {strides = array<i32>} : memref<8x4x1024xf32, #tpu.memory_space<vmem>>, vector<1x1x16xf32>,
        %swap3A_432 = vector.shape_cast %swap3A_431 : vector<1x1x16xf32> to vector<16xf32>
        %swap3A_433 = vector.shape_cast %get3A_351 : vector<16xf32> to vector<1x1x16xf32>
        tpu.vector_store %arg5[%swap3A_428, %swap3A_429, %swap3A_430], %swap3A_433 {add = true, strides = array<i32>} : memref<8x4x1024xf32, #tpu.memory_space<vmem>>, vector<1x1x16xf32>,
        %mul3A_434 = arith.constant 8 : i32
        %mul3A_435 = arith.muli %add3A_342, %mul3A_434 : i32
        %add3A_436 = arith.constant 0 : i32
        %add3A_437 = arith.addi %mul3A_435, %add3A_436 : i32
        %mul3A_438 = arith.constant 16 : i32
        %mul3A_439 = arith.muli %add3A_437, %mul3A_438 : i32
        %swap3A_440 = arith.constant 1 : i32
        %swap3A_441 = arith.index_cast %add3A_332 : i32 to index
        %swap3A_442 = arith.index_cast %swap3A_440 : i32 to index
        %swap3A_443 = arith.index_cast %mul3A_439 : i32 to index
        %swap3A_444 = tpu.vector_load %arg5[%swap3A_441, %swap3A_442, %swap3A_443] {strides = array<i32>} : memref<8x4x1024xf32, #tpu.memory_space<vmem>>, vector<1x1x16xf32>,
        %swap3A_445 = vector.shape_cast %swap3A_444 : vector<1x1x16xf32> to vector<16xf32>
        %swap3A_446 = vector.shape_cast %get3A_351 : vector<16xf32> to vector<1x1x16xf32>
        tpu.vector_store %arg5[%swap3A_441, %swap3A_442, %swap3A_443], %swap3A_446 {add = true, strides = array<i32>} : memref<8x4x1024xf32, #tpu.memory_space<vmem>>, vector<1x1x16xf32>,
        %mul3A_447 = arith.constant 8 : i32
        %mul3A_448 = arith.muli %add3A_342, %mul3A_447 : i32
        %add3A_449 = arith.constant 0 : i32
        %add3A_450 = arith.addi %mul3A_448, %add3A_449 : i32
        %mul3A_451 = arith.constant 16 : i32
        %mul3A_452 = arith.muli %add3A_450, %mul3A_451 : i32
        %swap3A_453 = arith.constant 2 : i32
        %swap3A_454 = arith.index_cast %add3A_332 : i32 to index
        %swap3A_455 = arith.index_cast %swap3A_453 : i32 to index
        %swap3A_456 = arith.index_cast %mul3A_452 : i32 to index
        %swap3A_457 = tpu.vector_load %arg5[%swap3A_454, %swap3A_455, %swap3A_456] {strides = array<i32>} : memref<8x4x1024xf32, #tpu.memory_space<vmem>>, vector<1x1x16xf32>,
        %swap3A_458 = vector.shape_cast %swap3A_457 : vector<1x1x16xf32> to vector<16xf32>
        %swap3A_459 = vector.shape_cast %get3A_351 : vector<16xf32> to vector<1x1x16xf32>
        tpu.vector_store %arg5[%swap3A_454, %swap3A_455, %swap3A_456], %swap3A_459 {add = true, strides = array<i32>} : memref<8x4x1024xf32, #tpu.memory_space<vmem>>, vector<1x1x16xf32>,
        %mul3A_460 = arith.constant 8 : i32
        %mul3A_461 = arith.muli %add3A_342, %mul3A_460 : i32
        %add3A_462 = arith.constant 0 : i32
        %add3A_463 = arith.addi %mul3A_461, %add3A_462 : i32
        %mul3A_464 = arith.constant 16 : i32
        %mul3A_465 = arith.muli %add3A_463, %mul3A_464 : i32
        %swap3A_466 = arith.constant 3 : i32
        %swap3A_467 = arith.index_cast %add3A_332 : i32 to index
        %swap3A_468 = arith.index_cast %swap3A_466 : i32 to index
        %swap3A_469 = arith.index_cast %mul3A_465 : i32 to index
        %swap3A_470 = tpu.vector_load %arg5[%swap3A_467, %swap3A_468, %swap3A_469] {strides = array<i32>} : memref<8x4x1024xf32, #tpu.memory_space<vmem>>, vector<1x1x16xf32>,
        %swap3A_471 = vector.shape_cast %swap3A_470 : vector<1x1x16xf32> to vector<16xf32>
        %swap3A_472 = vector.shape_cast %get3A_351 : vector<16xf32> to vector<1x1x16xf32>
        tpu.vector_store %arg5[%swap3A_467, %swap3A_468, %swap3A_469], %swap3A_472 {add = true, strides = array<i32>} : memref<8x4x1024xf32, #tpu.memory_space<vmem>>, vector<1x1x16xf32>,
        %mul3A_473 = arith.constant 8 : i32
        %mul3A_474 = arith.muli %add3A_342, %mul3A_473 : i32
        %add3A_475 = arith.constant 1 : i32
        %add3A_476 = arith.addi %mul3A_474, %add3A_475 : i32
        %mul3A_477 = arith.constant 16 : i32
        %mul3A_478 = arith.muli %add3A_476, %mul3A_477 : i32
        %swap3A_479 = arith.constant 0 : i32
        %swap3A_480 = arith.index_cast %add3A_332 : i32 to index
        %swap3A_481 = arith.index_cast %swap3A_479 : i32 to index
        %swap3A_482 = arith.index_cast %mul3A_478 : i32 to index
        %swap3A_483 = tpu.vector_load %arg5[%swap3A_480, %swap3A_481, %swap3A_482] {strides = array<i32>} : memref<8x4x1024xf32, #tpu.memory_space<vmem>>, vector<1x1x16xf32>,
        %swap3A_484 = vector.shape_cast %swap3A_483 : vector<1x1x16xf32> to vector<16xf32>
        %swap3A_485 = vector.shape_cast %get3A_361 : vector<16xf32> to vector<1x1x16xf32>
        tpu.vector_store %arg5[%swap3A_480, %swap3A_481, %swap3A_482], %swap3A_485 {add = true, strides = array<i32>} : memref<8x4x1024xf32, #tpu.memory_space<vmem>>, vector<1x1x16xf32>,
        %mul3A_486 = arith.constant 8 : i32
        %mul3A_487 = arith.muli %add3A_342, %mul3A_486 : i32
        %add3A_488 = arith.constant 1 : i32
        %add3A_489 = arith.addi %mul3A_487, %add3A_488 : i32
        %mul3A_490 = arith.constant 16 : i32
        %mul3A_491 = arith.muli %add3A_489, %mul3A_490 : i32
        %swap3A_492 = arith.constant 1 : i32
        %swap3A_493 = arith.index_cast %add3A_332 : i32 to index
        %swap3A_494 = arith.index_cast %swap3A_492 : i32 to index
        %swap3A_495 = arith.index_cast %mul3A_491 : i32 to index
        %swap3A_496 = tpu.vector_load %arg5[%swap3A_493, %swap3A_494, %swap3A_495] {strides = array<i32>} : memref<8x4x1024xf32, #tpu.memory_space<vmem>>, vector<1x1x16xf32>,
        %swap3A_497 = vector.shape_cast %swap3A_496 : vector<1x1x16xf32> to vector<16xf32>
        %swap3A_498 = vector.shape_cast %get3A_361 : vector<16xf32> to vector<1x1x16xf32>
        tpu.vector_store %arg5[%swap3A_493, %swap3A_494, %swap3A_495], %swap3A_498 {add = true, strides = array<i32>} : memref<8x4x1024xf32, #tpu.memory_space<vmem>>, vector<1x1x16xf32>,
        %mul3A_499 = arith.constant 8 : i32
        %mul3A_500 = arith.muli %add3A_342, %mul3A_499 : i32
        %add3A_501 = arith.constant 1 : i32
        %add3A_502 = arith.addi %mul3A_500, %add3A_501 : i32
        %mul3A_503 = arith.constant 16 : i32
        %mul3A_504 = arith.muli %add3A_502, %mul3A_503 : i32
        %swap3A_505 = arith.constant 2 : i32
        %swap3A_506 = arith.index_cast %add3A_332 : i32 to index
        %swap3A_507 = arith.index_cast %swap3A_505 : i32 to index
        %swap3A_508 = arith.index_cast %mul3A_504 : i32 to index
        %swap3A_509 = tpu.vector_load %arg5[%swap3A_506, %swap3A_507, %swap3A_508] {strides = array<i32>} : memref<8x4x1024xf32, #tpu.memory_space<vmem>>, vector<1x1x16xf32>,
        %swap3A_510 = vector.shape_cast %swap3A_509 : vector<1x1x16xf32> to vector<16xf32>
        %swap3A_511 = vector.shape_cast %get3A_361 : vector<16xf32> to vector<1x1x16xf32>
        tpu.vector_store %arg5[%swap3A_506, %swap3A_507, %swap3A_508], %swap3A_511 {add = true, strides = array<i32>} : memref<8x4x1024xf32, #tpu.memory_space<vmem>>, vector<1x1x16xf32>,
        %mul3A_512 = arith.constant 8 : i32
        %mul3A_513 = arith.muli %add3A_342, %mul3A_512 : i32
        %add3A_514 = arith.constant 1 : i32
        %add3A_515 = arith.addi %mul3A_513, %add3A_514 : i32
        %mul3A_516 = arith.constant 16 : i32
        %mul3A_517 = arith.muli %add3A_515, %mul3A_516 : i32
        %swap3A_518 = arith.constant 3 : i32
        %swap3A_519 = arith.index_cast %add3A_332 : i32 to index
        %swap3A_520 = arith.index_cast %swap3A_518 : i32 to index
        %swap3A_521 = arith.index_cast %mul3A_517 : i32 to index
        %swap3A_522 = tpu.vector_load %arg5[%swap3A_519, %swap3A_520, %swap3A_521] {strides = array<i32>} : memref<8x4x1024xf32, #tpu.memory_space<vmem>>, vector<1x1x16xf32>,
        %swap3A_523 = vector.shape_cast %swap3A_522 : vector<1x1x16xf32> to vector<16xf32>
        %swap3A_524 = vector.shape_cast %get3A_361 : vector<16xf32> to vector<1x1x16xf32>
        tpu.vector_store %arg5[%swap3A_519, %swap3A_520, %swap3A_521], %swap3A_524 {add = true, strides = array<i32>} : memref<8x4x1024xf32, #tpu.memory_space<vmem>>, vector<1x1x16xf32>,
        %mul3A_525 = arith.constant 8 : i32
        %mul3A_526 = arith.muli %add3A_342, %mul3A_525 : i32
        %add3A_527 = arith.constant 2 : i32
        %add3A_528 = arith.addi %mul3A_526, %add3A_527 : i32
        %mul3A_529 = arith.constant 16 : i32
        %mul3A_530 = arith.muli %add3A_528, %mul3A_529 : i32
        %swap3A_531 = arith.constant 0 : i32
        %swap3A_532 = arith.index_cast %add3A_332 : i32 to index
        %swap3A_533 = arith.index_cast %swap3A_531 : i32 to index
        %swap3A_534 = arith.index_cast %mul3A_530 : i32 to index
        %swap3A_535 = tpu.vector_load %arg5[%swap3A_532, %swap3A_533, %swap3A_534] {strides = array<i32>} : memref<8x4x1024xf32, #tpu.memory_space<vmem>>, vector<1x1x16xf32>,
        %swap3A_536 = vector.shape_cast %swap3A_535 : vector<1x1x16xf32> to vector<16xf32>
        %swap3A_537 = vector.shape_cast %get3A_371 : vector<16xf32> to vector<1x1x16xf32>
        tpu.vector_store %arg5[%swap3A_532, %swap3A_533, %swap3A_534], %swap3A_537 {add = true, strides = array<i32>} : memref<8x4x1024xf32, #tpu.memory_space<vmem>>, vector<1x1x16xf32>,
        %mul3A_538 = arith.constant 8 : i32
        %mul3A_539 = arith.muli %add3A_342, %mul3A_538 : i32
        %add3A_540 = arith.constant 2 : i32
        %add3A_541 = arith.addi %mul3A_539, %add3A_540 : i32
        %mul3A_542 = arith.constant 16 : i32
        %mul3A_543 = arith.muli %add3A_541, %mul3A_542 : i32
        %swap3A_544 = arith.constant 1 : i32
        %swap3A_545 = arith.index_cast %add3A_332 : i32 to index
        %swap3A_546 = arith.index_cast %swap3A_544 : i32 to index
        %swap3A_547 = arith.index_cast %mul3A_543 : i32 to index
        %swap3A_548 = tpu.vector_load %arg5[%swap3A_545, %swap3A_546, %swap3A_547] {strides = array<i32>} : memref<8x4x1024xf32, #tpu.memory_space<vmem>>, vector<1x1x16xf32>,
        %swap3A_549 = vector.shape_cast %swap3A_548 : vector<1x1x16xf32> to vector<16xf32>
        %swap3A_550 = vector.shape_cast %get3A_371 : vector<16xf32> to vector<1x1x16xf32>
        tpu.vector_store %arg5[%swap3A_545, %swap3A_546, %swap3A_547], %swap3A_550 {add = true, strides = array<i32>} : memref<8x4x1024xf32, #tpu.memory_space<vmem>>, vector<1x1x16xf32>,
        %mul3A_551 = arith.constant 8 : i32
        %mul3A_552 = arith.muli %add3A_342, %mul3A_551 : i32
        %add3A_553 = arith.constant 2 : i32
        %add3A_554 = arith.addi %mul3A_552, %add3A_553 : i32
        %mul3A_555 = arith.constant 16 : i32
        %mul3A_556 = arith.muli %add3A_554, %mul3A_555 : i32
        %swap3A_557 = arith.constant 2 : i32
        %swap3A_558 = arith.index_cast %add3A_332 : i32 to index
        %swap3A_559 = arith.index_cast %swap3A_557 : i32 to index
        %swap3A_560 = arith.index_cast %mul3A_556 : i32 to index
        %swap3A_561 = tpu.vector_load %arg5[%swap3A_558, %swap3A_559, %swap3A_560] {strides = array<i32>} : memref<8x4x1024xf32, #tpu.memory_space<vmem>>, vector<1x1x16xf32>,
        %swap3A_562 = vector.shape_cast %swap3A_561 : vector<1x1x16xf32> to vector<16xf32>
        %swap3A_563 = vector.shape_cast %get3A_371 : vector<16xf32> to vector<1x1x16xf32>
        tpu.vector_store %arg5[%swap3A_558, %swap3A_559, %swap3A_560], %swap3A_563 {add = true, strides = array<i32>} : memref<8x4x1024xf32, #tpu.memory_space<vmem>>, vector<1x1x16xf32>,
        %mul3A_564 = arith.constant 8 : i32
        %mul3A_565 = arith.muli %add3A_342, %mul3A_564 : i32
        %add3A_566 = arith.constant 2 : i32
        %add3A_567 = arith.addi %mul3A_565, %add3A_566 : i32
        %mul3A_568 = arith.constant 16 : i32
        %mul3A_569 = arith.muli %add3A_567, %mul3A_568 : i32
        %swap3A_570 = arith.constant 3 : i32
        %swap3A_571 = arith.index_cast %add3A_332 : i32 to index
        %swap3A_572 = arith.index_cast %swap3A_570 : i32 to index
        %swap3A_573 = arith.index_cast %mul3A_569 : i32 to index
        %swap3A_574 = tpu.vector_load %arg5[%swap3A_571, %swap3A_572, %swap3A_573] {strides = array<i32>} : memref<8x4x1024xf32, #tpu.memory_space<vmem>>, vector<1x1x16xf32>,
        %swap3A_575 = vector.shape_cast %swap3A_574 : vector<1x1x16xf32> to vector<16xf32>
        %swap3A_576 = vector.shape_cast %get3A_371 : vector<16xf32> to vector<1x1x16xf32>
        tpu.vector_store %arg5[%swap3A_571, %swap3A_572, %swap3A_573], %swap3A_576 {add = true, strides = array<i32>} : memref<8x4x1024xf32, #tpu.memory_space<vmem>>, vector<1x1x16xf32>,
        %mul3A_577 = arith.constant 8 : i32
        %mul3A_578 = arith.muli %add3A_342, %mul3A_577 : i32
        %add3A_579 = arith.constant 3 : i32
        %add3A_580 = arith.addi %mul3A_578, %add3A_579 : i32
        %mul3A_581 = arith.constant 16 : i32
        %mul3A_582 = arith.muli %add3A_580, %mul3A_581 : i32
        %swap3A_583 = arith.constant 0 : i32
        %swap3A_584 = arith.index_cast %add3A_332 : i32 to index
        %swap3A_585 = arith.index_cast %swap3A_583 : i32 to index
        %swap3A_586 = arith.index_cast %mul3A_582 : i32 to index
        %swap3A_587 = tpu.vector_load %arg5[%swap3A_584, %swap3A_585, %swap3A_586] {strides = array<i32>} : memref<8x4x1024xf32, #tpu.memory_space<vmem>>, vector<1x1x16xf32>,
        %swap3A_588 = vector.shape_cast %swap3A_587 : vector<1x1x16xf32> to vector<16xf32>
        %swap3A_589 = vector.shape_cast %get3A_381 : vector<16xf32> to vector<1x1x16xf32>
        tpu.vector_store %arg5[%swap3A_584, %swap3A_585, %swap3A_586], %swap3A_589 {add = true, strides = array<i32>} : memref<8x4x1024xf32, #tpu.memory_space<vmem>>, vector<1x1x16xf32>,
        %mul3A_590 = arith.constant 8 : i32
        %mul3A_591 = arith.muli %add3A_342, %mul3A_590 : i32
        %add3A_592 = arith.constant 3 : i32
        %add3A_593 = arith.addi %mul3A_591, %add3A_592 : i32
        %mul3A_594 = arith.constant 16 : i32
        %mul3A_595 = arith.muli %add3A_593, %mul3A_594 : i32
        %swap3A_596 = arith.constant 1 : i32
        %swap3A_597 = arith.index_cast %add3A_332 : i32 to index
        %swap3A_598 = arith.index_cast %swap3A_596 : i32 to index
        %swap3A_599 = arith.index_cast %mul3A_595 : i32 to index
        %swap3A_600 = tpu.vector_load %arg5[%swap3A_597, %swap3A_598, %swap3A_599] {strides = array<i32>} : memref<8x4x1024xf32, #tpu.memory_space<vmem>>, vector<1x1x16xf32>,
        %swap3A_601 = vector.shape_cast %swap3A_600 : vector<1x1x16xf32> to vector<16xf32>
        %swap3A_602 = vector.shape_cast %get3A_381 : vector<16xf32> to vector<1x1x16xf32>
        tpu.vector_store %arg5[%swap3A_597, %swap3A_598, %swap3A_599], %swap3A_602 {add = true, strides = array<i32>} : memref<8x4x1024xf32, #tpu.memory_space<vmem>>, vector<1x1x16xf32>,
        %mul3A_603 = arith.constant 8 : i32
        %mul3A_604 = arith.muli %add3A_342, %mul3A_603 : i32
        %add3A_605 = arith.constant 3 : i32
        %add3A_606 = arith.addi %mul3A_604, %add3A_605 : i32
        %mul3A_607 = arith.constant 16 : i32
        %mul3A_608 = arith.muli %add3A_606, %mul3A_607 : i32
        %swap3A_609 = arith.constant 2 : i32
        %swap3A_610 = arith.index_cast %add3A_332 : i32 to index
        %swap3A_611 = arith.index_cast %swap3A_609 : i32 to index
        %swap3A_612 = arith.index_cast %mul3A_608 : i32 to index
        %swap3A_613 = tpu.vector_load %arg5[%swap3A_610, %swap3A_611, %swap3A_612] {strides = array<i32>} : memref<8x4x1024xf32, #tpu.memory_space<vmem>>, vector<1x1x16xf32>,
        %swap3A_614 = vector.shape_cast %swap3A_613 : vector<1x1x16xf32> to vector<16xf32>
        %swap3A_615 = vector.shape_cast %get3A_381 : vector<16xf32> to vector<1x1x16xf32>
        tpu.vector_store %arg5[%swap3A_610, %swap3A_611, %swap3A_612], %swap3A_615 {add = true, strides = array<i32>} : memref<8x4x1024xf32, #tpu.memory_space<vmem>>, vector<1x1x16xf32>,
        %mul3A_616 = arith.constant 8 : i32
        %mul3A_617 = arith.muli %add3A_342, %mul3A_616 : i32
        %add3A_618 = arith.constant 3 : i32
        %add3A_619 = arith.addi %mul3A_617, %add3A_618 : i32
        %mul3A_620 = arith.constant 16 : i32
        %mul3A_621 = arith.muli %add3A_619, %mul3A_620 : i32
        %swap3A_622 = arith.constant 3 : i32
        %swap3A_623 = arith.index_cast %add3A_332 : i32 to index
        %swap3A_624 = arith.index_cast %swap3A_622 : i32 to index
        %swap3A_625 = arith.index_cast %mul3A_621 : i32 to index
        %swap3A_626 = tpu.vector_load %arg5[%swap3A_623, %swap3A_624, %swap3A_625] {strides = array<i32>} : memref<8x4x1024xf32, #tpu.memory_space<vmem>>, vector<1x1x16xf32>,
        %swap3A_627 = vector.shape_cast %swap3A_626 : vector<1x1x16xf32> to vector<16xf32>
        %swap3A_628 = vector.shape_cast %get3A_381 : vector<16xf32> to vector<1x1x16xf32>
        tpu.vector_store %arg5[%swap3A_623, %swap3A_624, %swap3A_625], %swap3A_628 {add = true, strides = array<i32>} : memref<8x4x1024xf32, #tpu.memory_space<vmem>>, vector<1x1x16xf32>,
        %mul3A_629 = arith.constant 8 : i32
        %mul3A_630 = arith.muli %add3A_342, %mul3A_629 : i32
        %add3A_631 = arith.constant 4 : i32
        %add3A_632 = arith.addi %mul3A_630, %add3A_631 : i32
        %mul3A_633 = arith.constant 16 : i32
        %mul3A_634 = arith.muli %add3A_632, %mul3A_633 : i32
        %swap3A_635 = arith.constant 0 : i32
        %swap3A_636 = arith.index_cast %add3A_332 : i32 to index
        %swap3A_637 = arith.index_cast %swap3A_635 : i32 to index
        %swap3A_638 = arith.index_cast %mul3A_634 : i32 to index
        %swap3A_639 = tpu.vector_load %arg5[%swap3A_636, %swap3A_637, %swap3A_638] {strides = array<i32>} : memref<8x4x1024xf32, #tpu.memory_space<vmem>>, vector<1x1x16xf32>,
        %swap3A_640 = vector.shape_cast %swap3A_639 : vector<1x1x16xf32> to vector<16xf32>
        %swap3A_641 = vector.shape_cast %get3A_391 : vector<16xf32> to vector<1x1x16xf32>
        tpu.vector_store %arg5[%swap3A_636, %swap3A_637, %swap3A_638], %swap3A_641 {add = true, strides = array<i32>} : memref<8x4x1024xf32, #tpu.memory_space<vmem>>, vector<1x1x16xf32>,
        %mul3A_642 = arith.constant 8 : i32
        %mul3A_643 = arith.muli %add3A_342, %mul3A_642 : i32
        %add3A_644 = arith.constant 4 : i32
        %add3A_645 = arith.addi %mul3A_643, %add3A_644 : i32
        %mul3A_646 = arith.constant 16 : i32
        %mul3A_647 = arith.muli %add3A_645, %mul3A_646 : i32
        %swap3A_648 = arith.constant 1 : i32
        %swap3A_649 = arith.index_cast %add3A_332 : i32 to index
        %swap3A_650 = arith.index_cast %swap3A_648 : i32 to index
        %swap3A_651 = arith.index_cast %mul3A_647 : i32 to index
        %swap3A_652 = tpu.vector_load %arg5[%swap3A_649, %swap3A_650, %swap3A_651] {strides = array<i32>} : memref<8x4x1024xf32, #tpu.memory_space<vmem>>, vector<1x1x16xf32>,
        %swap3A_653 = vector.shape_cast %swap3A_652 : vector<1x1x16xf32> to vector<16xf32>
        %swap3A_654 = vector.shape_cast %get3A_391 : vector<16xf32> to vector<1x1x16xf32>
        tpu.vector_store %arg5[%swap3A_649, %swap3A_650, %swap3A_651], %swap3A_654 {add = true, strides = array<i32>} : memref<8x4x1024xf32, #tpu.memory_space<vmem>>, vector<1x1x16xf32>,
        %mul3A_655 = arith.constant 8 : i32
        %mul3A_656 = arith.muli %add3A_342, %mul3A_655 : i32
        %add3A_657 = arith.constant 4 : i32
        %add3A_658 = arith.addi %mul3A_656, %add3A_657 : i32
        %mul3A_659 = arith.constant 16 : i32
        %mul3A_660 = arith.muli %add3A_658, %mul3A_659 : i32
        %swap3A_661 = arith.constant 2 : i32
        %swap3A_662 = arith.index_cast %add3A_332 : i32 to index
        %swap3A_663 = arith.index_cast %swap3A_661 : i32 to index
        %swap3A_664 = arith.index_cast %mul3A_660 : i32 to index
        %swap3A_665 = tpu.vector_load %arg5[%swap3A_662, %swap3A_663, %swap3A_664] {strides = array<i32>} : memref<8x4x1024xf32, #tpu.memory_space<vmem>>, vector<1x1x16xf32>,
        %swap3A_666 = vector.shape_cast %swap3A_665 : vector<1x1x16xf32> to vector<16xf32>
        %swap3A_667 = vector.shape_cast %get3A_391 : vector<16xf32> to vector<1x1x16xf32>
        tpu.vector_store %arg5[%swap3A_662, %swap3A_663, %swap3A_664], %swap3A_667 {add = true, strides = array<i32>} : memref<8x4x1024xf32, #tpu.memory_space<vmem>>, vector<1x1x16xf32>,
        %mul3A_668 = arith.constant 8 : i32
        %mul3A_669 = arith.muli %add3A_342, %mul3A_668 : i32
        %add3A_670 = arith.constant 4 : i32
        %add3A_671 = arith.addi %mul3A_669, %add3A_670 : i32
        %mul3A_672 = arith.constant 16 : i32
        %mul3A_673 = arith.muli %add3A_671, %mul3A_672 : i32
        %swap3A_674 = arith.constant 3 : i32
        %swap3A_675 = arith.index_cast %add3A_332 : i32 to index
        %swap3A_676 = arith.index_cast %swap3A_674 : i32 to index
        %swap3A_677 = arith.index_cast %mul3A_673 : i32 to index
        %swap3A_678 = tpu.vector_load %arg5[%swap3A_675, %swap3A_676, %swap3A_677] {strides = array<i32>} : memref<8x4x1024xf32, #tpu.memory_space<vmem>>, vector<1x1x16xf32>,
        %swap3A_679 = vector.shape_cast %swap3A_678 : vector<1x1x16xf32> to vector<16xf32>
        %swap3A_680 = vector.shape_cast %get3A_391 : vector<16xf32> to vector<1x1x16xf32>
        tpu.vector_store %arg5[%swap3A_675, %swap3A_676, %swap3A_677], %swap3A_680 {add = true, strides = array<i32>} : memref<8x4x1024xf32, #tpu.memory_space<vmem>>, vector<1x1x16xf32>,
        %mul3A_681 = arith.constant 8 : i32
        %mul3A_682 = arith.muli %add3A_342, %mul3A_681 : i32
        %add3A_683 = arith.constant 5 : i32
        %add3A_684 = arith.addi %mul3A_682, %add3A_683 : i32
        %mul3A_685 = arith.constant 16 : i32
        %mul3A_686 = arith.muli %add3A_684, %mul3A_685 : i32
        %swap3A_687 = arith.constant 0 : i32
        %swap3A_688 = arith.index_cast %add3A_332 : i32 to index
        %swap3A_689 = arith.index_cast %swap3A_687 : i32 to index
        %swap3A_690 = arith.index_cast %mul3A_686 : i32 to index
        %swap3A_691 = tpu.vector_load %arg5[%swap3A_688, %swap3A_689, %swap3A_690] {strides = array<i32>} : memref<8x4x1024xf32, #tpu.memory_space<vmem>>, vector<1x1x16xf32>,
        %swap3A_692 = vector.shape_cast %swap3A_691 : vector<1x1x16xf32> to vector<16xf32>
        %swap3A_693 = vector.shape_cast %get3A_401 : vector<16xf32> to vector<1x1x16xf32>
        tpu.vector_store %arg5[%swap3A_688, %swap3A_689, %swap3A_690], %swap3A_693 {add = true, strides = array<i32>} : memref<8x4x1024xf32, #tpu.memory_space<vmem>>, vector<1x1x16xf32>,
        %mul3A_694 = arith.constant 8 : i32
        %mul3A_695 = arith.muli %add3A_342, %mul3A_694 : i32
        %add3A_696 = arith.constant 5 : i32
        %add3A_697 = arith.addi %mul3A_695, %add3A_696 : i32
        %mul3A_698 = arith.constant 16 : i32
        %mul3A_699 = arith.muli %add3A_697, %mul3A_698 : i32
        %swap3A_700 = arith.constant 1 : i32
        %swap3A_701 = arith.index_cast %add3A_332 : i32 to index
        %swap3A_702 = arith.index_cast %swap3A_700 : i32 to index
        %swap3A_703 = arith.index_cast %mul3A_699 : i32 to index
        %swap3A_704 = tpu.vector_load %arg5[%swap3A_701, %swap3A_702, %swap3A_703] {strides = array<i32>} : memref<8x4x1024xf32, #tpu.memory_space<vmem>>, vector<1x1x16xf32>,
        %swap3A_705 = vector.shape_cast %swap3A_704 : vector<1x1x16xf32> to vector<16xf32>
        %swap3A_706 = vector.shape_cast %get3A_401 : vector<16xf32> to vector<1x1x16xf32>
        tpu.vector_store %arg5[%swap3A_701, %swap3A_702, %swap3A_703], %swap3A_706 {add = true, strides = array<i32>} : memref<8x4x1024xf32, #tpu.memory_space<vmem>>, vector<1x1x16xf32>,
        %mul3A_707 = arith.constant 8 : i32
        %mul3A_708 = arith.muli %add3A_342, %mul3A_707 : i32
        %add3A_709 = arith.constant 5 : i32
        %add3A_710 = arith.addi %mul3A_708, %add3A_709 : i32
        %mul3A_711 = arith.constant 16 : i32
        %mul3A_712 = arith.muli %add3A_710, %mul3A_711 : i32
        %swap3A_713 = arith.constant 2 : i32
        %swap3A_714 = arith.index_cast %add3A_332 : i32 to index
        %swap3A_715 = arith.index_cast %swap3A_713 : i32 to index
        %swap3A_716 = arith.index_cast %mul3A_712 : i32 to index
        %swap3A_717 = tpu.vector_load %arg5[%swap3A_714, %swap3A_715, %swap3A_716] {strides = array<i32>} : memref<8x4x1024xf32, #tpu.memory_space<vmem>>, vector<1x1x16xf32>,
        %swap3A_718 = vector.shape_cast %swap3A_717 : vector<1x1x16xf32> to vector<16xf32>
        %swap3A_719 = vector.shape_cast %get3A_401 : vector<16xf32> to vector<1x1x16xf32>
        tpu.vector_store %arg5[%swap3A_714, %swap3A_715, %swap3A_716], %swap3A_719 {add = true, strides = array<i32>} : memref<8x4x1024xf32, #tpu.memory_space<vmem>>, vector<1x1x16xf32>,
        %mul3A_720 = arith.constant 8 : i32
        %mul3A_721 = arith.muli %add3A_342, %mul3A_720 : i32
        %add3A_722 = arith.constant 5 : i32
        %add3A_723 = arith.addi %mul3A_721, %add3A_722 : i32
        %mul3A_724 = arith.constant 16 : i32
        %mul3A_725 = arith.muli %add3A_723, %mul3A_724 : i32
        %swap3A_726 = arith.constant 3 : i32
        %swap3A_727 = arith.index_cast %add3A_332 : i32 to index
        %swap3A_728 = arith.index_cast %swap3A_726 : i32 to index
        %swap3A_729 = arith.index_cast %mul3A_725 : i32 to index
        %swap3A_730 = tpu.vector_load %arg5[%swap3A_727, %swap3A_728, %swap3A_729] {strides = array<i32>} : memref<8x4x1024xf32, #tpu.memory_space<vmem>>, vector<1x1x16xf32>,
        %swap3A_731 = vector.shape_cast %swap3A_730 : vector<1x1x16xf32> to vector<16xf32>
        %swap3A_732 = vector.shape_cast %get3A_401 : vector<16xf32> to vector<1x1x16xf32>
        tpu.vector_store %arg5[%swap3A_727, %swap3A_728, %swap3A_729], %swap3A_732 {add = true, strides = array<i32>} : memref<8x4x1024xf32, #tpu.memory_space<vmem>>, vector<1x1x16xf32>,
        %mul3A_733 = arith.constant 8 : i32
        %mul3A_734 = arith.muli %add3A_342, %mul3A_733 : i32
        %add3A_735 = arith.constant 6 : i32
        %add3A_736 = arith.addi %mul3A_734, %add3A_735 : i32
        %mul3A_737 = arith.constant 16 : i32
        %mul3A_738 = arith.muli %add3A_736, %mul3A_737 : i32
        %swap3A_739 = arith.constant 0 : i32
        %swap3A_740 = arith.index_cast %add3A_332 : i32 to index
        %swap3A_741 = arith.index_cast %swap3A_739 : i32 to index
        %swap3A_742 = arith.index_cast %mul3A_738 : i32 to index
        %swap3A_743 = tpu.vector_load %arg5[%swap3A_740, %swap3A_741, %swap3A_742] {strides = array<i32>} : memref<8x4x1024xf32, #tpu.memory_space<vmem>>, vector<1x1x16xf32>,
        %swap3A_744 = vector.shape_cast %swap3A_743 : vector<1x1x16xf32> to vector<16xf32>
        %swap3A_745 = vector.shape_cast %get3A_411 : vector<16xf32> to vector<1x1x16xf32>
        tpu.vector_store %arg5[%swap3A_740, %swap3A_741, %swap3A_742], %swap3A_745 {add = true, strides = array<i32>} : memref<8x4x1024xf32, #tpu.memory_space<vmem>>, vector<1x1x16xf32>,
        %mul3A_746 = arith.constant 8 : i32
        %mul3A_747 = arith.muli %add3A_342, %mul3A_746 : i32
        %add3A_748 = arith.constant 6 : i32
        %add3A_749 = arith.addi %mul3A_747, %add3A_748 : i32
        %mul3A_750 = arith.constant 16 : i32
        %mul3A_751 = arith.muli %add3A_749, %mul3A_750 : i32
        %swap3A_752 = arith.constant 1 : i32
        %swap3A_753 = arith.index_cast %add3A_332 : i32 to index
        %swap3A_754 = arith.index_cast %swap3A_752 : i32 to index
        %swap3A_755 = arith.index_cast %mul3A_751 : i32 to index
        %swap3A_756 = tpu.vector_load %arg5[%swap3A_753, %swap3A_754, %swap3A_755] {strides = array<i32>} : memref<8x4x1024xf32, #tpu.memory_space<vmem>>, vector<1x1x16xf32>,
        %swap3A_757 = vector.shape_cast %swap3A_756 : vector<1x1x16xf32> to vector<16xf32>
        %swap3A_758 = vector.shape_cast %get3A_411 : vector<16xf32> to vector<1x1x16xf32>
        tpu.vector_store %arg5[%swap3A_753, %swap3A_754, %swap3A_755], %swap3A_758 {add = true, strides = array<i32>} : memref<8x4x1024xf32, #tpu.memory_space<vmem>>, vector<1x1x16xf32>,
        %mul3A_759 = arith.constant 8 : i32
        %mul3A_760 = arith.muli %add3A_342, %mul3A_759 : i32
        %add3A_761 = arith.constant 6 : i32
        %add3A_762 = arith.addi %mul3A_760, %add3A_761 : i32
        %mul3A_763 = arith.constant 16 : i32
        %mul3A_764 = arith.muli %add3A_762, %mul3A_763 : i32
        %swap3A_765 = arith.constant 2 : i32
        %swap3A_766 = arith.index_cast %add3A_332 : i32 to index
        %swap3A_767 = arith.index_cast %swap3A_765 : i32 to index
        %swap3A_768 = arith.index_cast %mul3A_764 : i32 to index
        %swap3A_769 = tpu.vector_load %arg5[%swap3A_766, %swap3A_767, %swap3A_768] {strides = array<i32>} : memref<8x4x1024xf32, #tpu.memory_space<vmem>>, vector<1x1x16xf32>,
        %swap3A_770 = vector.shape_cast %swap3A_769 : vector<1x1x16xf32> to vector<16xf32>
        %swap3A_771 = vector.shape_cast %get3A_411 : vector<16xf32> to vector<1x1x16xf32>
        tpu.vector_store %arg5[%swap3A_766, %swap3A_767, %swap3A_768], %swap3A_771 {add = true, strides = array<i32>} : memref<8x4x1024xf32, #tpu.memory_space<vmem>>, vector<1x1x16xf32>,
        %mul3A_772 = arith.constant 8 : i32
        %mul3A_773 = arith.muli %add3A_342, %mul3A_772 : i32
        %add3A_774 = arith.constant 6 : i32
        %add3A_775 = arith.addi %mul3A_773, %add3A_774 : i32
        %mul3A_776 = arith.constant 16 : i32
        %mul3A_777 = arith.muli %add3A_775, %mul3A_776 : i32
        %swap3A_778 = arith.constant 3 : i32
        %swap3A_779 = arith.index_cast %add3A_332 : i32 to index
        %swap3A_780 = arith.index_cast %swap3A_778 : i32 to index
        %swap3A_781 = arith.index_cast %mul3A_777 : i32 to index
        %swap3A_782 = tpu.vector_load %arg5[%swap3A_779, %swap3A_780, %swap3A_781] {strides = array<i32>} : memref<8x4x1024xf32, #tpu.memory_space<vmem>>, vector<1x1x16xf32>,
        %swap3A_783 = vector.shape_cast %swap3A_782 : vector<1x1x16xf32> to vector<16xf32>
        %swap3A_784 = vector.shape_cast %get3A_411 : vector<16xf32> to vector<1x1x16xf32>
        tpu.vector_store %arg5[%swap3A_779, %swap3A_780, %swap3A_781], %swap3A_784 {add = true, strides = array<i32>} : memref<8x4x1024xf32, #tpu.memory_space<vmem>>, vector<1x1x16xf32>,
        %mul3A_785 = arith.constant 8 : i32
        %mul3A_786 = arith.muli %add3A_342, %mul3A_785 : i32
        %add3A_787 = arith.constant 7 : i32
        %add3A_788 = arith.addi %mul3A_786, %add3A_787 : i32
        %mul3A_789 = arith.constant 16 : i32
        %mul3A_790 = arith.muli %add3A_788, %mul3A_789 : i32
        %swap3A_791 = arith.constant 0 : i32
        %swap3A_792 = arith.index_cast %add3A_332 : i32 to index
        %swap3A_793 = arith.index_cast %swap3A_791 : i32 to index
        %swap3A_794 = arith.index_cast %mul3A_790 : i32 to index
        %swap3A_795 = tpu.vector_load %arg5[%swap3A_792, %swap3A_793, %swap3A_794] {strides = array<i32>} : memref<8x4x1024xf32, #tpu.memory_space<vmem>>, vector<1x1x16xf32>,
        %swap3A_796 = vector.shape_cast %swap3A_795 : vector<1x1x16xf32> to vector<16xf32>
        %swap3A_797 = vector.shape_cast %get3A_421 : vector<16xf32> to vector<1x1x16xf32>
        tpu.vector_store %arg5[%swap3A_792, %swap3A_793, %swap3A_794], %swap3A_797 {add = true, strides = array<i32>} : memref<8x4x1024xf32, #tpu.memory_space<vmem>>, vector<1x1x16xf32>,
        %mul3A_798 = arith.constant 8 : i32
        %mul3A_799 = arith.muli %add3A_342, %mul3A_798 : i32
        %add3A_800 = arith.constant 7 : i32
        %add3A_801 = arith.addi %mul3A_799, %add3A_800 : i32
        %mul3A_802 = arith.constant 16 : i32
        %mul3A_803 = arith.muli %add3A_801, %mul3A_802 : i32
        %swap3A_804 = arith.constant 1 : i32
        %swap3A_805 = arith.index_cast %add3A_332 : i32 to index
        %swap3A_806 = arith.index_cast %swap3A_804 : i32 to index
        %swap3A_807 = arith.index_cast %mul3A_803 : i32 to index
        %swap3A_808 = tpu.vector_load %arg5[%swap3A_805, %swap3A_806, %swap3A_807] {strides = array<i32>} : memref<8x4x1024xf32, #tpu.memory_space<vmem>>, vector<1x1x16xf32>,
        %swap3A_809 = vector.shape_cast %swap3A_808 : vector<1x1x16xf32> to vector<16xf32>
        %swap3A_810 = vector.shape_cast %get3A_421 : vector<16xf32> to vector<1x1x16xf32>
        tpu.vector_store %arg5[%swap3A_805, %swap3A_806, %swap3A_807], %swap3A_810 {add = true, strides = array<i32>} : memref<8x4x1024xf32, #tpu.memory_space<vmem>>, vector<1x1x16xf32>,
        %mul3A_811 = arith.constant 8 : i32
        %mul3A_812 = arith.muli %add3A_342, %mul3A_811 : i32
        %add3A_813 = arith.constant 7 : i32
        %add3A_814 = arith.addi %mul3A_812, %add3A_813 : i32
        %mul3A_815 = arith.constant 16 : i32
        %mul3A_816 = arith.muli %add3A_814, %mul3A_815 : i32
        %swap3A_817 = arith.constant 2 : i32
        %swap3A_818 = arith.index_cast %add3A_332 : i32 to index
        %swap3A_819 = arith.index_cast %swap3A_817 : i32 to index
        %swap3A_820 = arith.index_cast %mul3A_816 : i32 to index
        %swap3A_821 = tpu.vector_load %arg5[%swap3A_818, %swap3A_819, %swap3A_820] {strides = array<i32>} : memref<8x4x1024xf32, #tpu.memory_space<vmem>>, vector<1x1x16xf32>,
        %swap3A_822 = vector.shape_cast %swap3A_821 : vector<1x1x16xf32> to vector<16xf32>
        %swap3A_823 = vector.shape_cast %get3A_421 : vector<16xf32> to vector<1x1x16xf32>
        tpu.vector_store %arg5[%swap3A_818, %swap3A_819, %swap3A_820], %swap3A_823 {add = true, strides = array<i32>} : memref<8x4x1024xf32, #tpu.memory_space<vmem>>, vector<1x1x16xf32>,
        %mul3A_824 = arith.constant 8 : i32
        %mul3A_825 = arith.muli %add3A_342, %mul3A_824 : i32
        %add3A_826 = arith.constant 7 : i32
        %add3A_827 = arith.addi %mul3A_825, %add3A_826 : i32
        %mul3A_828 = arith.constant 16 : i32
        %mul3A_829 = arith.muli %add3A_827, %mul3A_828 : i32
        %swap3A_830 = arith.constant 3 : i32
        %swap3A_831 = arith.index_cast %add3A_332 : i32 to index
        %swap3A_832 = arith.index_cast %swap3A_830 : i32 to index
        %swap3A_833 = arith.index_cast %mul3A_829 : i32 to index
        %swap3A_834 = tpu.vector_load %arg5[%swap3A_831, %swap3A_832, %swap3A_833] {strides = array<i32>} : memref<8x4x1024xf32, #tpu.memory_space<vmem>>, vector<1x1x16xf32>,
        %swap3A_835 = vector.shape_cast %swap3A_834 : vector<1x1x16xf32> to vector<16xf32>
        %swap3A_836 = vector.shape_cast %get3A_421 : vector<16xf32> to vector<1x1x16xf32>
        tpu.vector_store %arg5[%swap3A_831, %swap3A_832, %swap3A_833], %swap3A_836 {add = true, strides = array<i32>} : memref<8x4x1024xf32, #tpu.memory_space<vmem>>, vector<1x1x16xf32>,
      }
      %scan3A_337 = arith.constant 8 : i32
    }
    %scan3A_278 = arith.constant 8 : i32
    %add3A_279 = arith.constant 48 : i32
    %add3A_280 = arith.addi %mul3A_2, %add3A_279 : i32
    %dma_start3A_281 = arith.constant 0 : i32
    %dma_start3A_282 = arith.constant 0 : i32
    %dma_start3A_283 = tpu.memref_slice %arg4[%add3A_280, %dma_start3A_281, %dma_start3A_282] : memref<2048x4x1024xf32, #tpu.memory_space<hbm>> -> memref<8x4x1024xf32, #tpu.memory_space<hbm>>
    %dma_start3A_284 = arith.constant 0 : i32
    %dma_start3A_285 = arith.constant 0 : i32
    %dma_start3A_286 = tpu.memref_slice %arg4[%add3A_280, %dma_start3A_284, %dma_start3A_285] : memref<2048x4x1024xf32, #tpu.memory_space<hbm>> -> memref<8x4x1024xf32, #tpu.memory_space<hbm>>
    tpu.enqueue_dma source(%arg5 : memref<8x4x1024xf32, #tpu.memory_space<vmem>>) target(%dma_start3A_286 : memref<8x4x1024xf32, #tpu.memory_space<hbm>>) target_semaphore(%arg17 : memref<!tpu.dma_semaphore, #tpu.memory_space<semaphore_mem>>)
    %dma_wait3A_287 = arith.constant 0 : i32
    %dma_wait3A_288 = arith.constant 0 : i32
    %dma_wait3A_289 = tpu.memref_slice %arg2[%add3A_253, %dma_wait3A_287, %dma_wait3A_288] : memref<2048x4x1024xf32, #tpu.memory_space<hbm>> -> memref<8x4x1024xf32, #tpu.memory_space<hbm>>
    %dma_wait3A_290 = arith.constant 0 : i32
    %dma_wait3A_291 = arith.constant 0 : i32
    %dma_wait3A_292 = tpu.memref_slice %arg2[%add3A_253, %dma_wait3A_290, %dma_wait3A_291] : memref<2048x4x1024xf32, #tpu.memory_space<hbm>> -> memref<8x4x1024xf32, #tpu.memory_space<hbm>>
    tpu.wait_dma2 semaphore(%arg12 : memref<!tpu.dma_semaphore, #tpu.memory_space<semaphore_mem>>) src(%dma_wait3A_292 : memref<8x4x1024xf32, #tpu.memory_space<hbm>>) dst(%arg6 : memref<8x4x1024xf32, #tpu.memory_space<vmem>>)
    %dma_wait3A_293 = arith.constant 0 : i32
    %dma_wait3A_294 = tpu.memref_slice %arg3[%add3A_253, %dma_wait3A_293] : memref<2048x1024xf32, #tpu.memory_space<hbm>> -> memref<8x1024xf32, #tpu.memory_space<hbm>>
    %dma_wait3A_295 = arith.constant 0 : i32
    %dma_wait3A_296 = tpu.memref_slice %arg3[%add3A_253, %dma_wait3A_295] : memref<2048x1024xf32, #tpu.memory_space<hbm>> -> memref<8x1024xf32, #tpu.memory_space<hbm>>
    tpu.wait_dma2 semaphore(%arg15 : memref<!tpu.dma_semaphore, #tpu.memory_space<semaphore_mem>>) src(%dma_wait3A_296 : memref<8x1024xf32, #tpu.memory_space<hbm>>) dst(%arg9 : memref<8x1024xf32, #tpu.memory_space<vmem>>)
    %scan3A_297 = arith.constant 0 : i32
    %scan3A_298 = arith.constant 8 : i32
    %scan3A_299 = arith.addi %scan3A_297, %scan3A_298 : i32
    %scan3A_300 = arith.constant 1 : i32
    scf.for %scan3A_328 = %scan3A_297 to %scan3A_299 step %scan3A_300  : i32 {
      %mul3A_329 = arith.constant 1 : i32
      %mul3A_330 = arith.muli %scan3A_328, %mul3A_329 : i32
      %add3A_331 = arith.constant 0 : i32
      %add3A_332 = arith.addi %add3A_331, %mul3A_330 : i32
      %scan3A_333 = arith.constant 0 : i32
      %scan3A_334 = arith.constant 8 : i32
      %scan3A_335 = arith.addi %scan3A_333, %scan3A_334 : i32
      %scan3A_336 = arith.constant 1 : i32
      scf.for %scan3A_338 = %scan3A_333 to %scan3A_335 step %scan3A_336  : i32 {
        %mul3A_339 = arith.constant 1 : i32
        %mul3A_340 = arith.muli %scan3A_338, %mul3A_339 : i32
        %add3A_341 = arith.constant 0 : i32
        %add3A_342 = arith.addi %add3A_341, %mul3A_340 : i32
        %mul3A_343 = arith.constant 8 : i32
        %mul3A_344 = arith.muli %add3A_342, %mul3A_343 : i32
        %add3A_345 = arith.constant 0 : i32
        %add3A_346 = arith.addi %mul3A_344, %add3A_345 : i32
        %mul3A_347 = arith.constant 16 : i32
        %mul3A_348 = arith.muli %add3A_346, %mul3A_347 : i32
        %get3A = arith.index_cast %add3A_332 : i32 to index
        %get3A_349 = arith.index_cast %mul3A_348 : i32 to index
        %get3A_350 = tpu.vector_load %arg9[%get3A, %get3A_349] {strides = array<i32>} : memref<8x1024xf32, #tpu.memory_space<vmem>>, vector<1x16xf32>,
        %get3A_351 = vector.shape_cast %get3A_350 : vector<1x16xf32> to vector<16xf32>
        %mul3A_352 = arith.constant 8 : i32
        %mul3A_353 = arith.muli %add3A_342, %mul3A_352 : i32
        %add3A_354 = arith.constant 1 : i32
        %add3A_355 = arith.addi %mul3A_353, %add3A_354 : i32
        %mul3A_356 = arith.constant 16 : i32
        %mul3A_357 = arith.muli %add3A_355, %mul3A_356 : i32
        %get3A_358 = arith.index_cast %add3A_332 : i32 to index
        %get3A_359 = arith.index_cast %mul3A_357 : i32 to index
        %get3A_360 = tpu.vector_load %arg9[%get3A_358, %get3A_359] {strides = array<i32>} : memref<8x1024xf32, #tpu.memory_space<vmem>>, vector<1x16xf32>,
        %get3A_361 = vector.shape_cast %get3A_360 : vector<1x16xf32> to vector<16xf32>
        %mul3A_362 = arith.constant 8 : i32
        %mul3A_363 = arith.muli %add3A_342, %mul3A_362 : i32
        %add3A_364 = arith.constant 2 : i32
        %add3A_365 = arith.addi %mul3A_363, %add3A_364 : i32
        %mul3A_366 = arith.constant 16 : i32
        %mul3A_367 = arith.muli %add3A_365, %mul3A_366 : i32
        %get3A_368 = arith.index_cast %add3A_332 : i32 to index
        %get3A_369 = arith.index_cast %mul3A_367 : i32 to index
        %get3A_370 = tpu.vector_load %arg9[%get3A_368, %get3A_369] {strides = array<i32>} : memref<8x1024xf32, #tpu.memory_space<vmem>>, vector<1x16xf32>,
        %get3A_371 = vector.shape_cast %get3A_370 : vector<1x16xf32> to vector<16xf32>
        %mul3A_372 = arith.constant 8 : i32
        %mul3A_373 = arith.muli %add3A_342, %mul3A_372 : i32
        %add3A_374 = arith.constant 3 : i32
        %add3A_375 = arith.addi %mul3A_373, %add3A_374 : i32
        %mul3A_376 = arith.constant 16 : i32
        %mul3A_377 = arith.muli %add3A_375, %mul3A_376 : i32
        %get3A_378 = arith.index_cast %add3A_332 : i32 to index
        %get3A_379 = arith.index_cast %mul3A_377 : i32 to index
        %get3A_380 = tpu.vector_load %arg9[%get3A_378, %get3A_379] {strides = array<i32>} : memref<8x1024xf32, #tpu.memory_space<vmem>>, vector<1x16xf32>,
        %get3A_381 = vector.shape_cast %get3A_380 : vector<1x16xf32> to vector<16xf32>
        %mul3A_382 = arith.constant 8 : i32
        %mul3A_383 = arith.muli %add3A_342, %mul3A_382 : i32
        %add3A_384 = arith.constant 4 : i32
        %add3A_385 = arith.addi %mul3A_383, %add3A_384 : i32
        %mul3A_386 = arith.constant 16 : i32
        %mul3A_387 = arith.muli %add3A_385, %mul3A_386 : i32
        %get3A_388 = arith.index_cast %add3A_332 : i32 to index
        %get3A_389 = arith.index_cast %mul3A_387 : i32 to index
        %get3A_390 = tpu.vector_load %arg9[%get3A_388, %get3A_389] {strides = array<i32>} : memref<8x1024xf32, #tpu.memory_space<vmem>>, vector<1x16xf32>,
        %get3A_391 = vector.shape_cast %get3A_390 : vector<1x16xf32> to vector<16xf32>
        %mul3A_392 = arith.constant 8 : i32
        %mul3A_393 = arith.muli %add3A_342, %mul3A_392 : i32
        %add3A_394 = arith.constant 5 : i32
        %add3A_395 = arith.addi %mul3A_393, %add3A_394 : i32
        %mul3A_396 = arith.constant 16 : i32
        %mul3A_397 = arith.muli %add3A_395, %mul3A_396 : i32
        %get3A_398 = arith.index_cast %add3A_332 : i32 to index
        %get3A_399 = arith.index_cast %mul3A_397 : i32 to index
        %get3A_400 = tpu.vector_load %arg9[%get3A_398, %get3A_399] {strides = array<i32>} : memref<8x1024xf32, #tpu.memory_space<vmem>>, vector<1x16xf32>,
        %get3A_401 = vector.shape_cast %get3A_400 : vector<1x16xf32> to vector<16xf32>
        %mul3A_402 = arith.constant 8 : i32
        %mul3A_403 = arith.muli %add3A_342, %mul3A_402 : i32
        %add3A_404 = arith.constant 6 : i32
        %add3A_405 = arith.addi %mul3A_403, %add3A_404 : i32
        %mul3A_406 = arith.constant 16 : i32
        %mul3A_407 = arith.muli %add3A_405, %mul3A_406 : i32
        %get3A_408 = arith.index_cast %add3A_332 : i32 to index
        %get3A_409 = arith.index_cast %mul3A_407 : i32 to index
        %get3A_410 = tpu.vector_load %arg9[%get3A_408, %get3A_409] {strides = array<i32>} : memref<8x1024xf32, #tpu.memory_space<vmem>>, vector<1x16xf32>,
        %get3A_411 = vector.shape_cast %get3A_410 : vector<1x16xf32> to vector<16xf32>
        %mul3A_412 = arith.constant 8 : i32
        %mul3A_413 = arith.muli %add3A_342, %mul3A_412 : i32
        %add3A_414 = arith.constant 7 : i32
        %add3A_415 = arith.addi %mul3A_413, %add3A_414 : i32
        %mul3A_416 = arith.constant 16 : i32
        %mul3A_417 = arith.muli %add3A_415, %mul3A_416 : i32
        %get3A_418 = arith.index_cast %add3A_332 : i32 to index
        %get3A_419 = arith.index_cast %mul3A_417 : i32 to index
        %get3A_420 = tpu.vector_load %arg9[%get3A_418, %get3A_419] {strides = array<i32>} : memref<8x1024xf32, #tpu.memory_space<vmem>>, vector<1x16xf32>,
        %get3A_421 = vector.shape_cast %get3A_420 : vector<1x16xf32> to vector<16xf32>
        %mul3A_422 = arith.constant 8 : i32
        %mul3A_423 = arith.muli %add3A_342, %mul3A_422 : i32
        %add3A_424 = arith.constant 0 : i32
        %add3A_425 = arith.addi %mul3A_423, %add3A_424 : i32
        %mul3A_426 = arith.constant 16 : i32
        %mul3A_427 = arith.muli %add3A_425, %mul3A_426 : i32
        %swap3A = arith.constant 0 : i32
        %swap3A_428 = arith.index_cast %add3A_332 : i32 to index
        %swap3A_429 = arith.index_cast %swap3A : i32 to index
        %swap3A_430 = arith.index_cast %mul3A_427 : i32 to index
        %swap3A_431 = tpu.vector_load %arg6[%swap3A_428, %swap3A_429, %swap3A_430] {strides = array<i32>} : memref<8x4x1024xf32, #tpu.memory_space<vmem>>, vector<1x1x16xf32>,
        %swap3A_432 = vector.shape_cast %swap3A_431 : vector<1x1x16xf32> to vector<16xf32>
        %swap3A_433 = vector.shape_cast %get3A_351 : vector<16xf32> to vector<1x1x16xf32>
        tpu.vector_store %arg6[%swap3A_428, %swap3A_429, %swap3A_430], %swap3A_433 {add = true, strides = array<i32>} : memref<8x4x1024xf32, #tpu.memory_space<vmem>>, vector<1x1x16xf32>,
        %mul3A_434 = arith.constant 8 : i32
        %mul3A_435 = arith.muli %add3A_342, %mul3A_434 : i32
        %add3A_436 = arith.constant 0 : i32
        %add3A_437 = arith.addi %mul3A_435, %add3A_436 : i32
        %mul3A_438 = arith.constant 16 : i32
        %mul3A_439 = arith.muli %add3A_437, %mul3A_438 : i32
        %swap3A_440 = arith.constant 1 : i32
        %swap3A_441 = arith.index_cast %add3A_332 : i32 to index
        %swap3A_442 = arith.index_cast %swap3A_440 : i32 to index
        %swap3A_443 = arith.index_cast %mul3A_439 : i32 to index
        %swap3A_444 = tpu.vector_load %arg6[%swap3A_441, %swap3A_442, %swap3A_443] {strides = array<i32>} : memref<8x4x1024xf32, #tpu.memory_space<vmem>>, vector<1x1x16xf32>,
        %swap3A_445 = vector.shape_cast %swap3A_444 : vector<1x1x16xf32> to vector<16xf32>
        %swap3A_446 = vector.shape_cast %get3A_351 : vector<16xf32> to vector<1x1x16xf32>
        tpu.vector_store %arg6[%swap3A_441, %swap3A_442, %swap3A_443], %swap3A_446 {add = true, strides = array<i32>} : memref<8x4x1024xf32, #tpu.memory_space<vmem>>, vector<1x1x16xf32>,
        %mul3A_447 = arith.constant 8 : i32
        %mul3A_448 = arith.muli %add3A_342, %mul3A_447 : i32
        %add3A_449 = arith.constant 0 : i32
        %add3A_450 = arith.addi %mul3A_448, %add3A_449 : i32
        %mul3A_451 = arith.constant 16 : i32
        %mul3A_452 = arith.muli %add3A_450, %mul3A_451 : i32
        %swap3A_453 = arith.constant 2 : i32
        %swap3A_454 = arith.index_cast %add3A_332 : i32 to index
        %swap3A_455 = arith.index_cast %swap3A_453 : i32 to index
        %swap3A_456 = arith.index_cast %mul3A_452 : i32 to index
        %swap3A_457 = tpu.vector_load %arg6[%swap3A_454, %swap3A_455, %swap3A_456] {strides = array<i32>} : memref<8x4x1024xf32, #tpu.memory_space<vmem>>, vector<1x1x16xf32>,
        %swap3A_458 = vector.shape_cast %swap3A_457 : vector<1x1x16xf32> to vector<16xf32>
        %swap3A_459 = vector.shape_cast %get3A_351 : vector<16xf32> to vector<1x1x16xf32>
        tpu.vector_store %arg6[%swap3A_454, %swap3A_455, %swap3A_456], %swap3A_459 {add = true, strides = array<i32>} : memref<8x4x1024xf32, #tpu.memory_space<vmem>>, vector<1x1x16xf32>,
        %mul3A_460 = arith.constant 8 : i32
        %mul3A_461 = arith.muli %add3A_342, %mul3A_460 : i32
        %add3A_462 = arith.constant 0 : i32
        %add3A_463 = arith.addi %mul3A_461, %add3A_462 : i32
        %mul3A_464 = arith.constant 16 : i32
        %mul3A_465 = arith.muli %add3A_463, %mul3A_464 : i32
        %swap3A_466 = arith.constant 3 : i32
        %swap3A_467 = arith.index_cast %add3A_332 : i32 to index
        %swap3A_468 = arith.index_cast %swap3A_466 : i32 to index
        %swap3A_469 = arith.index_cast %mul3A_465 : i32 to index
        %swap3A_470 = tpu.vector_load %arg6[%swap3A_467, %swap3A_468, %swap3A_469] {strides = array<i32>} : memref<8x4x1024xf32, #tpu.memory_space<vmem>>, vector<1x1x16xf32>,
        %swap3A_471 = vector.shape_cast %swap3A_470 : vector<1x1x16xf32> to vector<16xf32>
        %swap3A_472 = vector.shape_cast %get3A_351 : vector<16xf32> to vector<1x1x16xf32>
        tpu.vector_store %arg6[%swap3A_467, %swap3A_468, %swap3A_469], %swap3A_472 {add = true, strides = array<i32>} : memref<8x4x1024xf32, #tpu.memory_space<vmem>>, vector<1x1x16xf32>,
        %mul3A_473 = arith.constant 8 : i32
        %mul3A_474 = arith.muli %add3A_342, %mul3A_473 : i32
        %add3A_475 = arith.constant 1 : i32
        %add3A_476 = arith.addi %mul3A_474, %add3A_475 : i32
        %mul3A_477 = arith.constant 16 : i32
        %mul3A_478 = arith.muli %add3A_476, %mul3A_477 : i32
        %swap3A_479 = arith.constant 0 : i32
        %swap3A_480 = arith.index_cast %add3A_332 : i32 to index
        %swap3A_481 = arith.index_cast %swap3A_479 : i32 to index
        %swap3A_482 = arith.index_cast %mul3A_478 : i32 to index
        %swap3A_483 = tpu.vector_load %arg6[%swap3A_480, %swap3A_481, %swap3A_482] {strides = array<i32>} : memref<8x4x1024xf32, #tpu.memory_space<vmem>>, vector<1x1x16xf32>,
        %swap3A_484 = vector.shape_cast %swap3A_483 : vector<1x1x16xf32> to vector<16xf32>
        %swap3A_485 = vector.shape_cast %get3A_361 : vector<16xf32> to vector<1x1x16xf32>
        tpu.vector_store %arg6[%swap3A_480, %swap3A_481, %swap3A_482], %swap3A_485 {add = true, strides = array<i32>} : memref<8x4x1024xf32, #tpu.memory_space<vmem>>, vector<1x1x16xf32>,
        %mul3A_486 = arith.constant 8 : i32
        %mul3A_487 = arith.muli %add3A_342, %mul3A_486 : i32
        %add3A_488 = arith.constant 1 : i32
        %add3A_489 = arith.addi %mul3A_487, %add3A_488 : i32
        %mul3A_490 = arith.constant 16 : i32
        %mul3A_491 = arith.muli %add3A_489, %mul3A_490 : i32
        %swap3A_492 = arith.constant 1 : i32
        %swap3A_493 = arith.index_cast %add3A_332 : i32 to index
        %swap3A_494 = arith.index_cast %swap3A_492 : i32 to index
        %swap3A_495 = arith.index_cast %mul3A_491 : i32 to index
        %swap3A_496 = tpu.vector_load %arg6[%swap3A_493, %swap3A_494, %swap3A_495] {strides = array<i32>} : memref<8x4x1024xf32, #tpu.memory_space<vmem>>, vector<1x1x16xf32>,
        %swap3A_497 = vector.shape_cast %swap3A_496 : vector<1x1x16xf32> to vector<16xf32>
        %swap3A_498 = vector.shape_cast %get3A_361 : vector<16xf32> to vector<1x1x16xf32>
        tpu.vector_store %arg6[%swap3A_493, %swap3A_494, %swap3A_495], %swap3A_498 {add = true, strides = array<i32>} : memref<8x4x1024xf32, #tpu.memory_space<vmem>>, vector<1x1x16xf32>,
        %mul3A_499 = arith.constant 8 : i32
        %mul3A_500 = arith.muli %add3A_342, %mul3A_499 : i32
        %add3A_501 = arith.constant 1 : i32
        %add3A_502 = arith.addi %mul3A_500, %add3A_501 : i32
        %mul3A_503 = arith.constant 16 : i32
        %mul3A_504 = arith.muli %add3A_502, %mul3A_503 : i32
        %swap3A_505 = arith.constant 2 : i32
        %swap3A_506 = arith.index_cast %add3A_332 : i32 to index
        %swap3A_507 = arith.index_cast %swap3A_505 : i32 to index
        %swap3A_508 = arith.index_cast %mul3A_504 : i32 to index
        %swap3A_509 = tpu.vector_load %arg6[%swap3A_506, %swap3A_507, %swap3A_508] {strides = array<i32>} : memref<8x4x1024xf32, #tpu.memory_space<vmem>>, vector<1x1x16xf32>,
        %swap3A_510 = vector.shape_cast %swap3A_509 : vector<1x1x16xf32> to vector<16xf32>
        %swap3A_511 = vector.shape_cast %get3A_361 : vector<16xf32> to vector<1x1x16xf32>
        tpu.vector_store %arg6[%swap3A_506, %swap3A_507, %swap3A_508], %swap3A_511 {add = true, strides = array<i32>} : memref<8x4x1024xf32, #tpu.memory_space<vmem>>, vector<1x1x16xf32>,
        %mul3A_512 = arith.constant 8 : i32
        %mul3A_513 = arith.muli %add3A_342, %mul3A_512 : i32
        %add3A_514 = arith.constant 1 : i32
        %add3A_515 = arith.addi %mul3A_513, %add3A_514 : i32
        %mul3A_516 = arith.constant 16 : i32
        %mul3A_517 = arith.muli %add3A_515, %mul3A_516 : i32
        %swap3A_518 = arith.constant 3 : i32
        %swap3A_519 = arith.index_cast %add3A_332 : i32 to index
        %swap3A_520 = arith.index_cast %swap3A_518 : i32 to index
        %swap3A_521 = arith.index_cast %mul3A_517 : i32 to index
        %swap3A_522 = tpu.vector_load %arg6[%swap3A_519, %swap3A_520, %swap3A_521] {strides = array<i32>} : memref<8x4x1024xf32, #tpu.memory_space<vmem>>, vector<1x1x16xf32>,
        %swap3A_523 = vector.shape_cast %swap3A_522 : vector<1x1x16xf32> to vector<16xf32>
        %swap3A_524 = vector.shape_cast %get3A_361 : vector<16xf32> to vector<1x1x16xf32>
        tpu.vector_store %arg6[%swap3A_519, %swap3A_520, %swap3A_521], %swap3A_524 {add = true, strides = array<i32>} : memref<8x4x1024xf32, #tpu.memory_space<vmem>>, vector<1x1x16xf32>,
        %mul3A_525 = arith.constant 8 : i32
        %mul3A_526 = arith.muli %add3A_342, %mul3A_525 : i32
        %add3A_527 = arith.constant 2 : i32
        %add3A_528 = arith.addi %mul3A_526, %add3A_527 : i32
        %mul3A_529 = arith.constant 16 : i32
        %mul3A_530 = arith.muli %add3A_528, %mul3A_529 : i32
        %swap3A_531 = arith.constant 0 : i32
        %swap3A_532 = arith.index_cast %add3A_332 : i32 to index
        %swap3A_533 = arith.index_cast %swap3A_531 : i32 to index
        %swap3A_534 = arith.index_cast %mul3A_530 : i32 to index
        %swap3A_535 = tpu.vector_load %arg6[%swap3A_532, %swap3A_533, %swap3A_534] {strides = array<i32>} : memref<8x4x1024xf32, #tpu.memory_space<vmem>>, vector<1x1x16xf32>,
        %swap3A_536 = vector.shape_cast %swap3A_535 : vector<1x1x16xf32> to vector<16xf32>
        %swap3A_537 = vector.shape_cast %get3A_371 : vector<16xf32> to vector<1x1x16xf32>
        tpu.vector_store %arg6[%swap3A_532, %swap3A_533, %swap3A_534], %swap3A_537 {add = true, strides = array<i32>} : memref<8x4x1024xf32, #tpu.memory_space<vmem>>, vector<1x1x16xf32>,
        %mul3A_538 = arith.constant 8 : i32
        %mul3A_539 = arith.muli %add3A_342, %mul3A_538 : i32
        %add3A_540 = arith.constant 2 : i32
        %add3A_541 = arith.addi %mul3A_539, %add3A_540 : i32
        %mul3A_542 = arith.constant 16 : i32
        %mul3A_543 = arith.muli %add3A_541, %mul3A_542 : i32
        %swap3A_544 = arith.constant 1 : i32
        %swap3A_545 = arith.index_cast %add3A_332 : i32 to index
        %swap3A_546 = arith.index_cast %swap3A_544 : i32 to index
        %swap3A_547 = arith.index_cast %mul3A_543 : i32 to index
        %swap3A_548 = tpu.vector_load %arg6[%swap3A_545, %swap3A_546, %swap3A_547] {strides = array<i32>} : memref<8x4x1024xf32, #tpu.memory_space<vmem>>, vector<1x1x16xf32>,
        %swap3A_549 = vector.shape_cast %swap3A_548 : vector<1x1x16xf32> to vector<16xf32>
        %swap3A_550 = vector.shape_cast %get3A_371 : vector<16xf32> to vector<1x1x16xf32>
        tpu.vector_store %arg6[%swap3A_545, %swap3A_546, %swap3A_547], %swap3A_550 {add = true, strides = array<i32>} : memref<8x4x1024xf32, #tpu.memory_space<vmem>>, vector<1x1x16xf32>,
        %mul3A_551 = arith.constant 8 : i32
        %mul3A_552 = arith.muli %add3A_342, %mul3A_551 : i32
        %add3A_553 = arith.constant 2 : i32
        %add3A_554 = arith.addi %mul3A_552, %add3A_553 : i32
        %mul3A_555 = arith.constant 16 : i32
        %mul3A_556 = arith.muli %add3A_554, %mul3A_555 : i32
        %swap3A_557 = arith.constant 2 : i32
        %swap3A_558 = arith.index_cast %add3A_332 : i32 to index
        %swap3A_559 = arith.index_cast %swap3A_557 : i32 to index
        %swap3A_560 = arith.index_cast %mul3A_556 : i32 to index
        %swap3A_561 = tpu.vector_load %arg6[%swap3A_558, %swap3A_559, %swap3A_560] {strides = array<i32>} : memref<8x4x1024xf32, #tpu.memory_space<vmem>>, vector<1x1x16xf32>,
        %swap3A_562 = vector.shape_cast %swap3A_561 : vector<1x1x16xf32> to vector<16xf32>
        %swap3A_563 = vector.shape_cast %get3A_371 : vector<16xf32> to vector<1x1x16xf32>
        tpu.vector_store %arg6[%swap3A_558, %swap3A_559, %swap3A_560], %swap3A_563 {add = true, strides = array<i32>} : memref<8x4x1024xf32, #tpu.memory_space<vmem>>, vector<1x1x16xf32>,
        %mul3A_564 = arith.constant 8 : i32
        %mul3A_565 = arith.muli %add3A_342, %mul3A_564 : i32
        %add3A_566 = arith.constant 2 : i32
        %add3A_567 = arith.addi %mul3A_565, %add3A_566 : i32
        %mul3A_568 = arith.constant 16 : i32
        %mul3A_569 = arith.muli %add3A_567, %mul3A_568 : i32
        %swap3A_570 = arith.constant 3 : i32
        %swap3A_571 = arith.index_cast %add3A_332 : i32 to index
        %swap3A_572 = arith.index_cast %swap3A_570 : i32 to index
        %swap3A_573 = arith.index_cast %mul3A_569 : i32 to index
        %swap3A_574 = tpu.vector_load %arg6[%swap3A_571, %swap3A_572, %swap3A_573] {strides = array<i32>} : memref<8x4x1024xf32, #tpu.memory_space<vmem>>, vector<1x1x16xf32>,
        %swap3A_575 = vector.shape_cast %swap3A_574 : vector<1x1x16xf32> to vector<16xf32>
        %swap3A_576 = vector.shape_cast %get3A_371 : vector<16xf32> to vector<1x1x16xf32>
        tpu.vector_store %arg6[%swap3A_571, %swap3A_572, %swap3A_573], %swap3A_576 {add = true, strides = array<i32>} : memref<8x4x1024xf32, #tpu.memory_space<vmem>>, vector<1x1x16xf32>,
        %mul3A_577 = arith.constant 8 : i32
        %mul3A_578 = arith.muli %add3A_342, %mul3A_577 : i32
        %add3A_579 = arith.constant 3 : i32
        %add3A_580 = arith.addi %mul3A_578, %add3A_579 : i32
        %mul3A_581 = arith.constant 16 : i32
        %mul3A_582 = arith.muli %add3A_580, %mul3A_581 : i32
        %swap3A_583 = arith.constant 0 : i32
        %swap3A_584 = arith.index_cast %add3A_332 : i32 to index
        %swap3A_585 = arith.index_cast %swap3A_583 : i32 to index
        %swap3A_586 = arith.index_cast %mul3A_582 : i32 to index
        %swap3A_587 = tpu.vector_load %arg6[%swap3A_584, %swap3A_585, %swap3A_586] {strides = array<i32>} : memref<8x4x1024xf32, #tpu.memory_space<vmem>>, vector<1x1x16xf32>,
        %swap3A_588 = vector.shape_cast %swap3A_587 : vector<1x1x16xf32> to vector<16xf32>
        %swap3A_589 = vector.shape_cast %get3A_381 : vector<16xf32> to vector<1x1x16xf32>
        tpu.vector_store %arg6[%swap3A_584, %swap3A_585, %swap3A_586], %swap3A_589 {add = true, strides = array<i32>} : memref<8x4x1024xf32, #tpu.memory_space<vmem>>, vector<1x1x16xf32>,
        %mul3A_590 = arith.constant 8 : i32
        %mul3A_591 = arith.muli %add3A_342, %mul3A_590 : i32
        %add3A_592 = arith.constant 3 : i32
        %add3A_593 = arith.addi %mul3A_591, %add3A_592 : i32
        %mul3A_594 = arith.constant 16 : i32
        %mul3A_595 = arith.muli %add3A_593, %mul3A_594 : i32
        %swap3A_596 = arith.constant 1 : i32
        %swap3A_597 = arith.index_cast %add3A_332 : i32 to index
        %swap3A_598 = arith.index_cast %swap3A_596 : i32 to index
        %swap3A_599 = arith.index_cast %mul3A_595 : i32 to index
        %swap3A_600 = tpu.vector_load %arg6[%swap3A_597, %swap3A_598, %swap3A_599] {strides = array<i32>} : memref<8x4x1024xf32, #tpu.memory_space<vmem>>, vector<1x1x16xf32>,
        %swap3A_601 = vector.shape_cast %swap3A_600 : vector<1x1x16xf32> to vector<16xf32>
        %swap3A_602 = vector.shape_cast %get3A_381 : vector<16xf32> to vector<1x1x16xf32>
        tpu.vector_store %arg6[%swap3A_597, %swap3A_598, %swap3A_599], %swap3A_602 {add = true, strides = array<i32>} : memref<8x4x1024xf32, #tpu.memory_space<vmem>>, vector<1x1x16xf32>,
        %mul3A_603 = arith.constant 8 : i32
        %mul3A_604 = arith.muli %add3A_342, %mul3A_603 : i32
        %add3A_605 = arith.constant 3 : i32
        %add3A_606 = arith.addi %mul3A_604, %add3A_605 : i32
        %mul3A_607 = arith.constant 16 : i32
        %mul3A_608 = arith.muli %add3A_606, %mul3A_607 : i32
        %swap3A_609 = arith.constant 2 : i32
        %swap3A_610 = arith.index_cast %add3A_332 : i32 to index
        %swap3A_611 = arith.index_cast %swap3A_609 : i32 to index
        %swap3A_612 = arith.index_cast %mul3A_608 : i32 to index
        %swap3A_613 = tpu.vector_load %arg6[%swap3A_610, %swap3A_611, %swap3A_612] {strides = array<i32>} : memref<8x4x1024xf32, #tpu.memory_space<vmem>>, vector<1x1x16xf32>,
        %swap3A_614 = vector.shape_cast %swap3A_613 : vector<1x1x16xf32> to vector<16xf32>
        %swap3A_615 = vector.shape_cast %get3A_381 : vector<16xf32> to vector<1x1x16xf32>
        tpu.vector_store %arg6[%swap3A_610, %swap3A_611, %swap3A_612], %swap3A_615 {add = true, strides = array<i32>} : memref<8x4x1024xf32, #tpu.memory_space<vmem>>, vector<1x1x16xf32>,
        %mul3A_616 = arith.constant 8 : i32
        %mul3A_617 = arith.muli %add3A_342, %mul3A_616 : i32
        %add3A_618 = arith.constant 3 : i32
        %add3A_619 = arith.addi %mul3A_617, %add3A_618 : i32
        %mul3A_620 = arith.constant 16 : i32
        %mul3A_621 = arith.muli %add3A_619, %mul3A_620 : i32
        %swap3A_622 = arith.constant 3 : i32
        %swap3A_623 = arith.index_cast %add3A_332 : i32 to index
        %swap3A_624 = arith.index_cast %swap3A_622 : i32 to index
        %swap3A_625 = arith.index_cast %mul3A_621 : i32 to index
        %swap3A_626 = tpu.vector_load %arg6[%swap3A_623, %swap3A_624, %swap3A_625] {strides = array<i32>} : memref<8x4x1024xf32, #tpu.memory_space<vmem>>, vector<1x1x16xf32>,
        %swap3A_627 = vector.shape_cast %swap3A_626 : vector<1x1x16xf32> to vector<16xf32>
        %swap3A_628 = vector.shape_cast %get3A_381 : vector<16xf32> to vector<1x1x16xf32>
        tpu.vector_store %arg6[%swap3A_623, %swap3A_624, %swap3A_625], %swap3A_628 {add = true, strides = array<i32>} : memref<8x4x1024xf32, #tpu.memory_space<vmem>>, vector<1x1x16xf32>,
        %mul3A_629 = arith.constant 8 : i32
        %mul3A_630 = arith.muli %add3A_342, %mul3A_629 : i32
        %add3A_631 = arith.constant 4 : i32
        %add3A_632 = arith.addi %mul3A_630, %add3A_631 : i32
        %mul3A_633 = arith.constant 16 : i32
        %mul3A_634 = arith.muli %add3A_632, %mul3A_633 : i32
        %swap3A_635 = arith.constant 0 : i32
        %swap3A_636 = arith.index_cast %add3A_332 : i32 to index
        %swap3A_637 = arith.index_cast %swap3A_635 : i32 to index
        %swap3A_638 = arith.index_cast %mul3A_634 : i32 to index
        %swap3A_639 = tpu.vector_load %arg6[%swap3A_636, %swap3A_637, %swap3A_638] {strides = array<i32>} : memref<8x4x1024xf32, #tpu.memory_space<vmem>>, vector<1x1x16xf32>,
        %swap3A_640 = vector.shape_cast %swap3A_639 : vector<1x1x16xf32> to vector<16xf32>
        %swap3A_641 = vector.shape_cast %get3A_391 : vector<16xf32> to vector<1x1x16xf32>
        tpu.vector_store %arg6[%swap3A_636, %swap3A_637, %swap3A_638], %swap3A_641 {add = true, strides = array<i32>} : memref<8x4x1024xf32, #tpu.memory_space<vmem>>, vector<1x1x16xf32>,
        %mul3A_642 = arith.constant 8 : i32
        %mul3A_643 = arith.muli %add3A_342, %mul3A_642 : i32
        %add3A_644 = arith.constant 4 : i32
        %add3A_645 = arith.addi %mul3A_643, %add3A_644 : i32
        %mul3A_646 = arith.constant 16 : i32
        %mul3A_647 = arith.muli %add3A_645, %mul3A_646 : i32
        %swap3A_648 = arith.constant 1 : i32
        %swap3A_649 = arith.index_cast %add3A_332 : i32 to index
        %swap3A_650 = arith.index_cast %swap3A_648 : i32 to index
        %swap3A_651 = arith.index_cast %mul3A_647 : i32 to index
        %swap3A_652 = tpu.vector_load %arg6[%swap3A_649, %swap3A_650, %swap3A_651] {strides = array<i32>} : memref<8x4x1024xf32, #tpu.memory_space<vmem>>, vector<1x1x16xf32>,
        %swap3A_653 = vector.shape_cast %swap3A_652 : vector<1x1x16xf32> to vector<16xf32>
        %swap3A_654 = vector.shape_cast %get3A_391 : vector<16xf32> to vector<1x1x16xf32>
        tpu.vector_store %arg6[%swap3A_649, %swap3A_650, %swap3A_651], %swap3A_654 {add = true, strides = array<i32>} : memref<8x4x1024xf32, #tpu.memory_space<vmem>>, vector<1x1x16xf32>,
        %mul3A_655 = arith.constant 8 : i32
        %mul3A_656 = arith.muli %add3A_342, %mul3A_655 : i32
        %add3A_657 = arith.constant 4 : i32
        %add3A_658 = arith.addi %mul3A_656, %add3A_657 : i32
        %mul3A_659 = arith.constant 16 : i32
        %mul3A_660 = arith.muli %add3A_658, %mul3A_659 : i32
        %swap3A_661 = arith.constant 2 : i32
        %swap3A_662 = arith.index_cast %add3A_332 : i32 to index
        %swap3A_663 = arith.index_cast %swap3A_661 : i32 to index
        %swap3A_664 = arith.index_cast %mul3A_660 : i32 to index
        %swap3A_665 = tpu.vector_load %arg6[%swap3A_662, %swap3A_663, %swap3A_664] {strides = array<i32>} : memref<8x4x1024xf32, #tpu.memory_space<vmem>>, vector<1x1x16xf32>,
        %swap3A_666 = vector.shape_cast %swap3A_665 : vector<1x1x16xf32> to vector<16xf32>
        %swap3A_667 = vector.shape_cast %get3A_391 : vector<16xf32> to vector<1x1x16xf32>
        tpu.vector_store %arg6[%swap3A_662, %swap3A_663, %swap3A_664], %swap3A_667 {add = true, strides = array<i32>} : memref<8x4x1024xf32, #tpu.memory_space<vmem>>, vector<1x1x16xf32>,
        %mul3A_668 = arith.constant 8 : i32
        %mul3A_669 = arith.muli %add3A_342, %mul3A_668 : i32
        %add3A_670 = arith.constant 4 : i32
        %add3A_671 = arith.addi %mul3A_669, %add3A_670 : i32
        %mul3A_672 = arith.constant 16 : i32
        %mul3A_673 = arith.muli %add3A_671, %mul3A_672 : i32
        %swap3A_674 = arith.constant 3 : i32
        %swap3A_675 = arith.index_cast %add3A_332 : i32 to index
        %swap3A_676 = arith.index_cast %swap3A_674 : i32 to index
        %swap3A_677 = arith.index_cast %mul3A_673 : i32 to index
        %swap3A_678 = tpu.vector_load %arg6[%swap3A_675, %swap3A_676, %swap3A_677] {strides = array<i32>} : memref<8x4x1024xf32, #tpu.memory_space<vmem>>, vector<1x1x16xf32>,
        %swap3A_679 = vector.shape_cast %swap3A_678 : vector<1x1x16xf32> to vector<16xf32>
        %swap3A_680 = vector.shape_cast %get3A_391 : vector<16xf32> to vector<1x1x16xf32>
        tpu.vector_store %arg6[%swap3A_675, %swap3A_676, %swap3A_677], %swap3A_680 {add = true, strides = array<i32>} : memref<8x4x1024xf32, #tpu.memory_space<vmem>>, vector<1x1x16xf32>,
        %mul3A_681 = arith.constant 8 : i32
        %mul3A_682 = arith.muli %add3A_342, %mul3A_681 : i32
        %add3A_683 = arith.constant 5 : i32
        %add3A_684 = arith.addi %mul3A_682, %add3A_683 : i32
        %mul3A_685 = arith.constant 16 : i32
        %mul3A_686 = arith.muli %add3A_684, %mul3A_685 : i32
        %swap3A_687 = arith.constant 0 : i32
        %swap3A_688 = arith.index_cast %add3A_332 : i32 to index
        %swap3A_689 = arith.index_cast %swap3A_687 : i32 to index
        %swap3A_690 = arith.index_cast %mul3A_686 : i32 to index
        %swap3A_691 = tpu.vector_load %arg6[%swap3A_688, %swap3A_689, %swap3A_690] {strides = array<i32>} : memref<8x4x1024xf32, #tpu.memory_space<vmem>>, vector<1x1x16xf32>,
        %swap3A_692 = vector.shape_cast %swap3A_691 : vector<1x1x16xf32> to vector<16xf32>
        %swap3A_693 = vector.shape_cast %get3A_401 : vector<16xf32> to vector<1x1x16xf32>
        tpu.vector_store %arg6[%swap3A_688, %swap3A_689, %swap3A_690], %swap3A_693 {add = true, strides = array<i32>} : memref<8x4x1024xf32, #tpu.memory_space<vmem>>, vector<1x1x16xf32>,
        %mul3A_694 = arith.constant 8 : i32
        %mul3A_695 = arith.muli %add3A_342, %mul3A_694 : i32
        %add3A_696 = arith.constant 5 : i32
        %add3A_697 = arith.addi %mul3A_695, %add3A_696 : i32
        %mul3A_698 = arith.constant 16 : i32
        %mul3A_699 = arith.muli %add3A_697, %mul3A_698 : i32
        %swap3A_700 = arith.constant 1 : i32
        %swap3A_701 = arith.index_cast %add3A_332 : i32 to index
        %swap3A_702 = arith.index_cast %swap3A_700 : i32 to index
        %swap3A_703 = arith.index_cast %mul3A_699 : i32 to index
        %swap3A_704 = tpu.vector_load %arg6[%swap3A_701, %swap3A_702, %swap3A_703] {strides = array<i32>} : memref<8x4x1024xf32, #tpu.memory_space<vmem>>, vector<1x1x16xf32>,
        %swap3A_705 = vector.shape_cast %swap3A_704 : vector<1x1x16xf32> to vector<16xf32>
        %swap3A_706 = vector.shape_cast %get3A_401 : vector<16xf32> to vector<1x1x16xf32>
        tpu.vector_store %arg6[%swap3A_701, %swap3A_702, %swap3A_703], %swap3A_706 {add = true, strides = array<i32>} : memref<8x4x1024xf32, #tpu.memory_space<vmem>>, vector<1x1x16xf32>,
        %mul3A_707 = arith.constant 8 : i32
        %mul3A_708 = arith.muli %add3A_342, %mul3A_707 : i32
        %add3A_709 = arith.constant 5 : i32
        %add3A_710 = arith.addi %mul3A_708, %add3A_709 : i32
        %mul3A_711 = arith.constant 16 : i32
        %mul3A_712 = arith.muli %add3A_710, %mul3A_711 : i32
        %swap3A_713 = arith.constant 2 : i32
        %swap3A_714 = arith.index_cast %add3A_332 : i32 to index
        %swap3A_715 = arith.index_cast %swap3A_713 : i32 to index
        %swap3A_716 = arith.index_cast %mul3A_712 : i32 to index
        %swap3A_717 = tpu.vector_load %arg6[%swap3A_714, %swap3A_715, %swap3A_716] {strides = array<i32>} : memref<8x4x1024xf32, #tpu.memory_space<vmem>>, vector<1x1x16xf32>,
        %swap3A_718 = vector.shape_cast %swap3A_717 : vector<1x1x16xf32> to vector<16xf32>
        %swap3A_719 = vector.shape_cast %get3A_401 : vector<16xf32> to vector<1x1x16xf32>
        tpu.vector_store %arg6[%swap3A_714, %swap3A_715, %swap3A_716], %swap3A_719 {add = true, strides = array<i32>} : memref<8x4x1024xf32, #tpu.memory_space<vmem>>, vector<1x1x16xf32>,
        %mul3A_720 = arith.constant 8 : i32
        %mul3A_721 = arith.muli %add3A_342, %mul3A_720 : i32
        %add3A_722 = arith.constant 5 : i32
        %add3A_723 = arith.addi %mul3A_721, %add3A_722 : i32
        %mul3A_724 = arith.constant 16 : i32
        %mul3A_725 = arith.muli %add3A_723, %mul3A_724 : i32
        %swap3A_726 = arith.constant 3 : i32
        %swap3A_727 = arith.index_cast %add3A_332 : i32 to index
        %swap3A_728 = arith.index_cast %swap3A_726 : i32 to index
        %swap3A_729 = arith.index_cast %mul3A_725 : i32 to index
        %swap3A_730 = tpu.vector_load %arg6[%swap3A_727, %swap3A_728, %swap3A_729] {strides = array<i32>} : memref<8x4x1024xf32, #tpu.memory_space<vmem>>, vector<1x1x16xf32>,
        %swap3A_731 = vector.shape_cast %swap3A_730 : vector<1x1x16xf32> to vector<16xf32>
        %swap3A_732 = vector.shape_cast %get3A_401 : vector<16xf32> to vector<1x1x16xf32>
        tpu.vector_store %arg6[%swap3A_727, %swap3A_728, %swap3A_729], %swap3A_732 {add = true, strides = array<i32>} : memref<8x4x1024xf32, #tpu.memory_space<vmem>>, vector<1x1x16xf32>,
        %mul3A_733 = arith.constant 8 : i32
        %mul3A_734 = arith.muli %add3A_342, %mul3A_733 : i32
        %add3A_735 = arith.constant 6 : i32
        %add3A_736 = arith.addi %mul3A_734, %add3A_735 : i32
        %mul3A_737 = arith.constant 16 : i32
        %mul3A_738 = arith.muli %add3A_736, %mul3A_737 : i32
        %swap3A_739 = arith.constant 0 : i32
        %swap3A_740 = arith.index_cast %add3A_332 : i32 to index
        %swap3A_741 = arith.index_cast %swap3A_739 : i32 to index
        %swap3A_742 = arith.index_cast %mul3A_738 : i32 to index
        %swap3A_743 = tpu.vector_load %arg6[%swap3A_740, %swap3A_741, %swap3A_742] {strides = array<i32>} : memref<8x4x1024xf32, #tpu.memory_space<vmem>>, vector<1x1x16xf32>,
        %swap3A_744 = vector.shape_cast %swap3A_743 : vector<1x1x16xf32> to vector<16xf32>
        %swap3A_745 = vector.shape_cast %get3A_411 : vector<16xf32> to vector<1x1x16xf32>
        tpu.vector_store %arg6[%swap3A_740, %swap3A_741, %swap3A_742], %swap3A_745 {add = true, strides = array<i32>} : memref<8x4x1024xf32, #tpu.memory_space<vmem>>, vector<1x1x16xf32>,
        %mul3A_746 = arith.constant 8 : i32
        %mul3A_747 = arith.muli %add3A_342, %mul3A_746 : i32
        %add3A_748 = arith.constant 6 : i32
        %add3A_749 = arith.addi %mul3A_747, %add3A_748 : i32
        %mul3A_750 = arith.constant 16 : i32
        %mul3A_751 = arith.muli %add3A_749, %mul3A_750 : i32
        %swap3A_752 = arith.constant 1 : i32
        %swap3A_753 = arith.index_cast %add3A_332 : i32 to index
        %swap3A_754 = arith.index_cast %swap3A_752 : i32 to index
        %swap3A_755 = arith.index_cast %mul3A_751 : i32 to index
        %swap3A_756 = tpu.vector_load %arg6[%swap3A_753, %swap3A_754, %swap3A_755] {strides = array<i32>} : memref<8x4x1024xf32, #tpu.memory_space<vmem>>, vector<1x1x16xf32>,
        %swap3A_757 = vector.shape_cast %swap3A_756 : vector<1x1x16xf32> to vector<16xf32>
        %swap3A_758 = vector.shape_cast %get3A_411 : vector<16xf32> to vector<1x1x16xf32>
        tpu.vector_store %arg6[%swap3A_753, %swap3A_754, %swap3A_755], %swap3A_758 {add = true, strides = array<i32>} : memref<8x4x1024xf32, #tpu.memory_space<vmem>>, vector<1x1x16xf32>,
        %mul3A_759 = arith.constant 8 : i32
        %mul3A_760 = arith.muli %add3A_342, %mul3A_759 : i32
        %add3A_761 = arith.constant 6 : i32
        %add3A_762 = arith.addi %mul3A_760, %add3A_761 : i32
        %mul3A_763 = arith.constant 16 : i32
        %mul3A_764 = arith.muli %add3A_762, %mul3A_763 : i32
        %swap3A_765 = arith.constant 2 : i32
        %swap3A_766 = arith.index_cast %add3A_332 : i32 to index
        %swap3A_767 = arith.index_cast %swap3A_765 : i32 to index
        %swap3A_768 = arith.index_cast %mul3A_764 : i32 to index
        %swap3A_769 = tpu.vector_load %arg6[%swap3A_766, %swap3A_767, %swap3A_768] {strides = array<i32>} : memref<8x4x1024xf32, #tpu.memory_space<vmem>>, vector<1x1x16xf32>,
        %swap3A_770 = vector.shape_cast %swap3A_769 : vector<1x1x16xf32> to vector<16xf32>
        %swap3A_771 = vector.shape_cast %get3A_411 : vector<16xf32> to vector<1x1x16xf32>
        tpu.vector_store %arg6[%swap3A_766, %swap3A_767, %swap3A_768], %swap3A_771 {add = true, strides = array<i32>} : memref<8x4x1024xf32, #tpu.memory_space<vmem>>, vector<1x1x16xf32>,
        %mul3A_772 = arith.constant 8 : i32
        %mul3A_773 = arith.muli %add3A_342, %mul3A_772 : i32
        %add3A_774 = arith.constant 6 : i32
        %add3A_775 = arith.addi %mul3A_773, %add3A_774 : i32
        %mul3A_776 = arith.constant 16 : i32
        %mul3A_777 = arith.muli %add3A_775, %mul3A_776 : i32
        %swap3A_778 = arith.constant 3 : i32
        %swap3A_779 = arith.index_cast %add3A_332 : i32 to index
        %swap3A_780 = arith.index_cast %swap3A_778 : i32 to index
        %swap3A_781 = arith.index_cast %mul3A_777 : i32 to index
        %swap3A_782 = tpu.vector_load %arg6[%swap3A_779, %swap3A_780, %swap3A_781] {strides = array<i32>} : memref<8x4x1024xf32, #tpu.memory_space<vmem>>, vector<1x1x16xf32>,
        %swap3A_783 = vector.shape_cast %swap3A_782 : vector<1x1x16xf32> to vector<16xf32>
        %swap3A_784 = vector.shape_cast %get3A_411 : vector<16xf32> to vector<1x1x16xf32>
        tpu.vector_store %arg6[%swap3A_779, %swap3A_780, %swap3A_781], %swap3A_784 {add = true, strides = array<i32>} : memref<8x4x1024xf32, #tpu.memory_space<vmem>>, vector<1x1x16xf32>,
        %mul3A_785 = arith.constant 8 : i32
        %mul3A_786 = arith.muli %add3A_342, %mul3A_785 : i32
        %add3A_787 = arith.constant 7 : i32
        %add3A_788 = arith.addi %mul3A_786, %add3A_787 : i32
        %mul3A_789 = arith.constant 16 : i32
        %mul3A_790 = arith.muli %add3A_788, %mul3A_789 : i32
        %swap3A_791 = arith.constant 0 : i32
        %swap3A_792 = arith.index_cast %add3A_332 : i32 to index
        %swap3A_793 = arith.index_cast %swap3A_791 : i32 to index
        %swap3A_794 = arith.index_cast %mul3A_790 : i32 to index
        %swap3A_795 = tpu.vector_load %arg6[%swap3A_792, %swap3A_793, %swap3A_794] {strides = array<i32>} : memref<8x4x1024xf32, #tpu.memory_space<vmem>>, vector<1x1x16xf32>,
        %swap3A_796 = vector.shape_cast %swap3A_795 : vector<1x1x16xf32> to vector<16xf32>
        %swap3A_797 = vector.shape_cast %get3A_421 : vector<16xf32> to vector<1x1x16xf32>
        tpu.vector_store %arg6[%swap3A_792, %swap3A_793, %swap3A_794], %swap3A_797 {add = true, strides = array<i32>} : memref<8x4x1024xf32, #tpu.memory_space<vmem>>, vector<1x1x16xf32>,
        %mul3A_798 = arith.constant 8 : i32
        %mul3A_799 = arith.muli %add3A_342, %mul3A_798 : i32
        %add3A_800 = arith.constant 7 : i32
        %add3A_801 = arith.addi %mul3A_799, %add3A_800 : i32
        %mul3A_802 = arith.constant 16 : i32
        %mul3A_803 = arith.muli %add3A_801, %mul3A_802 : i32
        %swap3A_804 = arith.constant 1 : i32
        %swap3A_805 = arith.index_cast %add3A_332 : i32 to index
        %swap3A_806 = arith.index_cast %swap3A_804 : i32 to index
        %swap3A_807 = arith.index_cast %mul3A_803 : i32 to index
        %swap3A_808 = tpu.vector_load %arg6[%swap3A_805, %swap3A_806, %swap3A_807] {strides = array<i32>} : memref<8x4x1024xf32, #tpu.memory_space<vmem>>, vector<1x1x16xf32>,
        %swap3A_809 = vector.shape_cast %swap3A_808 : vector<1x1x16xf32> to vector<16xf32>
        %swap3A_810 = vector.shape_cast %get3A_421 : vector<16xf32> to vector<1x1x16xf32>
        tpu.vector_store %arg6[%swap3A_805, %swap3A_806, %swap3A_807], %swap3A_810 {add = true, strides = array<i32>} : memref<8x4x1024xf32, #tpu.memory_space<vmem>>, vector<1x1x16xf32>,
        %mul3A_811 = arith.constant 8 : i32
        %mul3A_812 = arith.muli %add3A_342, %mul3A_811 : i32
        %add3A_813 = arith.constant 7 : i32
        %add3A_814 = arith.addi %mul3A_812, %add3A_813 : i32
        %mul3A_815 = arith.constant 16 : i32
        %mul3A_816 = arith.muli %add3A_814, %mul3A_815 : i32
        %swap3A_817 = arith.constant 2 : i32
        %swap3A_818 = arith.index_cast %add3A_332 : i32 to index
        %swap3A_819 = arith.index_cast %swap3A_817 : i32 to index
        %swap3A_820 = arith.index_cast %mul3A_816 : i32 to index
        %swap3A_821 = tpu.vector_load %arg6[%swap3A_818, %swap3A_819, %swap3A_820] {strides = array<i32>} : memref<8x4x1024xf32, #tpu.memory_space<vmem>>, vector<1x1x16xf32>,
        %swap3A_822 = vector.shape_cast %swap3A_821 : vector<1x1x16xf32> to vector<16xf32>
        %swap3A_823 = vector.shape_cast %get3A_421 : vector<16xf32> to vector<1x1x16xf32>
        tpu.vector_store %arg6[%swap3A_818, %swap3A_819, %swap3A_820], %swap3A_823 {add = true, strides = array<i32>} : memref<8x4x1024xf32, #tpu.memory_space<vmem>>, vector<1x1x16xf32>,
        %mul3A_824 = arith.constant 8 : i32
        %mul3A_825 = arith.muli %add3A_342, %mul3A_824 : i32
        %add3A_826 = arith.constant 7 : i32
        %add3A_827 = arith.addi %mul3A_825, %add3A_826 : i32
        %mul3A_828 = arith.constant 16 : i32
        %mul3A_829 = arith.muli %add3A_827, %mul3A_828 : i32
        %swap3A_830 = arith.constant 3 : i32
        %swap3A_831 = arith.index_cast %add3A_332 : i32 to index
        %swap3A_832 = arith.index_cast %swap3A_830 : i32 to index
        %swap3A_833 = arith.index_cast %mul3A_829 : i32 to index
        %swap3A_834 = tpu.vector_load %arg6[%swap3A_831, %swap3A_832, %swap3A_833] {strides = array<i32>} : memref<8x4x1024xf32, #tpu.memory_space<vmem>>, vector<1x1x16xf32>,
        %swap3A_835 = vector.shape_cast %swap3A_834 : vector<1x1x16xf32> to vector<16xf32>
        %swap3A_836 = vector.shape_cast %get3A_421 : vector<16xf32> to vector<1x1x16xf32>
        tpu.vector_store %arg6[%swap3A_831, %swap3A_832, %swap3A_833], %swap3A_836 {add = true, strides = array<i32>} : memref<8x4x1024xf32, #tpu.memory_space<vmem>>, vector<1x1x16xf32>,
      }
      %scan3A_337 = arith.constant 8 : i32
    }
    %scan3A_301 = arith.constant 8 : i32
    %add3A_302 = arith.constant 56 : i32
    %add3A_303 = arith.addi %mul3A_2, %add3A_302 : i32
    %dma_start3A_304 = arith.constant 0 : i32
    %dma_start3A_305 = arith.constant 0 : i32
    %dma_start3A_306 = tpu.memref_slice %arg4[%add3A_303, %dma_start3A_304, %dma_start3A_305] : memref<2048x4x1024xf32, #tpu.memory_space<hbm>> -> memref<8x4x1024xf32, #tpu.memory_space<hbm>>
    %dma_start3A_307 = arith.constant 0 : i32
    %dma_start3A_308 = arith.constant 0 : i32
    %dma_start3A_309 = tpu.memref_slice %arg4[%add3A_303, %dma_start3A_307, %dma_start3A_308] : memref<2048x4x1024xf32, #tpu.memory_space<hbm>> -> memref<8x4x1024xf32, #tpu.memory_space<hbm>>
    tpu.enqueue_dma source(%arg6 : memref<8x4x1024xf32, #tpu.memory_space<vmem>>) target(%dma_start3A_309 : memref<8x4x1024xf32, #tpu.memory_space<hbm>>) target_semaphore(%arg18 : memref<!tpu.dma_semaphore, #tpu.memory_space<semaphore_mem>>)
    %dma_wait3A_310 = arith.constant 0 : i32
    %dma_wait3A_311 = arith.constant 0 : i32
    %dma_wait3A_312 = tpu.memref_slice %arg4[%add3A_239, %dma_wait3A_310, %dma_wait3A_311] : memref<2048x4x1024xf32, #tpu.memory_space<hbm>> -> memref<8x4x1024xf32, #tpu.memory_space<hbm>>
    %dma_wait3A_313 = arith.constant 0 : i32
    %dma_wait3A_314 = arith.constant 0 : i32
    %dma_wait3A_315 = tpu.memref_slice %arg4[%add3A_239, %dma_wait3A_313, %dma_wait3A_314] : memref<2048x4x1024xf32, #tpu.memory_space<hbm>> -> memref<8x4x1024xf32, #tpu.memory_space<hbm>>
    tpu.wait_dma2 semaphore(%arg19 : memref<!tpu.dma_semaphore, #tpu.memory_space<semaphore_mem>>) src(%arg7 : memref<8x4x1024xf32, #tpu.memory_space<vmem>>) dst(%dma_wait3A_315 : memref<8x4x1024xf32, #tpu.memory_space<hbm>>)
    %dma_wait3A_316 = arith.constant 0 : i32
    %dma_wait3A_317 = arith.constant 0 : i32
    %dma_wait3A_318 = tpu.memref_slice %arg4[%add3A_280, %dma_wait3A_316, %dma_wait3A_317] : memref<2048x4x1024xf32, #tpu.memory_space<hbm>> -> memref<8x4x1024xf32, #tpu.memory_space<hbm>>
    %dma_wait3A_319 = arith.constant 0 : i32
    %dma_wait3A_320 = arith.constant 0 : i32
    %dma_wait3A_321 = tpu.memref_slice %arg4[%add3A_280, %dma_wait3A_319, %dma_wait3A_320] : memref<2048x4x1024xf32, #tpu.memory_space<hbm>> -> memref<8x4x1024xf32, #tpu.memory_space<hbm>>
    tpu.wait_dma2 semaphore(%arg17 : memref<!tpu.dma_semaphore, #tpu.memory_space<semaphore_mem>>) src(%arg5 : memref<8x4x1024xf32, #tpu.memory_space<vmem>>) dst(%dma_wait3A_321 : memref<8x4x1024xf32, #tpu.memory_space<hbm>>)
    %dma_wait3A_322 = arith.constant 0 : i32
    %dma_wait3A_323 = arith.constant 0 : i32
    %dma_wait3A_324 = tpu.memref_slice %arg4[%add3A_303, %dma_wait3A_322, %dma_wait3A_323] : memref<2048x4x1024xf32, #tpu.memory_space<hbm>> -> memref<8x4x1024xf32, #tpu.memory_space<hbm>>
    %dma_wait3A_325 = arith.constant 0 : i32
    %dma_wait3A_326 = arith.constant 0 : i32
    %dma_wait3A_327 = tpu.memref_slice %arg4[%add3A_303, %dma_wait3A_325, %dma_wait3A_326] : memref<2048x4x1024xf32, #tpu.memory_space<hbm>> -> memref<8x4x1024xf32, #tpu.memory_space<hbm>>
    tpu.wait_dma2 semaphore(%arg18 : memref<!tpu.dma_semaphore, #tpu.memory_space<semaphore_mem>>) src(%arg6 : memref<8x4x1024xf32, #tpu.memory_space<vmem>>) dst(%dma_wait3A_327 : memref<8x4x1024xf32, #tpu.memory_space<hbm>>)
    return
  }
}

</mosaic_0001>

<sc_bundles>
// kernel: kernel.3.cloned.1.call-start
scs
__scs_entry_jumppad:
0x0: {  	(pc) =	sbr.rel $0x88, $3  }
0x1: {  	(tag) =	ssettag $0x0;
	lr =	simm.s32 $0x1  }
0x2: {  	[smem:$0x3F9F] =	sst lr;
	_ =	strace $0xD0000000  }
0x3: {  	_ = 	snop  }
0x4: {  	_ = 	snop  }
0x5: {  	_ = 	snop  }
0x6: {  	_ = 	snop  }
0x7: {  	_ = 	snop  }
__scs_overlays_trampoline_lowered:
0x8: {  	[smem:$0x3FAE] =	sst s0  }
0x9: {  	[smem:$0x3FAF] =	sst s1  }
0xa: {  	[smem:$0x3FB0] =	sst s2  }
0xb: {  	[smem:$0x3FB1] =	sst s3  }
0xc: {  	[smem:$0x3FB2] =	sst s4  }
0xd: {  	[smem:$0x3FB3] =	sst s5  }
0xe: {  	[smem:$0x3FB4] =	sst s6  }
0xf: {  	[smem:$0x3FB5] =	sst s7  }
0x10: {  	[smem:$0x3FB6] =	sst s8  }
0x11: {  	[smem:$0x3FB7] =	sst s9;
	s0 =	simm.s32 @!p0 $0x0  }
0x12: {  	s1 =	sld [smem:$0x3F9D];
	s0 =	simm.s32 @p0 $0x1  }
0x13: {  	[smem:$0x3FB8] =	sst s0;
	s0 =	simm.s32 @!p1 $0x0  }
0x14: {  	s2 =	sld [smem:$0x3F9C];
	s0 =	simm.s32 @p1 $0x1  }
0x15: {  	[smem:$0x3FB9] =	sst s0;
	s0 =	simm.s32 @!p2 $0x0  }
0x16: {  	s3 =	sld [smem:$0x3FDB];
	s0 =	simm.s32 @p2 $0x1  }
0x17: {  	s4 =	simm.s32 $0x1BF5;
	[smem:$0x3FBB] =	sst s0  }
0x18: {  	s0 =	sld [smem:$0x3F9E];
	_ =	swait.ge [sflag:s4], $0x0  }
0x19: {  	s7 =	sld [smem:$0x3F9F]  }
0x1a: {  	s8 =	sadd.s32 $0xFFFFE003, lr  }
0x1b: {  	s9 =	sadd.s32 $0xFFFFFEF7, lr;
	s5 =	simm.s32 $0xFFFFFFFF;
	p2 =	slt.u32 s8, $0xFFFFF086  }
0x1c: {  	p1 =	slt.u32 s9, $0xF7A;
	s5 =	simm.s32 @!p2 $0x0  }
0x1d: {  	s5 =	simm.s32 @p1 $0x1;
	p0 =	seq.s32 s7, s2  }
0x1e: {  	s7 =	smul.u32 @!p0 $0xF7A, s2;
	p2 =	seq.s32 @!p0 s5, $0x0  }
0x1f: {  	s9 =	smul.u32 $0xF7A, s1;
	s8 =	simm.s32 @!p0 $0x1BF5;
	p2 =	por !p2, p0  }
0x20: {  	[sflag:s8] =	ssyncset.s32 @!p0 $0xFFFFF086;
	s6 =	sadd.s32 @!p0 s3, s7;
	s7 =	simm.s32 @!p0 $0x108  }
0x21: {  	s3 =	sadd.s32 s3, s9;
	s6 =	sadd.s32 @!p0 $0x88, s6;
	s7 =	simm.s32 @p2 $0x1082  }
0x22: {  	[simem:s7], [sflag:s8] =	dma.local @!p0 [hbm:s6], $0xF7A  }
0x23: {  	s9 =	sor.u32 $0xD0000000, s2;
	s6 =	simm.s32 $0x108;
	_ =	swait.ge @!p0 [sflag:s8], $0x0  }
0x24: {  	s3 =	sadd.s32 $0x88, s3;
	s6 =	simm.s32 @!p1 $0x1082;
	[sflag:s4] =	ssyncset.s32 $0xFFFFF086  }
0x25: {  	[simem:s6], [sflag:s4] =	dma.local [hbm:s3], $0xF7A  }
0x26: {  	[smem:$0x3F9F] =	sst s1;
	(tag) =	ssettag s2;
	_ =	strace s9  }
0x27: {  	s1 =	sld [smem:$0x3FAF]  }
0x28: {  	s2 =	sld [smem:$0x3FB0]  }
0x29: {  	s4 =	sld [smem:$0x3FB2]  }
0x2a: {  	p0 =	seq.s32 s5, $0x0;
	s5 =	sld [smem:$0x3FB3]  }
0x2b: {  	s6 =	sld [smem:$0x3FB4]  }
0x2c: {  	s7 =	sld [smem:$0x3FB5]  }
0x2d: {  	s3 =	simm.s32 $0x108;
	s8 =	sld [smem:$0x3FB6]  }
0x2e: {  	s3 =	simm.s32 @!p0 $0x1082;
	s9 =	sld [smem:$0x3FB7]  }
0x2f: {  	lr =	sadd.s32 s0, s3;
	s0 =	sld [smem:$0x3FAE]  }
0x30: {  	s3 =	sld [smem:$0x3FB1]  }
0x31: {  	[smem:$0x3FBA] =	sst s10  }
0x32: {  	s10 =	sld [smem:$0x3FB8];
	_ =	sdelay $0x3  }
0x33: {  	p0 =	seq.s32 s10, $0x1;
	s10 =	sld [smem:$0x3FBA];
	_ =	sdelay $0x3  }
0x34: {  	[smem:$0x3FBA] =	sst s10  }
0x35: {  	s10 =	sld [smem:$0x3FB9];
	_ =	sdelay $0x3  }
0x36: {  	p1 =	seq.s32 s10, $0x1;
	s10 =	sld [smem:$0x3FBA];
	_ =	sdelay $0x3  }
0x37: {  	[smem:$0x3FBA] =	sst s10  }
0x38: {  	s10 =	sld [smem:$0x3FBB]  }
0x39: {  	_ = 	snop;
	(pc) =	sbr.ind lr, $3  }
0x3a: {  	_ = 	snop  }
0x3b: {  	_ = 	snop  }
0x3c: {  	p2 =	seq.s32 s10, $0x1;
	s10 =	sld [smem:$0x3FBA]  }
0x3d: {  	_ =	shalt  }
0x3e: {  	_ =	shalt  }
0x3f: {  	_ =	shalt  }
0x40: {  	_ =	shalt  }
0x41: {  	_ =	shalt  }
0x42: {  	_ =	shalt  }
0x43: {  	_ =	shalt  }
0x44: {  	_ =	shalt  }
0x45: {  	_ =	shalt  }
0x46: {  	_ =	shalt  }
0x47: {  	_ =	shalt  }
0x48: {  	_ =	shalt  }
0x49: {  	_ =	shalt  }
0x4a: {  	_ =	shalt  }
0x4b: {  	_ =	shalt  }
0x4c: {  	_ =	shalt  }
0x4d: {  	_ =	shalt  }
0x4e: {  	_ =	shalt  }
0x4f: {  	_ =	shalt  }
0x50: {  	_ =	shalt  }
0x51: {  	_ =	shalt  }
0x52: {  	_ =	shalt  }
0x53: {  	_ =	shalt  }
0x54: {  	_ =	shalt  }
0x55: {  	_ =	shalt  }
0x56: {  	_ =	shalt  }
0x57: {  	_ =	shalt  }
0x58: {  	_ =	shalt  }
0x59: {  	_ =	shalt  }
0x5a: {  	_ =	shalt  }
0x5b: {  	_ =	shalt  }
0x5c: {  	_ =	shalt  }
0x5d: {  	_ =	shalt  }
0x5e: {  	_ =	shalt  }
0x5f: {  	_ =	shalt  }
0x60: {  	_ =	shalt  }
0x61: {  	_ =	shalt  }
0x62: {  	_ =	shalt  }
0x63: {  	_ =	shalt  }
0x64: {  	_ =	shalt  }
0x65: {  	_ =	shalt  }
0x66: {  	_ =	shalt  }
0x67: {  	_ =	shalt  }
0x68: {  	_ =	shalt  }
0x69: {  	_ =	shalt  }
0x6a: {  	_ =	shalt  }
0x6b: {  	_ =	shalt  }
0x6c: {  	_ =	shalt  }
0x6d: {  	_ =	shalt  }
0x6e: {  	_ =	shalt  }
0x6f: {  	_ =	shalt  }
0x70: {  	_ =	shalt  }
0x71: {  	_ =	shalt  }
0x72: {  	_ =	shalt  }
0x73: {  	_ =	shalt  }
0x74: {  	_ =	shalt  }
0x75: {  	_ =	shalt  }
0x76: {  	_ =	shalt  }
0x77: {  	_ =	shalt  }
0x78: {  	_ =	shalt  }
0x79: {  	_ =	shalt  }
0x7a: {  	_ =	shalt  }
0x7b: {  	_ =	shalt  }
0x7c: {  	_ =	shalt  }
0x7d: {  	_ =	shalt  }
0x7e: {  	_ =	shalt  }
0x7f: {  	_ =	shalt  }
0x80: {  	_ =	shalt  }
0x81: {  	_ =	shalt  }
0x82: {  	_ =	shalt  }
0x83: {  	_ =	shalt  }
0x84: {  	_ =	shalt  }
0x85: {  	_ =	shalt  }
0x86: {  	_ =	shalt  }
0x87: {  	_ =	shalt  }
.Lfunc_end0:
.L_simem_size_0:
called_computation_lowered:
.L_overlay_start_0:
0x88: {  	s2 =	sld [smem:$0x3FD9]  }
0x89: {  	s3 =	sld [smem:$0x3FFE];
	_ =	sdelay $0x1  }
0x8a: {  	s1 =	srdreg.scid  }
0x8b: {  	s0 =	sand.u32 $0x1, s1  }
0x8c: {  	s18 =	sshll.u32 s0, $0xA;
	s2 =	sadd.s32 s3, s2  }
0x8d: {  	s2 =	sadd.s32 s2, s18  }
0x8e: {  	[smem:$0x3FC6] =	sst s2  }
0x8f: {  	_ = 	snop  }
0x90: {  	s2 =	sld [smem:$0x3FC9]  }
0x91: {  	s19 =	sld [smem:$0x3FC8]  }
0x92: {  	s4 =	sld [smem:$0x3FD0];
	(tm) =	ssettm $0x1  }
0x93: {  	s5 =	sld [smem:$0x3FFB];
	_ =	sdelay $0x3  }
0x94: {  	_ =	strace s5  }
0x95: {  	s5 =	sld [smem:$0x3FFC];
	_ =	sdelay $0x3  }
0x96: {  	_ =	strace s5  }
0x97: {  	s5 =	sld [smem:$0x3FFD];
	_ =	sdelay $0x3  }
0x98: {  	_ =	strace s5  }
0x99: {  	_ =	strace $0x8FFFFFFF  }
0x9a: {  	s20 =	sld [smem:$0x3FDB];
	_ =	sdelay $0x1  }
0x9b: {  	s6 =	simm.s32 $_scs_section_size  }
0x9c: {  	s7 =	simm.s32 $_size__tile_overlayer_lowered;
	s8 =	simm.s32 $_tile_overlayer_lowered  }
0x9d: {  	s23 =	simm.s32 $0x1BFF;
	s22 =	sshll.u32 s8, $0x1;
	s5 =	sadd.s32 s6, s20  }
0x9e: {  	s9 =	simm.s32 $0x0;
	s21 =	sshll.u32 s7, $0x1;
	s7 =	sadd.s32 s22, s5  }
0x9f: {  	[timem:s9], [sflag:s23] =	dma.local [hbm:s7], s21  }
0xa0: {  	_ =	swait.ge [sflag:s23], s21  }
0xa1: {  	s6 =	ssub.s32 $0x0, s21;
	[sflag:s23] =	ssyncset.done $0x0  }
0xa2: {  	[sflag:s23] =	ssyncadd.s32 s6;
	_ =	sdelay $0x1  }
0xa3: {  	s24 =	simm.s32 $0x1B8B  }
0xa4: {  	_ =	swait.ge [sflag:s24], $0x1  }
0xa5: {  	[sflag:s24] =	ssyncset.done $0x0  }
0xa6: {  	s25 =	simm.s32 $0x1B8E;
	[sflag:s24] =	ssyncadd.s32 $0xFFFFFFFF  }
0xa7: {  	s26 =	simm.s32 $execute0_lowered;
	[smem:$0x3FD2] =	sst s25  }
0xa8: {  	s6 =	sshll.u32 s26, $0x1;
	_ =	strace $0x80000046;
	[dreg:$0x1] =	wrdreg $0xFFFFFFFF  }
0xa9: {  	s28 =	simm.s32 $_size_execute0_lowered;
	s5 =	sadd.s32 s5, s6;
	[dreg:$0x0] =	wrdreg $0x0  }
0xaa: {  	s6 =	sshll.u32 s28, $0x1;
	[dreg:$0x2] =	wrdreg s5  }
0xab: {  	[dreg:$0x3] =	wrdreg s6  }
0xac: {  	[dreg:$0x4] =	wrdreg $0xC0  }
0xad: {  	_ =	task [dreg:s9], $0x5FFFF  }
0xae: {  	[dreg:$0x1] =	wrdreg $0xFFFFFFFF  }
0xaf: {  	[dreg:$0x0] =	wrdreg $0x60  }
0xb0: {  	[dreg:$0x2] =	wrdreg s2  }
0xb1: {  	[dreg:$0x3] =	wrdreg s19  }
0xb2: {  	[dreg:$0x4] =	wrdreg s4  }
0xb3: {  	[dreg:$0x5] =	wrdreg $0x9  }
0xb4: {  	_ =	task.clear_ibuf [dreg:s9], $0x6FFFF;
	_ =	strace $0x90000046  }
0xb5: {  	s29 =	simm.s32 $0x9;
	_ =	strace $0x80000048  }
0xb6: {  	_ =	swait.ge [sflag:s29], $0x1  }
0xb7: {  	[sflag:s29] =	ssyncadd.s32 $0xFFFFFFFF  }
0xb8: {  	_ =	strace $0x90000048  }
0xb9: {  	_ =	sfence  }
0xba: {  	s30 =	sld [smem:$0x0];
	_ =	sdelay $0x2  }
0xbb: {  	s31 =	sshll.u32 s1, $0xD;
	s1 =	sshrl.u32 s1, $0x2  }
0xbc: {  	s3 =	sand.u32 $0x4000, s31;
	s1 =	sadd.s32 s1, s30  }
0xbd: {  	s0 =	sor.u32 s3, s0;
	s1 =	sshll.u32 s1, $0x11  }
0xbe: {  	s0 =	sor.u32 s1, s0  }
0xbf: {  	s0 =	sadd.s32 $0x8F2B, s0  }
0xc0: {  	[sflag:s0] =	ssyncadd.remote.s32 $0x1  }
0xc1: {  	_ =	sfence.sel $0xFFFF  }
0xc2: {  	[dreg:$0x0] =	wrdreg $0xFFFFFFFF;
	(pc) =	sbr.abs _section_cstart, $3  }
0xc3: {  	[dreg:$0x1] =	wrdreg $0xFFFFFFFF  }
0xc4: {  	_ =	task.clear_ibuf [dreg:s9], $0x2FFFF;
	_ =	strace $0x9FFFFFFF  }
0xc5: {  	(tm) =	ssettm $0x7FFFFFFF  }
tec
execute0_lowered:
.L_overlay_start_1:
0x0: {  	(tag) =	ssettag $0x1  }
0x1: {  	s0 =	rddreg [dreg:$0x0]  }
0x2: {  	s2 =	rddreg [dreg:$0x1]  }
0x3: {  	s3 =	rddreg [dreg:$0x2]  }
0x4: {  	s4 =	srdreg.scid;
	s1 =	simm.s32 $0x0;
	s6 =	stileid.u32  }
0x5: {  	s29 =	simm.s32 $0x18000;
	s30 =	simm.s32 $0x8000;
	s4 =	sand.u32 $0x1, s4  }
0x6: {  	s6 =	sshll.u32 s6, $0x7;
	s5 =	ssub.s32 $0x2, s4;
	s4 =	sshll.u32 s4, $0x6  }
0x7: {  	s31 =	simm.s32 $0x1A000;
	s7 =	sshrl.u32 s5, $0x1;
	s4 =	sor.u32 s4, s6  }
0x8: {  	[smem:$0x7FF] =	sst s1;
	s5 =	ssub.s32 s5, s7;
	s6 =	sshll.u32 s4, $0x9  }
0x9: {  	s22 =	sshll.u32 s4, $0x7;
	s23 =	sor.u32 $0x8, s4;
	s9 =	sor.u32 $0x10, s4  }
0xa: {  	s12 =	sor.u32 $0x18, s4;
	s14 =	sor.u32 $0x20, s4;
	s19 =	sor.u32 $0x28, s4  }
0xb: {  	s20 =	sor.u32 $0x30, s4;
	s4 =	sor.u32 $0x38, s4;
	s8 =	sadd.s32 s0, s6  }
0xc: {  	s7 =	sadd.s32 s2, s22;
	s24 =	sshll.u32 s23, $0x9;
	s25 =	sshll.u32 s9, $0x9  }
0xd: {  	s6 =	sadd.s32 s3, s6;
	s13 =	sshll.u32 s12, $0x9;
	s16 =	sshll.u32 s14, $0x7  }
0xe: {  	s17 =	sshll.u32 s14, $0x9;
	s21 =	sshll.u32 s19, $0x7;
	[dreg:$0x4] =	wrdreg s8  }
0xf: {  	s28 =	smax.u32 s5, $0x1;
	s5 =	simm.s32 $0x5;
	[dreg:$0x5] =	wrdreg s7  }
0x10: {  	s7 =	sshll.u32 s23, $0x7;
	s10 =	sadd.s32 s0, s24;
	[dreg:$0x8] =	wrdreg s6  }
0x11: {  	s26 =	sadd.s32 s0, s25;
	s11 =	sadd.s32 s3, s24;
	s15 =	sadd.s32 s0, s13  }
0x12: {  	s23 =	sadd.s32 s0, s17;
	s18 =	sadd.s32 s3, s13;
	[dreg:$0x6] =	wrdreg s10  }
0x13: {  	s24 =	sshll.u32 s19, $0x9;
	s19 =	sadd.s32 s3, s17;
	[dreg:$0x9] =	wrdreg s26  }
0x14: {  	s8 =	simm.s32 $0x6;
	s7 =	sadd.s32 s2, s7;
	[dreg:$0xb] =	wrdreg s11  }
0x15: {  	s10 =	sshll.u32 s9, $0x7;
	[dreg:$0xc] =	wrdreg s15;
	s11 =	sshll.u32 s20, $0x7  }
0x16: {  	[dreg:$0x13] =	wrdreg s23;
	s26 =	sshll.u32 s4, $0x9;
	s9 =	simm.s32 $0x8  }
0x17: {  	[dreg:$0x7] =	wrdreg s7;
	s6 =	sadd.s32 s2, s10;
	s7 =	sadd.s32 s3, s25  }
0x18: {  	s10 =	sadd.s32 s2, s21;
	s22 =	sadd.s32 s2, s11;
	[dreg:$0xa] =	wrdreg s6  }
0x19: {  	s25 =	sshll.u32 s20, $0x9;
	s21 =	sadd.s32 s0, s24;
	[dreg:$0xe] =	wrdreg s7  }
0x1a: {  	s20 =	simm.s32 $0x1;
	s11 =	simm.s32 $0x0;
	[dreg:$0x10] =	wrdreg s10  }
0x1b: {  	s6 =	sshll.u32 s12, $0x7;
	s12 =	sshll.u32 s4, $0x7;
	[dreg:$0x11] =	wrdreg s22  }
0x1c: {  	s22 =	sadd.s32 s3, s24;
	s23 =	sadd.s32 s0, s25;
	s24 =	sadd.s32 s0, s26  }
0x1d: {  	s25 =	sadd.s32 s3, s25;
	s26 =	sadd.s32 s3, s26;
	s6 =	sadd.s32 s2, s6  }
0x1e: {  	s0 =	simm.s32 $0x4;
	[dreg:$0xd] =	wrdreg s6;
	s6 =	sadd.s32 s2, s16  }
0x1f: {  	s4 =	simm.s32 $0x2;
	s2 =	sadd.s32 s2, s12;
	[dreg:$0xf] =	wrdreg s6  }
0x20: {  	s7 =	simm.s32 $0x3;
	s10 =	simm.s32 $0x9;
	[dreg:$0x12] =	wrdreg s2  }
0x21: {  	s2 =	simm.s32 $0x10000;
	s6 =	simm.s32 $0x7;
	_ =	strace $0x80000047  }
.LBB2_1:
0x22: {  	s3 =	rddreg [dreg:$0x4]  }
0x23: {  	[tilespmem:s1], [sflag:$0x1] =	stream.linear.gather [hbm4b:s3+s1], $0x8000, $0x38;
	[tilespmem:$0x1E000] =	vst v63  }
0x24: {  	s15 =	rddreg [dreg:$0x5]  }
0x25: {  	[tilespmem:s29], [sflag:$0x4] =	stream.linear.gather [hbm4b:s15+s1], $0x2000, $0x38;
	[tilespmem:$0x1E000] =	vst v63  }
0x26: {  	s16 =	rddreg [dreg:$0x6]  }
0x27: {  	[tilespmem:s30], [sflag:$0x2] =	stream.linear.gather [hbm4b:s16+s1], $0x8000, $0x38;
	[tilespmem:$0x1E000] =	vst v63  }
0x28: {  	s17 =	rddreg [dreg:$0x7]  }
0x29: {  	[tilespmem:s31], [sflag:$0x5] =	stream.linear.gather [hbm4b:s17+s1], $0x2000, $0x38;
	[tilespmem:$0x1E000] =	vst v63  }
0x2a: {  	_ =	swait.ge [sflag:s20], $0x8000  }
0x2b: {  	[sflag:s20] =	ssyncset.done $0x0  }
0x2c: {  	[sflag:s20] =	ssyncadd.s32 $0xFFFF8000  }
0x2d: {  	_ =	swait.ge [sflag:s0], $0x2000  }
0x2e: {  	s13 =	simm.s32 $0x0;
	[sflag:s0] =	ssyncset.done $0x0  }
0x2f: {  	s14 =	simm.s32 $0x0;
	s16 =	simm.s32 $0x18040;
	[sflag:s0] =	ssyncadd.s32 $0xFFFFE000  }
.LBB2_2:
0x30: {  	v3 =	vld [tilespmem:s16+$0xFFFFFFC0]  }
0x31: {  	v0 =	vld [tilespmem:s16+$0xFFFFFFD0]  }
0x32: {  	v1 =	vld [tilespmem:s16+$0xFFFFFFE0]  }
0x33: {  	s15 =	simm.s32 $0x0;
	v2 =	vld [tilespmem:s16+$0x30];
	s17 =	simm.s32 $0x800;
	s12 =	smov.u32 s16  }
.LBB2_3:
0x34: {  	p0 =	sne.s32 s17, $0x3800;
	v4 =	vld [tilespmem:s12+$0xFFFFFFF0]  }
0x35: {  	v5 =	vld [tilespmem:s12+$0x0]  }
0x36: {  	s3 =	sshra.s32 s15, $0x2;
	s15 =	smov.u32 s17;
	v6 =	vld [tilespmem:s12+$0x10]  }
0x37: {  	s3 =	sadd.s32 s3, s13;
	v7 =	vld [tilespmem:s12+$0x20]  }
0x38: {  	[tilespmem:s3+$0x1F0] =	vst.add.f32.msk $0xffff, v2  }
0x39: {  	[tilespmem:s3+$0x0] =	vst.add.f32.msk $0xffff, v3  }
0x3a: {  	[tilespmem:s3+$0x80] =	vst.add.f32.msk $0xffff, v3  }
0x3b: {  	[tilespmem:s3+$0x100] =	vst.add.f32.msk $0xffff, v3  }
0x3c: {  	[tilespmem:s3+$0x180] =	vst.add.f32.msk $0xffff, v3  }
0x3d: {  	[tilespmem:s3+$0x10] =	vst.add.f32.msk $0xffff, v0  }
0x3e: {  	[tilespmem:s3+$0x130] =	vst.add.f32.msk $0xffff, v4  }
0x3f: {  	[tilespmem:s3+$0x170] =	vst.add.f32.msk $0xffff, v2  }
0x40: {  	[tilespmem:s3+$0xF0] =	vst.add.f32.msk $0xffff, v2  }
0x41: {  	[tilespmem:s3+$0x70] =	vst.add.f32.msk $0xffff, v2  }
0x42: {  	[tilespmem:s3+$0x1E0] =	vst.add.f32.msk $0xffff, v7  }
0x43: {  	[tilespmem:s3+$0x160] =	vst.add.f32.msk $0xffff, v7  }
0x44: {  	[tilespmem:s3+$0xE0] =	vst.add.f32.msk $0xffff, v7  }
0x45: {  	[tilespmem:s3+$0x60] =	vst.add.f32.msk $0xffff, v7  }
0x46: {  	[tilespmem:s3+$0x1D0] =	vst.add.f32.msk $0xffff, v6  }
0x47: {  	[tilespmem:s3+$0x150] =	vst.add.f32.msk $0xffff, v6  }
0x48: {  	[tilespmem:s3+$0xD0] =	vst.add.f32.msk $0xffff, v6  }
0x49: {  	[tilespmem:s3+$0x50] =	vst.add.f32.msk $0xffff, v6  }
0x4a: {  	[tilespmem:s3+$0x1C0] =	vst.add.f32.msk $0xffff, v5  }
0x4b: {  	[tilespmem:s3+$0x140] =	vst.add.f32.msk $0xffff, v5  }
0x4c: {  	[tilespmem:s3+$0xC0] =	vst.add.f32.msk $0xffff, v5  }
0x4d: {  	[tilespmem:s3+$0x40] =	vst.add.f32.msk $0xffff, v5  }
0x4e: {  	[tilespmem:s3+$0x1B0] =	vst.add.f32.msk $0xffff, v4  }
0x4f: {  	[tilespmem:s3+$0xB0] =	vst.add.f32.msk $0xffff, v4  }
0x50: {  	[tilespmem:s3+$0x30] =	vst.add.f32.msk $0xffff, v4  }
0x51: {  	[tilespmem:s3+$0x1A0] =	vst.add.f32.msk $0xffff, v1  }
0x52: {  	[tilespmem:s3+$0x120] =	vst.add.f32.msk $0xffff, v1  }
0x53: {  	[tilespmem:s3+$0xA0] =	vst.add.f32.msk $0xffff, v1  }
0x54: {  	[tilespmem:s3+$0x20] =	vst.add.f32.msk $0xffff, v1  }
0x55: {  	[tilespmem:s3+$0x190] =	vst.add.f32.msk $0xffff, v0  }
0x56: {  	[tilespmem:s3+$0x110] =	vst.add.f32.msk $0xffff, v0  }
.Ltmp0:
0x57: {  	s12 =	sadd.s32 $0x400, s12;
	[tilespmem:s3+$0x90] =	vst.add.f32.msk $0xffff, v0;
	(pc) =	sbr.rel @p0 .LBB2_3-.Ltmp0, $4  }
0x58: {  	v3 =	vld [tilespmem:s12+$0xFFFFFFC0]  }
0x59: {  	v0 =	vld [tilespmem:s12+$0xFFFFFFD0]  }
0x5a: {  	v1 =	vld [tilespmem:s12+$0xFFFFFFE0]  }
0x5b: {  	s17 =	sadd.s32 $0x800, s17;
	v2 =	vld [tilespmem:s12+$0x30]  }
0x5c: {  	v4 =	vld [tilespmem:s12+$0xFFFFFFF0]  }
0x5d: {  	v5 =	vld [tilespmem:s12+$0x0]  }
0x5e: {  	v6 =	vld [tilespmem:s12+$0x10];
	s3 =	sshra.s32 s15, $0x2  }
0x5f: {  	v7 =	vld [tilespmem:s12+$0x20];
	s3 =	sadd.s32 s3, s13  }
0x60: {  	[tilespmem:s3+$0x0] =	vst.add.f32.msk $0xffff, v3  }
0x61: {  	[tilespmem:s3+$0x80] =	vst.add.f32.msk $0xffff, v3  }
0x62: {  	[tilespmem:s3+$0x100] =	vst.add.f32.msk $0xffff, v3  }
0x63: {  	[tilespmem:s3+$0x180] =	vst.add.f32.msk $0xffff, v3  }
0x64: {  	[tilespmem:s3+$0x10] =	vst.add.f32.msk $0xffff, v0  }
0x65: {  	[tilespmem:s3+$0x190] =	vst.add.f32.msk $0xffff, v0  }
0x66: {  	[tilespmem:s3+$0x110] =	vst.add.f32.msk $0xffff, v0  }
0x67: {  	[tilespmem:s3+$0x90] =	vst.add.f32.msk $0xffff, v0  }
0x68: {  	[tilespmem:s3+$0x1A0] =	vst.add.f32.msk $0xffff, v1  }
0x69: {  	[tilespmem:s3+$0x120] =	vst.add.f32.msk $0xffff, v1  }
0x6a: {  	[tilespmem:s3+$0xA0] =	vst.add.f32.msk $0xffff, v1  }
0x6b: {  	[tilespmem:s3+$0x20] =	vst.add.f32.msk $0xffff, v1  }
0x6c: {  	[tilespmem:s3+$0x1F0] =	vst.add.f32.msk $0xffff, v2  }
0x6d: {  	[tilespmem:s3+$0x170] =	vst.add.f32.msk $0xffff, v2  }
0x6e: {  	[tilespmem:s3+$0xF0] =	vst.add.f32.msk $0xffff, v2  }
0x6f: {  	[tilespmem:s3+$0x70] =	vst.add.f32.msk $0xffff, v2  }
0x70: {  	[tilespmem:s3+$0x130] =	vst.add.f32.msk $0xffff, v4  }
0x71: {  	[tilespmem:s3+$0x1E0] =	vst.add.f32.msk $0xffff, v7  }
0x72: {  	[tilespmem:s3+$0x160] =	vst.add.f32.msk $0xffff, v7  }
0x73: {  	[tilespmem:s3+$0xE0] =	vst.add.f32.msk $0xffff, v7  }
0x74: {  	[tilespmem:s3+$0x60] =	vst.add.f32.msk $0xffff, v7  }
0x75: {  	[tilespmem:s3+$0x1D0] =	vst.add.f32.msk $0xffff, v6  }
0x76: {  	[tilespmem:s3+$0x150] =	vst.add.f32.msk $0xffff, v6  }
0x77: {  	[tilespmem:s3+$0xD0] =	vst.add.f32.msk $0xffff, v6  }
0x78: {  	[tilespmem:s3+$0x50] =	vst.add.f32.msk $0xffff, v6  }
0x79: {  	s14 =	sadd.s32 $0x1, s14;
	[tilespmem:s3+$0x1C0] =	vst.add.f32.msk $0xffff, v5  }
0x7a: {  	p0 =	sne.s32 s14, $0x8;
	[tilespmem:s3+$0x140] =	vst.add.f32.msk $0xffff, v5  }
.Ltmp1:
0x7b: {  	[tilespmem:s3+$0xC0] =	vst.add.f32.msk $0xffff, v5;
	(pc) =	sbr.rel @p0 .LBB2_2-.Ltmp1, $4  }
0x7c: {  	[tilespmem:s3+$0x40] =	vst.add.f32.msk $0xffff, v5  }
0x7d: {  	[tilespmem:s3+$0x1B0] =	vst.add.f32.msk $0xffff, v4  }
0x7e: {  	[tilespmem:s3+$0xB0] =	vst.add.f32.msk $0xffff, v4  }
0x7f: {  	s16 =	sadd.s32 $0x80, s16;
	s13 =	sadd.s32 $0x1000, s13;
	[tilespmem:s3+$0x30] =	vst.add.f32.msk $0xffff, v4  }
0x80: {  	s12 =	simm.s32 $0x0;
	s3 =	rddreg [dreg:$0x8]  }
0x81: {  	[hbm4b:s3+s12] =	stream.linear.scatter [tilespmem:s12], [sflag:$0x7], $0x8000, $0x38;
	[tilespmem:$0x1E000] =	vst v63  }
0x82: {  	s16 =	rddreg [dreg:$0x9]  }
0x83: {  	[tilespmem:s2], [sflag:$0x3] =	stream.linear.gather [hbm4b:s16+s12], $0x8000, $0x38;
	[tilespmem:$0x1E000] =	vst v63  }
0x84: {  	s17 =	rddreg [dreg:$0xa];
	s13 =	simm.s32 $0x1C000  }
0x85: {  	[tilespmem:s13], [sflag:$0x6] =	stream.linear.gather [hbm4b:s17+s12], $0x2000, $0x38;
	[tilespmem:$0x1E000] =	vst v63  }
0x86: {  	_ =	swait.ge [sflag:s4], $0x8000  }
0x87: {  	[sflag:s4] =	ssyncset.done $0x0  }
0x88: {  	[sflag:s4] =	ssyncadd.s32 $0xFFFF8000  }
0x89: {  	_ =	swait.ge [sflag:s5], $0x2000  }
0x8a: {  	[sflag:s5] =	ssyncset.done $0x0  }
0x8b: {  	s14 =	simm.s32 $0x1A040;
	s13 =	simm.s32 $0x8000;
	[sflag:s5] =	ssyncadd.s32 $0xFFFFE000  }
.LBB2_6:
0x8c: {  	v3 =	vld [tilespmem:s14+$0xFFFFFFC0]  }
0x8d: {  	v0 =	vld [tilespmem:s14+$0xFFFFFFD0]  }
0x8e: {  	v1 =	vld [tilespmem:s14+$0xFFFFFFE0]  }
0x8f: {  	v2 =	vld [tilespmem:s14+$0x30];
	s17 =	simm.s32 $0x800;
	s15 =	smov.u32 s14;
	s16 =	simm.s32 $0x0  }
.LBB2_7:
0x90: {  	p0 =	sne.s32 s17, $0x3800;
	v4 =	vld [tilespmem:s15+$0xFFFFFFF0]  }
0x91: {  	v5 =	vld [tilespmem:s15+$0x0]  }
0x92: {  	s3 =	sshra.s32 s16, $0x2;
	s16 =	smov.u32 s17;
	v6 =	vld [tilespmem:s15+$0x10]  }
0x93: {  	s3 =	sadd.s32 s3, s13;
	v7 =	vld [tilespmem:s15+$0x20]  }
0x94: {  	[tilespmem:s3+$0x1F0] =	vst.add.f32.msk $0xffff, v2  }
0x95: {  	[tilespmem:s3+$0x0] =	vst.add.f32.msk $0xffff, v3  }
0x96: {  	[tilespmem:s3+$0x80] =	vst.add.f32.msk $0xffff, v3  }
0x97: {  	[tilespmem:s3+$0x100] =	vst.add.f32.msk $0xffff, v3  }
0x98: {  	[tilespmem:s3+$0x180] =	vst.add.f32.msk $0xffff, v3  }
0x99: {  	[tilespmem:s3+$0x10] =	vst.add.f32.msk $0xffff, v0  }
0x9a: {  	[tilespmem:s3+$0x130] =	vst.add.f32.msk $0xffff, v4  }
0x9b: {  	[tilespmem:s3+$0x170] =	vst.add.f32.msk $0xffff, v2  }
0x9c: {  	[tilespmem:s3+$0xF0] =	vst.add.f32.msk $0xffff, v2  }
0x9d: {  	[tilespmem:s3+$0x70] =	vst.add.f32.msk $0xffff, v2  }
0x9e: {  	[tilespmem:s3+$0x1E0] =	vst.add.f32.msk $0xffff, v7  }
0x9f: {  	[tilespmem:s3+$0x160] =	vst.add.f32.msk $0xffff, v7  }
0xa0: {  	[tilespmem:s3+$0xE0] =	vst.add.f32.msk $0xffff, v7  }
0xa1: {  	[tilespmem:s3+$0x60] =	vst.add.f32.msk $0xffff, v7  }
0xa2: {  	[tilespmem:s3+$0x1D0] =	vst.add.f32.msk $0xffff, v6  }
0xa3: {  	[tilespmem:s3+$0x150] =	vst.add.f32.msk $0xffff, v6  }
0xa4: {  	[tilespmem:s3+$0xD0] =	vst.add.f32.msk $0xffff, v6  }
0xa5: {  	[tilespmem:s3+$0x50] =	vst.add.f32.msk $0xffff, v6  }
0xa6: {  	[tilespmem:s3+$0x1C0] =	vst.add.f32.msk $0xffff, v5  }
0xa7: {  	[tilespmem:s3+$0x140] =	vst.add.f32.msk $0xffff, v5  }
0xa8: {  	[tilespmem:s3+$0xC0] =	vst.add.f32.msk $0xffff, v5  }
0xa9: {  	[tilespmem:s3+$0x40] =	vst.add.f32.msk $0xffff, v5  }
0xaa: {  	[tilespmem:s3+$0x1B0] =	vst.add.f32.msk $0xffff, v4  }
0xab: {  	[tilespmem:s3+$0xB0] =	vst.add.f32.msk $0xffff, v4  }
0xac: {  	[tilespmem:s3+$0x30] =	vst.add.f32.msk $0xffff, v4  }
0xad: {  	[tilespmem:s3+$0x1A0] =	vst.add.f32.msk $0xffff, v1  }
0xae: {  	[tilespmem:s3+$0x120] =	vst.add.f32.msk $0xffff, v1  }
0xaf: {  	[tilespmem:s3+$0xA0] =	vst.add.f32.msk $0xffff, v1  }
0xb0: {  	[tilespmem:s3+$0x20] =	vst.add.f32.msk $0xffff, v1  }
0xb1: {  	[tilespmem:s3+$0x190] =	vst.add.f32.msk $0xffff, v0  }
0xb2: {  	[tilespmem:s3+$0x110] =	vst.add.f32.msk $0xffff, v0  }
.Ltmp2:
0xb3: {  	s15 =	sadd.s32 $0x400, s15;
	[tilespmem:s3+$0x90] =	vst.add.f32.msk $0xffff, v0;
	(pc) =	sbr.rel @p0 .LBB2_7-.Ltmp2, $4  }
0xb4: {  	v3 =	vld [tilespmem:s15+$0xFFFFFFC0]  }
0xb5: {  	v0 =	vld [tilespmem:s15+$0xFFFFFFD0]  }
0xb6: {  	v1 =	vld [tilespmem:s15+$0xFFFFFFE0]  }
0xb7: {  	s17 =	sadd.s32 $0x800, s17;
	v2 =	vld [tilespmem:s15+$0x30]  }
0xb8: {  	v4 =	vld [tilespmem:s15+$0xFFFFFFF0]  }
0xb9: {  	v5 =	vld [tilespmem:s15+$0x0]  }
0xba: {  	v6 =	vld [tilespmem:s15+$0x10];
	s3 =	sshra.s32 s16, $0x2  }
0xbb: {  	v7 =	vld [tilespmem:s15+$0x20];
	s3 =	sadd.s32 s3, s13  }
0xbc: {  	[tilespmem:s3+$0x0] =	vst.add.f32.msk $0xffff, v3  }
0xbd: {  	[tilespmem:s3+$0x80] =	vst.add.f32.msk $0xffff, v3  }
0xbe: {  	[tilespmem:s3+$0x100] =	vst.add.f32.msk $0xffff, v3  }
0xbf: {  	[tilespmem:s3+$0x180] =	vst.add.f32.msk $0xffff, v3  }
0xc0: {  	[tilespmem:s3+$0x10] =	vst.add.f32.msk $0xffff, v0  }
0xc1: {  	[tilespmem:s3+$0x190] =	vst.add.f32.msk $0xffff, v0  }
0xc2: {  	[tilespmem:s3+$0x110] =	vst.add.f32.msk $0xffff, v0  }
0xc3: {  	[tilespmem:s3+$0x90] =	vst.add.f32.msk $0xffff, v0  }
0xc4: {  	[tilespmem:s3+$0x1A0] =	vst.add.f32.msk $0xffff, v1  }
0xc5: {  	[tilespmem:s3+$0x120] =	vst.add.f32.msk $0xffff, v1  }
0xc6: {  	[tilespmem:s3+$0xA0] =	vst.add.f32.msk $0xffff, v1  }
0xc7: {  	[tilespmem:s3+$0x20] =	vst.add.f32.msk $0xffff, v1  }
0xc8: {  	[tilespmem:s3+$0x1F0] =	vst.add.f32.msk $0xffff, v2  }
0xc9: {  	[tilespmem:s3+$0x170] =	vst.add.f32.msk $0xffff, v2  }
0xca: {  	[tilespmem:s3+$0xF0] =	vst.add.f32.msk $0xffff, v2  }
0xcb: {  	[tilespmem:s3+$0x70] =	vst.add.f32.msk $0xffff, v2  }
0xcc: {  	[tilespmem:s3+$0x130] =	vst.add.f32.msk $0xffff, v4  }
0xcd: {  	[tilespmem:s3+$0x1E0] =	vst.add.f32.msk $0xffff, v7  }
0xce: {  	[tilespmem:s3+$0x160] =	vst.add.f32.msk $0xffff, v7  }
0xcf: {  	[tilespmem:s3+$0xE0] =	vst.add.f32.msk $0xffff, v7  }
0xd0: {  	[tilespmem:s3+$0x60] =	vst.add.f32.msk $0xffff, v7  }
0xd1: {  	[tilespmem:s3+$0x1D0] =	vst.add.f32.msk $0xffff, v6  }
0xd2: {  	[tilespmem:s3+$0x150] =	vst.add.f32.msk $0xffff, v6  }
0xd3: {  	[tilespmem:s3+$0xD0] =	vst.add.f32.msk $0xffff, v6  }
0xd4: {  	[tilespmem:s3+$0x50] =	vst.add.f32.msk $0xffff, v6  }
0xd5: {  	s12 =	sadd.s32 $0x1, s12;
	[tilespmem:s3+$0x1C0] =	vst.add.f32.msk $0xffff, v5  }
0xd6: {  	p0 =	sne.s32 s12, $0x8;
	[tilespmem:s3+$0x140] =	vst.add.f32.msk $0xffff, v5  }
.Ltmp3:
0xd7: {  	[tilespmem:s3+$0xC0] =	vst.add.f32.msk $0xffff, v5;
	(pc) =	sbr.rel @p0 .LBB2_6-.Ltmp3, $4  }
0xd8: {  	[tilespmem:s3+$0x40] =	vst.add.f32.msk $0xffff, v5  }
0xd9: {  	[tilespmem:s3+$0x1B0] =	vst.add.f32.msk $0xffff, v4  }
0xda: {  	[tilespmem:s3+$0xB0] =	vst.add.f32.msk $0xffff, v4  }
0xdb: {  	s14 =	sadd.s32 $0x80, s14;
	s13 =	sadd.s32 $0x1000, s13;
	[tilespmem:s3+$0x30] =	vst.add.f32.msk $0xffff, v4  }
0xdc: {  	s12 =	simm.s32 $0x0;
	s3 =	rddreg [dreg:$0xb]  }
0xdd: {  	[hbm4b:s3+s12] =	stream.linear.scatter [tilespmem:s30], [sflag:$0x8], $0x8000, $0x38;
	[tilespmem:$0x1E000] =	vst v63  }
0xde: {  	_ =	swait.ge [sflag:s6], $0x8000  }
0xdf: {  	[sflag:s6] =	ssyncset.done $0x0  }
0xe0: {  	s16 =	rddreg [dreg:$0xc];
	[sflag:s6] =	ssyncadd.s32 $0xFFFF8000  }
0xe1: {  	[tilespmem:s12], [sflag:$0x1] =	stream.linear.gather [hbm4b:s16+s12], $0x8000, $0x38;
	[tilespmem:$0x1E000] =	vst v63  }
0xe2: {  	s17 =	rddreg [dreg:$0xd]  }
0xe3: {  	[tilespmem:s29], [sflag:$0x4] =	stream.linear.gather [hbm4b:s17+s12], $0x2000, $0x38;
	[tilespmem:$0x1E000] =	vst v63  }
0xe4: {  	_ =	swait.ge [sflag:s7], $0x8000  }
0xe5: {  	[sflag:s7] =	ssyncset.done $0x0  }
0xe6: {  	[sflag:s7] =	ssyncadd.s32 $0xFFFF8000  }
0xe7: {  	_ =	swait.ge [sflag:s8], $0x2000  }
0xe8: {  	[sflag:s8] =	ssyncset.done $0x0  }
0xe9: {  	s13 =	simm.s32 $0x10000;
	s14 =	simm.s32 $0x1C040;
	[sflag:s8] =	ssyncadd.s32 $0xFFFFE000  }
.LBB2_10:
0xea: {  	v3 =	vld [tilespmem:s14+$0xFFFFFFC0]  }
0xeb: {  	v0 =	vld [tilespmem:s14+$0xFFFFFFD0]  }
0xec: {  	v1 =	vld [tilespmem:s14+$0xFFFFFFE0]  }
0xed: {  	v2 =	vld [tilespmem:s14+$0x30];
	s17 =	simm.s32 $0x800;
	s15 =	smov.u32 s14;
	s16 =	simm.s32 $0x0  }
.LBB2_11:
0xee: {  	p0 =	sne.s32 s17, $0x3800;
	v4 =	vld [tilespmem:s15+$0xFFFFFFF0]  }
0xef: {  	v5 =	vld [tilespmem:s15+$0x0]  }
0xf0: {  	s3 =	sshra.s32 s16, $0x2;
	s16 =	smov.u32 s17;
	v6 =	vld [tilespmem:s15+$0x10]  }
0xf1: {  	s3 =	sadd.s32 s3, s13;
	v7 =	vld [tilespmem:s15+$0x20]  }
0xf2: {  	[tilespmem:s3+$0x1F0] =	vst.add.f32.msk $0xffff, v2  }
0xf3: {  	[tilespmem:s3+$0x0] =	vst.add.f32.msk $0xffff, v3  }
0xf4: {  	[tilespmem:s3+$0x80] =	vst.add.f32.msk $0xffff, v3  }
0xf5: {  	[tilespmem:s3+$0x100] =	vst.add.f32.msk $0xffff, v3  }
0xf6: {  	[tilespmem:s3+$0x180] =	vst.add.f32.msk $0xffff, v3  }
0xf7: {  	[tilespmem:s3+$0x10] =	vst.add.f32.msk $0xffff, v0  }
0xf8: {  	[tilespmem:s3+$0x130] =	vst.add.f32.msk $0xffff, v4  }
0xf9: {  	[tilespmem:s3+$0x170] =	vst.add.f32.msk $0xffff, v2  }
0xfa: {  	[tilespmem:s3+$0xF0] =	vst.add.f32.msk $0xffff, v2  }
0xfb: {  	[tilespmem:s3+$0x70] =	vst.add.f32.msk $0xffff, v2  }
0xfc: {  	[tilespmem:s3+$0x1E0] =	vst.add.f32.msk $0xffff, v7  }
0xfd: {  	[tilespmem:s3+$0x160] =	vst.add.f32.msk $0xffff, v7  }
0xfe: {  	[tilespmem:s3+$0xE0] =	vst.add.f32.msk $0xffff, v7  }
0xff: {  	[tilespmem:s3+$0x60] =	vst.add.f32.msk $0xffff, v7  }
0x100: {  	[tilespmem:s3+$0x1D0] =	vst.add.f32.msk $0xffff, v6  }
0x101: {  	[tilespmem:s3+$0x150] =	vst.add.f32.msk $0xffff, v6  }
0x102: {  	[tilespmem:s3+$0xD0] =	vst.add.f32.msk $0xffff, v6  }
0x103: {  	[tilespmem:s3+$0x50] =	vst.add.f32.msk $0xffff, v6  }
0x104: {  	[tilespmem:s3+$0x1C0] =	vst.add.f32.msk $0xffff, v5  }
0x105: {  	[tilespmem:s3+$0x140] =	vst.add.f32.msk $0xffff, v5  }
0x106: {  	[tilespmem:s3+$0xC0] =	vst.add.f32.msk $0xffff, v5  }
0x107: {  	[tilespmem:s3+$0x40] =	vst.add.f32.msk $0xffff, v5  }
0x108: {  	[tilespmem:s3+$0x1B0] =	vst.add.f32.msk $0xffff, v4  }
0x109: {  	[tilespmem:s3+$0xB0] =	vst.add.f32.msk $0xffff, v4  }
0x10a: {  	[tilespmem:s3+$0x30] =	vst.add.f32.msk $0xffff, v4  }
0x10b: {  	[tilespmem:s3+$0x1A0] =	vst.add.f32.msk $0xffff, v1  }
0x10c: {  	[tilespmem:s3+$0x120] =	vst.add.f32.msk $0xffff, v1  }
0x10d: {  	[tilespmem:s3+$0xA0] =	vst.add.f32.msk $0xffff, v1  }
0x10e: {  	[tilespmem:s3+$0x20] =	vst.add.f32.msk $0xffff, v1  }
0x10f: {  	[tilespmem:s3+$0x190] =	vst.add.f32.msk $0xffff, v0  }
0x110: {  	[tilespmem:s3+$0x110] =	vst.add.f32.msk $0xffff, v0  }
.Ltmp4:
0x111: {  	s15 =	sadd.s32 $0x400, s15;
	[tilespmem:s3+$0x90] =	vst.add.f32.msk $0xffff, v0;
	(pc) =	sbr.rel @p0 .LBB2_11-.Ltmp4, $4  }
0x112: {  	v3 =	vld [tilespmem:s15+$0xFFFFFFC0]  }
0x113: {  	v0 =	vld [tilespmem:s15+$0xFFFFFFD0]  }
0x114: {  	v1 =	vld [tilespmem:s15+$0xFFFFFFE0]  }
0x115: {  	s17 =	sadd.s32 $0x800, s17;
	v2 =	vld [tilespmem:s15+$0x30]  }
0x116: {  	v4 =	vld [tilespmem:s15+$0xFFFFFFF0]  }
0x117: {  	v5 =	vld [tilespmem:s15+$0x0]  }
0x118: {  	v6 =	vld [tilespmem:s15+$0x10];
	s3 =	sshra.s32 s16, $0x2  }
0x119: {  	v7 =	vld [tilespmem:s15+$0x20];
	s3 =	sadd.s32 s3, s13  }
0x11a: {  	[tilespmem:s3+$0x0] =	vst.add.f32.msk $0xffff, v3  }
0x11b: {  	[tilespmem:s3+$0x80] =	vst.add.f32.msk $0xffff, v3  }
0x11c: {  	[tilespmem:s3+$0x100] =	vst.add.f32.msk $0xffff, v3  }
0x11d: {  	[tilespmem:s3+$0x180] =	vst.add.f32.msk $0xffff, v3  }
0x11e: {  	[tilespmem:s3+$0x10] =	vst.add.f32.msk $0xffff, v0  }
0x11f: {  	[tilespmem:s3+$0x190] =	vst.add.f32.msk $0xffff, v0  }
0x120: {  	[tilespmem:s3+$0x110] =	vst.add.f32.msk $0xffff, v0  }
0x121: {  	[tilespmem:s3+$0x90] =	vst.add.f32.msk $0xffff, v0  }
0x122: {  	[tilespmem:s3+$0x1A0] =	vst.add.f32.msk $0xffff, v1  }
0x123: {  	[tilespmem:s3+$0x120] =	vst.add.f32.msk $0xffff, v1  }
0x124: {  	[tilespmem:s3+$0xA0] =	vst.add.f32.msk $0xffff, v1  }
0x125: {  	[tilespmem:s3+$0x20] =	vst.add.f32.msk $0xffff, v1  }
0x126: {  	[tilespmem:s3+$0x1F0] =	vst.add.f32.msk $0xffff, v2  }
0x127: {  	[tilespmem:s3+$0x170] =	vst.add.f32.msk $0xffff, v2  }
0x128: {  	[tilespmem:s3+$0xF0] =	vst.add.f32.msk $0xffff, v2  }
0x129: {  	[tilespmem:s3+$0x70] =	vst.add.f32.msk $0xffff, v2  }
0x12a: {  	[tilespmem:s3+$0x130] =	vst.add.f32.msk $0xffff, v4  }
0x12b: {  	[tilespmem:s3+$0x1E0] =	vst.add.f32.msk $0xffff, v7  }
0x12c: {  	[tilespmem:s3+$0x160] =	vst.add.f32.msk $0xffff, v7  }
0x12d: {  	[tilespmem:s3+$0xE0] =	vst.add.f32.msk $0xffff, v7  }
0x12e: {  	[tilespmem:s3+$0x60] =	vst.add.f32.msk $0xffff, v7  }
0x12f: {  	[tilespmem:s3+$0x1D0] =	vst.add.f32.msk $0xffff, v6  }
0x130: {  	[tilespmem:s3+$0x150] =	vst.add.f32.msk $0xffff, v6  }
0x131: {  	[tilespmem:s3+$0xD0] =	vst.add.f32.msk $0xffff, v6  }
0x132: {  	[tilespmem:s3+$0x50] =	vst.add.f32.msk $0xffff, v6  }
0x133: {  	s12 =	sadd.s32 $0x1, s12;
	[tilespmem:s3+$0x1C0] =	vst.add.f32.msk $0xffff, v5  }
0x134: {  	p0 =	sne.s32 s12, $0x8;
	[tilespmem:s3+$0x140] =	vst.add.f32.msk $0xffff, v5  }
.Ltmp5:
0x135: {  	[tilespmem:s3+$0xC0] =	vst.add.f32.msk $0xffff, v5;
	(pc) =	sbr.rel @p0 .LBB2_10-.Ltmp5, $4  }
0x136: {  	[tilespmem:s3+$0x40] =	vst.add.f32.msk $0xffff, v5  }
0x137: {  	[tilespmem:s3+$0x1B0] =	vst.add.f32.msk $0xffff, v4  }
0x138: {  	[tilespmem:s3+$0xB0] =	vst.add.f32.msk $0xffff, v4  }
0x139: {  	s14 =	sadd.s32 $0x80, s14;
	s13 =	sadd.s32 $0x1000, s13;
	[tilespmem:s3+$0x30] =	vst.add.f32.msk $0xffff, v4  }
0x13a: {  	s12 =	simm.s32 $0x0;
	s3 =	rddreg [dreg:$0xe]  }
0x13b: {  	[hbm4b:s3+s12] =	stream.linear.scatter [tilespmem:s2], [sflag:$0x9], $0x8000, $0x38;
	[tilespmem:$0x1E000] =	vst v63  }
0x13c: {  	_ =	swait.ge [sflag:s9], $0x8000  }
0x13d: {  	[sflag:s9] =	ssyncset.done $0x0  }
0x13e: {  	s16 =	rddreg [dreg:$0x13];
	[sflag:s9] =	ssyncadd.s32 $0xFFFF8000  }
0x13f: {  	[tilespmem:s30], [sflag:$0x2] =	stream.linear.gather [hbm4b:s16+s12], $0x8000, $0x38;
	[tilespmem:$0x1E000] =	vst v63  }
0x140: {  	s17 =	rddreg [dreg:$0xf]  }
0x141: {  	[tilespmem:s31], [sflag:$0x5] =	stream.linear.gather [hbm4b:s17+s12], $0x2000, $0x38;
	[tilespmem:$0x1E000] =	vst v63  }
0x142: {  	_ =	swait.ge [sflag:s20], $0x8000  }
0x143: {  	[sflag:s20] =	ssyncset.done $0x0  }
0x144: {  	[sflag:s20] =	ssyncadd.s32 $0xFFFF8000  }
0x145: {  	_ =	swait.ge [sflag:s0], $0x2000  }
0x146: {  	[sflag:s0] =	ssyncset.done $0x0  }
0x147: {  	s13 =	simm.s32 $0x18040;
	s14 =	simm.s32 $0x0;
	[sflag:s0] =	ssyncadd.s32 $0xFFFFE000  }
.LBB2_14:
0x148: {  	v3 =	vld [tilespmem:s13+$0xFFFFFFC0]  }
0x149: {  	v0 =	vld [tilespmem:s13+$0xFFFFFFD0]  }
0x14a: {  	v1 =	vld [tilespmem:s13+$0xFFFFFFE0]  }
0x14b: {  	v2 =	vld [tilespmem:s13+$0x30];
	s17 =	simm.s32 $0x800;
	s15 =	smov.u32 s13;
	s16 =	simm.s32 $0x0  }
.LBB2_15:
0x14c: {  	p0 =	sne.s32 s17, $0x3800;
	v4 =	vld [tilespmem:s15+$0xFFFFFFF0]  }
0x14d: {  	v5 =	vld [tilespmem:s15+$0x0]  }
0x14e: {  	s3 =	sshra.s32 s16, $0x2;
	s16 =	smov.u32 s17;
	v6 =	vld [tilespmem:s15+$0x10]  }
0x14f: {  	s3 =	sadd.s32 s3, s12;
	v7 =	vld [tilespmem:s15+$0x20]  }
0x150: {  	[tilespmem:s3+$0x1F0] =	vst.add.f32.msk $0xffff, v2  }
0x151: {  	[tilespmem:s3+$0x0] =	vst.add.f32.msk $0xffff, v3  }
0x152: {  	[tilespmem:s3+$0x80] =	vst.add.f32.msk $0xffff, v3  }
0x153: {  	[tilespmem:s3+$0x100] =	vst.add.f32.msk $0xffff, v3  }
0x154: {  	[tilespmem:s3+$0x180] =	vst.add.f32.msk $0xffff, v3  }
0x155: {  	[tilespmem:s3+$0x10] =	vst.add.f32.msk $0xffff, v0  }
0x156: {  	[tilespmem:s3+$0x130] =	vst.add.f32.msk $0xffff, v4  }
0x157: {  	[tilespmem:s3+$0x170] =	vst.add.f32.msk $0xffff, v2  }
0x158: {  	[tilespmem:s3+$0xF0] =	vst.add.f32.msk $0xffff, v2  }
0x159: {  	[tilespmem:s3+$0x70] =	vst.add.f32.msk $0xffff, v2  }
0x15a: {  	[tilespmem:s3+$0x1E0] =	vst.add.f32.msk $0xffff, v7  }
0x15b: {  	[tilespmem:s3+$0x160] =	vst.add.f32.msk $0xffff, v7  }
0x15c: {  	[tilespmem:s3+$0xE0] =	vst.add.f32.msk $0xffff, v7  }
0x15d: {  	[tilespmem:s3+$0x60] =	vst.add.f32.msk $0xffff, v7  }
0x15e: {  	[tilespmem:s3+$0x1D0] =	vst.add.f32.msk $0xffff, v6  }
0x15f: {  	[tilespmem:s3+$0x150] =	vst.add.f32.msk $0xffff, v6  }
0x160: {  	[tilespmem:s3+$0xD0] =	vst.add.f32.msk $0xffff, v6  }
0x161: {  	[tilespmem:s3+$0x50] =	vst.add.f32.msk $0xffff, v6  }
0x162: {  	[tilespmem:s3+$0x1C0] =	vst.add.f32.msk $0xffff, v5  }
0x163: {  	[tilespmem:s3+$0x140] =	vst.add.f32.msk $0xffff, v5  }
0x164: {  	[tilespmem:s3+$0xC0] =	vst.add.f32.msk $0xffff, v5  }
0x165: {  	[tilespmem:s3+$0x40] =	vst.add.f32.msk $0xffff, v5  }
0x166: {  	[tilespmem:s3+$0x1B0] =	vst.add.f32.msk $0xffff, v4  }
0x167: {  	[tilespmem:s3+$0xB0] =	vst.add.f32.msk $0xffff, v4  }
0x168: {  	[tilespmem:s3+$0x30] =	vst.add.f32.msk $0xffff, v4  }
0x169: {  	[tilespmem:s3+$0x1A0] =	vst.add.f32.msk $0xffff, v1  }
0x16a: {  	[tilespmem:s3+$0x120] =	vst.add.f32.msk $0xffff, v1  }
0x16b: {  	[tilespmem:s3+$0xA0] =	vst.add.f32.msk $0xffff, v1  }
0x16c: {  	[tilespmem:s3+$0x20] =	vst.add.f32.msk $0xffff, v1  }
0x16d: {  	[tilespmem:s3+$0x190] =	vst.add.f32.msk $0xffff, v0  }
0x16e: {  	[tilespmem:s3+$0x110] =	vst.add.f32.msk $0xffff, v0  }
.Ltmp6:
0x16f: {  	s15 =	sadd.s32 $0x400, s15;
	[tilespmem:s3+$0x90] =	vst.add.f32.msk $0xffff, v0;
	(pc) =	sbr.rel @p0 .LBB2_15-.Ltmp6, $4  }
0x170: {  	v3 =	vld [tilespmem:s15+$0xFFFFFFC0]  }
0x171: {  	v0 =	vld [tilespmem:s15+$0xFFFFFFD0]  }
0x172: {  	v1 =	vld [tilespmem:s15+$0xFFFFFFE0]  }
0x173: {  	s17 =	sadd.s32 $0x800, s17;
	v2 =	vld [tilespmem:s15+$0x30]  }
0x174: {  	v4 =	vld [tilespmem:s15+$0xFFFFFFF0]  }
0x175: {  	v5 =	vld [tilespmem:s15+$0x0]  }
0x176: {  	v6 =	vld [tilespmem:s15+$0x10];
	s3 =	sshra.s32 s16, $0x2  }
0x177: {  	v7 =	vld [tilespmem:s15+$0x20];
	s3 =	sadd.s32 s3, s12  }
0x178: {  	[tilespmem:s3+$0x0] =	vst.add.f32.msk $0xffff, v3  }
0x179: {  	[tilespmem:s3+$0x80] =	vst.add.f32.msk $0xffff, v3  }
0x17a: {  	[tilespmem:s3+$0x100] =	vst.add.f32.msk $0xffff, v3  }
0x17b: {  	[tilespmem:s3+$0x180] =	vst.add.f32.msk $0xffff, v3  }
0x17c: {  	[tilespmem:s3+$0x10] =	vst.add.f32.msk $0xffff, v0  }
0x17d: {  	[tilespmem:s3+$0x190] =	vst.add.f32.msk $0xffff, v0  }
0x17e: {  	[tilespmem:s3+$0x110] =	vst.add.f32.msk $0xffff, v0  }
0x17f: {  	[tilespmem:s3+$0x90] =	vst.add.f32.msk $0xffff, v0  }
0x180: {  	[tilespmem:s3+$0x1A0] =	vst.add.f32.msk $0xffff, v1  }
0x181: {  	[tilespmem:s3+$0x120] =	vst.add.f32.msk $0xffff, v1  }
0x182: {  	[tilespmem:s3+$0xA0] =	vst.add.f32.msk $0xffff, v1  }
0x183: {  	[tilespmem:s3+$0x20] =	vst.add.f32.msk $0xffff, v1  }
0x184: {  	[tilespmem:s3+$0x1F0] =	vst.add.f32.msk $0xffff, v2  }
0x185: {  	[tilespmem:s3+$0x170] =	vst.add.f32.msk $0xffff, v2  }
0x186: {  	[tilespmem:s3+$0xF0] =	vst.add.f32.msk $0xffff, v2  }
0x187: {  	[tilespmem:s3+$0x70] =	vst.add.f32.msk $0xffff, v2  }
0x188: {  	[tilespmem:s3+$0x130] =	vst.add.f32.msk $0xffff, v4  }
0x189: {  	[tilespmem:s3+$0x1E0] =	vst.add.f32.msk $0xffff, v7  }
0x18a: {  	[tilespmem:s3+$0x160] =	vst.add.f32.msk $0xffff, v7  }
0x18b: {  	[tilespmem:s3+$0xE0] =	vst.add.f32.msk $0xffff, v7  }
0x18c: {  	[tilespmem:s3+$0x60] =	vst.add.f32.msk $0xffff, v7  }
0x18d: {  	[tilespmem:s3+$0x1D0] =	vst.add.f32.msk $0xffff, v6  }
0x18e: {  	[tilespmem:s3+$0x150] =	vst.add.f32.msk $0xffff, v6  }
0x18f: {  	[tilespmem:s3+$0xD0] =	vst.add.f32.msk $0xffff, v6  }
0x190: {  	[tilespmem:s3+$0x50] =	vst.add.f32.msk $0xffff, v6  }
0x191: {  	s14 =	sadd.s32 $0x1, s14;
	[tilespmem:s3+$0x1C0] =	vst.add.f32.msk $0xffff, v5  }
0x192: {  	p0 =	sne.s32 s14, $0x8;
	[tilespmem:s3+$0x140] =	vst.add.f32.msk $0xffff, v5  }
.Ltmp7:
0x193: {  	[tilespmem:s3+$0xC0] =	vst.add.f32.msk $0xffff, v5;
	(pc) =	sbr.rel @p0 .LBB2_14-.Ltmp7, $4  }
0x194: {  	[tilespmem:s3+$0x40] =	vst.add.f32.msk $0xffff, v5  }
0x195: {  	[tilespmem:s3+$0x1B0] =	vst.add.f32.msk $0xffff, v4  }
0x196: {  	[tilespmem:s3+$0xB0] =	vst.add.f32.msk $0xffff, v4  }
0x197: {  	s13 =	sadd.s32 $0x80, s13;
	s12 =	sadd.s32 $0x1000, s12;
	[tilespmem:s3+$0x30] =	vst.add.f32.msk $0xffff, v4  }
0x198: {  	s12 =	simm.s32 $0x0  }
0x199: {  	[hbm4b:s18+s12] =	stream.linear.scatter [tilespmem:s12], [sflag:$0x7], $0x8000, $0x38;
	[tilespmem:$0x1E000] =	vst v63  }
0x19a: {  	_ =	swait.ge [sflag:s10], $0x8000  }
0x19b: {  	[sflag:s10] =	ssyncset.done $0x0  }
0x19c: {  	[sflag:s10] =	ssyncadd.s32 $0xFFFF8000  }
0x19d: {  	[tilespmem:s2], [sflag:$0x3] =	stream.linear.gather [hbm4b:s21+s12], $0x8000, $0x38;
	[tilespmem:$0x1E000] =	vst v63  }
0x19e: {  	s13 =	simm.s32 $0x1C000;
	s3 =	rddreg [dreg:$0x10]  }
0x19f: {  	[tilespmem:s13], [sflag:$0x6] =	stream.linear.gather [hbm4b:s3+s12], $0x2000, $0x38;
	[tilespmem:$0x1E000] =	vst v63  }
0x1a0: {  	_ =	swait.ge [sflag:s4], $0x8000  }
0x1a1: {  	[sflag:s4] =	ssyncset.done $0x0  }
0x1a2: {  	[sflag:s4] =	ssyncadd.s32 $0xFFFF8000  }
0x1a3: {  	_ =	swait.ge [sflag:s5], $0x2000  }
0x1a4: {  	[sflag:s5] =	ssyncset.done $0x0  }
0x1a5: {  	s14 =	simm.s32 $0x1A040;
	s13 =	simm.s32 $0x8000;
	[sflag:s5] =	ssyncadd.s32 $0xFFFFE000  }
.LBB2_18:
0x1a6: {  	v3 =	vld [tilespmem:s14+$0xFFFFFFC0]  }
0x1a7: {  	v0 =	vld [tilespmem:s14+$0xFFFFFFD0]  }
0x1a8: {  	v1 =	vld [tilespmem:s14+$0xFFFFFFE0]  }
0x1a9: {  	v2 =	vld [tilespmem:s14+$0x30];
	s17 =	simm.s32 $0x800;
	s15 =	smov.u32 s14;
	s16 =	simm.s32 $0x0  }
.LBB2_19:
0x1aa: {  	p0 =	sne.s32 s17, $0x3800;
	v4 =	vld [tilespmem:s15+$0xFFFFFFF0]  }
0x1ab: {  	v5 =	vld [tilespmem:s15+$0x0]  }
0x1ac: {  	s3 =	sshra.s32 s16, $0x2;
	s16 =	smov.u32 s17;
	v6 =	vld [tilespmem:s15+$0x10]  }
0x1ad: {  	s3 =	sadd.s32 s3, s13;
	v7 =	vld [tilespmem:s15+$0x20]  }
0x1ae: {  	[tilespmem:s3+$0x1F0] =	vst.add.f32.msk $0xffff, v2  }
0x1af: {  	[tilespmem:s3+$0x0] =	vst.add.f32.msk $0xffff, v3  }
0x1b0: {  	[tilespmem:s3+$0x80] =	vst.add.f32.msk $0xffff, v3  }
0x1b1: {  	[tilespmem:s3+$0x100] =	vst.add.f32.msk $0xffff, v3  }
0x1b2: {  	[tilespmem:s3+$0x180] =	vst.add.f32.msk $0xffff, v3  }
0x1b3: {  	[tilespmem:s3+$0x10] =	vst.add.f32.msk $0xffff, v0  }
0x1b4: {  	[tilespmem:s3+$0x130] =	vst.add.f32.msk $0xffff, v4  }
0x1b5: {  	[tilespmem:s3+$0x170] =	vst.add.f32.msk $0xffff, v2  }
0x1b6: {  	[tilespmem:s3+$0xF0] =	vst.add.f32.msk $0xffff, v2  }
0x1b7: {  	[tilespmem:s3+$0x70] =	vst.add.f32.msk $0xffff, v2  }
0x1b8: {  	[tilespmem:s3+$0x1E0] =	vst.add.f32.msk $0xffff, v7  }
0x1b9: {  	[tilespmem:s3+$0x160] =	vst.add.f32.msk $0xffff, v7  }
0x1ba: {  	[tilespmem:s3+$0xE0] =	vst.add.f32.msk $0xffff, v7  }
0x1bb: {  	[tilespmem:s3+$0x60] =	vst.add.f32.msk $0xffff, v7  }
0x1bc: {  	[tilespmem:s3+$0x1D0] =	vst.add.f32.msk $0xffff, v6  }
0x1bd: {  	[tilespmem:s3+$0x150] =	vst.add.f32.msk $0xffff, v6  }
0x1be: {  	[tilespmem:s3+$0xD0] =	vst.add.f32.msk $0xffff, v6  }
0x1bf: {  	[tilespmem:s3+$0x50] =	vst.add.f32.msk $0xffff, v6  }
0x1c0: {  	[tilespmem:s3+$0x1C0] =	vst.add.f32.msk $0xffff, v5  }
0x1c1: {  	[tilespmem:s3+$0x140] =	vst.add.f32.msk $0xffff, v5  }
0x1c2: {  	[tilespmem:s3+$0xC0] =	vst.add.f32.msk $0xffff, v5  }
0x1c3: {  	[tilespmem:s3+$0x40] =	vst.add.f32.msk $0xffff, v5  }
0x1c4: {  	[tilespmem:s3+$0x1B0] =	vst.add.f32.msk $0xffff, v4  }
0x1c5: {  	[tilespmem:s3+$0xB0] =	vst.add.f32.msk $0xffff, v4  }
0x1c6: {  	[tilespmem:s3+$0x30] =	vst.add.f32.msk $0xffff, v4  }
0x1c7: {  	[tilespmem:s3+$0x1A0] =	vst.add.f32.msk $0xffff, v1  }
0x1c8: {  	[tilespmem:s3+$0x120] =	vst.add.f32.msk $0xffff, v1  }
0x1c9: {  	[tilespmem:s3+$0xA0] =	vst.add.f32.msk $0xffff, v1  }
0x1ca: {  	[tilespmem:s3+$0x20] =	vst.add.f32.msk $0xffff, v1  }
0x1cb: {  	[tilespmem:s3+$0x190] =	vst.add.f32.msk $0xffff, v0  }
0x1cc: {  	[tilespmem:s3+$0x110] =	vst.add.f32.msk $0xffff, v0  }
.Ltmp8:
0x1cd: {  	s15 =	sadd.s32 $0x400, s15;
	[tilespmem:s3+$0x90] =	vst.add.f32.msk $0xffff, v0;
	(pc) =	sbr.rel @p0 .LBB2_19-.Ltmp8, $4  }
0x1ce: {  	v3 =	vld [tilespmem:s15+$0xFFFFFFC0]  }
0x1cf: {  	v0 =	vld [tilespmem:s15+$0xFFFFFFD0]  }
0x1d0: {  	v1 =	vld [tilespmem:s15+$0xFFFFFFE0]  }
0x1d1: {  	s17 =	sadd.s32 $0x800, s17;
	v2 =	vld [tilespmem:s15+$0x30]  }
0x1d2: {  	v4 =	vld [tilespmem:s15+$0xFFFFFFF0]  }
0x1d3: {  	v5 =	vld [tilespmem:s15+$0x0]  }
0x1d4: {  	v6 =	vld [tilespmem:s15+$0x10];
	s3 =	sshra.s32 s16, $0x2  }
0x1d5: {  	v7 =	vld [tilespmem:s15+$0x20];
	s3 =	sadd.s32 s3, s13  }
0x1d6: {  	[tilespmem:s3+$0x0] =	vst.add.f32.msk $0xffff, v3  }
0x1d7: {  	[tilespmem:s3+$0x80] =	vst.add.f32.msk $0xffff, v3  }
0x1d8: {  	[tilespmem:s3+$0x100] =	vst.add.f32.msk $0xffff, v3  }
0x1d9: {  	[tilespmem:s3+$0x180] =	vst.add.f32.msk $0xffff, v3  }
0x1da: {  	[tilespmem:s3+$0x10] =	vst.add.f32.msk $0xffff, v0  }
0x1db: {  	[tilespmem:s3+$0x190] =	vst.add.f32.msk $0xffff, v0  }
0x1dc: {  	[tilespmem:s3+$0x110] =	vst.add.f32.msk $0xffff, v0  }
0x1dd: {  	[tilespmem:s3+$0x90] =	vst.add.f32.msk $0xffff, v0  }
0x1de: {  	[tilespmem:s3+$0x1A0] =	vst.add.f32.msk $0xffff, v1  }
0x1df: {  	[tilespmem:s3+$0x120] =	vst.add.f32.msk $0xffff, v1  }
0x1e0: {  	[tilespmem:s3+$0xA0] =	vst.add.f32.msk $0xffff, v1  }
0x1e1: {  	[tilespmem:s3+$0x20] =	vst.add.f32.msk $0xffff, v1  }
0x1e2: {  	[tilespmem:s3+$0x1F0] =	vst.add.f32.msk $0xffff, v2  }
0x1e3: {  	[tilespmem:s3+$0x170] =	vst.add.f32.msk $0xffff, v2  }
0x1e4: {  	[tilespmem:s3+$0xF0] =	vst.add.f32.msk $0xffff, v2  }
0x1e5: {  	[tilespmem:s3+$0x70] =	vst.add.f32.msk $0xffff, v2  }
0x1e6: {  	[tilespmem:s3+$0x130] =	vst.add.f32.msk $0xffff, v4  }
0x1e7: {  	[tilespmem:s3+$0x1E0] =	vst.add.f32.msk $0xffff, v7  }
0x1e8: {  	[tilespmem:s3+$0x160] =	vst.add.f32.msk $0xffff, v7  }
0x1e9: {  	[tilespmem:s3+$0xE0] =	vst.add.f32.msk $0xffff, v7  }
0x1ea: {  	[tilespmem:s3+$0x60] =	vst.add.f32.msk $0xffff, v7  }
0x1eb: {  	[tilespmem:s3+$0x1D0] =	vst.add.f32.msk $0xffff, v6  }
0x1ec: {  	[tilespmem:s3+$0x150] =	vst.add.f32.msk $0xffff, v6  }
0x1ed: {  	[tilespmem:s3+$0xD0] =	vst.add.f32.msk $0xffff, v6  }
0x1ee: {  	[tilespmem:s3+$0x50] =	vst.add.f32.msk $0xffff, v6  }
0x1ef: {  	s12 =	sadd.s32 $0x1, s12;
	[tilespmem:s3+$0x1C0] =	vst.add.f32.msk $0xffff, v5  }
0x1f0: {  	p0 =	sne.s32 s12, $0x8;
	[tilespmem:s3+$0x140] =	vst.add.f32.msk $0xffff, v5  }
.Ltmp9:
0x1f1: {  	[tilespmem:s3+$0xC0] =	vst.add.f32.msk $0xffff, v5;
	(pc) =	sbr.rel @p0 .LBB2_18-.Ltmp9, $4  }
0x1f2: {  	[tilespmem:s3+$0x40] =	vst.add.f32.msk $0xffff, v5  }
0x1f3: {  	[tilespmem:s3+$0x1B0] =	vst.add.f32.msk $0xffff, v4  }
0x1f4: {  	[tilespmem:s3+$0xB0] =	vst.add.f32.msk $0xffff, v4  }
0x1f5: {  	s14 =	sadd.s32 $0x80, s14;
	s13 =	sadd.s32 $0x1000, s13;
	[tilespmem:s3+$0x30] =	vst.add.f32.msk $0xffff, v4  }
0x1f6: {  	s12 =	simm.s32 $0x0  }
0x1f7: {  	[hbm4b:s19+s12] =	stream.linear.scatter [tilespmem:s30], [sflag:$0x8], $0x8000, $0x38;
	[tilespmem:$0x1E000] =	vst v63  }
0x1f8: {  	_ =	swait.ge [sflag:s6], $0x8000  }
0x1f9: {  	[sflag:s6] =	ssyncset.done $0x0  }
0x1fa: {  	[sflag:s6] =	ssyncadd.s32 $0xFFFF8000  }
0x1fb: {  	[tilespmem:s12], [sflag:$0x1] =	stream.linear.gather [hbm4b:s23+s12], $0x8000, $0x38;
	[tilespmem:$0x1E000] =	vst v63  }
0x1fc: {  	s3 =	rddreg [dreg:$0x11]  }
0x1fd: {  	[tilespmem:s29], [sflag:$0x4] =	stream.linear.gather [hbm4b:s3+s12], $0x2000, $0x38;
	[tilespmem:$0x1E000] =	vst v63  }
0x1fe: {  	_ =	swait.ge [sflag:s7], $0x8000  }
0x1ff: {  	[sflag:s7] =	ssyncset.done $0x0  }
0x200: {  	[sflag:s7] =	ssyncadd.s32 $0xFFFF8000  }
0x201: {  	_ =	swait.ge [sflag:s8], $0x2000  }
0x202: {  	[sflag:s8] =	ssyncset.done $0x0  }
0x203: {  	s13 =	simm.s32 $0x10000;
	s14 =	simm.s32 $0x1C040;
	[sflag:s8] =	ssyncadd.s32 $0xFFFFE000  }
.LBB2_22:
0x204: {  	v3 =	vld [tilespmem:s14+$0xFFFFFFC0]  }
0x205: {  	v0 =	vld [tilespmem:s14+$0xFFFFFFD0]  }
0x206: {  	v1 =	vld [tilespmem:s14+$0xFFFFFFE0]  }
0x207: {  	v2 =	vld [tilespmem:s14+$0x30];
	s17 =	simm.s32 $0x800;
	s15 =	smov.u32 s14;
	s16 =	simm.s32 $0x0  }
.LBB2_23:
0x208: {  	p0 =	sne.s32 s17, $0x3800;
	v4 =	vld [tilespmem:s15+$0xFFFFFFF0]  }
0x209: {  	v5 =	vld [tilespmem:s15+$0x0]  }
0x20a: {  	s3 =	sshra.s32 s16, $0x2;
	s16 =	smov.u32 s17;
	v6 =	vld [tilespmem:s15+$0x10]  }
0x20b: {  	s3 =	sadd.s32 s3, s13;
	v7 =	vld [tilespmem:s15+$0x20]  }
0x20c: {  	[tilespmem:s3+$0x1F0] =	vst.add.f32.msk $0xffff, v2  }
0x20d: {  	[tilespmem:s3+$0x0] =	vst.add.f32.msk $0xffff, v3  }
0x20e: {  	[tilespmem:s3+$0x80] =	vst.add.f32.msk $0xffff, v3  }
0x20f: {  	[tilespmem:s3+$0x100] =	vst.add.f32.msk $0xffff, v3  }
0x210: {  	[tilespmem:s3+$0x180] =	vst.add.f32.msk $0xffff, v3  }
0x211: {  	[tilespmem:s3+$0x10] =	vst.add.f32.msk $0xffff, v0  }
0x212: {  	[tilespmem:s3+$0x130] =	vst.add.f32.msk $0xffff, v4  }
0x213: {  	[tilespmem:s3+$0x170] =	vst.add.f32.msk $0xffff, v2  }
0x214: {  	[tilespmem:s3+$0xF0] =	vst.add.f32.msk $0xffff, v2  }
0x215: {  	[tilespmem:s3+$0x70] =	vst.add.f32.msk $0xffff, v2  }
0x216: {  	[tilespmem:s3+$0x1E0] =	vst.add.f32.msk $0xffff, v7  }
0x217: {  	[tilespmem:s3+$0x160] =	vst.add.f32.msk $0xffff, v7  }
0x218: {  	[tilespmem:s3+$0xE0] =	vst.add.f32.msk $0xffff, v7  }
0x219: {  	[tilespmem:s3+$0x60] =	vst.add.f32.msk $0xffff, v7  }
0x21a: {  	[tilespmem:s3+$0x1D0] =	vst.add.f32.msk $0xffff, v6  }
0x21b: {  	[tilespmem:s3+$0x150] =	vst.add.f32.msk $0xffff, v6  }
0x21c: {  	[tilespmem:s3+$0xD0] =	vst.add.f32.msk $0xffff, v6  }
0x21d: {  	[tilespmem:s3+$0x50] =	vst.add.f32.msk $0xffff, v6  }
0x21e: {  	[tilespmem:s3+$0x1C0] =	vst.add.f32.msk $0xffff, v5  }
0x21f: {  	[tilespmem:s3+$0x140] =	vst.add.f32.msk $0xffff, v5  }
0x220: {  	[tilespmem:s3+$0xC0] =	vst.add.f32.msk $0xffff, v5  }
0x221: {  	[tilespmem:s3+$0x40] =	vst.add.f32.msk $0xffff, v5  }
0x222: {  	[tilespmem:s3+$0x1B0] =	vst.add.f32.msk $0xffff, v4  }
0x223: {  	[tilespmem:s3+$0xB0] =	vst.add.f32.msk $0xffff, v4  }
0x224: {  	[tilespmem:s3+$0x30] =	vst.add.f32.msk $0xffff, v4  }
0x225: {  	[tilespmem:s3+$0x1A0] =	vst.add.f32.msk $0xffff, v1  }
0x226: {  	[tilespmem:s3+$0x120] =	vst.add.f32.msk $0xffff, v1  }
0x227: {  	[tilespmem:s3+$0xA0] =	vst.add.f32.msk $0xffff, v1  }
0x228: {  	[tilespmem:s3+$0x20] =	vst.add.f32.msk $0xffff, v1  }
0x229: {  	[tilespmem:s3+$0x190] =	vst.add.f32.msk $0xffff, v0  }
0x22a: {  	[tilespmem:s3+$0x110] =	vst.add.f32.msk $0xffff, v0  }
.Ltmp10:
0x22b: {  	s15 =	sadd.s32 $0x400, s15;
	[tilespmem:s3+$0x90] =	vst.add.f32.msk $0xffff, v0;
	(pc) =	sbr.rel @p0 .LBB2_23-.Ltmp10, $4  }
0x22c: {  	v3 =	vld [tilespmem:s15+$0xFFFFFFC0]  }
0x22d: {  	v0 =	vld [tilespmem:s15+$0xFFFFFFD0]  }
0x22e: {  	v1 =	vld [tilespmem:s15+$0xFFFFFFE0]  }
0x22f: {  	s17 =	sadd.s32 $0x800, s17;
	v2 =	vld [tilespmem:s15+$0x30]  }
0x230: {  	v4 =	vld [tilespmem:s15+$0xFFFFFFF0]  }
0x231: {  	v5 =	vld [tilespmem:s15+$0x0]  }
0x232: {  	v6 =	vld [tilespmem:s15+$0x10];
	s3 =	sshra.s32 s16, $0x2  }
0x233: {  	v7 =	vld [tilespmem:s15+$0x20];
	s3 =	sadd.s32 s3, s13  }
0x234: {  	[tilespmem:s3+$0x0] =	vst.add.f32.msk $0xffff, v3  }
0x235: {  	[tilespmem:s3+$0x80] =	vst.add.f32.msk $0xffff, v3  }
0x236: {  	[tilespmem:s3+$0x100] =	vst.add.f32.msk $0xffff, v3  }
0x237: {  	[tilespmem:s3+$0x180] =	vst.add.f32.msk $0xffff, v3  }
0x238: {  	[tilespmem:s3+$0x10] =	vst.add.f32.msk $0xffff, v0  }
0x239: {  	[tilespmem:s3+$0x190] =	vst.add.f32.msk $0xffff, v0  }
0x23a: {  	[tilespmem:s3+$0x110] =	vst.add.f32.msk $0xffff, v0  }
0x23b: {  	[tilespmem:s3+$0x90] =	vst.add.f32.msk $0xffff, v0  }
0x23c: {  	[tilespmem:s3+$0x1A0] =	vst.add.f32.msk $0xffff, v1  }
0x23d: {  	[tilespmem:s3+$0x120] =	vst.add.f32.msk $0xffff, v1  }
0x23e: {  	[tilespmem:s3+$0xA0] =	vst.add.f32.msk $0xffff, v1  }
0x23f: {  	[tilespmem:s3+$0x20] =	vst.add.f32.msk $0xffff, v1  }
0x240: {  	[tilespmem:s3+$0x1F0] =	vst.add.f32.msk $0xffff, v2  }
0x241: {  	[tilespmem:s3+$0x170] =	vst.add.f32.msk $0xffff, v2  }
0x242: {  	[tilespmem:s3+$0xF0] =	vst.add.f32.msk $0xffff, v2  }
0x243: {  	[tilespmem:s3+$0x70] =	vst.add.f32.msk $0xffff, v2  }
0x244: {  	[tilespmem:s3+$0x130] =	vst.add.f32.msk $0xffff, v4  }
0x245: {  	[tilespmem:s3+$0x1E0] =	vst.add.f32.msk $0xffff, v7  }
0x246: {  	[tilespmem:s3+$0x160] =	vst.add.f32.msk $0xffff, v7  }
0x247: {  	[tilespmem:s3+$0xE0] =	vst.add.f32.msk $0xffff, v7  }
0x248: {  	[tilespmem:s3+$0x60] =	vst.add.f32.msk $0xffff, v7  }
0x249: {  	[tilespmem:s3+$0x1D0] =	vst.add.f32.msk $0xffff, v6  }
0x24a: {  	[tilespmem:s3+$0x150] =	vst.add.f32.msk $0xffff, v6  }
0x24b: {  	[tilespmem:s3+$0xD0] =	vst.add.f32.msk $0xffff, v6  }
0x24c: {  	[tilespmem:s3+$0x50] =	vst.add.f32.msk $0xffff, v6  }
0x24d: {  	s12 =	sadd.s32 $0x1, s12;
	[tilespmem:s3+$0x1C0] =	vst.add.f32.msk $0xffff, v5  }
0x24e: {  	p0 =	sne.s32 s12, $0x8;
	[tilespmem:s3+$0x140] =	vst.add.f32.msk $0xffff, v5  }
.Ltmp11:
0x24f: {  	[tilespmem:s3+$0xC0] =	vst.add.f32.msk $0xffff, v5;
	(pc) =	sbr.rel @p0 .LBB2_22-.Ltmp11, $4  }
0x250: {  	[tilespmem:s3+$0x40] =	vst.add.f32.msk $0xffff, v5  }
0x251: {  	[tilespmem:s3+$0x1B0] =	vst.add.f32.msk $0xffff, v4  }
0x252: {  	[tilespmem:s3+$0xB0] =	vst.add.f32.msk $0xffff, v4  }
0x253: {  	s14 =	sadd.s32 $0x80, s14;
	s13 =	sadd.s32 $0x1000, s13;
	[tilespmem:s3+$0x30] =	vst.add.f32.msk $0xffff, v4  }
0x254: {  	s12 =	simm.s32 $0x0  }
0x255: {  	[hbm4b:s22+s12] =	stream.linear.scatter [tilespmem:s2], [sflag:$0x9], $0x8000, $0x38;
	[tilespmem:$0x1E000] =	vst v63  }
0x256: {  	_ =	swait.ge [sflag:s9], $0x8000  }
0x257: {  	[sflag:s9] =	ssyncset.done $0x0  }
0x258: {  	[sflag:s9] =	ssyncadd.s32 $0xFFFF8000  }
0x259: {  	[tilespmem:s30], [sflag:$0x2] =	stream.linear.gather [hbm4b:s24+s12], $0x8000, $0x38;
	[tilespmem:$0x1E000] =	vst v63  }
0x25a: {  	s3 =	rddreg [dreg:$0x12]  }
0x25b: {  	[tilespmem:s31], [sflag:$0x5] =	stream.linear.gather [hbm4b:s3+s12], $0x2000, $0x38;
	[tilespmem:$0x1E000] =	vst v63  }
0x25c: {  	_ =	swait.ge [sflag:s20], $0x8000  }
0x25d: {  	[sflag:s20] =	ssyncset.done $0x0  }
0x25e: {  	[sflag:s20] =	ssyncadd.s32 $0xFFFF8000  }
0x25f: {  	_ =	swait.ge [sflag:s0], $0x2000  }
0x260: {  	[sflag:s0] =	ssyncset.done $0x0  }
0x261: {  	s13 =	simm.s32 $0x18040;
	s14 =	simm.s32 $0x0;
	[sflag:s0] =	ssyncadd.s32 $0xFFFFE000  }
.LBB2_26:
0x262: {  	v3 =	vld [tilespmem:s13+$0xFFFFFFC0]  }
0x263: {  	v0 =	vld [tilespmem:s13+$0xFFFFFFD0]  }
0x264: {  	v1 =	vld [tilespmem:s13+$0xFFFFFFE0]  }
0x265: {  	v2 =	vld [tilespmem:s13+$0x30];
	s17 =	simm.s32 $0x800;
	s15 =	smov.u32 s13;
	s16 =	simm.s32 $0x0  }
.LBB2_27:
0x266: {  	p0 =	sne.s32 s17, $0x3800;
	v4 =	vld [tilespmem:s15+$0xFFFFFFF0]  }
0x267: {  	v5 =	vld [tilespmem:s15+$0x0]  }
0x268: {  	s3 =	sshra.s32 s16, $0x2;
	s16 =	smov.u32 s17;
	v6 =	vld [tilespmem:s15+$0x10]  }
0x269: {  	s3 =	sadd.s32 s3, s12;
	v7 =	vld [tilespmem:s15+$0x20]  }
0x26a: {  	[tilespmem:s3+$0x1F0] =	vst.add.f32.msk $0xffff, v2  }
0x26b: {  	[tilespmem:s3+$0x0] =	vst.add.f32.msk $0xffff, v3  }
0x26c: {  	[tilespmem:s3+$0x80] =	vst.add.f32.msk $0xffff, v3  }
0x26d: {  	[tilespmem:s3+$0x100] =	vst.add.f32.msk $0xffff, v3  }
0x26e: {  	[tilespmem:s3+$0x180] =	vst.add.f32.msk $0xffff, v3  }
0x26f: {  	[tilespmem:s3+$0x10] =	vst.add.f32.msk $0xffff, v0  }
0x270: {  	[tilespmem:s3+$0x130] =	vst.add.f32.msk $0xffff, v4  }
0x271: {  	[tilespmem:s3+$0x170] =	vst.add.f32.msk $0xffff, v2  }
0x272: {  	[tilespmem:s3+$0xF0] =	vst.add.f32.msk $0xffff, v2  }
0x273: {  	[tilespmem:s3+$0x70] =	vst.add.f32.msk $0xffff, v2  }
0x274: {  	[tilespmem:s3+$0x1E0] =	vst.add.f32.msk $0xffff, v7  }
0x275: {  	[tilespmem:s3+$0x160] =	vst.add.f32.msk $0xffff, v7  }
0x276: {  	[tilespmem:s3+$0xE0] =	vst.add.f32.msk $0xffff, v7  }
0x277: {  	[tilespmem:s3+$0x60] =	vst.add.f32.msk $0xffff, v7  }
0x278: {  	[tilespmem:s3+$0x1D0] =	vst.add.f32.msk $0xffff, v6  }
0x279: {  	[tilespmem:s3+$0x150] =	vst.add.f32.msk $0xffff, v6  }
0x27a: {  	[tilespmem:s3+$0xD0] =	vst.add.f32.msk $0xffff, v6  }
0x27b: {  	[tilespmem:s3+$0x50] =	vst.add.f32.msk $0xffff, v6  }
0x27c: {  	[tilespmem:s3+$0x1C0] =	vst.add.f32.msk $0xffff, v5  }
0x27d: {  	[tilespmem:s3+$0x140] =	vst.add.f32.msk $0xffff, v5  }
0x27e: {  	[tilespmem:s3+$0xC0] =	vst.add.f32.msk $0xffff, v5  }
0x27f: {  	[tilespmem:s3+$0x40] =	vst.add.f32.msk $0xffff, v5  }
0x280: {  	[tilespmem:s3+$0x1B0] =	vst.add.f32.msk $0xffff, v4  }
0x281: {  	[tilespmem:s3+$0xB0] =	vst.add.f32.msk $0xffff, v4  }
0x282: {  	[tilespmem:s3+$0x30] =	vst.add.f32.msk $0xffff, v4  }
0x283: {  	[tilespmem:s3+$0x1A0] =	vst.add.f32.msk $0xffff, v1  }
0x284: {  	[tilespmem:s3+$0x120] =	vst.add.f32.msk $0xffff, v1  }
0x285: {  	[tilespmem:s3+$0xA0] =	vst.add.f32.msk $0xffff, v1  }
0x286: {  	[tilespmem:s3+$0x20] =	vst.add.f32.msk $0xffff, v1  }
0x287: {  	[tilespmem:s3+$0x190] =	vst.add.f32.msk $0xffff, v0  }
0x288: {  	[tilespmem:s3+$0x110] =	vst.add.f32.msk $0xffff, v0  }
.Ltmp12:
0x289: {  	s15 =	sadd.s32 $0x400, s15;
	[tilespmem:s3+$0x90] =	vst.add.f32.msk $0xffff, v0;
	(pc) =	sbr.rel @p0 .LBB2_27-.Ltmp12, $4  }
0x28a: {  	v3 =	vld [tilespmem:s15+$0xFFFFFFC0]  }
0x28b: {  	v0 =	vld [tilespmem:s15+$0xFFFFFFD0]  }
0x28c: {  	v1 =	vld [tilespmem:s15+$0xFFFFFFE0]  }
0x28d: {  	s17 =	sadd.s32 $0x800, s17;
	v2 =	vld [tilespmem:s15+$0x30]  }
0x28e: {  	v4 =	vld [tilespmem:s15+$0xFFFFFFF0]  }
0x28f: {  	v5 =	vld [tilespmem:s15+$0x0]  }
0x290: {  	v6 =	vld [tilespmem:s15+$0x10];
	s3 =	sshra.s32 s16, $0x2  }
0x291: {  	v7 =	vld [tilespmem:s15+$0x20];
	s3 =	sadd.s32 s3, s12  }
0x292: {  	[tilespmem:s3+$0x0] =	vst.add.f32.msk $0xffff, v3  }
0x293: {  	[tilespmem:s3+$0x80] =	vst.add.f32.msk $0xffff, v3  }
0x294: {  	[tilespmem:s3+$0x100] =	vst.add.f32.msk $0xffff, v3  }
0x295: {  	[tilespmem:s3+$0x180] =	vst.add.f32.msk $0xffff, v3  }
0x296: {  	[tilespmem:s3+$0x10] =	vst.add.f32.msk $0xffff, v0  }
0x297: {  	[tilespmem:s3+$0x190] =	vst.add.f32.msk $0xffff, v0  }
0x298: {  	[tilespmem:s3+$0x110] =	vst.add.f32.msk $0xffff, v0  }
0x299: {  	[tilespmem:s3+$0x90] =	vst.add.f32.msk $0xffff, v0  }
0x29a: {  	[tilespmem:s3+$0x1A0] =	vst.add.f32.msk $0xffff, v1  }
0x29b: {  	[tilespmem:s3+$0x120] =	vst.add.f32.msk $0xffff, v1  }
0x29c: {  	[tilespmem:s3+$0xA0] =	vst.add.f32.msk $0xffff, v1  }
0x29d: {  	[tilespmem:s3+$0x20] =	vst.add.f32.msk $0xffff, v1  }
0x29e: {  	[tilespmem:s3+$0x1F0] =	vst.add.f32.msk $0xffff, v2  }
0x29f: {  	[tilespmem:s3+$0x170] =	vst.add.f32.msk $0xffff, v2  }
0x2a0: {  	[tilespmem:s3+$0xF0] =	vst.add.f32.msk $0xffff, v2  }
0x2a1: {  	[tilespmem:s3+$0x70] =	vst.add.f32.msk $0xffff, v2  }
0x2a2: {  	[tilespmem:s3+$0x130] =	vst.add.f32.msk $0xffff, v4  }
0x2a3: {  	[tilespmem:s3+$0x1E0] =	vst.add.f32.msk $0xffff, v7  }
0x2a4: {  	[tilespmem:s3+$0x160] =	vst.add.f32.msk $0xffff, v7  }
0x2a5: {  	[tilespmem:s3+$0xE0] =	vst.add.f32.msk $0xffff, v7  }
0x2a6: {  	[tilespmem:s3+$0x60] =	vst.add.f32.msk $0xffff, v7  }
0x2a7: {  	[tilespmem:s3+$0x1D0] =	vst.add.f32.msk $0xffff, v6  }
0x2a8: {  	[tilespmem:s3+$0x150] =	vst.add.f32.msk $0xffff, v6  }
0x2a9: {  	[tilespmem:s3+$0xD0] =	vst.add.f32.msk $0xffff, v6  }
0x2aa: {  	[tilespmem:s3+$0x50] =	vst.add.f32.msk $0xffff, v6  }
0x2ab: {  	s14 =	sadd.s32 $0x1, s14;
	[tilespmem:s3+$0x1C0] =	vst.add.f32.msk $0xffff, v5  }
0x2ac: {  	p0 =	sne.s32 s14, $0x8;
	[tilespmem:s3+$0x140] =	vst.add.f32.msk $0xffff, v5  }
.Ltmp13:
0x2ad: {  	[tilespmem:s3+$0xC0] =	vst.add.f32.msk $0xffff, v5;
	(pc) =	sbr.rel @p0 .LBB2_26-.Ltmp13, $4  }
0x2ae: {  	[tilespmem:s3+$0x40] =	vst.add.f32.msk $0xffff, v5  }
0x2af: {  	[tilespmem:s3+$0x1B0] =	vst.add.f32.msk $0xffff, v4  }
0x2b0: {  	[tilespmem:s3+$0xB0] =	vst.add.f32.msk $0xffff, v4  }
0x2b1: {  	s13 =	sadd.s32 $0x80, s13;
	s12 =	sadd.s32 $0x1000, s12;
	[tilespmem:s3+$0x30] =	vst.add.f32.msk $0xffff, v4  }
0x2b2: {  	s12 =	simm.s32 $0x0  }
0x2b3: {  	[hbm4b:s25+s12] =	stream.linear.scatter [tilespmem:s12], [sflag:$0x7], $0x8000, $0x38;
	[tilespmem:$0x1E000] =	vst v63  }
0x2b4: {  	_ =	swait.ge [sflag:s4], $0x8000  }
0x2b5: {  	[sflag:s4] =	ssyncset.done $0x0  }
0x2b6: {  	[sflag:s4] =	ssyncadd.s32 $0xFFFF8000  }
0x2b7: {  	_ =	swait.ge [sflag:s5], $0x2000  }
0x2b8: {  	[sflag:s5] =	ssyncset.done $0x0  }
0x2b9: {  	s13 =	simm.s32 $0x8000;
	s14 =	simm.s32 $0x1A040;
	[sflag:s5] =	ssyncadd.s32 $0xFFFFE000  }
.LBB2_30:
0x2ba: {  	v3 =	vld [tilespmem:s14+$0xFFFFFFC0]  }
0x2bb: {  	v0 =	vld [tilespmem:s14+$0xFFFFFFD0]  }
0x2bc: {  	v1 =	vld [tilespmem:s14+$0xFFFFFFE0]  }
0x2bd: {  	v2 =	vld [tilespmem:s14+$0x30];
	s17 =	simm.s32 $0x800;
	s15 =	smov.u32 s14;
	s16 =	simm.s32 $0x0  }
.LBB2_31:
0x2be: {  	p0 =	sne.s32 s17, $0x3800;
	v4 =	vld [tilespmem:s15+$0xFFFFFFF0]  }
0x2bf: {  	v5 =	vld [tilespmem:s15+$0x0]  }
0x2c0: {  	s3 =	sshra.s32 s16, $0x2;
	s16 =	smov.u32 s17;
	v6 =	vld [tilespmem:s15+$0x10]  }
0x2c1: {  	s3 =	sadd.s32 s3, s13;
	v7 =	vld [tilespmem:s15+$0x20]  }
0x2c2: {  	[tilespmem:s3+$0x1F0] =	vst.add.f32.msk $0xffff, v2  }
0x2c3: {  	[tilespmem:s3+$0x0] =	vst.add.f32.msk $0xffff, v3  }
0x2c4: {  	[tilespmem:s3+$0x80] =	vst.add.f32.msk $0xffff, v3  }
0x2c5: {  	[tilespmem:s3+$0x100] =	vst.add.f32.msk $0xffff, v3  }
0x2c6: {  	[tilespmem:s3+$0x180] =	vst.add.f32.msk $0xffff, v3  }
0x2c7: {  	[tilespmem:s3+$0x10] =	vst.add.f32.msk $0xffff, v0  }
0x2c8: {  	[tilespmem:s3+$0x130] =	vst.add.f32.msk $0xffff, v4  }
0x2c9: {  	[tilespmem:s3+$0x170] =	vst.add.f32.msk $0xffff, v2  }
0x2ca: {  	[tilespmem:s3+$0xF0] =	vst.add.f32.msk $0xffff, v2  }
0x2cb: {  	[tilespmem:s3+$0x70] =	vst.add.f32.msk $0xffff, v2  }
0x2cc: {  	[tilespmem:s3+$0x1E0] =	vst.add.f32.msk $0xffff, v7  }
0x2cd: {  	[tilespmem:s3+$0x160] =	vst.add.f32.msk $0xffff, v7  }
0x2ce: {  	[tilespmem:s3+$0xE0] =	vst.add.f32.msk $0xffff, v7  }
0x2cf: {  	[tilespmem:s3+$0x60] =	vst.add.f32.msk $0xffff, v7  }
0x2d0: {  	[tilespmem:s3+$0x1D0] =	vst.add.f32.msk $0xffff, v6  }
0x2d1: {  	[tilespmem:s3+$0x150] =	vst.add.f32.msk $0xffff, v6  }
0x2d2: {  	[tilespmem:s3+$0xD0] =	vst.add.f32.msk $0xffff, v6  }
0x2d3: {  	[tilespmem:s3+$0x50] =	vst.add.f32.msk $0xffff, v6  }
0x2d4: {  	[tilespmem:s3+$0x1C0] =	vst.add.f32.msk $0xffff, v5  }
0x2d5: {  	[tilespmem:s3+$0x140] =	vst.add.f32.msk $0xffff, v5  }
0x2d6: {  	[tilespmem:s3+$0xC0] =	vst.add.f32.msk $0xffff, v5  }
0x2d7: {  	[tilespmem:s3+$0x40] =	vst.add.f32.msk $0xffff, v5  }
0x2d8: {  	[tilespmem:s3+$0x1B0] =	vst.add.f32.msk $0xffff, v4  }
0x2d9: {  	[tilespmem:s3+$0xB0] =	vst.add.f32.msk $0xffff, v4  }
0x2da: {  	[tilespmem:s3+$0x30] =	vst.add.f32.msk $0xffff, v4  }
0x2db: {  	[tilespmem:s3+$0x1A0] =	vst.add.f32.msk $0xffff, v1  }
0x2dc: {  	[tilespmem:s3+$0x120] =	vst.add.f32.msk $0xffff, v1  }
0x2dd: {  	[tilespmem:s3+$0xA0] =	vst.add.f32.msk $0xffff, v1  }
0x2de: {  	[tilespmem:s3+$0x20] =	vst.add.f32.msk $0xffff, v1  }
0x2df: {  	[tilespmem:s3+$0x190] =	vst.add.f32.msk $0xffff, v0  }
0x2e0: {  	[tilespmem:s3+$0x110] =	vst.add.f32.msk $0xffff, v0  }
.Ltmp14:
0x2e1: {  	s15 =	sadd.s32 $0x400, s15;
	[tilespmem:s3+$0x90] =	vst.add.f32.msk $0xffff, v0;
	(pc) =	sbr.rel @p0 .LBB2_31-.Ltmp14, $4  }
0x2e2: {  	v3 =	vld [tilespmem:s15+$0xFFFFFFC0]  }
0x2e3: {  	v0 =	vld [tilespmem:s15+$0xFFFFFFD0]  }
0x2e4: {  	v1 =	vld [tilespmem:s15+$0xFFFFFFE0]  }
0x2e5: {  	s17 =	sadd.s32 $0x800, s17;
	v2 =	vld [tilespmem:s15+$0x30]  }
0x2e6: {  	v4 =	vld [tilespmem:s15+$0xFFFFFFF0]  }
0x2e7: {  	v5 =	vld [tilespmem:s15+$0x0]  }
0x2e8: {  	v6 =	vld [tilespmem:s15+$0x10];
	s3 =	sshra.s32 s16, $0x2  }
0x2e9: {  	v7 =	vld [tilespmem:s15+$0x20];
	s3 =	sadd.s32 s3, s13  }
0x2ea: {  	[tilespmem:s3+$0x0] =	vst.add.f32.msk $0xffff, v3  }
0x2eb: {  	[tilespmem:s3+$0x80] =	vst.add.f32.msk $0xffff, v3  }
0x2ec: {  	[tilespmem:s3+$0x100] =	vst.add.f32.msk $0xffff, v3  }
0x2ed: {  	[tilespmem:s3+$0x180] =	vst.add.f32.msk $0xffff, v3  }
0x2ee: {  	[tilespmem:s3+$0x10] =	vst.add.f32.msk $0xffff, v0  }
0x2ef: {  	[tilespmem:s3+$0x190] =	vst.add.f32.msk $0xffff, v0  }
0x2f0: {  	[tilespmem:s3+$0x110] =	vst.add.f32.msk $0xffff, v0  }
0x2f1: {  	[tilespmem:s3+$0x90] =	vst.add.f32.msk $0xffff, v0  }
0x2f2: {  	[tilespmem:s3+$0x1A0] =	vst.add.f32.msk $0xffff, v1  }
0x2f3: {  	[tilespmem:s3+$0x120] =	vst.add.f32.msk $0xffff, v1  }
0x2f4: {  	[tilespmem:s3+$0xA0] =	vst.add.f32.msk $0xffff, v1  }
0x2f5: {  	[tilespmem:s3+$0x20] =	vst.add.f32.msk $0xffff, v1  }
0x2f6: {  	[tilespmem:s3+$0x1F0] =	vst.add.f32.msk $0xffff, v2  }
0x2f7: {  	[tilespmem:s3+$0x170] =	vst.add.f32.msk $0xffff, v2  }
0x2f8: {  	[tilespmem:s3+$0xF0] =	vst.add.f32.msk $0xffff, v2  }
0x2f9: {  	[tilespmem:s3+$0x70] =	vst.add.f32.msk $0xffff, v2  }
0x2fa: {  	[tilespmem:s3+$0x130] =	vst.add.f32.msk $0xffff, v4  }
0x2fb: {  	[tilespmem:s3+$0x1E0] =	vst.add.f32.msk $0xffff, v7  }
0x2fc: {  	[tilespmem:s3+$0x160] =	vst.add.f32.msk $0xffff, v7  }
0x2fd: {  	[tilespmem:s3+$0xE0] =	vst.add.f32.msk $0xffff, v7  }
0x2fe: {  	[tilespmem:s3+$0x60] =	vst.add.f32.msk $0xffff, v7  }
0x2ff: {  	[tilespmem:s3+$0x1D0] =	vst.add.f32.msk $0xffff, v6  }
0x300: {  	[tilespmem:s3+$0x150] =	vst.add.f32.msk $0xffff, v6  }
0x301: {  	[tilespmem:s3+$0xD0] =	vst.add.f32.msk $0xffff, v6  }
0x302: {  	[tilespmem:s3+$0x50] =	vst.add.f32.msk $0xffff, v6  }
0x303: {  	s12 =	sadd.s32 $0x1, s12;
	[tilespmem:s3+$0x1C0] =	vst.add.f32.msk $0xffff, v5  }
0x304: {  	p0 =	sne.s32 s12, $0x8;
	[tilespmem:s3+$0x140] =	vst.add.f32.msk $0xffff, v5  }
.Ltmp15:
0x305: {  	[tilespmem:s3+$0xC0] =	vst.add.f32.msk $0xffff, v5;
	(pc) =	sbr.rel @p0 .LBB2_30-.Ltmp15, $4  }
0x306: {  	[tilespmem:s3+$0x40] =	vst.add.f32.msk $0xffff, v5  }
0x307: {  	[tilespmem:s3+$0x1B0] =	vst.add.f32.msk $0xffff, v4  }
0x308: {  	[tilespmem:s3+$0xB0] =	vst.add.f32.msk $0xffff, v4  }
0x309: {  	s14 =	sadd.s32 $0x80, s14;
	s13 =	sadd.s32 $0x1000, s13;
	[tilespmem:s3+$0x30] =	vst.add.f32.msk $0xffff, v4  }
0x30a: {  	[hbm4b:s26+s1] =	stream.linear.scatter [tilespmem:s30], [sflag:$0x8], $0x8000, $0x38;
	[tilespmem:$0x1E000] =	vst v63  }
0x30b: {  	_ =	swait.ge [sflag:s10], $0x8000  }
0x30c: {  	[sflag:s10] =	ssyncset.done $0x0  }
0x30d: {  	s11 =	sadd.s32 $0x1, s11;
	[sflag:s10] =	ssyncadd.s32 $0xFFFF8000  }
0x30e: {  	p0 =	sne.s32 s11, s28;
	_ =	swait.ge [sflag:s6], $0x8000  }
.Ltmp16:
0x30f: {  	[sflag:s6] =	ssyncset.done $0x0;
	(pc) =	sbr.rel @p0 .LBB2_1-.Ltmp16, $4  }
0x310: {  	[sflag:s6] =	ssyncadd.s32 $0xFFFF8000  }
0x311: {  	_ =	swait.ge [sflag:s9], $0x8000  }
0x312: {  	[sflag:s9] =	ssyncset.done $0x0  }
0x313: {  	[sflag:s9] =	ssyncadd.s32 $0xFFFF8000  }
0x314: {  	_ =	sfence.sel $0x180000  }
0x315: {  	[bflag:$0x0] =	sbarrier.arrive $0xFFFF  }
0x316: {  	_ =	strace $0x90000047  }
0x317: {  	s0 =	stileid.u32;
	[bflag:$0x2] =	sbarrier.arrive $0xFFFF  }
0x318: {  	p0 =	sne.s32 s0, $0x0;
	s0 =	rddreg [dreg:$0x3]  }
0x319: {  	s0 =	sadd.s32 @!p0 $0x100000, s0  }
0x31a: {  	[sflag:s0] =	ssyncadd.tile.s32 @!p0 $0x1;
	_ =	shalt  }
.Lfunc_end2:
_tile_overlayer_lowered:
.L_overlay_start_2:
0x31b: {  	(tag) =	ssettag $0x2  }
0x31c: {  	s0 =	rddreg [dreg:$0x0];
	s2 =	stileid.u32  }
0x31d: {  	s1 =	rddreg [dreg:$0x1];
	p0 =	sne.s32 s2, $0x0  }
0x31e: {  	s3 =	rddreg [dreg:$0x2];
	[bflag:$0x3] =	sbarrier.arrive $0xFFFF;
	s2 =	simm.s32 @!p0 $0x1C0A  }
0x31f: {  	[timem:s3], [sflag:s2] =	dma.local @!p0 [hbm:s0], s1  }
0x320: {  	s0 =	simm.s32 @!p0 $0xA  }
0x321: {  	_ =	swait.ge @!p0 [sflag:s0], s1  }
0x322: {  	s1 =	ssub.s32 @!p0 $0x0, s1;
	[sflag:s0] =	ssyncset.done @!p0 $0x0  }
0x323: {  	[sflag:s0] =	ssyncadd.s32 @!p0 s1  }
0x324: {  	[bflag:$0x3] =	sbarrier.arrive $0xFFFF  }
0x325: {  	_ =	shalt  }

</sc_bundles>
